<compile_context>
chip_gen: v7x
topology: tpu7x:2x2x1
jax: 0.10.2.dev20260603
libtpu: 0.0.44.dev20260713+nightly
codegen_flags: <defaults>
</compile_context>

<pallas_src>
import functools

import jax
import jax.numpy as jnp
from jax import lax
from jax.experimental import pallas as pl
from jax.experimental.pallas import tpu as pltpu
from jax.experimental.pallas import tpu_sc as plsc

N = 10000
E = 160000
D_IN = 256
H = 512

NC = 2
NS = 16
BATCH = 128
NPAD = 10112
ROWS_PER_TILE = NPAD // NS
EP = 163840
EDGES_PER_TILE = EP // NS
NBATCH = EDGES_PER_TILE // BATCH
CHUNK = 128
LANES = 16

_mesh = functools.partial(
    plsc.VectorSubcoreMesh, core_axis_name="c", subcore_axis_name="s",
    num_cores=NC, num_subcores=NS)


@functools.lru_cache(maxsize=None)
def _make_agg_kernel(nchunks):
  per_sc = nchunks // NC
  NG = 2
  ND = 4

  def body(src2d, dst1d, zeros, h_flat, out_flat, src_v, *rest):
    rows = rest[:NG]
    gsems = rest[NG:2 * NG]
    gsems2 = rest[2 * NG:3 * NG]
    dbufs = rest[3 * NG:3 * NG + ND]
    dsems = rest[3 * NG + ND:3 * NG + 2 * ND]
    acc = rest[3 * NG + 2 * ND]

    cid = lax.axis_index("c")
    sid = lax.axis_index("s")
    ibase = pl.multiple_of(sid * NBATCH, 8)
    ebase = pl.multiple_of(sid * EDGES_PER_TILE, BATCH)
    rbase = pl.multiple_of(sid * ROWS_PER_TILE, 8)

    pltpu.sync_copy(src2d.at[pl.ds(ibase, NBATCH)], src_v)

    for lc in range(per_sc):
      ch = cid * per_sc + lc

      delta = cid * (per_sc * NPAD) if lc == 0 else NPAD

      @pl.loop(0, NBATCH)
      def _(bb):
        for q in range(BATCH // LANES):
          sl = pl.ds(q * LANES, LANES)
          src_v[bb, sl] = src_v[bb, sl] + delta

      pltpu.sync_copy(zeros.at[pl.ds(rbase, ROWS_PER_TILE)],
                      acc.at[pl.ds(rbase, ROWS_PER_TILE)])
      plsc.subcore_barrier()

      for q in range(ND):
        pltpu.async_copy(
            dst1d.at[pl.ds(pl.multiple_of(ebase + q * BATCH, BATCH), BATCH)],
            dbufs[q], dsems[q])
      def fire_gather(b, r):
        pltpu.async_copy(h_flat.at[src_v.at[b, pl.ds(0, BATCH // 2)]],
                         rows[r].at[pl.ds(0, BATCH // 2)], gsems[r])
        pltpu.async_copy(h_flat.at[src_v.at[b, pl.ds(BATCH // 2, BATCH // 2)]],
                         rows[r].at[pl.ds(BATCH // 2, BATCH // 2)],
                         gsems2[r])

      def wait_gather(r):
        pltpu.make_async_copy(h_flat.at[src_v.at[0, pl.ds(0, BATCH // 2)]],
                              rows[r].at[pl.ds(0, BATCH // 2)],
                              gsems[r]).wait()
        pltpu.make_async_copy(h_flat.at[src_v.at[0, pl.ds(0, BATCH // 2)]],
                              rows[r].at[pl.ds(BATCH // 2, BATCH // 2)],
                              gsems2[r]).wait()

      for j in range(NG):
        fire_gather(j, j)

      @pl.loop(0, NBATCH, step=ND)
      def _(b0):
        for j in range(ND):
          b = b0 + j
          r = j % NG
          wait_gather(r)
          pltpu.make_async_copy(
              dst1d.at[pl.ds(0, BATCH)], dbufs[j], dsems[j]).wait()
          pltpu.sync_copy(rows[r], acc.at[dbufs[j]], add=True)

          @pl.when(b + NG < NBATCH)
          def _():
            fire_gather(b + NG, r)

          @pl.when(b + ND < NBATCH)
          def _():
            s = pl.multiple_of(ebase + (b + ND) * BATCH, BATCH)
            pltpu.async_copy(dst1d.at[pl.ds(s, BATCH)], dbufs[j], dsems[j])

      plsc.subcore_barrier()
      obase = pl.multiple_of(ch * NPAD + rbase, 8)
      pltpu.sync_copy(acc.at[pl.ds(rbase, ROWS_PER_TILE)],
                      out_flat.at[pl.ds(obase, ROWS_PER_TILE)])

  return pl.kernel(
      body,
      out_type=jax.ShapeDtypeStruct((nchunks * NPAD, CHUNK), jnp.float32),
      mesh=_mesh(),
      scratch_types=(
          [pltpu.VMEM((NBATCH, BATCH), jnp.int32)]
          + [pltpu.VMEM((BATCH, CHUNK), jnp.float32)] * NG
          + [pltpu.SemaphoreType.DMA] * (2 * NG)
          + [pltpu.VMEM((BATCH,), jnp.int32)] * ND
          + [pltpu.SemaphoreType.DMA] * ND
          + [pltpu.VMEM_SHARED((NPAD, CHUNK), jnp.float32)]
      ),
      name=f"sc_segment_sum_{nchunks}",
  )


def _count_kernel_body(dst1d, zeros, ones, cnt_flat, ones_v, *rest):
  ND = 4
  dbufs = rest[:ND]
  dsems = rest[ND:2 * ND]
  acc = rest[2 * ND]

  cid = lax.axis_index("c")
  sid = lax.axis_index("s")
  nb = EP // NC // NS // BATCH
  ebase = pl.multiple_of(cid * (EP // NC) + sid * (EP // NC // NS), BATCH)
  rbase = pl.multiple_of(sid * ROWS_PER_TILE, 8)

  pltpu.sync_copy(ones, ones_v)
  pltpu.sync_copy(zeros.at[pl.ds(rbase, ROWS_PER_TILE)],
                  acc.at[pl.ds(rbase, ROWS_PER_TILE)])
  plsc.subcore_barrier()

  for q in range(ND):
    pltpu.async_copy(
        dst1d.at[pl.ds(pl.multiple_of(ebase + q * BATCH, BATCH), BATCH)],
        dbufs[q], dsems[q])

  @pl.loop(0, nb, step=ND)
  def _(b0):
    for j in range(ND):
      b = b0 + j
      pltpu.make_async_copy(
          dst1d.at[pl.ds(0, BATCH)], dbufs[j], dsems[j]).wait()
      pltpu.sync_copy(ones_v, acc.at[dbufs[j]], add=True)

      @pl.when(b + ND < nb)
      def _():
        s = pl.multiple_of(ebase + (b + ND) * BATCH, BATCH)
        pltpu.async_copy(dst1d.at[pl.ds(s, BATCH)], dbufs[j], dsems[j])

  plsc.subcore_barrier()
  obase = pl.multiple_of(cid * NPAD + rbase, 8)
  pltpu.sync_copy(acc.at[pl.ds(rbase, ROWS_PER_TILE)],
                  cnt_flat.at[pl.ds(obase, ROWS_PER_TILE)])


@functools.lru_cache(maxsize=None)
def _make_count_kernel():
  ND = 4
  return pl.kernel(
      _count_kernel_body,
      out_type=jax.ShapeDtypeStruct((NC * NPAD, CHUNK), jnp.float32),
      mesh=_mesh(),
      scratch_types=(
          [pltpu.VMEM((BATCH, CHUNK), jnp.float32)]
          + [pltpu.VMEM((BATCH,), jnp.int32)] * ND
          + [pltpu.SemaphoreType.DMA] * ND
          + [pltpu.VMEM_SHARED((NPAD, CHUNK), jnp.float32)]
      ),
      name="sc_degree_count",
  )


def _tc_self(h, Wr, b):
  nch = h.shape[0]
  rows = 1000
  grid = (N // rows,)

  def body(h_ref, wr, bb, out_ref):
    acc = bb[...] + jnp.zeros((rows, H), jnp.float32)
    for k in range(nch):
      acc += jnp.dot(h_ref[k], wr[k * CHUNK:(k + 1) * CHUNK, :],
                     preferred_element_type=jnp.float32)
    out_ref[...] = acc

  din = nch * CHUNK
  return pl.pallas_call(
      body, grid=grid,
      in_specs=[pl.BlockSpec((nch, rows, CHUNK), lambda i: (0, i, 0)),
                pl.BlockSpec((din, H), lambda i: (0, 0)),
                pl.BlockSpec((1, H), lambda i: (0, 0))],
      out_specs=pl.BlockSpec((rows, H), lambda i: (i, 0)),
      out_shape=jax.ShapeDtypeStruct((N, H), jnp.float32),
  )(h, Wr, b.reshape(1, H))


def _tc_combine(agg, slf, cnt, Wl, final):
  nch = agg.shape[0]
  rows = 1000
  grid = (N // rows,)

  def body(agg_ref, slf_ref, cnt_ref, wl, out_ref):
    c = cnt_ref[0, :, :1] + cnt_ref[1, :, :1]
    inv = 1.0 / jnp.maximum(c, 1.0)
    acc = slf_ref[...]
    for k in range(nch):
      acc += jnp.dot(agg_ref[k] * inv, wl[k * CHUNK:(k + 1) * CHUNK, :],
                     preferred_element_type=jnp.float32)
    out = acc
    n2 = jnp.sum(out * out, axis=1, keepdims=True)
    out = out * lax.rsqrt(jnp.maximum(n2, 1e-24))
    out = jnp.maximum(out, 0.0)
    if final:
      out_ref[...] = out
    else:
      for k in range(H // CHUNK):
        out_ref[k] = out[:, k * CHUNK:(k + 1) * CHUNK]

  din = nch * CHUNK
  if final:
    out_specs = pl.BlockSpec((rows, H), lambda i: (i, 0))
    out_shape = jax.ShapeDtypeStruct((N, H), jnp.float32)
  else:
    out_specs = pl.BlockSpec((H // CHUNK, rows, CHUNK), lambda i: (0, i, 0))
    out_shape = jax.ShapeDtypeStruct((H // CHUNK, NPAD, CHUNK), jnp.float32)
  return pl.pallas_call(
      body, grid=grid,
      in_specs=[pl.BlockSpec((nch, rows, CHUNK), lambda i: (0, i, 0)),
                pl.BlockSpec((rows, H), lambda i: (i, 0)),
                pl.BlockSpec((NC, rows, CHUNK), lambda i: (0, i, 0)),
                pl.BlockSpec((din, H), lambda i: (0, 0))],
      out_specs=out_specs, out_shape=out_shape,
  )(agg, slf, cnt, Wl)


@jax.jit
def kernel(x, edge_index, Wl0, Wr0, b0, Wl1, Wr1, b1, Wl2, Wr2, b2):
  src = edge_index[0].astype(jnp.int32)
  dst = edge_index[1].astype(jnp.int32)
  pad = jnp.full((EP - E,), N, jnp.int32)
  src = jnp.concatenate([src, pad]).reshape(EP // BATCH, BATCH)
  dst1d = jnp.concatenate([dst, pad])

  zeros = jnp.zeros((NPAD, CHUNK), jnp.float32)
  ones = jnp.ones((BATCH, CHUNK), jnp.float32)

  cnt = _make_count_kernel()(dst1d, zeros, ones).reshape(NC, NPAD, CHUNK)

  xp = jnp.pad(x, ((0, NPAD - N), (0, 0)))
  h = jnp.stack([xp[:, k * CHUNK:(k + 1) * CHUNK]
                 for k in range(D_IN // CHUNK)])

  for li, (nch, Wl, Wr, b) in enumerate(
      [(2, Wl0, Wr0, b0), (4, Wl1, Wr1, b1), (4, Wl2, Wr2, b2)]):
    final = li == 2
    slf = _tc_self(h, Wr, b)
    agg = _make_agg_kernel(nch)(src, dst1d, zeros, h.reshape(-1, CHUNK))
    h = _tc_combine(agg.reshape(nch, NPAD, CHUNK), slf, cnt, Wl, final)
  return h

# --- scband reference (transcript-rebuilt; emitter-appended) ---
"""Pipeline reference for scband-sage-4415226380794 (READ-ONLY COPY).

The authoritative reference and input builder live on the scoring server;
editing this copy changes nothing except your own understanding.
"""

import jax, jax.numpy as jnp
import numpy as np

N_NODES = 10000
N_EDGES = 160000
IN_DIM = 256
HID = 512
NUM_LAYERS = 3


def setup_inputs(seed: int = 0) -> dict:
    key = jax.random.key(seed)
    ks = jax.random.split(key, 2 + 3 * NUM_LAYERS)
    x = jax.random.normal(ks[0], (N_NODES, IN_DIM), dtype=jnp.float32)
    edge_index = jax.random.randint(ks[1], (2, N_EDGES), 0, N_NODES, dtype=jnp.int64)
    dims = [(IN_DIM, HID)] + [(HID, HID)] * (NUM_LAYERS - 1)
    inp = {"x": x, "edge_index": edge_index}
    for i, (din, dout) in enumerate(dims):
        s = 1.0 / np.sqrt(din)
        inp[f"Wl{i}"] = jax.random.normal(ks[2 + 3 * i], (din, dout), dtype=jnp.float32) * s
        inp[f"Wr{i}"] = jax.random.normal(ks[3 + 3 * i], (din, dout), dtype=jnp.float32) * s
        inp[f"b{i}"] = jnp.zeros((dout,), dtype=jnp.float32)
    return inp


def _sage_layer(x, src, dst, Wl, Wr, b):
    # SAGEConv(aggr='mean', normalize=True): out = lin_l(mean_j x_j) + lin_r(x_i), then L2-normalize
    msgs = jnp.take(x, src, axis=0)                       # gather source node feats
    summed = jax.ops.segment_sum(msgs, dst, num_segments=N_NODES)
    cnt = jax.ops.segment_sum(jnp.ones((src.shape[0], 1), x.dtype), dst, num_segments=N_NODES)
    mean = summed / jnp.maximum(cnt, 1.0)
    out = mean @ Wl + b + x @ Wr
    norm = jnp.linalg.norm(out, axis=-1, keepdims=True)
    out = out / jnp.maximum(norm, 1e-12)
    return out


def reference(x, edge_index, Wl0, Wr0, b0, Wl1, Wr1, b1, Wl2, Wr2, b2) -> jnp.ndarray:
    src = edge_index[0]
    dst = edge_index[1]
    params = [(Wl0, Wr0, b0), (Wl1, Wr1, b1), (Wl2, Wr2, b2)]
    h = x
    for (Wl, Wr, b) in params:
        h = _sage_layer(h, src, dst, Wl, Wr, b)
        h = jax.nn.relu(h)
    return h

if __name__ == "__main__":
    import jax
    _d = setup_inputs()
    print(jax.jit(kernel)(*tuple(_d.values())))

</pallas_src>

<mosaic_0001>
#map = affine_map<(d0, d1) -> (0, 0)>
#map1 = affine_map<(d0, d1) -> (0)>
module attributes {stable_mosaic.version = 14 : i64} {
  func.func @sc_segment_sum_4(%arg0: i32, %arg1: i32, %arg2: memref<1280x128xi32, #tpu.memory_space<hbm>>, %arg3: memref<163840xi32, #tpu.memory_space<hbm>>, %arg4: memref<10112x128xf32, #tpu.memory_space<hbm>>, %arg5: memref<40448x128xf32, #tpu.memory_space<hbm>>, %arg6: memref<40448x128xf32, #tpu.memory_space<hbm>>, %arg7: memref<80x128xi32, #tpu.memory_space<vmem>>, %arg8: memref<128x128xf32, #tpu.memory_space<vmem>>, %arg9: memref<128x128xf32, #tpu.memory_space<vmem>>, %arg10: memref<!tpu.dma_semaphore, #tpu.memory_space<semaphore_mem>>, %arg11: memref<!tpu.dma_semaphore, #tpu.memory_space<semaphore_mem>>, %arg12: memref<!tpu.dma_semaphore, #tpu.memory_space<semaphore_mem>>, %arg13: memref<!tpu.dma_semaphore, #tpu.memory_space<semaphore_mem>>, %arg14: memref<128xi32, #tpu.memory_space<vmem>>, %arg15: memref<128xi32, #tpu.memory_space<vmem>>, %arg16: memref<128xi32, #tpu.memory_space<vmem>>, %arg17: memref<128xi32, #tpu.memory_space<vmem>>, %arg18: memref<!tpu.dma_semaphore, #tpu.memory_space<semaphore_mem>>, %arg19: memref<!tpu.dma_semaphore, #tpu.memory_space<semaphore_mem>>, %arg20: memref<!tpu.dma_semaphore, #tpu.memory_space<semaphore_mem>>, %arg21: memref<!tpu.dma_semaphore, #tpu.memory_space<semaphore_mem>>, %arg22: memref<10112x128xf32, #tpu.memory_space<vmem_shared>>) attributes {dimension_semantics = [#tpu.dimension_semantics<core_parallel>, #tpu.dimension_semantics<subcore_parallel>], iteration_bounds = array<i64: 2, 16>, scalar_prefetch = 0 : i64, scratch_operands = 16 : i64, tpu.core_type = #tpu.core_type<sc_vector_subcore>, window_params = [{transform_indices = #map}, {transform_indices = #map1}, {transform_indices = #map}, {transform_indices = #map}, {transform_indices = #map}]} {
    %mul3A = arith.constant 80 : i32
    %mul3A_0 = arith.muli %arg1, %mul3A : i32
    %multiple_of3A = tpu.assume_multiple %mul3A_0, 8 : i32
    %mul3A_1 = arith.constant 10240 : i32
    %mul3A_2 = arith.muli %arg1, %mul3A_1 : i32
    %multiple_of3A_3 = tpu.assume_multiple %mul3A_2, 128 : i32
    %mul3A_4 = arith.constant 632 : i32
    %mul3A_5 = arith.muli %arg1, %mul3A_4 : i32
    %multiple_of3A_6 = tpu.assume_multiple %mul3A_5, 8 : i32
    "tpu.region"() ({
      %run_scoped3A = tpu.sem_alloc : memref<!tpu.dma_semaphore, #tpu.memory_space<semaphore_mem>>
      %dma_start3A_165 = arith.constant 0 : i32
      %dma_start3A_166 = tpu.memref_slice %arg2[%multiple_of3A, %dma_start3A_165] : memref<1280x128xi32, #tpu.memory_space<hbm>> -> memref<80x128xi32, #tpu.memory_space<hbm>>
      %dma_start3A_167 = arith.constant 0 : i32
      %dma_start3A_168 = tpu.memref_slice %arg2[%multiple_of3A, %dma_start3A_167] : memref<1280x128xi32, #tpu.memory_space<hbm>> -> memref<80x128xi32, #tpu.memory_space<hbm>>
      tpu.enqueue_dma source(%dma_start3A_168 : memref<80x128xi32, #tpu.memory_space<hbm>>) target(%arg7 : memref<80x128xi32, #tpu.memory_space<vmem>>) target_semaphore(%run_scoped3A : memref<!tpu.dma_semaphore, #tpu.memory_space<semaphore_mem>>)
      %dma_wait3A = arith.constant 0 : i32
      %dma_wait3A_169 = tpu.memref_slice %arg2[%multiple_of3A, %dma_wait3A] : memref<1280x128xi32, #tpu.memory_space<hbm>> -> memref<80x128xi32, #tpu.memory_space<hbm>>
      %dma_wait3A_170 = arith.constant 0 : i32
      %dma_wait3A_171 = tpu.memref_slice %arg2[%multiple_of3A, %dma_wait3A_170] : memref<1280x128xi32, #tpu.memory_space<hbm>> -> memref<80x128xi32, #tpu.memory_space<hbm>>
      tpu.wait_dma2 semaphore(%run_scoped3A : memref<!tpu.dma_semaphore, #tpu.memory_space<semaphore_mem>>) src(%dma_wait3A_171 : memref<80x128xi32, #tpu.memory_space<hbm>>) dst(%arg7 : memref<80x128xi32, #tpu.memory_space<vmem>>)
      tpu.yield
    }) : () -> ()
    %mul3A_7 = arith.constant 2 : i32
    %mul3A_8 = arith.muli %arg0, %mul3A_7 : i32
    %add3A = arith.constant 0 : i32
    %add3A_9 = arith.addi %mul3A_8, %add3A : i32
    %mul3A_10 = arith.constant 20224 : i32
    %mul3A_11 = arith.muli %arg0, %mul3A_10 : i32
    %scan3A = arith.constant 0 : i32
    %scan3A_12 = arith.constant 80 : i32
    %scan3A_13 = arith.addi %scan3A, %scan3A_12 : i32
    %scan3A_14 = arith.constant 1 : i32
    scf.for %scan3A_165 = %scan3A to %scan3A_13 step %scan3A_14  : i32 {
      %mul3A_166 = arith.constant 1 : i32
      %mul3A_167 = arith.muli %scan3A_165, %mul3A_166 : i32
      %add3A_168 = arith.constant 0 : i32
      %add3A_169 = arith.addi %add3A_168, %mul3A_167 : i32
      %get3A = arith.index_cast %add3A_169 : i32 to index
      %get3A_170 = arith.constant 0 : index
      %get3A_171 = tpu.vector_load %arg7[%get3A, %get3A_170] {strides = array<i32>} : memref<80x128xi32, #tpu.memory_space<vmem>>, vector<1x16xi32>,
      %get3A_172 = vector.shape_cast %get3A_171 : vector<1x16xi32> to vector<16xi32>
      %add3A_173 = vector.broadcast %mul3A_11 : i32 to vector<16xi32>
      %add3A_174 = arith.addi %get3A_172, %add3A_173 : vector<16xi32>
      %swap3A = arith.index_cast %add3A_169 : i32 to index
      %swap3A_175 = arith.constant 0 : index
      %swap3A_176 = tpu.vector_load %arg7[%swap3A, %swap3A_175] {strides = array<i32>} : memref<80x128xi32, #tpu.memory_space<vmem>>, vector<1x16xi32>,
      %swap3A_177 = vector.shape_cast %swap3A_176 : vector<1x16xi32> to vector<16xi32>
      %swap3A_178 = vector.shape_cast %add3A_174 : vector<16xi32> to vector<1x16xi32>
      tpu.vector_store %arg7[%swap3A, %swap3A_175], %swap3A_178 {strides = array<i32>} : memref<80x128xi32, #tpu.memory_space<vmem>>, vector<1x16xi32>,
      %get3A_179 = arith.index_cast %add3A_169 : i32 to index
      %get3A_180 = arith.constant 16 : index
      %get3A_181 = tpu.vector_load %arg7[%get3A_179, %get3A_180] {strides = array<i32>} : memref<80x128xi32, #tpu.memory_space<vmem>>, vector<1x16xi32>,
      %get3A_182 = vector.shape_cast %get3A_181 : vector<1x16xi32> to vector<16xi32>
      %add3A_183 = vector.broadcast %mul3A_11 : i32 to vector<16xi32>
      %add3A_184 = arith.addi %get3A_182, %add3A_183 : vector<16xi32>
      %swap3A_185 = arith.index_cast %add3A_169 : i32 to index
      %swap3A_186 = arith.constant 16 : index
      %swap3A_187 = tpu.vector_load %arg7[%swap3A_185, %swap3A_186] {strides = array<i32>} : memref<80x128xi32, #tpu.memory_space<vmem>>, vector<1x16xi32>,
      %swap3A_188 = vector.shape_cast %swap3A_187 : vector<1x16xi32> to vector<16xi32>
      %swap3A_189 = vector.shape_cast %add3A_184 : vector<16xi32> to vector<1x16xi32>
      tpu.vector_store %arg7[%swap3A_185, %swap3A_186], %swap3A_189 {strides = array<i32>} : memref<80x128xi32, #tpu.memory_space<vmem>>, vector<1x16xi32>,
      %get3A_190 = arith.index_cast %add3A_169 : i32 to index
      %get3A_191 = arith.constant 32 : index
      %get3A_192 = tpu.vector_load %arg7[%get3A_190, %get3A_191] {strides = array<i32>} : memref<80x128xi32, #tpu.memory_space<vmem>>, vector<1x16xi32>,
      %get3A_193 = vector.shape_cast %get3A_192 : vector<1x16xi32> to vector<16xi32>
      %add3A_194 = vector.broadcast %mul3A_11 : i32 to vector<16xi32>
      %add3A_195 = arith.addi %get3A_193, %add3A_194 : vector<16xi32>
      %swap3A_196 = arith.index_cast %add3A_169 : i32 to index
      %swap3A_197 = arith.constant 32 : index
      %swap3A_198 = tpu.vector_load %arg7[%swap3A_196, %swap3A_197] {strides = array<i32>} : memref<80x128xi32, #tpu.memory_space<vmem>>, vector<1x16xi32>,
      %swap3A_199 = vector.shape_cast %swap3A_198 : vector<1x16xi32> to vector<16xi32>
      %swap3A_200 = vector.shape_cast %add3A_195 : vector<16xi32> to vector<1x16xi32>
      tpu.vector_store %arg7[%swap3A_196, %swap3A_197], %swap3A_200 {strides = array<i32>} : memref<80x128xi32, #tpu.memory_space<vmem>>, vector<1x16xi32>,
      %get3A_201 = arith.index_cast %add3A_169 : i32 to index
      %get3A_202 = arith.constant 48 : index
      %get3A_203 = tpu.vector_load %arg7[%get3A_201, %get3A_202] {strides = array<i32>} : memref<80x128xi32, #tpu.memory_space<vmem>>, vector<1x16xi32>,
      %get3A_204 = vector.shape_cast %get3A_203 : vector<1x16xi32> to vector<16xi32>
      %add3A_205 = vector.broadcast %mul3A_11 : i32 to vector<16xi32>
      %add3A_206 = arith.addi %get3A_204, %add3A_205 : vector<16xi32>
      %swap3A_207 = arith.index_cast %add3A_169 : i32 to index
      %swap3A_208 = arith.constant 48 : index
      %swap3A_209 = tpu.vector_load %arg7[%swap3A_207, %swap3A_208] {strides = array<i32>} : memref<80x128xi32, #tpu.memory_space<vmem>>, vector<1x16xi32>,
      %swap3A_210 = vector.shape_cast %swap3A_209 : vector<1x16xi32> to vector<16xi32>
      %swap3A_211 = vector.shape_cast %add3A_206 : vector<16xi32> to vector<1x16xi32>
      tpu.vector_store %arg7[%swap3A_207, %swap3A_208], %swap3A_211 {strides = array<i32>} : memref<80x128xi32, #tpu.memory_space<vmem>>, vector<1x16xi32>,
      %get3A_212 = arith.index_cast %add3A_169 : i32 to index
      %get3A_213 = arith.constant 64 : index
      %get3A_214 = tpu.vector_load %arg7[%get3A_212, %get3A_213] {strides = array<i32>} : memref<80x128xi32, #tpu.memory_space<vmem>>, vector<1x16xi32>,
      %get3A_215 = vector.shape_cast %get3A_214 : vector<1x16xi32> to vector<16xi32>
      %add3A_216 = vector.broadcast %mul3A_11 : i32 to vector<16xi32>
      %add3A_217 = arith.addi %get3A_215, %add3A_216 : vector<16xi32>
      %swap3A_218 = arith.index_cast %add3A_169 : i32 to index
      %swap3A_219 = arith.constant 64 : index
      %swap3A_220 = tpu.vector_load %arg7[%swap3A_218, %swap3A_219] {strides = array<i32>} : memref<80x128xi32, #tpu.memory_space<vmem>>, vector<1x16xi32>,
      %swap3A_221 = vector.shape_cast %swap3A_220 : vector<1x16xi32> to vector<16xi32>
      %swap3A_222 = vector.shape_cast %add3A_217 : vector<16xi32> to vector<1x16xi32>
      tpu.vector_store %arg7[%swap3A_218, %swap3A_219], %swap3A_222 {strides = array<i32>} : memref<80x128xi32, #tpu.memory_space<vmem>>, vector<1x16xi32>,
      %get3A_223 = arith.index_cast %add3A_169 : i32 to index
      %get3A_224 = arith.constant 80 : index
      %get3A_225 = tpu.vector_load %arg7[%get3A_223, %get3A_224] {strides = array<i32>} : memref<80x128xi32, #tpu.memory_space<vmem>>, vector<1x16xi32>,
      %get3A_226 = vector.shape_cast %get3A_225 : vector<1x16xi32> to vector<16xi32>
      %add3A_227 = vector.broadcast %mul3A_11 : i32 to vector<16xi32>
      %add3A_228 = arith.addi %get3A_226, %add3A_227 : vector<16xi32>
      %swap3A_229 = arith.index_cast %add3A_169 : i32 to index
      %swap3A_230 = arith.constant 80 : index
      %swap3A_231 = tpu.vector_load %arg7[%swap3A_229, %swap3A_230] {strides = array<i32>} : memref<80x128xi32, #tpu.memory_space<vmem>>, vector<1x16xi32>,
      %swap3A_232 = vector.shape_cast %swap3A_231 : vector<1x16xi32> to vector<16xi32>
      %swap3A_233 = vector.shape_cast %add3A_228 : vector<16xi32> to vector<1x16xi32>
      tpu.vector_store %arg7[%swap3A_229, %swap3A_230], %swap3A_233 {strides = array<i32>} : memref<80x128xi32, #tpu.memory_space<vmem>>, vector<1x16xi32>,
      %get3A_234 = arith.index_cast %add3A_169 : i32 to index
      %get3A_235 = arith.constant 96 : index
      %get3A_236 = tpu.vector_load %arg7[%get3A_234, %get3A_235] {strides = array<i32>} : memref<80x128xi32, #tpu.memory_space<vmem>>, vector<1x16xi32>,
      %get3A_237 = vector.shape_cast %get3A_236 : vector<1x16xi32> to vector<16xi32>
      %add3A_238 = vector.broadcast %mul3A_11 : i32 to vector<16xi32>
      %add3A_239 = arith.addi %get3A_237, %add3A_238 : vector<16xi32>
      %swap3A_240 = arith.index_cast %add3A_169 : i32 to index
      %swap3A_241 = arith.constant 96 : index
      %swap3A_242 = tpu.vector_load %arg7[%swap3A_240, %swap3A_241] {strides = array<i32>} : memref<80x128xi32, #tpu.memory_space<vmem>>, vector<1x16xi32>,
      %swap3A_243 = vector.shape_cast %swap3A_242 : vector<1x16xi32> to vector<16xi32>
      %swap3A_244 = vector.shape_cast %add3A_239 : vector<16xi32> to vector<1x16xi32>
      tpu.vector_store %arg7[%swap3A_240, %swap3A_241], %swap3A_244 {strides = array<i32>} : memref<80x128xi32, #tpu.memory_space<vmem>>, vector<1x16xi32>,
      %get3A_245 = arith.index_cast %add3A_169 : i32 to index
      %get3A_246 = arith.constant 112 : index
      %get3A_247 = tpu.vector_load %arg7[%get3A_245, %get3A_246] {strides = array<i32>} : memref<80x128xi32, #tpu.memory_space<vmem>>, vector<1x16xi32>,
      %get3A_248 = vector.shape_cast %get3A_247 : vector<1x16xi32> to vector<16xi32>
      %add3A_249 = vector.broadcast %mul3A_11 : i32 to vector<16xi32>
      %add3A_250 = arith.addi %get3A_248, %add3A_249 : vector<16xi32>
      %swap3A_251 = arith.index_cast %add3A_169 : i32 to index
      %swap3A_252 = arith.constant 112 : index
      %swap3A_253 = tpu.vector_load %arg7[%swap3A_251, %swap3A_252] {strides = array<i32>} : memref<80x128xi32, #tpu.memory_space<vmem>>, vector<1x16xi32>,
      %swap3A_254 = vector.shape_cast %swap3A_253 : vector<1x16xi32> to vector<16xi32>
      %swap3A_255 = vector.shape_cast %add3A_250 : vector<16xi32> to vector<1x16xi32>
      tpu.vector_store %arg7[%swap3A_251, %swap3A_252], %swap3A_255 {strides = array<i32>} : memref<80x128xi32, #tpu.memory_space<vmem>>, vector<1x16xi32>,
    }
    %scan3A_15 = arith.constant 80 : i32
    "tpu.region"() ({
      %run_scoped3A = tpu.sem_alloc : memref<!tpu.dma_semaphore, #tpu.memory_space<semaphore_mem>>
      %dma_start3A_165 = arith.constant 0 : i32
      %dma_start3A_166 = tpu.memref_slice %arg22[%multiple_of3A_6, %dma_start3A_165] : memref<10112x128xf32, #tpu.memory_space<vmem_shared>> -> memref<632x128xf32, #tpu.memory_space<vmem_shared>>
      %dma_start3A_167 = arith.constant 0 : i32
      %dma_start3A_168 = tpu.memref_slice %arg4[%multiple_of3A_6, %dma_start3A_167] : memref<10112x128xf32, #tpu.memory_space<hbm>> -> memref<632x128xf32, #tpu.memory_space<hbm>>
      tpu.enqueue_dma source(%dma_start3A_168 : memref<632x128xf32, #tpu.memory_space<hbm>>) target(%dma_start3A_166 : memref<632x128xf32, #tpu.memory_space<vmem_shared>>) target_semaphore(%run_scoped3A : memref<!tpu.dma_semaphore, #tpu.memory_space<semaphore_mem>>)
      %dma_wait3A = arith.constant 0 : i32
      %dma_wait3A_169 = tpu.memref_slice %arg22[%multiple_of3A_6, %dma_wait3A] : memref<10112x128xf32, #tpu.memory_space<vmem_shared>> -> memref<632x128xf32, #tpu.memory_space<vmem_shared>>
      %dma_wait3A_170 = arith.constant 0 : i32
      %dma_wait3A_171 = tpu.memref_slice %arg4[%multiple_of3A_6, %dma_wait3A_170] : memref<10112x128xf32, #tpu.memory_space<hbm>> -> memref<632x128xf32, #tpu.memory_space<hbm>>
      tpu.wait_dma2 semaphore(%run_scoped3A : memref<!tpu.dma_semaphore, #tpu.memory_space<semaphore_mem>>) src(%dma_wait3A_171 : memref<632x128xf32, #tpu.memory_space<hbm>>) dst(%dma_wait3A_169 : memref<632x128xf32, #tpu.memory_space<vmem_shared>>)
      tpu.yield
    }) : () -> ()
    %barrier3A = arith.constant 0 : index
    tpu.barrier barrier_id(%barrier3A)
    %add3A_16 = arith.constant 0 : i32
    %add3A_17 = arith.addi %multiple_of3A_3, %add3A_16 : i32
    %multiple_of3A_18 = tpu.assume_multiple %add3A_17, 128 : i32
    %dma_start3A = tpu.memref_slice %arg3[%multiple_of3A_18] : memref<163840xi32, #tpu.memory_space<hbm>> -> memref<128xi32, #tpu.memory_space<hbm>>
    %dma_start3A_19 = tpu.memref_slice %arg3[%multiple_of3A_18] : memref<163840xi32, #tpu.memory_space<hbm>> -> memref<128xi32, #tpu.memory_space<hbm>>
    tpu.enqueue_dma source(%dma_start3A_19 : memref<128xi32, #tpu.memory_space<hbm>>) target(%arg14 : memref<128xi32, #tpu.memory_space<vmem>>) target_semaphore(%arg18 : memref<!tpu.dma_semaphore, #tpu.memory_space<semaphore_mem>>)
    %add3A_20 = arith.constant 128 : i32
    %add3A_21 = arith.addi %multiple_of3A_3, %add3A_20 : i32
    %multiple_of3A_22 = tpu.assume_multiple %add3A_21, 128 : i32
    %dma_start3A_23 = tpu.memref_slice %arg3[%multiple_of3A_22] : memref<163840xi32, #tpu.memory_space<hbm>> -> memref<128xi32, #tpu.memory_space<hbm>>
    %dma_start3A_24 = tpu.memref_slice %arg3[%multiple_of3A_22] : memref<163840xi32, #tpu.memory_space<hbm>> -> memref<128xi32, #tpu.memory_space<hbm>>
    tpu.enqueue_dma source(%dma_start3A_24 : memref<128xi32, #tpu.memory_space<hbm>>) target(%arg15 : memref<128xi32, #tpu.memory_space<vmem>>) target_semaphore(%arg19 : memref<!tpu.dma_semaphore, #tpu.memory_space<semaphore_mem>>)
    %add3A_25 = arith.constant 256 : i32
    %add3A_26 = arith.addi %multiple_of3A_3, %add3A_25 : i32
    %multiple_of3A_27 = tpu.assume_multiple %add3A_26, 128 : i32
    %dma_start3A_28 = tpu.memref_slice %arg3[%multiple_of3A_27] : memref<163840xi32, #tpu.memory_space<hbm>> -> memref<128xi32, #tpu.memory_space<hbm>>
    %dma_start3A_29 = tpu.memref_slice %arg3[%multiple_of3A_27] : memref<163840xi32, #tpu.memory_space<hbm>> -> memref<128xi32, #tpu.memory_space<hbm>>
    tpu.enqueue_dma source(%dma_start3A_29 : memref<128xi32, #tpu.memory_space<hbm>>) target(%arg16 : memref<128xi32, #tpu.memory_space<vmem>>) target_semaphore(%arg20 : memref<!tpu.dma_semaphore, #tpu.memory_space<semaphore_mem>>)
    %add3A_30 = arith.constant 384 : i32
    %add3A_31 = arith.addi %multiple_of3A_3, %add3A_30 : i32
    %multiple_of3A_32 = tpu.assume_multiple %add3A_31, 128 : i32
    %dma_start3A_33 = tpu.memref_slice %arg3[%multiple_of3A_32] : memref<163840xi32, #tpu.memory_space<hbm>> -> memref<128xi32, #tpu.memory_space<hbm>>
    %dma_start3A_34 = tpu.memref_slice %arg3[%multiple_of3A_32] : memref<163840xi32, #tpu.memory_space<hbm>> -> memref<128xi32, #tpu.memory_space<hbm>>
    tpu.enqueue_dma source(%dma_start3A_34 : memref<128xi32, #tpu.memory_space<hbm>>) target(%arg17 : memref<128xi32, #tpu.memory_space<vmem>>) target_semaphore(%arg21 : memref<!tpu.dma_semaphore, #tpu.memory_space<semaphore_mem>>)
    %dma_start3A_35 = arith.constant 0 : i32
    %dma_start3A_36 = arith.constant 0 : i32
    %dma_start3A_37 = arith.constant 0 : i32
    %dma_start3A_38 = tpu.memref_slice %arg8[%dma_start3A_36, %dma_start3A_37] : memref<128x128xf32, #tpu.memory_space<vmem>> -> memref<64x128xf32, #tpu.memory_space<vmem>>
    %dma_start3A_39 = arith.constant 0 : i32
    %dma_start3A_40 = tpu.memref_slice %arg7[%dma_start3A_35, %dma_start3A_39] : memref<80x128xi32, #tpu.memory_space<vmem>> -> memref<1x64xi32, #tpu.memory_space<vmem>>
    %dma_start3A_41 = tpu.memref_squeeze %dma_start3A_40 : memref<1x64xi32, #tpu.memory_space<vmem>> -> memref<64xi32, #tpu.memory_space<vmem>>
    %dma_start3A_42 = arith.constant 0 : i32
    %dma_start3A_43 = arith.constant 0 : i32
    %dma_start3A_44 = tpu.memref_slice %arg5[%dma_start3A_42, %dma_start3A_43] : memref<40448x128xf32, #tpu.memory_space<hbm>> -> memref<40448x128xf32, #tpu.memory_space<hbm>>
    tpu.enqueue_indirect_dma source(%dma_start3A_44 : memref<40448x128xf32, #tpu.memory_space<hbm>>) target(%dma_start3A_38 : memref<64x128xf32, #tpu.memory_space<vmem>>) offsets(%dma_start3A_41 : memref<64xi32, #tpu.memory_space<vmem>>) semaphore(%arg10 : memref<!tpu.dma_semaphore, #tpu.memory_space<semaphore_mem>>)
    %dma_start3A_45 = arith.constant 0 : i32
    %dma_start3A_46 = arith.constant 64 : i32
    %dma_start3A_47 = arith.constant 0 : i32
    %dma_start3A_48 = tpu.memref_slice %arg8[%dma_start3A_46, %dma_start3A_47] : memref<128x128xf32, #tpu.memory_space<vmem>> -> memref<64x128xf32, #tpu.memory_space<vmem>>
    %dma_start3A_49 = arith.constant 64 : i32
    %dma_start3A_50 = tpu.memref_slice %arg7[%dma_start3A_45, %dma_start3A_49] : memref<80x128xi32, #tpu.memory_space<vmem>> -> memref<1x64xi32, #tpu.memory_space<vmem>>
    %dma_start3A_51 = tpu.memref_squeeze %dma_start3A_50 : memref<1x64xi32, #tpu.memory_space<vmem>> -> memref<64xi32, #tpu.memory_space<vmem>>
    %dma_start3A_52 = arith.constant 0 : i32
    %dma_start3A_53 = arith.constant 0 : i32
    %dma_start3A_54 = tpu.memref_slice %arg5[%dma_start3A_52, %dma_start3A_53] : memref<40448x128xf32, #tpu.memory_space<hbm>> -> memref<40448x128xf32, #tpu.memory_space<hbm>>
    tpu.enqueue_indirect_dma source(%dma_start3A_54 : memref<40448x128xf32, #tpu.memory_space<hbm>>) target(%dma_start3A_48 : memref<64x128xf32, #tpu.memory_space<vmem>>) offsets(%dma_start3A_51 : memref<64xi32, #tpu.memory_space<vmem>>) semaphore(%arg12 : memref<!tpu.dma_semaphore, #tpu.memory_space<semaphore_mem>>)
    %dma_start3A_55 = arith.constant 1 : i32
    %dma_start3A_56 = arith.constant 0 : i32
    %dma_start3A_57 = arith.constant 0 : i32
    %dma_start3A_58 = tpu.memref_slice %arg9[%dma_start3A_56, %dma_start3A_57] : memref<128x128xf32, #tpu.memory_space<vmem>> -> memref<64x128xf32, #tpu.memory_space<vmem>>
    %dma_start3A_59 = arith.constant 0 : i32
    %dma_start3A_60 = tpu.memref_slice %arg7[%dma_start3A_55, %dma_start3A_59] : memref<80x128xi32, #tpu.memory_space<vmem>> -> memref<1x64xi32, #tpu.memory_space<vmem>>
    %dma_start3A_61 = tpu.memref_squeeze %dma_start3A_60 : memref<1x64xi32, #tpu.memory_space<vmem>> -> memref<64xi32, #tpu.memory_space<vmem>>
    %dma_start3A_62 = arith.constant 0 : i32
    %dma_start3A_63 = arith.constant 0 : i32
    %dma_start3A_64 = tpu.memref_slice %arg5[%dma_start3A_62, %dma_start3A_63] : memref<40448x128xf32, #tpu.memory_space<hbm>> -> memref<40448x128xf32, #tpu.memory_space<hbm>>
    tpu.enqueue_indirect_dma source(%dma_start3A_64 : memref<40448x128xf32, #tpu.memory_space<hbm>>) target(%dma_start3A_58 : memref<64x128xf32, #tpu.memory_space<vmem>>) offsets(%dma_start3A_61 : memref<64xi32, #tpu.memory_space<vmem>>) semaphore(%arg11 : memref<!tpu.dma_semaphore, #tpu.memory_space<semaphore_mem>>)
    %dma_start3A_65 = arith.constant 1 : i32
    %dma_start3A_66 = arith.constant 64 : i32
    %dma_start3A_67 = arith.constant 0 : i32
    %dma_start3A_68 = tpu.memref_slice %arg9[%dma_start3A_66, %dma_start3A_67] : memref<128x128xf32, #tpu.memory_space<vmem>> -> memref<64x128xf32, #tpu.memory_space<vmem>>
    %dma_start3A_69 = arith.constant 64 : i32
    %dma_start3A_70 = tpu.memref_slice %arg7[%dma_start3A_65, %dma_start3A_69] : memref<80x128xi32, #tpu.memory_space<vmem>> -> memref<1x64xi32, #tpu.memory_space<vmem>>
    %dma_start3A_71 = tpu.memref_squeeze %dma_start3A_70 : memref<1x64xi32, #tpu.memory_space<vmem>> -> memref<64xi32, #tpu.memory_space<vmem>>
    %dma_start3A_72 = arith.constant 0 : i32
    %dma_start3A_73 = arith.constant 0 : i32
    %dma_start3A_74 = tpu.memref_slice %arg5[%dma_start3A_72, %dma_start3A_73] : memref<40448x128xf32, #tpu.memory_space<hbm>> -> memref<40448x128xf32, #tpu.memory_space<hbm>>
    tpu.enqueue_indirect_dma source(%dma_start3A_74 : memref<40448x128xf32, #tpu.memory_space<hbm>>) target(%dma_start3A_68 : memref<64x128xf32, #tpu.memory_space<vmem>>) offsets(%dma_start3A_71 : memref<64xi32, #tpu.memory_space<vmem>>) semaphore(%arg13 : memref<!tpu.dma_semaphore, #tpu.memory_space<semaphore_mem>>)
    %scan3A_75 = arith.constant 0 : i32
    %scan3A_76 = arith.constant 20 : i32
    %scan3A_77 = arith.addi %scan3A_75, %scan3A_76 : i32
    %scan3A_78 = arith.constant 1 : i32
    scf.for %scan3A_165 = %scan3A_75 to %scan3A_77 step %scan3A_78  : i32 {
      %mul3A_166 = arith.constant 4 : i32
      %mul3A_167 = arith.muli %scan3A_165, %mul3A_166 : i32
      %add3A_168 = arith.constant 0 : i32
      %add3A_169 = arith.addi %add3A_168, %mul3A_167 : i32
      %add3A_170 = arith.constant 0 : i32
      %add3A_171 = arith.addi %add3A_169, %add3A_170 : i32
      %dma_wait3A = arith.constant 0 : i32
      %dma_wait3A_172 = arith.constant 0 : i32
      %dma_wait3A_173 = arith.constant 0 : i32
      %dma_wait3A_174 = tpu.memref_slice %arg8[%dma_wait3A_172, %dma_wait3A_173] : memref<128x128xf32, #tpu.memory_space<vmem>> -> memref<64x128xf32, #tpu.memory_space<vmem>>
      %dma_wait3A_175 = arith.constant 0 : i32
      %dma_wait3A_176 = tpu.memref_slice %arg7[%dma_wait3A, %dma_wait3A_175] : memref<80x128xi32, #tpu.memory_space<vmem>> -> memref<1x64xi32, #tpu.memory_space<vmem>>
      %dma_wait3A_177 = tpu.memref_squeeze %dma_wait3A_176 : memref<1x64xi32, #tpu.memory_space<vmem>> -> memref<64xi32, #tpu.memory_space<vmem>>
      %dma_wait3A_178 = arith.constant 0 : i32
      %dma_wait3A_179 = arith.constant 0 : i32
      %dma_wait3A_180 = tpu.memref_slice %arg5[%dma_wait3A_178, %dma_wait3A_179] : memref<40448x128xf32, #tpu.memory_space<hbm>> -> memref<40448x128xf32, #tpu.memory_space<hbm>>
      tpu.wait_indirect_dma semaphore(%arg10 : memref<!tpu.dma_semaphore, #tpu.memory_space<semaphore_mem>>) src(%dma_wait3A_180 : memref<40448x128xf32, #tpu.memory_space<hbm>>) dst(%dma_wait3A_174 : memref<64x128xf32, #tpu.memory_space<vmem>>)
      %dma_wait3A_181 = arith.constant 0 : i32
      %dma_wait3A_182 = arith.constant 64 : i32
      %dma_wait3A_183 = arith.constant 0 : i32
      %dma_wait3A_184 = tpu.memref_slice %arg8[%dma_wait3A_182, %dma_wait3A_183] : memref<128x128xf32, #tpu.memory_space<vmem>> -> memref<64x128xf32, #tpu.memory_space<vmem>>
      %dma_wait3A_185 = arith.constant 0 : i32
      %dma_wait3A_186 = tpu.memref_slice %arg7[%dma_wait3A_181, %dma_wait3A_185] : memref<80x128xi32, #tpu.memory_space<vmem>> -> memref<1x64xi32, #tpu.memory_space<vmem>>
      %dma_wait3A_187 = tpu.memref_squeeze %dma_wait3A_186 : memref<1x64xi32, #tpu.memory_space<vmem>> -> memref<64xi32, #tpu.memory_space<vmem>>
      %dma_wait3A_188 = arith.constant 0 : i32
      %dma_wait3A_189 = arith.constant 0 : i32
      %dma_wait3A_190 = tpu.memref_slice %arg5[%dma_wait3A_188, %dma_wait3A_189] : memref<40448x128xf32, #tpu.memory_space<hbm>> -> memref<40448x128xf32, #tpu.memory_space<hbm>>
      tpu.wait_indirect_dma semaphore(%arg12 : memref<!tpu.dma_semaphore, #tpu.memory_space<semaphore_mem>>) src(%dma_wait3A_190 : memref<40448x128xf32, #tpu.memory_space<hbm>>) dst(%dma_wait3A_184 : memref<64x128xf32, #tpu.memory_space<vmem>>)
      %dma_wait3A_191 = arith.constant 0 : i32
      %dma_wait3A_192 = tpu.memref_slice %arg3[%dma_wait3A_191] : memref<163840xi32, #tpu.memory_space<hbm>> -> memref<128xi32, #tpu.memory_space<hbm>>
      %dma_wait3A_193 = arith.constant 0 : i32
      %dma_wait3A_194 = tpu.memref_slice %arg3[%dma_wait3A_193] : memref<163840xi32, #tpu.memory_space<hbm>> -> memref<128xi32, #tpu.memory_space<hbm>>
      tpu.wait_dma2 semaphore(%arg18 : memref<!tpu.dma_semaphore, #tpu.memory_space<semaphore_mem>>) src(%dma_wait3A_194 : memref<128xi32, #tpu.memory_space<hbm>>) dst(%arg14 : memref<128xi32, #tpu.memory_space<vmem>>)
      "tpu.region"() ({
        %run_scoped3A = tpu.sem_alloc : memref<!tpu.dma_semaphore, #tpu.memory_space<semaphore_mem>>
        %dma_start3A_326 = arith.constant 0 : i32
        %dma_start3A_327 = arith.constant 0 : i32
        %dma_start3A_328 = tpu.memref_slice %arg22[%dma_start3A_326, %dma_start3A_327] : memref<10112x128xf32, #tpu.memory_space<vmem_shared>> -> memref<10112x128xf32, #tpu.memory_space<vmem_shared>>
        tpu.enqueue_indirect_dma source(%arg8 : memref<128x128xf32, #tpu.memory_space<vmem>>) target(%dma_start3A_328 : memref<10112x128xf32, #tpu.memory_space<vmem_shared>>) offsets(%arg14 : memref<128xi32, #tpu.memory_space<vmem>>) semaphore(%run_scoped3A : memref<!tpu.dma_semaphore, #tpu.memory_space<semaphore_mem>>) {add = true}
        %dma_wait3A_329 = arith.constant 0 : i32
        %dma_wait3A_330 = arith.constant 0 : i32
        %dma_wait3A_331 = tpu.memref_slice %arg22[%dma_wait3A_329, %dma_wait3A_330] : memref<10112x128xf32, #tpu.memory_space<vmem_shared>> -> memref<10112x128xf32, #tpu.memory_space<vmem_shared>>
        tpu.wait_indirect_dma semaphore(%run_scoped3A : memref<!tpu.dma_semaphore, #tpu.memory_space<semaphore_mem>>) src(%arg8 : memref<128x128xf32, #tpu.memory_space<vmem>>) dst(%dma_wait3A_331 : memref<10112x128xf32, #tpu.memory_space<vmem_shared>>)
        tpu.yield
      }) : () -> ()
      %add3A_195 = arith.constant 2 : i32
      %add3A_196 = arith.addi %add3A_171, %add3A_195 : i32
      %lt3A = arith.constant 80 : i32
      %lt3A_197 = arith.cmpi slt, %add3A_196, %lt3A : i32
      %convert_element_type3A = arith.extui %lt3A_197 : i1 to i32
      %cond3A = arith.constant 0 : i32
      %cond3A_198 = arith.cmpi ne, %convert_element_type3A, %cond3A : i32
      scf.if %cond3A_198 {
        %add3A_326 = arith.constant 2 : i32
        %add3A_327 = arith.addi %add3A_171, %add3A_326 : i32
        %dma_start3A_328 = arith.constant 0 : i32
        %dma_start3A_329 = arith.constant 0 : i32
        %dma_start3A_330 = tpu.memref_slice %arg8[%dma_start3A_328, %dma_start3A_329] : memref<128x128xf32, #tpu.memory_space<vmem>> -> memref<64x128xf32, #tpu.memory_space<vmem>>
        %dma_start3A_331 = arith.constant 0 : i32
        %dma_start3A_332 = tpu.memref_slice %arg7[%add3A_327, %dma_start3A_331] : memref<80x128xi32, #tpu.memory_space<vmem>> -> memref<1x64xi32, #tpu.memory_space<vmem>>
        %dma_start3A_333 = tpu.memref_squeeze %dma_start3A_332 : memref<1x64xi32, #tpu.memory_space<vmem>> -> memref<64xi32, #tpu.memory_space<vmem>>
        %dma_start3A_334 = arith.constant 0 : i32
        %dma_start3A_335 = arith.constant 0 : i32
        %dma_start3A_336 = tpu.memref_slice %arg5[%dma_start3A_334, %dma_start3A_335] : memref<40448x128xf32, #tpu.memory_space<hbm>> -> memref<40448x128xf32, #tpu.memory_space<hbm>>
        tpu.enqueue_indirect_dma source(%dma_start3A_336 : memref<40448x128xf32, #tpu.memory_space<hbm>>) target(%dma_start3A_330 : memref<64x128xf32, #tpu.memory_space<vmem>>) offsets(%dma_start3A_333 : memref<64xi32, #tpu.memory_space<vmem>>) semaphore(%arg10 : memref<!tpu.dma_semaphore, #tpu.memory_space<semaphore_mem>>)
        %dma_start3A_337 = arith.constant 64 : i32
        %dma_start3A_338 = arith.constant 0 : i32
        %dma_start3A_339 = tpu.memref_slice %arg8[%dma_start3A_337, %dma_start3A_338] : memref<128x128xf32, #tpu.memory_space<vmem>> -> memref<64x128xf32, #tpu.memory_space<vmem>>
        %dma_start3A_340 = arith.constant 64 : i32
        %dma_start3A_341 = tpu.memref_slice %arg7[%add3A_327, %dma_start3A_340] : memref<80x128xi32, #tpu.memory_space<vmem>> -> memref<1x64xi32, #tpu.memory_space<vmem>>
        %dma_start3A_342 = tpu.memref_squeeze %dma_start3A_341 : memref<1x64xi32, #tpu.memory_space<vmem>> -> memref<64xi32, #tpu.memory_space<vmem>>
        %dma_start3A_343 = arith.constant 0 : i32
        %dma_start3A_344 = arith.constant 0 : i32
        %dma_start3A_345 = tpu.memref_slice %arg5[%dma_start3A_343, %dma_start3A_344] : memref<40448x128xf32, #tpu.memory_space<hbm>> -> memref<40448x128xf32, #tpu.memory_space<hbm>>
        tpu.enqueue_indirect_dma source(%dma_start3A_345 : memref<40448x128xf32, #tpu.memory_space<hbm>>) target(%dma_start3A_339 : memref<64x128xf32, #tpu.memory_space<vmem>>) offsets(%dma_start3A_342 : memref<64xi32, #tpu.memory_space<vmem>>) semaphore(%arg12 : memref<!tpu.dma_semaphore, #tpu.memory_space<semaphore_mem>>)
      } else {
      }
      %add3A_199 = arith.constant 4 : i32
      %add3A_200 = arith.addi %add3A_171, %add3A_199 : i32
      %lt3A_201 = arith.constant 80 : i32
      %lt3A_202 = arith.cmpi slt, %add3A_200, %lt3A_201 : i32
      %convert_element_type3A_203 = arith.extui %lt3A_202 : i1 to i32
      %cond3A_204 = arith.constant 0 : i32
      %cond3A_205 = arith.cmpi ne, %convert_element_type3A_203, %cond3A_204 : i32
      scf.if %cond3A_205 {
        %add3A_326 = arith.constant 4 : i32
        %add3A_327 = arith.addi %add3A_171, %add3A_326 : i32
        %mul3A_328 = arith.constant 128 : i32
        %mul3A_329 = arith.muli %add3A_327, %mul3A_328 : i32
        %add3A_330 = arith.addi %multiple_of3A_3, %mul3A_329 : i32
        %multiple_of3A_331 = tpu.assume_multiple %add3A_330, 128 : i32
        %dma_start3A_332 = tpu.memref_slice %arg3[%multiple_of3A_331] : memref<163840xi32, #tpu.memory_space<hbm>> -> memref<128xi32, #tpu.memory_space<hbm>>
        %dma_start3A_333 = tpu.memref_slice %arg3[%multiple_of3A_331] : memref<163840xi32, #tpu.memory_space<hbm>> -> memref<128xi32, #tpu.memory_space<hbm>>
        tpu.enqueue_dma source(%dma_start3A_333 : memref<128xi32, #tpu.memory_space<hbm>>) target(%arg14 : memref<128xi32, #tpu.memory_space<vmem>>) target_semaphore(%arg18 : memref<!tpu.dma_semaphore, #tpu.memory_space<semaphore_mem>>)
      } else {
      }
      %add3A_206 = arith.constant 1 : i32
      %add3A_207 = arith.addi %add3A_169, %add3A_206 : i32
      %dma_wait3A_208 = arith.constant 0 : i32
      %dma_wait3A_209 = arith.constant 0 : i32
      %dma_wait3A_210 = arith.constant 0 : i32
      %dma_wait3A_211 = tpu.memref_slice %arg9[%dma_wait3A_209, %dma_wait3A_210] : memref<128x128xf32, #tpu.memory_space<vmem>> -> memref<64x128xf32, #tpu.memory_space<vmem>>
      %dma_wait3A_212 = arith.constant 0 : i32
      %dma_wait3A_213 = tpu.memref_slice %arg7[%dma_wait3A_208, %dma_wait3A_212] : memref<80x128xi32, #tpu.memory_space<vmem>> -> memref<1x64xi32, #tpu.memory_space<vmem>>
      %dma_wait3A_214 = tpu.memref_squeeze %dma_wait3A_213 : memref<1x64xi32, #tpu.memory_space<vmem>> -> memref<64xi32, #tpu.memory_space<vmem>>
      %dma_wait3A_215 = arith.constant 0 : i32
      %dma_wait3A_216 = arith.constant 0 : i32
      %dma_wait3A_217 = tpu.memref_slice %arg5[%dma_wait3A_215, %dma_wait3A_216] : memref<40448x128xf32, #tpu.memory_space<hbm>> -> memref<40448x128xf32, #tpu.memory_space<hbm>>
      tpu.wait_indirect_dma semaphore(%arg11 : memref<!tpu.dma_semaphore, #tpu.memory_space<semaphore_mem>>) src(%dma_wait3A_217 : memref<40448x128xf32, #tpu.memory_space<hbm>>) dst(%dma_wait3A_211 : memref<64x128xf32, #tpu.memory_space<vmem>>)
      %dma_wait3A_218 = arith.constant 0 : i32
      %dma_wait3A_219 = arith.constant 64 : i32
      %dma_wait3A_220 = arith.constant 0 : i32
      %dma_wait3A_221 = tpu.memref_slice %arg9[%dma_wait3A_219, %dma_wait3A_220] : memref<128x128xf32, #tpu.memory_space<vmem>> -> memref<64x128xf32, #tpu.memory_space<vmem>>
      %dma_wait3A_222 = arith.constant 0 : i32
      %dma_wait3A_223 = tpu.memref_slice %arg7[%dma_wait3A_218, %dma_wait3A_222] : memref<80x128xi32, #tpu.memory_space<vmem>> -> memref<1x64xi32, #tpu.memory_space<vmem>>
      %dma_wait3A_224 = tpu.memref_squeeze %dma_wait3A_223 : memref<1x64xi32, #tpu.memory_space<vmem>> -> memref<64xi32, #tpu.memory_space<vmem>>
      %dma_wait3A_225 = arith.constant 0 : i32
      %dma_wait3A_226 = arith.constant 0 : i32
      %dma_wait3A_227 = tpu.memref_slice %arg5[%dma_wait3A_225, %dma_wait3A_226] : memref<40448x128xf32, #tpu.memory_space<hbm>> -> memref<40448x128xf32, #tpu.memory_space<hbm>>
      tpu.wait_indirect_dma semaphore(%arg13 : memref<!tpu.dma_semaphore, #tpu.memory_space<semaphore_mem>>) src(%dma_wait3A_227 : memref<40448x128xf32, #tpu.memory_space<hbm>>) dst(%dma_wait3A_221 : memref<64x128xf32, #tpu.memory_space<vmem>>)
      %dma_wait3A_228 = arith.constant 0 : i32
      %dma_wait3A_229 = tpu.memref_slice %arg3[%dma_wait3A_228] : memref<163840xi32, #tpu.memory_space<hbm>> -> memref<128xi32, #tpu.memory_space<hbm>>
      %dma_wait3A_230 = arith.constant 0 : i32
      %dma_wait3A_231 = tpu.memref_slice %arg3[%dma_wait3A_230] : memref<163840xi32, #tpu.memory_space<hbm>> -> memref<128xi32, #tpu.memory_space<hbm>>
      tpu.wait_dma2 semaphore(%arg19 : memref<!tpu.dma_semaphore, #tpu.memory_space<semaphore_mem>>) src(%dma_wait3A_231 : memref<128xi32, #tpu.memory_space<hbm>>) dst(%arg15 : memref<128xi32, #tpu.memory_space<vmem>>)
      "tpu.region"() ({
        %run_scoped3A = tpu.sem_alloc : memref<!tpu.dma_semaphore, #tpu.memory_space<semaphore_mem>>
        %dma_start3A_326 = arith.constant 0 : i32
        %dma_start3A_327 = arith.constant 0 : i32
        %dma_start3A_328 = tpu.memref_slice %arg22[%dma_start3A_326, %dma_start3A_327] : memref<10112x128xf32, #tpu.memory_space<vmem_shared>> -> memref<10112x128xf32, #tpu.memory_space<vmem_shared>>
        tpu.enqueue_indirect_dma source(%arg9 : memref<128x128xf32, #tpu.memory_space<vmem>>) target(%dma_start3A_328 : memref<10112x128xf32, #tpu.memory_space<vmem_shared>>) offsets(%arg15 : memref<128xi32, #tpu.memory_space<vmem>>) semaphore(%run_scoped3A : memref<!tpu.dma_semaphore, #tpu.memory_space<semaphore_mem>>) {add = true}
        %dma_wait3A_329 = arith.constant 0 : i32
        %dma_wait3A_330 = arith.constant 0 : i32
        %dma_wait3A_331 = tpu.memref_slice %arg22[%dma_wait3A_329, %dma_wait3A_330] : memref<10112x128xf32, #tpu.memory_space<vmem_shared>> -> memref<10112x128xf32, #tpu.memory_space<vmem_shared>>
        tpu.wait_indirect_dma semaphore(%run_scoped3A : memref<!tpu.dma_semaphore, #tpu.memory_space<semaphore_mem>>) src(%arg9 : memref<128x128xf32, #tpu.memory_space<vmem>>) dst(%dma_wait3A_331 : memref<10112x128xf32, #tpu.memory_space<vmem_shared>>)
        tpu.yield
      }) : () -> ()
      %add3A_232 = arith.constant 2 : i32
      %add3A_233 = arith.addi %add3A_207, %add3A_232 : i32
      %lt3A_234 = arith.constant 80 : i32
      %lt3A_235 = arith.cmpi slt, %add3A_233, %lt3A_234 : i32
      %convert_element_type3A_236 = arith.extui %lt3A_235 : i1 to i32
      %cond3A_237 = arith.constant 0 : i32
      %cond3A_238 = arith.cmpi ne, %convert_element_type3A_236, %cond3A_237 : i32
      scf.if %cond3A_238 {
        %add3A_326 = arith.constant 2 : i32
        %add3A_327 = arith.addi %add3A_207, %add3A_326 : i32
        %dma_start3A_328 = arith.constant 0 : i32
        %dma_start3A_329 = arith.constant 0 : i32
        %dma_start3A_330 = tpu.memref_slice %arg9[%dma_start3A_328, %dma_start3A_329] : memref<128x128xf32, #tpu.memory_space<vmem>> -> memref<64x128xf32, #tpu.memory_space<vmem>>
        %dma_start3A_331 = arith.constant 0 : i32
        %dma_start3A_332 = tpu.memref_slice %arg7[%add3A_327, %dma_start3A_331] : memref<80x128xi32, #tpu.memory_space<vmem>> -> memref<1x64xi32, #tpu.memory_space<vmem>>
        %dma_start3A_333 = tpu.memref_squeeze %dma_start3A_332 : memref<1x64xi32, #tpu.memory_space<vmem>> -> memref<64xi32, #tpu.memory_space<vmem>>
        %dma_start3A_334 = arith.constant 0 : i32
        %dma_start3A_335 = arith.constant 0 : i32
        %dma_start3A_336 = tpu.memref_slice %arg5[%dma_start3A_334, %dma_start3A_335] : memref<40448x128xf32, #tpu.memory_space<hbm>> -> memref<40448x128xf32, #tpu.memory_space<hbm>>
        tpu.enqueue_indirect_dma source(%dma_start3A_336 : memref<40448x128xf32, #tpu.memory_space<hbm>>) target(%dma_start3A_330 : memref<64x128xf32, #tpu.memory_space<vmem>>) offsets(%dma_start3A_333 : memref<64xi32, #tpu.memory_space<vmem>>) semaphore(%arg11 : memref<!tpu.dma_semaphore, #tpu.memory_space<semaphore_mem>>)
        %dma_start3A_337 = arith.constant 64 : i32
        %dma_start3A_338 = arith.constant 0 : i32
        %dma_start3A_339 = tpu.memref_slice %arg9[%dma_start3A_337, %dma_start3A_338] : memref<128x128xf32, #tpu.memory_space<vmem>> -> memref<64x128xf32, #tpu.memory_space<vmem>>
        %dma_start3A_340 = arith.constant 64 : i32
        %dma_start3A_341 = tpu.memref_slice %arg7[%add3A_327, %dma_start3A_340] : memref<80x128xi32, #tpu.memory_space<vmem>> -> memref<1x64xi32, #tpu.memory_space<vmem>>
        %dma_start3A_342 = tpu.memref_squeeze %dma_start3A_341 : memref<1x64xi32, #tpu.memory_space<vmem>> -> memref<64xi32, #tpu.memory_space<vmem>>
        %dma_start3A_343 = arith.constant 0 : i32
        %dma_start3A_344 = arith.constant 0 : i32
        %dma_start3A_345 = tpu.memref_slice %arg5[%dma_start3A_343, %dma_start3A_344] : memref<40448x128xf32, #tpu.memory_space<hbm>> -> memref<40448x128xf32, #tpu.memory_space<hbm>>
        tpu.enqueue_indirect_dma source(%dma_start3A_345 : memref<40448x128xf32, #tpu.memory_space<hbm>>) target(%dma_start3A_339 : memref<64x128xf32, #tpu.memory_space<vmem>>) offsets(%dma_start3A_342 : memref<64xi32, #tpu.memory_space<vmem>>) semaphore(%arg13 : memref<!tpu.dma_semaphore, #tpu.memory_space<semaphore_mem>>)
      } else {
      }
      %add3A_239 = arith.constant 4 : i32
      %add3A_240 = arith.addi %add3A_207, %add3A_239 : i32
      %lt3A_241 = arith.constant 80 : i32
      %lt3A_242 = arith.cmpi slt, %add3A_240, %lt3A_241 : i32
      %convert_element_type3A_243 = arith.extui %lt3A_242 : i1 to i32
      %cond3A_244 = arith.constant 0 : i32
      %cond3A_245 = arith.cmpi ne, %convert_element_type3A_243, %cond3A_244 : i32
      scf.if %cond3A_245 {
        %add3A_326 = arith.constant 4 : i32
        %add3A_327 = arith.addi %add3A_207, %add3A_326 : i32
        %mul3A_328 = arith.constant 128 : i32
        %mul3A_329 = arith.muli %add3A_327, %mul3A_328 : i32
        %add3A_330 = arith.addi %multiple_of3A_3, %mul3A_329 : i32
        %multiple_of3A_331 = tpu.assume_multiple %add3A_330, 128 : i32
        %dma_start3A_332 = tpu.memref_slice %arg3[%multiple_of3A_331] : memref<163840xi32, #tpu.memory_space<hbm>> -> memref<128xi32, #tpu.memory_space<hbm>>
        %dma_start3A_333 = tpu.memref_slice %arg3[%multiple_of3A_331] : memref<163840xi32, #tpu.memory_space<hbm>> -> memref<128xi32, #tpu.memory_space<hbm>>
        tpu.enqueue_dma source(%dma_start3A_333 : memref<128xi32, #tpu.memory_space<hbm>>) target(%arg15 : memref<128xi32, #tpu.memory_space<vmem>>) target_semaphore(%arg19 : memref<!tpu.dma_semaphore, #tpu.memory_space<semaphore_mem>>)
      } else {
      }
      %add3A_246 = arith.constant 2 : i32
      %add3A_247 = arith.addi %add3A_169, %add3A_246 : i32
      %dma_wait3A_248 = arith.constant 0 : i32
      %dma_wait3A_249 = arith.constant 0 : i32
      %dma_wait3A_250 = arith.constant 0 : i32
      %dma_wait3A_251 = tpu.memref_slice %arg8[%dma_wait3A_249, %dma_wait3A_250] : memref<128x128xf32, #tpu.memory_space<vmem>> -> memref<64x128xf32, #tpu.memory_space<vmem>>
      %dma_wait3A_252 = arith.constant 0 : i32
      %dma_wait3A_253 = tpu.memref_slice %arg7[%dma_wait3A_248, %dma_wait3A_252] : memref<80x128xi32, #tpu.memory_space<vmem>> -> memref<1x64xi32, #tpu.memory_space<vmem>>
      %dma_wait3A_254 = tpu.memref_squeeze %dma_wait3A_253 : memref<1x64xi32, #tpu.memory_space<vmem>> -> memref<64xi32, #tpu.memory_space<vmem>>
      %dma_wait3A_255 = arith.constant 0 : i32
      %dma_wait3A_256 = arith.constant 0 : i32
      %dma_wait3A_257 = tpu.memref_slice %arg5[%dma_wait3A_255, %dma_wait3A_256] : memref<40448x128xf32, #tpu.memory_space<hbm>> -> memref<40448x128xf32, #tpu.memory_space<hbm>>
      tpu.wait_indirect_dma semaphore(%arg10 : memref<!tpu.dma_semaphore, #tpu.memory_space<semaphore_mem>>) src(%dma_wait3A_257 : memref<40448x128xf32, #tpu.memory_space<hbm>>) dst(%dma_wait3A_251 : memref<64x128xf32, #tpu.memory_space<vmem>>)
      %dma_wait3A_258 = arith.constant 0 : i32
      %dma_wait3A_259 = arith.constant 64 : i32
      %dma_wait3A_260 = arith.constant 0 : i32
      %dma_wait3A_261 = tpu.memref_slice %arg8[%dma_wait3A_259, %dma_wait3A_260] : memref<128x128xf32, #tpu.memory_space<vmem>> -> memref<64x128xf32, #tpu.memory_space<vmem>>
      %dma_wait3A_262 = arith.constant 0 : i32
      %dma_wait3A_263 = tpu.memref_slice %arg7[%dma_wait3A_258, %dma_wait3A_262] : memref<80x128xi32, #tpu.memory_space<vmem>> -> memref<1x64xi32, #tpu.memory_space<vmem>>
      %dma_wait3A_264 = tpu.memref_squeeze %dma_wait3A_263 : memref<1x64xi32, #tpu.memory_space<vmem>> -> memref<64xi32, #tpu.memory_space<vmem>>
      %dma_wait3A_265 = arith.constant 0 : i32
      %dma_wait3A_266 = arith.constant 0 : i32
      %dma_wait3A_267 = tpu.memref_slice %arg5[%dma_wait3A_265, %dma_wait3A_266] : memref<40448x128xf32, #tpu.memory_space<hbm>> -> memref<40448x128xf32, #tpu.memory_space<hbm>>
      tpu.wait_indirect_dma semaphore(%arg12 : memref<!tpu.dma_semaphore, #tpu.memory_space<semaphore_mem>>) src(%dma_wait3A_267 : memref<40448x128xf32, #tpu.memory_space<hbm>>) dst(%dma_wait3A_261 : memref<64x128xf32, #tpu.memory_space<vmem>>)
      %dma_wait3A_268 = arith.constant 0 : i32
      %dma_wait3A_269 = tpu.memref_slice %arg3[%dma_wait3A_268] : memref<163840xi32, #tpu.memory_space<hbm>> -> memref<128xi32, #tpu.memory_space<hbm>>
      %dma_wait3A_270 = arith.constant 0 : i32
      %dma_wait3A_271 = tpu.memref_slice %arg3[%dma_wait3A_270] : memref<163840xi32, #tpu.memory_space<hbm>> -> memref<128xi32, #tpu.memory_space<hbm>>
      tpu.wait_dma2 semaphore(%arg20 : memref<!tpu.dma_semaphore, #tpu.memory_space<semaphore_mem>>) src(%dma_wait3A_271 : memref<128xi32, #tpu.memory_space<hbm>>) dst(%arg16 : memref<128xi32, #tpu.memory_space<vmem>>)
      "tpu.region"() ({
        %run_scoped3A = tpu.sem_alloc : memref<!tpu.dma_semaphore, #tpu.memory_space<semaphore_mem>>
        %dma_start3A_326 = arith.constant 0 : i32
        %dma_start3A_327 = arith.constant 0 : i32
        %dma_start3A_328 = tpu.memref_slice %arg22[%dma_start3A_326, %dma_start3A_327] : memref<10112x128xf32, #tpu.memory_space<vmem_shared>> -> memref<10112x128xf32, #tpu.memory_space<vmem_shared>>
        tpu.enqueue_indirect_dma source(%arg8 : memref<128x128xf32, #tpu.memory_space<vmem>>) target(%dma_start3A_328 : memref<10112x128xf32, #tpu.memory_space<vmem_shared>>) offsets(%arg16 : memref<128xi32, #tpu.memory_space<vmem>>) semaphore(%run_scoped3A : memref<!tpu.dma_semaphore, #tpu.memory_space<semaphore_mem>>) {add = true}
        %dma_wait3A_329 = arith.constant 0 : i32
        %dma_wait3A_330 = arith.constant 0 : i32
        %dma_wait3A_331 = tpu.memref_slice %arg22[%dma_wait3A_329, %dma_wait3A_330] : memref<10112x128xf32, #tpu.memory_space<vmem_shared>> -> memref<10112x128xf32, #tpu.memory_space<vmem_shared>>
        tpu.wait_indirect_dma semaphore(%run_scoped3A : memref<!tpu.dma_semaphore, #tpu.memory_space<semaphore_mem>>) src(%arg8 : memref<128x128xf32, #tpu.memory_space<vmem>>) dst(%dma_wait3A_331 : memref<10112x128xf32, #tpu.memory_space<vmem_shared>>)
        tpu.yield
      }) : () -> ()
      %add3A_272 = arith.constant 2 : i32
      %add3A_273 = arith.addi %add3A_247, %add3A_272 : i32
      %lt3A_274 = arith.constant 80 : i32
      %lt3A_275 = arith.cmpi slt, %add3A_273, %lt3A_274 : i32
      %convert_element_type3A_276 = arith.extui %lt3A_275 : i1 to i32
      %cond3A_277 = arith.constant 0 : i32
      %cond3A_278 = arith.cmpi ne, %convert_element_type3A_276, %cond3A_277 : i32
      scf.if %cond3A_278 {
        %add3A_326 = arith.constant 2 : i32
        %add3A_327 = arith.addi %add3A_247, %add3A_326 : i32
        %dma_start3A_328 = arith.constant 0 : i32
        %dma_start3A_329 = arith.constant 0 : i32
        %dma_start3A_330 = tpu.memref_slice %arg8[%dma_start3A_328, %dma_start3A_329] : memref<128x128xf32, #tpu.memory_space<vmem>> -> memref<64x128xf32, #tpu.memory_space<vmem>>
        %dma_start3A_331 = arith.constant 0 : i32
        %dma_start3A_332 = tpu.memref_slice %arg7[%add3A_327, %dma_start3A_331] : memref<80x128xi32, #tpu.memory_space<vmem>> -> memref<1x64xi32, #tpu.memory_space<vmem>>
        %dma_start3A_333 = tpu.memref_squeeze %dma_start3A_332 : memref<1x64xi32, #tpu.memory_space<vmem>> -> memref<64xi32, #tpu.memory_space<vmem>>
        %dma_start3A_334 = arith.constant 0 : i32
        %dma_start3A_335 = arith.constant 0 : i32
        %dma_start3A_336 = tpu.memref_slice %arg5[%dma_start3A_334, %dma_start3A_335] : memref<40448x128xf32, #tpu.memory_space<hbm>> -> memref<40448x128xf32, #tpu.memory_space<hbm>>
        tpu.enqueue_indirect_dma source(%dma_start3A_336 : memref<40448x128xf32, #tpu.memory_space<hbm>>) target(%dma_start3A_330 : memref<64x128xf32, #tpu.memory_space<vmem>>) offsets(%dma_start3A_333 : memref<64xi32, #tpu.memory_space<vmem>>) semaphore(%arg10 : memref<!tpu.dma_semaphore, #tpu.memory_space<semaphore_mem>>)
        %dma_start3A_337 = arith.constant 64 : i32
        %dma_start3A_338 = arith.constant 0 : i32
        %dma_start3A_339 = tpu.memref_slice %arg8[%dma_start3A_337, %dma_start3A_338] : memref<128x128xf32, #tpu.memory_space<vmem>> -> memref<64x128xf32, #tpu.memory_space<vmem>>
        %dma_start3A_340 = arith.constant 64 : i32
        %dma_start3A_341 = tpu.memref_slice %arg7[%add3A_327, %dma_start3A_340] : memref<80x128xi32, #tpu.memory_space<vmem>> -> memref<1x64xi32, #tpu.memory_space<vmem>>
        %dma_start3A_342 = tpu.memref_squeeze %dma_start3A_341 : memref<1x64xi32, #tpu.memory_space<vmem>> -> memref<64xi32, #tpu.memory_space<vmem>>
        %dma_start3A_343 = arith.constant 0 : i32
        %dma_start3A_344 = arith.constant 0 : i32
        %dma_start3A_345 = tpu.memref_slice %arg5[%dma_start3A_343, %dma_start3A_344] : memref<40448x128xf32, #tpu.memory_space<hbm>> -> memref<40448x128xf32, #tpu.memory_space<hbm>>
        tpu.enqueue_indirect_dma source(%dma_start3A_345 : memref<40448x128xf32, #tpu.memory_space<hbm>>) target(%dma_start3A_339 : memref<64x128xf32, #tpu.memory_space<vmem>>) offsets(%dma_start3A_342 : memref<64xi32, #tpu.memory_space<vmem>>) semaphore(%arg12 : memref<!tpu.dma_semaphore, #tpu.memory_space<semaphore_mem>>)
      } else {
      }
      %add3A_279 = arith.constant 4 : i32
      %add3A_280 = arith.addi %add3A_247, %add3A_279 : i32
      %lt3A_281 = arith.constant 80 : i32
      %lt3A_282 = arith.cmpi slt, %add3A_280, %lt3A_281 : i32
      %convert_element_type3A_283 = arith.extui %lt3A_282 : i1 to i32
      %cond3A_284 = arith.constant 0 : i32
      %cond3A_285 = arith.cmpi ne, %convert_element_type3A_283, %cond3A_284 : i32
      scf.if %cond3A_285 {
        %add3A_326 = arith.constant 4 : i32
        %add3A_327 = arith.addi %add3A_247, %add3A_326 : i32
        %mul3A_328 = arith.constant 128 : i32
        %mul3A_329 = arith.muli %add3A_327, %mul3A_328 : i32
        %add3A_330 = arith.addi %multiple_of3A_3, %mul3A_329 : i32
        %multiple_of3A_331 = tpu.assume_multiple %add3A_330, 128 : i32
        %dma_start3A_332 = tpu.memref_slice %arg3[%multiple_of3A_331] : memref<163840xi32, #tpu.memory_space<hbm>> -> memref<128xi32, #tpu.memory_space<hbm>>
        %dma_start3A_333 = tpu.memref_slice %arg3[%multiple_of3A_331] : memref<163840xi32, #tpu.memory_space<hbm>> -> memref<128xi32, #tpu.memory_space<hbm>>
        tpu.enqueue_dma source(%dma_start3A_333 : memref<128xi32, #tpu.memory_space<hbm>>) target(%arg16 : memref<128xi32, #tpu.memory_space<vmem>>) target_semaphore(%arg20 : memref<!tpu.dma_semaphore, #tpu.memory_space<semaphore_mem>>)
      } else {
      }
      %add3A_286 = arith.constant 3 : i32
      %add3A_287 = arith.addi %add3A_169, %add3A_286 : i32
      %dma_wait3A_288 = arith.constant 0 : i32
      %dma_wait3A_289 = arith.constant 0 : i32
      %dma_wait3A_290 = arith.constant 0 : i32
      %dma_wait3A_291 = tpu.memref_slice %arg9[%dma_wait3A_289, %dma_wait3A_290] : memref<128x128xf32, #tpu.memory_space<vmem>> -> memref<64x128xf32, #tpu.memory_space<vmem>>
      %dma_wait3A_292 = arith.constant 0 : i32
      %dma_wait3A_293 = tpu.memref_slice %arg7[%dma_wait3A_288, %dma_wait3A_292] : memref<80x128xi32, #tpu.memory_space<vmem>> -> memref<1x64xi32, #tpu.memory_space<vmem>>
      %dma_wait3A_294 = tpu.memref_squeeze %dma_wait3A_293 : memref<1x64xi32, #tpu.memory_space<vmem>> -> memref<64xi32, #tpu.memory_space<vmem>>
      %dma_wait3A_295 = arith.constant 0 : i32
      %dma_wait3A_296 = arith.constant 0 : i32
      %dma_wait3A_297 = tpu.memref_slice %arg5[%dma_wait3A_295, %dma_wait3A_296] : memref<40448x128xf32, #tpu.memory_space<hbm>> -> memref<40448x128xf32, #tpu.memory_space<hbm>>
      tpu.wait_indirect_dma semaphore(%arg11 : memref<!tpu.dma_semaphore, #tpu.memory_space<semaphore_mem>>) src(%dma_wait3A_297 : memref<40448x128xf32, #tpu.memory_space<hbm>>) dst(%dma_wait3A_291 : memref<64x128xf32, #tpu.memory_space<vmem>>)
      %dma_wait3A_298 = arith.constant 0 : i32
      %dma_wait3A_299 = arith.constant 64 : i32
      %dma_wait3A_300 = arith.constant 0 : i32
      %dma_wait3A_301 = tpu.memref_slice %arg9[%dma_wait3A_299, %dma_wait3A_300] : memref<128x128xf32, #tpu.memory_space<vmem>> -> memref<64x128xf32, #tpu.memory_space<vmem>>
      %dma_wait3A_302 = arith.constant 0 : i32
      %dma_wait3A_303 = tpu.memref_slice %arg7[%dma_wait3A_298, %dma_wait3A_302] : memref<80x128xi32, #tpu.memory_space<vmem>> -> memref<1x64xi32, #tpu.memory_space<vmem>>
      %dma_wait3A_304 = tpu.memref_squeeze %dma_wait3A_303 : memref<1x64xi32, #tpu.memory_space<vmem>> -> memref<64xi32, #tpu.memory_space<vmem>>
      %dma_wait3A_305 = arith.constant 0 : i32
      %dma_wait3A_306 = arith.constant 0 : i32
      %dma_wait3A_307 = tpu.memref_slice %arg5[%dma_wait3A_305, %dma_wait3A_306] : memref<40448x128xf32, #tpu.memory_space<hbm>> -> memref<40448x128xf32, #tpu.memory_space<hbm>>
      tpu.wait_indirect_dma semaphore(%arg13 : memref<!tpu.dma_semaphore, #tpu.memory_space<semaphore_mem>>) src(%dma_wait3A_307 : memref<40448x128xf32, #tpu.memory_space<hbm>>) dst(%dma_wait3A_301 : memref<64x128xf32, #tpu.memory_space<vmem>>)
      %dma_wait3A_308 = arith.constant 0 : i32
      %dma_wait3A_309 = tpu.memref_slice %arg3[%dma_wait3A_308] : memref<163840xi32, #tpu.memory_space<hbm>> -> memref<128xi32, #tpu.memory_space<hbm>>
      %dma_wait3A_310 = arith.constant 0 : i32
      %dma_wait3A_311 = tpu.memref_slice %arg3[%dma_wait3A_310] : memref<163840xi32, #tpu.memory_space<hbm>> -> memref<128xi32, #tpu.memory_space<hbm>>
      tpu.wait_dma2 semaphore(%arg21 : memref<!tpu.dma_semaphore, #tpu.memory_space<semaphore_mem>>) src(%dma_wait3A_311 : memref<128xi32, #tpu.memory_space<hbm>>) dst(%arg17 : memref<128xi32, #tpu.memory_space<vmem>>)
      "tpu.region"() ({
        %run_scoped3A = tpu.sem_alloc : memref<!tpu.dma_semaphore, #tpu.memory_space<semaphore_mem>>
        %dma_start3A_326 = arith.constant 0 : i32
        %dma_start3A_327 = arith.constant 0 : i32
        %dma_start3A_328 = tpu.memref_slice %arg22[%dma_start3A_326, %dma_start3A_327] : memref<10112x128xf32, #tpu.memory_space<vmem_shared>> -> memref<10112x128xf32, #tpu.memory_space<vmem_shared>>
        tpu.enqueue_indirect_dma source(%arg9 : memref<128x128xf32, #tpu.memory_space<vmem>>) target(%dma_start3A_328 : memref<10112x128xf32, #tpu.memory_space<vmem_shared>>) offsets(%arg17 : memref<128xi32, #tpu.memory_space<vmem>>) semaphore(%run_scoped3A : memref<!tpu.dma_semaphore, #tpu.memory_space<semaphore_mem>>) {add = true}
        %dma_wait3A_329 = arith.constant 0 : i32
        %dma_wait3A_330 = arith.constant 0 : i32
        %dma_wait3A_331 = tpu.memref_slice %arg22[%dma_wait3A_329, %dma_wait3A_330] : memref<10112x128xf32, #tpu.memory_space<vmem_shared>> -> memref<10112x128xf32, #tpu.memory_space<vmem_shared>>
        tpu.wait_indirect_dma semaphore(%run_scoped3A : memref<!tpu.dma_semaphore, #tpu.memory_space<semaphore_mem>>) src(%arg9 : memref<128x128xf32, #tpu.memory_space<vmem>>) dst(%dma_wait3A_331 : memref<10112x128xf32, #tpu.memory_space<vmem_shared>>)
        tpu.yield
      }) : () -> ()
      %add3A_312 = arith.constant 2 : i32
      %add3A_313 = arith.addi %add3A_287, %add3A_312 : i32
      %lt3A_314 = arith.constant 80 : i32
      %lt3A_315 = arith.cmpi slt, %add3A_313, %lt3A_314 : i32
      %convert_element_type3A_316 = arith.extui %lt3A_315 : i1 to i32
      %cond3A_317 = arith.constant 0 : i32
      %cond3A_318 = arith.cmpi ne, %convert_element_type3A_316, %cond3A_317 : i32
      scf.if %cond3A_318 {
        %add3A_326 = arith.constant 2 : i32
        %add3A_327 = arith.addi %add3A_287, %add3A_326 : i32
        %dma_start3A_328 = arith.constant 0 : i32
        %dma_start3A_329 = arith.constant 0 : i32
        %dma_start3A_330 = tpu.memref_slice %arg9[%dma_start3A_328, %dma_start3A_329] : memref<128x128xf32, #tpu.memory_space<vmem>> -> memref<64x128xf32, #tpu.memory_space<vmem>>
        %dma_start3A_331 = arith.constant 0 : i32
        %dma_start3A_332 = tpu.memref_slice %arg7[%add3A_327, %dma_start3A_331] : memref<80x128xi32, #tpu.memory_space<vmem>> -> memref<1x64xi32, #tpu.memory_space<vmem>>
        %dma_start3A_333 = tpu.memref_squeeze %dma_start3A_332 : memref<1x64xi32, #tpu.memory_space<vmem>> -> memref<64xi32, #tpu.memory_space<vmem>>
        %dma_start3A_334 = arith.constant 0 : i32
        %dma_start3A_335 = arith.constant 0 : i32
        %dma_start3A_336 = tpu.memref_slice %arg5[%dma_start3A_334, %dma_start3A_335] : memref<40448x128xf32, #tpu.memory_space<hbm>> -> memref<40448x128xf32, #tpu.memory_space<hbm>>
        tpu.enqueue_indirect_dma source(%dma_start3A_336 : memref<40448x128xf32, #tpu.memory_space<hbm>>) target(%dma_start3A_330 : memref<64x128xf32, #tpu.memory_space<vmem>>) offsets(%dma_start3A_333 : memref<64xi32, #tpu.memory_space<vmem>>) semaphore(%arg11 : memref<!tpu.dma_semaphore, #tpu.memory_space<semaphore_mem>>)
        %dma_start3A_337 = arith.constant 64 : i32
        %dma_start3A_338 = arith.constant 0 : i32
        %dma_start3A_339 = tpu.memref_slice %arg9[%dma_start3A_337, %dma_start3A_338] : memref<128x128xf32, #tpu.memory_space<vmem>> -> memref<64x128xf32, #tpu.memory_space<vmem>>
        %dma_start3A_340 = arith.constant 64 : i32
        %dma_start3A_341 = tpu.memref_slice %arg7[%add3A_327, %dma_start3A_340] : memref<80x128xi32, #tpu.memory_space<vmem>> -> memref<1x64xi32, #tpu.memory_space<vmem>>
        %dma_start3A_342 = tpu.memref_squeeze %dma_start3A_341 : memref<1x64xi32, #tpu.memory_space<vmem>> -> memref<64xi32, #tpu.memory_space<vmem>>
        %dma_start3A_343 = arith.constant 0 : i32
        %dma_start3A_344 = arith.constant 0 : i32
        %dma_start3A_345 = tpu.memref_slice %arg5[%dma_start3A_343, %dma_start3A_344] : memref<40448x128xf32, #tpu.memory_space<hbm>> -> memref<40448x128xf32, #tpu.memory_space<hbm>>
        tpu.enqueue_indirect_dma source(%dma_start3A_345 : memref<40448x128xf32, #tpu.memory_space<hbm>>) target(%dma_start3A_339 : memref<64x128xf32, #tpu.memory_space<vmem>>) offsets(%dma_start3A_342 : memref<64xi32, #tpu.memory_space<vmem>>) semaphore(%arg13 : memref<!tpu.dma_semaphore, #tpu.memory_space<semaphore_mem>>)
      } else {
      }
      %add3A_319 = arith.constant 4 : i32
      %add3A_320 = arith.addi %add3A_287, %add3A_319 : i32
      %lt3A_321 = arith.constant 80 : i32
      %lt3A_322 = arith.cmpi slt, %add3A_320, %lt3A_321 : i32
      %convert_element_type3A_323 = arith.extui %lt3A_322 : i1 to i32
      %cond3A_324 = arith.constant 0 : i32
      %cond3A_325 = arith.cmpi ne, %convert_element_type3A_323, %cond3A_324 : i32
      scf.if %cond3A_325 {
        %add3A_326 = arith.constant 4 : i32
        %add3A_327 = arith.addi %add3A_287, %add3A_326 : i32
        %mul3A_328 = arith.constant 128 : i32
        %mul3A_329 = arith.muli %add3A_327, %mul3A_328 : i32
        %add3A_330 = arith.addi %multiple_of3A_3, %mul3A_329 : i32
        %multiple_of3A_331 = tpu.assume_multiple %add3A_330, 128 : i32
        %dma_start3A_332 = tpu.memref_slice %arg3[%multiple_of3A_331] : memref<163840xi32, #tpu.memory_space<hbm>> -> memref<128xi32, #tpu.memory_space<hbm>>
        %dma_start3A_333 = tpu.memref_slice %arg3[%multiple_of3A_331] : memref<163840xi32, #tpu.memory_space<hbm>> -> memref<128xi32, #tpu.memory_space<hbm>>
        tpu.enqueue_dma source(%dma_start3A_333 : memref<128xi32, #tpu.memory_space<hbm>>) target(%arg17 : memref<128xi32, #tpu.memory_space<vmem>>) target_semaphore(%arg21 : memref<!tpu.dma_semaphore, #tpu.memory_space<semaphore_mem>>)
      } else {
      }
    }
    %scan3A_79 = arith.constant 20 : i32
    %barrier3A_80 = arith.constant 0 : index
    tpu.barrier barrier_id(%barrier3A_80)
    %mul3A_81 = arith.constant 10112 : i32
    %mul3A_82 = arith.muli %add3A_9, %mul3A_81 : i32
    %add3A_83 = arith.addi %mul3A_82, %multiple_of3A_6 : i32
    %multiple_of3A_84 = tpu.assume_multiple %add3A_83, 8 : i32
    "tpu.region"() ({
      %run_scoped3A = tpu.sem_alloc : memref<!tpu.dma_semaphore, #tpu.memory_space<semaphore_mem>>
      %dma_start3A_165 = arith.constant 0 : i32
      %dma_start3A_166 = tpu.memref_slice %arg6[%multiple_of3A_84, %dma_start3A_165] : memref<40448x128xf32, #tpu.memory_space<hbm>> -> memref<632x128xf32, #tpu.memory_space<hbm>>
      %dma_start3A_167 = arith.constant 0 : i32
      %dma_start3A_168 = tpu.memref_slice %arg22[%multiple_of3A_6, %dma_start3A_167] : memref<10112x128xf32, #tpu.memory_space<vmem_shared>> -> memref<632x128xf32, #tpu.memory_space<vmem_shared>>
      tpu.enqueue_dma source(%dma_start3A_168 : memref<632x128xf32, #tpu.memory_space<vmem_shared>>) target(%dma_start3A_166 : memref<632x128xf32, #tpu.memory_space<hbm>>) target_semaphore(%run_scoped3A : memref<!tpu.dma_semaphore, #tpu.memory_space<semaphore_mem>>)
      %dma_wait3A = arith.constant 0 : i32
      %dma_wait3A_169 = tpu.memref_slice %arg6[%multiple_of3A_84, %dma_wait3A] : memref<40448x128xf32, #tpu.memory_space<hbm>> -> memref<632x128xf32, #tpu.memory_space<hbm>>
      %dma_wait3A_170 = arith.constant 0 : i32
      %dma_wait3A_171 = tpu.memref_slice %arg22[%multiple_of3A_6, %dma_wait3A_170] : memref<10112x128xf32, #tpu.memory_space<vmem_shared>> -> memref<632x128xf32, #tpu.memory_space<vmem_shared>>
      tpu.wait_dma2 semaphore(%run_scoped3A : memref<!tpu.dma_semaphore, #tpu.memory_space<semaphore_mem>>) src(%dma_wait3A_171 : memref<632x128xf32, #tpu.memory_space<vmem_shared>>) dst(%dma_wait3A_169 : memref<632x128xf32, #tpu.memory_space<hbm>>)
      tpu.yield
    }) : () -> ()
    %mul3A_85 = arith.constant 2 : i32
    %mul3A_86 = arith.muli %arg0, %mul3A_85 : i32
    %add3A_87 = arith.constant 1 : i32
    %add3A_88 = arith.addi %mul3A_86, %add3A_87 : i32
    %scan3A_89 = arith.constant 0 : i32
    %scan3A_90 = arith.constant 80 : i32
    %scan3A_91 = arith.addi %scan3A_89, %scan3A_90 : i32
    %scan3A_92 = arith.constant 1 : i32
    scf.for %scan3A_165 = %scan3A_89 to %scan3A_91 step %scan3A_92  : i32 {
      %mul3A_166 = arith.constant 1 : i32
      %mul3A_167 = arith.muli %scan3A_165, %mul3A_166 : i32
      %add3A_168 = arith.constant 0 : i32
      %add3A_169 = arith.addi %add3A_168, %mul3A_167 : i32
      %get3A = arith.index_cast %add3A_169 : i32 to index
      %get3A_170 = arith.constant 0 : index
      %get3A_171 = tpu.vector_load %arg7[%get3A, %get3A_170] {strides = array<i32>} : memref<80x128xi32, #tpu.memory_space<vmem>>, vector<1x16xi32>,
      %get3A_172 = vector.shape_cast %get3A_171 : vector<1x16xi32> to vector<16xi32>
      %add3A_173 = arith.constant 10112 : i32
      %add3A_174 = vector.broadcast %add3A_173 : i32 to vector<16xi32>
      %add3A_175 = arith.addi %get3A_172, %add3A_174 : vector<16xi32>
      %swap3A = arith.index_cast %add3A_169 : i32 to index
      %swap3A_176 = arith.constant 0 : index
      %swap3A_177 = tpu.vector_load %arg7[%swap3A, %swap3A_176] {strides = array<i32>} : memref<80x128xi32, #tpu.memory_space<vmem>>, vector<1x16xi32>,
      %swap3A_178 = vector.shape_cast %swap3A_177 : vector<1x16xi32> to vector<16xi32>
      %swap3A_179 = vector.shape_cast %add3A_175 : vector<16xi32> to vector<1x16xi32>
      tpu.vector_store %arg7[%swap3A, %swap3A_176], %swap3A_179 {strides = array<i32>} : memref<80x128xi32, #tpu.memory_space<vmem>>, vector<1x16xi32>,
      %get3A_180 = arith.index_cast %add3A_169 : i32 to index
      %get3A_181 = arith.constant 16 : index
      %get3A_182 = tpu.vector_load %arg7[%get3A_180, %get3A_181] {strides = array<i32>} : memref<80x128xi32, #tpu.memory_space<vmem>>, vector<1x16xi32>,
      %get3A_183 = vector.shape_cast %get3A_182 : vector<1x16xi32> to vector<16xi32>
      %add3A_184 = arith.constant 10112 : i32
      %add3A_185 = vector.broadcast %add3A_184 : i32 to vector<16xi32>
      %add3A_186 = arith.addi %get3A_183, %add3A_185 : vector<16xi32>
      %swap3A_187 = arith.index_cast %add3A_169 : i32 to index
      %swap3A_188 = arith.constant 16 : index
      %swap3A_189 = tpu.vector_load %arg7[%swap3A_187, %swap3A_188] {strides = array<i32>} : memref<80x128xi32, #tpu.memory_space<vmem>>, vector<1x16xi32>,
      %swap3A_190 = vector.shape_cast %swap3A_189 : vector<1x16xi32> to vector<16xi32>
      %swap3A_191 = vector.shape_cast %add3A_186 : vector<16xi32> to vector<1x16xi32>
      tpu.vector_store %arg7[%swap3A_187, %swap3A_188], %swap3A_191 {strides = array<i32>} : memref<80x128xi32, #tpu.memory_space<vmem>>, vector<1x16xi32>,
      %get3A_192 = arith.index_cast %add3A_169 : i32 to index
      %get3A_193 = arith.constant 32 : index
      %get3A_194 = tpu.vector_load %arg7[%get3A_192, %get3A_193] {strides = array<i32>} : memref<80x128xi32, #tpu.memory_space<vmem>>, vector<1x16xi32>,
      %get3A_195 = vector.shape_cast %get3A_194 : vector<1x16xi32> to vector<16xi32>
      %add3A_196 = arith.constant 10112 : i32
      %add3A_197 = vector.broadcast %add3A_196 : i32 to vector<16xi32>
      %add3A_198 = arith.addi %get3A_195, %add3A_197 : vector<16xi32>
      %swap3A_199 = arith.index_cast %add3A_169 : i32 to index
      %swap3A_200 = arith.constant 32 : index
      %swap3A_201 = tpu.vector_load %arg7[%swap3A_199, %swap3A_200] {strides = array<i32>} : memref<80x128xi32, #tpu.memory_space<vmem>>, vector<1x16xi32>,
      %swap3A_202 = vector.shape_cast %swap3A_201 : vector<1x16xi32> to vector<16xi32>
      %swap3A_203 = vector.shape_cast %add3A_198 : vector<16xi32> to vector<1x16xi32>
      tpu.vector_store %arg7[%swap3A_199, %swap3A_200], %swap3A_203 {strides = array<i32>} : memref<80x128xi32, #tpu.memory_space<vmem>>, vector<1x16xi32>,
      %get3A_204 = arith.index_cast %add3A_169 : i32 to index
      %get3A_205 = arith.constant 48 : index
      %get3A_206 = tpu.vector_load %arg7[%get3A_204, %get3A_205] {strides = array<i32>} : memref<80x128xi32, #tpu.memory_space<vmem>>, vector<1x16xi32>,
      %get3A_207 = vector.shape_cast %get3A_206 : vector<1x16xi32> to vector<16xi32>
      %add3A_208 = arith.constant 10112 : i32
      %add3A_209 = vector.broadcast %add3A_208 : i32 to vector<16xi32>
      %add3A_210 = arith.addi %get3A_207, %add3A_209 : vector<16xi32>
      %swap3A_211 = arith.index_cast %add3A_169 : i32 to index
      %swap3A_212 = arith.constant 48 : index
      %swap3A_213 = tpu.vector_load %arg7[%swap3A_211, %swap3A_212] {strides = array<i32>} : memref<80x128xi32, #tpu.memory_space<vmem>>, vector<1x16xi32>,
      %swap3A_214 = vector.shape_cast %swap3A_213 : vector<1x16xi32> to vector<16xi32>
      %swap3A_215 = vector.shape_cast %add3A_210 : vector<16xi32> to vector<1x16xi32>
      tpu.vector_store %arg7[%swap3A_211, %swap3A_212], %swap3A_215 {strides = array<i32>} : memref<80x128xi32, #tpu.memory_space<vmem>>, vector<1x16xi32>,
      %get3A_216 = arith.index_cast %add3A_169 : i32 to index
      %get3A_217 = arith.constant 64 : index
      %get3A_218 = tpu.vector_load %arg7[%get3A_216, %get3A_217] {strides = array<i32>} : memref<80x128xi32, #tpu.memory_space<vmem>>, vector<1x16xi32>,
      %get3A_219 = vector.shape_cast %get3A_218 : vector<1x16xi32> to vector<16xi32>
      %add3A_220 = arith.constant 10112 : i32
      %add3A_221 = vector.broadcast %add3A_220 : i32 to vector<16xi32>
      %add3A_222 = arith.addi %get3A_219, %add3A_221 : vector<16xi32>
      %swap3A_223 = arith.index_cast %add3A_169 : i32 to index
      %swap3A_224 = arith.constant 64 : index
      %swap3A_225 = tpu.vector_load %arg7[%swap3A_223, %swap3A_224] {strides = array<i32>} : memref<80x128xi32, #tpu.memory_space<vmem>>, vector<1x16xi32>,
      %swap3A_226 = vector.shape_cast %swap3A_225 : vector<1x16xi32> to vector<16xi32>
      %swap3A_227 = vector.shape_cast %add3A_222 : vector<16xi32> to vector<1x16xi32>
      tpu.vector_store %arg7[%swap3A_223, %swap3A_224], %swap3A_227 {strides = array<i32>} : memref<80x128xi32, #tpu.memory_space<vmem>>, vector<1x16xi32>,
      %get3A_228 = arith.index_cast %add3A_169 : i32 to index
      %get3A_229 = arith.constant 80 : index
      %get3A_230 = tpu.vector_load %arg7[%get3A_228, %get3A_229] {strides = array<i32>} : memref<80x128xi32, #tpu.memory_space<vmem>>, vector<1x16xi32>,
      %get3A_231 = vector.shape_cast %get3A_230 : vector<1x16xi32> to vector<16xi32>
      %add3A_232 = arith.constant 10112 : i32
      %add3A_233 = vector.broadcast %add3A_232 : i32 to vector<16xi32>
      %add3A_234 = arith.addi %get3A_231, %add3A_233 : vector<16xi32>
      %swap3A_235 = arith.index_cast %add3A_169 : i32 to index
      %swap3A_236 = arith.constant 80 : index
      %swap3A_237 = tpu.vector_load %arg7[%swap3A_235, %swap3A_236] {strides = array<i32>} : memref<80x128xi32, #tpu.memory_space<vmem>>, vector<1x16xi32>,
      %swap3A_238 = vector.shape_cast %swap3A_237 : vector<1x16xi32> to vector<16xi32>
      %swap3A_239 = vector.shape_cast %add3A_234 : vector<16xi32> to vector<1x16xi32>
      tpu.vector_store %arg7[%swap3A_235, %swap3A_236], %swap3A_239 {strides = array<i32>} : memref<80x128xi32, #tpu.memory_space<vmem>>, vector<1x16xi32>,
      %get3A_240 = arith.index_cast %add3A_169 : i32 to index
      %get3A_241 = arith.constant 96 : index
      %get3A_242 = tpu.vector_load %arg7[%get3A_240, %get3A_241] {strides = array<i32>} : memref<80x128xi32, #tpu.memory_space<vmem>>, vector<1x16xi32>,
      %get3A_243 = vector.shape_cast %get3A_242 : vector<1x16xi32> to vector<16xi32>
      %add3A_244 = arith.constant 10112 : i32
      %add3A_245 = vector.broadcast %add3A_244 : i32 to vector<16xi32>
      %add3A_246 = arith.addi %get3A_243, %add3A_245 : vector<16xi32>
      %swap3A_247 = arith.index_cast %add3A_169 : i32 to index
      %swap3A_248 = arith.constant 96 : index
      %swap3A_249 = tpu.vector_load %arg7[%swap3A_247, %swap3A_248] {strides = array<i32>} : memref<80x128xi32, #tpu.memory_space<vmem>>, vector<1x16xi32>,
      %swap3A_250 = vector.shape_cast %swap3A_249 : vector<1x16xi32> to vector<16xi32>
      %swap3A_251 = vector.shape_cast %add3A_246 : vector<16xi32> to vector<1x16xi32>
      tpu.vector_store %arg7[%swap3A_247, %swap3A_248], %swap3A_251 {strides = array<i32>} : memref<80x128xi32, #tpu.memory_space<vmem>>, vector<1x16xi32>,
      %get3A_252 = arith.index_cast %add3A_169 : i32 to index
      %get3A_253 = arith.constant 112 : index
      %get3A_254 = tpu.vector_load %arg7[%get3A_252, %get3A_253] {strides = array<i32>} : memref<80x128xi32, #tpu.memory_space<vmem>>, vector<1x16xi32>,
      %get3A_255 = vector.shape_cast %get3A_254 : vector<1x16xi32> to vector<16xi32>
      %add3A_256 = arith.constant 10112 : i32
      %add3A_257 = vector.broadcast %add3A_256 : i32 to vector<16xi32>
      %add3A_258 = arith.addi %get3A_255, %add3A_257 : vector<16xi32>
      %swap3A_259 = arith.index_cast %add3A_169 : i32 to index
      %swap3A_260 = arith.constant 112 : index
      %swap3A_261 = tpu.vector_load %arg7[%swap3A_259, %swap3A_260] {strides = array<i32>} : memref<80x128xi32, #tpu.memory_space<vmem>>, vector<1x16xi32>,
      %swap3A_262 = vector.shape_cast %swap3A_261 : vector<1x16xi32> to vector<16xi32>
      %swap3A_263 = vector.shape_cast %add3A_258 : vector<16xi32> to vector<1x16xi32>
      tpu.vector_store %arg7[%swap3A_259, %swap3A_260], %swap3A_263 {strides = array<i32>} : memref<80x128xi32, #tpu.memory_space<vmem>>, vector<1x16xi32>,
    }
    %scan3A_93 = arith.constant 80 : i32
    "tpu.region"() ({
      %run_scoped3A = tpu.sem_alloc : memref<!tpu.dma_semaphore, #tpu.memory_space<semaphore_mem>>
      %dma_start3A_165 = arith.constant 0 : i32
      %dma_start3A_166 = tpu.memref_slice %arg22[%multiple_of3A_6, %dma_start3A_165] : memref<10112x128xf32, #tpu.memory_space<vmem_shared>> -> memref<632x128xf32, #tpu.memory_space<vmem_shared>>
      %dma_start3A_167 = arith.constant 0 : i32
      %dma_start3A_168 = tpu.memref_slice %arg4[%multiple_of3A_6, %dma_start3A_167] : memref<10112x128xf32, #tpu.memory_space<hbm>> -> memref<632x128xf32, #tpu.memory_space<hbm>>
      tpu.enqueue_dma source(%dma_start3A_168 : memref<632x128xf32, #tpu.memory_space<hbm>>) target(%dma_start3A_166 : memref<632x128xf32, #tpu.memory_space<vmem_shared>>) target_semaphore(%run_scoped3A : memref<!tpu.dma_semaphore, #tpu.memory_space<semaphore_mem>>)
      %dma_wait3A = arith.constant 0 : i32
      %dma_wait3A_169 = tpu.memref_slice %arg22[%multiple_of3A_6, %dma_wait3A] : memref<10112x128xf32, #tpu.memory_space<vmem_shared>> -> memref<632x128xf32, #tpu.memory_space<vmem_shared>>
      %dma_wait3A_170 = arith.constant 0 : i32
      %dma_wait3A_171 = tpu.memref_slice %arg4[%multiple_of3A_6, %dma_wait3A_170] : memref<10112x128xf32, #tpu.memory_space<hbm>> -> memref<632x128xf32, #tpu.memory_space<hbm>>
      tpu.wait_dma2 semaphore(%run_scoped3A : memref<!tpu.dma_semaphore, #tpu.memory_space<semaphore_mem>>) src(%dma_wait3A_171 : memref<632x128xf32, #tpu.memory_space<hbm>>) dst(%dma_wait3A_169 : memref<632x128xf32, #tpu.memory_space<vmem_shared>>)
      tpu.yield
    }) : () -> ()
    %barrier3A_94 = arith.constant 0 : index
    tpu.barrier barrier_id(%barrier3A_94)
    %add3A_95 = arith.constant 0 : i32
    %add3A_96 = arith.addi %multiple_of3A_3, %add3A_95 : i32
    %multiple_of3A_97 = tpu.assume_multiple %add3A_96, 128 : i32
    %dma_start3A_98 = tpu.memref_slice %arg3[%multiple_of3A_97] : memref<163840xi32, #tpu.memory_space<hbm>> -> memref<128xi32, #tpu.memory_space<hbm>>
    %dma_start3A_99 = tpu.memref_slice %arg3[%multiple_of3A_97] : memref<163840xi32, #tpu.memory_space<hbm>> -> memref<128xi32, #tpu.memory_space<hbm>>
    tpu.enqueue_dma source(%dma_start3A_99 : memref<128xi32, #tpu.memory_space<hbm>>) target(%arg14 : memref<128xi32, #tpu.memory_space<vmem>>) target_semaphore(%arg18 : memref<!tpu.dma_semaphore, #tpu.memory_space<semaphore_mem>>)
    %add3A_100 = arith.constant 128 : i32
    %add3A_101 = arith.addi %multiple_of3A_3, %add3A_100 : i32
    %multiple_of3A_102 = tpu.assume_multiple %add3A_101, 128 : i32
    %dma_start3A_103 = tpu.memref_slice %arg3[%multiple_of3A_102] : memref<163840xi32, #tpu.memory_space<hbm>> -> memref<128xi32, #tpu.memory_space<hbm>>
    %dma_start3A_104 = tpu.memref_slice %arg3[%multiple_of3A_102] : memref<163840xi32, #tpu.memory_space<hbm>> -> memref<128xi32, #tpu.memory_space<hbm>>
    tpu.enqueue_dma source(%dma_start3A_104 : memref<128xi32, #tpu.memory_space<hbm>>) target(%arg15 : memref<128xi32, #tpu.memory_space<vmem>>) target_semaphore(%arg19 : memref<!tpu.dma_semaphore, #tpu.memory_space<semaphore_mem>>)
    %add3A_105 = arith.constant 256 : i32
    %add3A_106 = arith.addi %multiple_of3A_3, %add3A_105 : i32
    %multiple_of3A_107 = tpu.assume_multiple %add3A_106, 128 : i32
    %dma_start3A_108 = tpu.memref_slice %arg3[%multiple_of3A_107] : memref<163840xi32, #tpu.memory_space<hbm>> -> memref<128xi32, #tpu.memory_space<hbm>>
    %dma_start3A_109 = tpu.memref_slice %arg3[%multiple_of3A_107] : memref<163840xi32, #tpu.memory_space<hbm>> -> memref<128xi32, #tpu.memory_space<hbm>>
    tpu.enqueue_dma source(%dma_start3A_109 : memref<128xi32, #tpu.memory_space<hbm>>) target(%arg16 : memref<128xi32, #tpu.memory_space<vmem>>) target_semaphore(%arg20 : memref<!tpu.dma_semaphore, #tpu.memory_space<semaphore_mem>>)
    %add3A_110 = arith.constant 384 : i32
    %add3A_111 = arith.addi %multiple_of3A_3, %add3A_110 : i32
    %multiple_of3A_112 = tpu.assume_multiple %add3A_111, 128 : i32
    %dma_start3A_113 = tpu.memref_slice %arg3[%multiple_of3A_112] : memref<163840xi32, #tpu.memory_space<hbm>> -> memref<128xi32, #tpu.memory_space<hbm>>
    %dma_start3A_114 = tpu.memref_slice %arg3[%multiple_of3A_112] : memref<163840xi32, #tpu.memory_space<hbm>> -> memref<128xi32, #tpu.memory_space<hbm>>
    tpu.enqueue_dma source(%dma_start3A_114 : memref<128xi32, #tpu.memory_space<hbm>>) target(%arg17 : memref<128xi32, #tpu.memory_space<vmem>>) target_semaphore(%arg21 : memref<!tpu.dma_semaphore, #tpu.memory_space<semaphore_mem>>)
    %dma_start3A_115 = arith.constant 0 : i32
    %dma_start3A_116 = arith.constant 0 : i32
    %dma_start3A_117 = arith.constant 0 : i32
    %dma_start3A_118 = tpu.memref_slice %arg8[%dma_start3A_116, %dma_start3A_117] : memref<128x128xf32, #tpu.memory_space<vmem>> -> memref<64x128xf32, #tpu.memory_space<vmem>>
    %dma_start3A_119 = arith.constant 0 : i32
    %dma_start3A_120 = tpu.memref_slice %arg7[%dma_start3A_115, %dma_start3A_119] : memref<80x128xi32, #tpu.memory_space<vmem>> -> memref<1x64xi32, #tpu.memory_space<vmem>>
    %dma_start3A_121 = tpu.memref_squeeze %dma_start3A_120 : memref<1x64xi32, #tpu.memory_space<vmem>> -> memref<64xi32, #tpu.memory_space<vmem>>
    %dma_start3A_122 = arith.constant 0 : i32
    %dma_start3A_123 = arith.constant 0 : i32
    %dma_start3A_124 = tpu.memref_slice %arg5[%dma_start3A_122, %dma_start3A_123] : memref<40448x128xf32, #tpu.memory_space<hbm>> -> memref<40448x128xf32, #tpu.memory_space<hbm>>
    tpu.enqueue_indirect_dma source(%dma_start3A_124 : memref<40448x128xf32, #tpu.memory_space<hbm>>) target(%dma_start3A_118 : memref<64x128xf32, #tpu.memory_space<vmem>>) offsets(%dma_start3A_121 : memref<64xi32, #tpu.memory_space<vmem>>) semaphore(%arg10 : memref<!tpu.dma_semaphore, #tpu.memory_space<semaphore_mem>>)
    %dma_start3A_125 = arith.constant 0 : i32
    %dma_start3A_126 = arith.constant 64 : i32
    %dma_start3A_127 = arith.constant 0 : i32
    %dma_start3A_128 = tpu.memref_slice %arg8[%dma_start3A_126, %dma_start3A_127] : memref<128x128xf32, #tpu.memory_space<vmem>> -> memref<64x128xf32, #tpu.memory_space<vmem>>
    %dma_start3A_129 = arith.constant 64 : i32
    %dma_start3A_130 = tpu.memref_slice %arg7[%dma_start3A_125, %dma_start3A_129] : memref<80x128xi32, #tpu.memory_space<vmem>> -> memref<1x64xi32, #tpu.memory_space<vmem>>
    %dma_start3A_131 = tpu.memref_squeeze %dma_start3A_130 : memref<1x64xi32, #tpu.memory_space<vmem>> -> memref<64xi32, #tpu.memory_space<vmem>>
    %dma_start3A_132 = arith.constant 0 : i32
    %dma_start3A_133 = arith.constant 0 : i32
    %dma_start3A_134 = tpu.memref_slice %arg5[%dma_start3A_132, %dma_start3A_133] : memref<40448x128xf32, #tpu.memory_space<hbm>> -> memref<40448x128xf32, #tpu.memory_space<hbm>>
    tpu.enqueue_indirect_dma source(%dma_start3A_134 : memref<40448x128xf32, #tpu.memory_space<hbm>>) target(%dma_start3A_128 : memref<64x128xf32, #tpu.memory_space<vmem>>) offsets(%dma_start3A_131 : memref<64xi32, #tpu.memory_space<vmem>>) semaphore(%arg12 : memref<!tpu.dma_semaphore, #tpu.memory_space<semaphore_mem>>)
    %dma_start3A_135 = arith.constant 1 : i32
    %dma_start3A_136 = arith.constant 0 : i32
    %dma_start3A_137 = arith.constant 0 : i32
    %dma_start3A_138 = tpu.memref_slice %arg9[%dma_start3A_136, %dma_start3A_137] : memref<128x128xf32, #tpu.memory_space<vmem>> -> memref<64x128xf32, #tpu.memory_space<vmem>>
    %dma_start3A_139 = arith.constant 0 : i32
    %dma_start3A_140 = tpu.memref_slice %arg7[%dma_start3A_135, %dma_start3A_139] : memref<80x128xi32, #tpu.memory_space<vmem>> -> memref<1x64xi32, #tpu.memory_space<vmem>>
    %dma_start3A_141 = tpu.memref_squeeze %dma_start3A_140 : memref<1x64xi32, #tpu.memory_space<vmem>> -> memref<64xi32, #tpu.memory_space<vmem>>
    %dma_start3A_142 = arith.constant 0 : i32
    %dma_start3A_143 = arith.constant 0 : i32
    %dma_start3A_144 = tpu.memref_slice %arg5[%dma_start3A_142, %dma_start3A_143] : memref<40448x128xf32, #tpu.memory_space<hbm>> -> memref<40448x128xf32, #tpu.memory_space<hbm>>
    tpu.enqueue_indirect_dma source(%dma_start3A_144 : memref<40448x128xf32, #tpu.memory_space<hbm>>) target(%dma_start3A_138 : memref<64x128xf32, #tpu.memory_space<vmem>>) offsets(%dma_start3A_141 : memref<64xi32, #tpu.memory_space<vmem>>) semaphore(%arg11 : memref<!tpu.dma_semaphore, #tpu.memory_space<semaphore_mem>>)
    %dma_start3A_145 = arith.constant 1 : i32
    %dma_start3A_146 = arith.constant 64 : i32
    %dma_start3A_147 = arith.constant 0 : i32
    %dma_start3A_148 = tpu.memref_slice %arg9[%dma_start3A_146, %dma_start3A_147] : memref<128x128xf32, #tpu.memory_space<vmem>> -> memref<64x128xf32, #tpu.memory_space<vmem>>
    %dma_start3A_149 = arith.constant 64 : i32
    %dma_start3A_150 = tpu.memref_slice %arg7[%dma_start3A_145, %dma_start3A_149] : memref<80x128xi32, #tpu.memory_space<vmem>> -> memref<1x64xi32, #tpu.memory_space<vmem>>
    %dma_start3A_151 = tpu.memref_squeeze %dma_start3A_150 : memref<1x64xi32, #tpu.memory_space<vmem>> -> memref<64xi32, #tpu.memory_space<vmem>>
    %dma_start3A_152 = arith.constant 0 : i32
    %dma_start3A_153 = arith.constant 0 : i32
    %dma_start3A_154 = tpu.memref_slice %arg5[%dma_start3A_152, %dma_start3A_153] : memref<40448x128xf32, #tpu.memory_space<hbm>> -> memref<40448x128xf32, #tpu.memory_space<hbm>>
    tpu.enqueue_indirect_dma source(%dma_start3A_154 : memref<40448x128xf32, #tpu.memory_space<hbm>>) target(%dma_start3A_148 : memref<64x128xf32, #tpu.memory_space<vmem>>) offsets(%dma_start3A_151 : memref<64xi32, #tpu.memory_space<vmem>>) semaphore(%arg13 : memref<!tpu.dma_semaphore, #tpu.memory_space<semaphore_mem>>)
    %scan3A_155 = arith.constant 0 : i32
    %scan3A_156 = arith.constant 20 : i32
    %scan3A_157 = arith.addi %scan3A_155, %scan3A_156 : i32
    %scan3A_158 = arith.constant 1 : i32
    scf.for %scan3A_165 = %scan3A_155 to %scan3A_157 step %scan3A_158  : i32 {
      %mul3A_166 = arith.constant 4 : i32
      %mul3A_167 = arith.muli %scan3A_165, %mul3A_166 : i32
      %add3A_168 = arith.constant 0 : i32
      %add3A_169 = arith.addi %add3A_168, %mul3A_167 : i32
      %add3A_170 = arith.constant 0 : i32
      %add3A_171 = arith.addi %add3A_169, %add3A_170 : i32
      %dma_wait3A = arith.constant 0 : i32
      %dma_wait3A_172 = arith.constant 0 : i32
      %dma_wait3A_173 = arith.constant 0 : i32
      %dma_wait3A_174 = tpu.memref_slice %arg8[%dma_wait3A_172, %dma_wait3A_173] : memref<128x128xf32, #tpu.memory_space<vmem>> -> memref<64x128xf32, #tpu.memory_space<vmem>>
      %dma_wait3A_175 = arith.constant 0 : i32
      %dma_wait3A_176 = tpu.memref_slice %arg7[%dma_wait3A, %dma_wait3A_175] : memref<80x128xi32, #tpu.memory_space<vmem>> -> memref<1x64xi32, #tpu.memory_space<vmem>>
      %dma_wait3A_177 = tpu.memref_squeeze %dma_wait3A_176 : memref<1x64xi32, #tpu.memory_space<vmem>> -> memref<64xi32, #tpu.memory_space<vmem>>
      %dma_wait3A_178 = arith.constant 0 : i32
      %dma_wait3A_179 = arith.constant 0 : i32
      %dma_wait3A_180 = tpu.memref_slice %arg5[%dma_wait3A_178, %dma_wait3A_179] : memref<40448x128xf32, #tpu.memory_space<hbm>> -> memref<40448x128xf32, #tpu.memory_space<hbm>>
      tpu.wait_indirect_dma semaphore(%arg10 : memref<!tpu.dma_semaphore, #tpu.memory_space<semaphore_mem>>) src(%dma_wait3A_180 : memref<40448x128xf32, #tpu.memory_space<hbm>>) dst(%dma_wait3A_174 : memref<64x128xf32, #tpu.memory_space<vmem>>)
      %dma_wait3A_181 = arith.constant 0 : i32
      %dma_wait3A_182 = arith.constant 64 : i32
      %dma_wait3A_183 = arith.constant 0 : i32
      %dma_wait3A_184 = tpu.memref_slice %arg8[%dma_wait3A_182, %dma_wait3A_183] : memref<128x128xf32, #tpu.memory_space<vmem>> -> memref<64x128xf32, #tpu.memory_space<vmem>>
      %dma_wait3A_185 = arith.constant 0 : i32
      %dma_wait3A_186 = tpu.memref_slice %arg7[%dma_wait3A_181, %dma_wait3A_185] : memref<80x128xi32, #tpu.memory_space<vmem>> -> memref<1x64xi32, #tpu.memory_space<vmem>>
      %dma_wait3A_187 = tpu.memref_squeeze %dma_wait3A_186 : memref<1x64xi32, #tpu.memory_space<vmem>> -> memref<64xi32, #tpu.memory_space<vmem>>
      %dma_wait3A_188 = arith.constant 0 : i32
      %dma_wait3A_189 = arith.constant 0 : i32
      %dma_wait3A_190 = tpu.memref_slice %arg5[%dma_wait3A_188, %dma_wait3A_189] : memref<40448x128xf32, #tpu.memory_space<hbm>> -> memref<40448x128xf32, #tpu.memory_space<hbm>>
      tpu.wait_indirect_dma semaphore(%arg12 : memref<!tpu.dma_semaphore, #tpu.memory_space<semaphore_mem>>) src(%dma_wait3A_190 : memref<40448x128xf32, #tpu.memory_space<hbm>>) dst(%dma_wait3A_184 : memref<64x128xf32, #tpu.memory_space<vmem>>)
      %dma_wait3A_191 = arith.constant 0 : i32
      %dma_wait3A_192 = tpu.memref_slice %arg3[%dma_wait3A_191] : memref<163840xi32, #tpu.memory_space<hbm>> -> memref<128xi32, #tpu.memory_space<hbm>>
      %dma_wait3A_193 = arith.constant 0 : i32
      %dma_wait3A_194 = tpu.memref_slice %arg3[%dma_wait3A_193] : memref<163840xi32, #tpu.memory_space<hbm>> -> memref<128xi32, #tpu.memory_space<hbm>>
      tpu.wait_dma2 semaphore(%arg18 : memref<!tpu.dma_semaphore, #tpu.memory_space<semaphore_mem>>) src(%dma_wait3A_194 : memref<128xi32, #tpu.memory_space<hbm>>) dst(%arg14 : memref<128xi32, #tpu.memory_space<vmem>>)
      "tpu.region"() ({
        %run_scoped3A = tpu.sem_alloc : memref<!tpu.dma_semaphore, #tpu.memory_space<semaphore_mem>>
        %dma_start3A_326 = arith.constant 0 : i32
        %dma_start3A_327 = arith.constant 0 : i32
        %dma_start3A_328 = tpu.memref_slice %arg22[%dma_start3A_326, %dma_start3A_327] : memref<10112x128xf32, #tpu.memory_space<vmem_shared>> -> memref<10112x128xf32, #tpu.memory_space<vmem_shared>>
        tpu.enqueue_indirect_dma source(%arg8 : memref<128x128xf32, #tpu.memory_space<vmem>>) target(%dma_start3A_328 : memref<10112x128xf32, #tpu.memory_space<vmem_shared>>) offsets(%arg14 : memref<128xi32, #tpu.memory_space<vmem>>) semaphore(%run_scoped3A : memref<!tpu.dma_semaphore, #tpu.memory_space<semaphore_mem>>) {add = true}
        %dma_wait3A_329 = arith.constant 0 : i32
        %dma_wait3A_330 = arith.constant 0 : i32
        %dma_wait3A_331 = tpu.memref_slice %arg22[%dma_wait3A_329, %dma_wait3A_330] : memref<10112x128xf32, #tpu.memory_space<vmem_shared>> -> memref<10112x128xf32, #tpu.memory_space<vmem_shared>>
        tpu.wait_indirect_dma semaphore(%run_scoped3A : memref<!tpu.dma_semaphore, #tpu.memory_space<semaphore_mem>>) src(%arg8 : memref<128x128xf32, #tpu.memory_space<vmem>>) dst(%dma_wait3A_331 : memref<10112x128xf32, #tpu.memory_space<vmem_shared>>)
        tpu.yield
      }) : () -> ()
      %add3A_195 = arith.constant 2 : i32
      %add3A_196 = arith.addi %add3A_171, %add3A_195 : i32
      %lt3A = arith.constant 80 : i32
      %lt3A_197 = arith.cmpi slt, %add3A_196, %lt3A : i32
      %convert_element_type3A = arith.extui %lt3A_197 : i1 to i32
      %cond3A = arith.constant 0 : i32
      %cond3A_198 = arith.cmpi ne, %convert_element_type3A, %cond3A : i32
      scf.if %cond3A_198 {
        %add3A_326 = arith.constant 2 : i32
        %add3A_327 = arith.addi %add3A_171, %add3A_326 : i32
        %dma_start3A_328 = arith.constant 0 : i32
        %dma_start3A_329 = arith.constant 0 : i32
        %dma_start3A_330 = tpu.memref_slice %arg8[%dma_start3A_328, %dma_start3A_329] : memref<128x128xf32, #tpu.memory_space<vmem>> -> memref<64x128xf32, #tpu.memory_space<vmem>>
        %dma_start3A_331 = arith.constant 0 : i32
        %dma_start3A_332 = tpu.memref_slice %arg7[%add3A_327, %dma_start3A_331] : memref<80x128xi32, #tpu.memory_space<vmem>> -> memref<1x64xi32, #tpu.memory_space<vmem>>
        %dma_start3A_333 = tpu.memref_squeeze %dma_start3A_332 : memref<1x64xi32, #tpu.memory_space<vmem>> -> memref<64xi32, #tpu.memory_space<vmem>>
        %dma_start3A_334 = arith.constant 0 : i32
        %dma_start3A_335 = arith.constant 0 : i32
        %dma_start3A_336 = tpu.memref_slice %arg5[%dma_start3A_334, %dma_start3A_335] : memref<40448x128xf32, #tpu.memory_space<hbm>> -> memref<40448x128xf32, #tpu.memory_space<hbm>>
        tpu.enqueue_indirect_dma source(%dma_start3A_336 : memref<40448x128xf32, #tpu.memory_space<hbm>>) target(%dma_start3A_330 : memref<64x128xf32, #tpu.memory_space<vmem>>) offsets(%dma_start3A_333 : memref<64xi32, #tpu.memory_space<vmem>>) semaphore(%arg10 : memref<!tpu.dma_semaphore, #tpu.memory_space<semaphore_mem>>)
        %dma_start3A_337 = arith.constant 64 : i32
        %dma_start3A_338 = arith.constant 0 : i32
        %dma_start3A_339 = tpu.memref_slice %arg8[%dma_start3A_337, %dma_start3A_338] : memref<128x128xf32, #tpu.memory_space<vmem>> -> memref<64x128xf32, #tpu.memory_space<vmem>>
        %dma_start3A_340 = arith.constant 64 : i32
        %dma_start3A_341 = tpu.memref_slice %arg7[%add3A_327, %dma_start3A_340] : memref<80x128xi32, #tpu.memory_space<vmem>> -> memref<1x64xi32, #tpu.memory_space<vmem>>
        %dma_start3A_342 = tpu.memref_squeeze %dma_start3A_341 : memref<1x64xi32, #tpu.memory_space<vmem>> -> memref<64xi32, #tpu.memory_space<vmem>>
        %dma_start3A_343 = arith.constant 0 : i32
        %dma_start3A_344 = arith.constant 0 : i32
        %dma_start3A_345 = tpu.memref_slice %arg5[%dma_start3A_343, %dma_start3A_344] : memref<40448x128xf32, #tpu.memory_space<hbm>> -> memref<40448x128xf32, #tpu.memory_space<hbm>>
        tpu.enqueue_indirect_dma source(%dma_start3A_345 : memref<40448x128xf32, #tpu.memory_space<hbm>>) target(%dma_start3A_339 : memref<64x128xf32, #tpu.memory_space<vmem>>) offsets(%dma_start3A_342 : memref<64xi32, #tpu.memory_space<vmem>>) semaphore(%arg12 : memref<!tpu.dma_semaphore, #tpu.memory_space<semaphore_mem>>)
      } else {
      }
      %add3A_199 = arith.constant 4 : i32
      %add3A_200 = arith.addi %add3A_171, %add3A_199 : i32
      %lt3A_201 = arith.constant 80 : i32
      %lt3A_202 = arith.cmpi slt, %add3A_200, %lt3A_201 : i32
      %convert_element_type3A_203 = arith.extui %lt3A_202 : i1 to i32
      %cond3A_204 = arith.constant 0 : i32
      %cond3A_205 = arith.cmpi ne, %convert_element_type3A_203, %cond3A_204 : i32
      scf.if %cond3A_205 {
        %add3A_326 = arith.constant 4 : i32
        %add3A_327 = arith.addi %add3A_171, %add3A_326 : i32
        %mul3A_328 = arith.constant 128 : i32
        %mul3A_329 = arith.muli %add3A_327, %mul3A_328 : i32
        %add3A_330 = arith.addi %multiple_of3A_3, %mul3A_329 : i32
        %multiple_of3A_331 = tpu.assume_multiple %add3A_330, 128 : i32
        %dma_start3A_332 = tpu.memref_slice %arg3[%multiple_of3A_331] : memref<163840xi32, #tpu.memory_space<hbm>> -> memref<128xi32, #tpu.memory_space<hbm>>
        %dma_start3A_333 = tpu.memref_slice %arg3[%multiple_of3A_331] : memref<163840xi32, #tpu.memory_space<hbm>> -> memref<128xi32, #tpu.memory_space<hbm>>
        tpu.enqueue_dma source(%dma_start3A_333 : memref<128xi32, #tpu.memory_space<hbm>>) target(%arg14 : memref<128xi32, #tpu.memory_space<vmem>>) target_semaphore(%arg18 : memref<!tpu.dma_semaphore, #tpu.memory_space<semaphore_mem>>)
      } else {
      }
      %add3A_206 = arith.constant 1 : i32
      %add3A_207 = arith.addi %add3A_169, %add3A_206 : i32
      %dma_wait3A_208 = arith.constant 0 : i32
      %dma_wait3A_209 = arith.constant 0 : i32
      %dma_wait3A_210 = arith.constant 0 : i32
      %dma_wait3A_211 = tpu.memref_slice %arg9[%dma_wait3A_209, %dma_wait3A_210] : memref<128x128xf32, #tpu.memory_space<vmem>> -> memref<64x128xf32, #tpu.memory_space<vmem>>
      %dma_wait3A_212 = arith.constant 0 : i32
      %dma_wait3A_213 = tpu.memref_slice %arg7[%dma_wait3A_208, %dma_wait3A_212] : memref<80x128xi32, #tpu.memory_space<vmem>> -> memref<1x64xi32, #tpu.memory_space<vmem>>
      %dma_wait3A_214 = tpu.memref_squeeze %dma_wait3A_213 : memref<1x64xi32, #tpu.memory_space<vmem>> -> memref<64xi32, #tpu.memory_space<vmem>>
      %dma_wait3A_215 = arith.constant 0 : i32
      %dma_wait3A_216 = arith.constant 0 : i32
      %dma_wait3A_217 = tpu.memref_slice %arg5[%dma_wait3A_215, %dma_wait3A_216] : memref<40448x128xf32, #tpu.memory_space<hbm>> -> memref<40448x128xf32, #tpu.memory_space<hbm>>
      tpu.wait_indirect_dma semaphore(%arg11 : memref<!tpu.dma_semaphore, #tpu.memory_space<semaphore_mem>>) src(%dma_wait3A_217 : memref<40448x128xf32, #tpu.memory_space<hbm>>) dst(%dma_wait3A_211 : memref<64x128xf32, #tpu.memory_space<vmem>>)
      %dma_wait3A_218 = arith.constant 0 : i32
      %dma_wait3A_219 = arith.constant 64 : i32
      %dma_wait3A_220 = arith.constant 0 : i32
      %dma_wait3A_221 = tpu.memref_slice %arg9[%dma_wait3A_219, %dma_wait3A_220] : memref<128x128xf32, #tpu.memory_space<vmem>> -> memref<64x128xf32, #tpu.memory_space<vmem>>
      %dma_wait3A_222 = arith.constant 0 : i32
      %dma_wait3A_223 = tpu.memref_slice %arg7[%dma_wait3A_218, %dma_wait3A_222] : memref<80x128xi32, #tpu.memory_space<vmem>> -> memref<1x64xi32, #tpu.memory_space<vmem>>
      %dma_wait3A_224 = tpu.memref_squeeze %dma_wait3A_223 : memref<1x64xi32, #tpu.memory_space<vmem>> -> memref<64xi32, #tpu.memory_space<vmem>>
      %dma_wait3A_225 = arith.constant 0 : i32
      %dma_wait3A_226 = arith.constant 0 : i32
      %dma_wait3A_227 = tpu.memref_slice %arg5[%dma_wait3A_225, %dma_wait3A_226] : memref<40448x128xf32, #tpu.memory_space<hbm>> -> memref<40448x128xf32, #tpu.memory_space<hbm>>
      tpu.wait_indirect_dma semaphore(%arg13 : memref<!tpu.dma_semaphore, #tpu.memory_space<semaphore_mem>>) src(%dma_wait3A_227 : memref<40448x128xf32, #tpu.memory_space<hbm>>) dst(%dma_wait3A_221 : memref<64x128xf32, #tpu.memory_space<vmem>>)
      %dma_wait3A_228 = arith.constant 0 : i32
      %dma_wait3A_229 = tpu.memref_slice %arg3[%dma_wait3A_228] : memref<163840xi32, #tpu.memory_space<hbm>> -> memref<128xi32, #tpu.memory_space<hbm>>
      %dma_wait3A_230 = arith.constant 0 : i32
      %dma_wait3A_231 = tpu.memref_slice %arg3[%dma_wait3A_230] : memref<163840xi32, #tpu.memory_space<hbm>> -> memref<128xi32, #tpu.memory_space<hbm>>
      tpu.wait_dma2 semaphore(%arg19 : memref<!tpu.dma_semaphore, #tpu.memory_space<semaphore_mem>>) src(%dma_wait3A_231 : memref<128xi32, #tpu.memory_space<hbm>>) dst(%arg15 : memref<128xi32, #tpu.memory_space<vmem>>)
      "tpu.region"() ({
        %run_scoped3A = tpu.sem_alloc : memref<!tpu.dma_semaphore, #tpu.memory_space<semaphore_mem>>
        %dma_start3A_326 = arith.constant 0 : i32
        %dma_start3A_327 = arith.constant 0 : i32
        %dma_start3A_328 = tpu.memref_slice %arg22[%dma_start3A_326, %dma_start3A_327] : memref<10112x128xf32, #tpu.memory_space<vmem_shared>> -> memref<10112x128xf32, #tpu.memory_space<vmem_shared>>
        tpu.enqueue_indirect_dma source(%arg9 : memref<128x128xf32, #tpu.memory_space<vmem>>) target(%dma_start3A_328 : memref<10112x128xf32, #tpu.memory_space<vmem_shared>>) offsets(%arg15 : memref<128xi32, #tpu.memory_space<vmem>>) semaphore(%run_scoped3A : memref<!tpu.dma_semaphore, #tpu.memory_space<semaphore_mem>>) {add = true}
        %dma_wait3A_329 = arith.constant 0 : i32
        %dma_wait3A_330 = arith.constant 0 : i32
        %dma_wait3A_331 = tpu.memref_slice %arg22[%dma_wait3A_329, %dma_wait3A_330] : memref<10112x128xf32, #tpu.memory_space<vmem_shared>> -> memref<10112x128xf32, #tpu.memory_space<vmem_shared>>
        tpu.wait_indirect_dma semaphore(%run_scoped3A : memref<!tpu.dma_semaphore, #tpu.memory_space<semaphore_mem>>) src(%arg9 : memref<128x128xf32, #tpu.memory_space<vmem>>) dst(%dma_wait3A_331 : memref<10112x128xf32, #tpu.memory_space<vmem_shared>>)
        tpu.yield
      }) : () -> ()
      %add3A_232 = arith.constant 2 : i32
      %add3A_233 = arith.addi %add3A_207, %add3A_232 : i32
      %lt3A_234 = arith.constant 80 : i32
      %lt3A_235 = arith.cmpi slt, %add3A_233, %lt3A_234 : i32
      %convert_element_type3A_236 = arith.extui %lt3A_235 : i1 to i32
      %cond3A_237 = arith.constant 0 : i32
      %cond3A_238 = arith.cmpi ne, %convert_element_type3A_236, %cond3A_237 : i32
      scf.if %cond3A_238 {
        %add3A_326 = arith.constant 2 : i32
        %add3A_327 = arith.addi %add3A_207, %add3A_326 : i32
        %dma_start3A_328 = arith.constant 0 : i32
        %dma_start3A_329 = arith.constant 0 : i32
        %dma_start3A_330 = tpu.memref_slice %arg9[%dma_start3A_328, %dma_start3A_329] : memref<128x128xf32, #tpu.memory_space<vmem>> -> memref<64x128xf32, #tpu.memory_space<vmem>>
        %dma_start3A_331 = arith.constant 0 : i32
        %dma_start3A_332 = tpu.memref_slice %arg7[%add3A_327, %dma_start3A_331] : memref<80x128xi32, #tpu.memory_space<vmem>> -> memref<1x64xi32, #tpu.memory_space<vmem>>
        %dma_start3A_333 = tpu.memref_squeeze %dma_start3A_332 : memref<1x64xi32, #tpu.memory_space<vmem>> -> memref<64xi32, #tpu.memory_space<vmem>>
        %dma_start3A_334 = arith.constant 0 : i32
        %dma_start3A_335 = arith.constant 0 : i32
        %dma_start3A_336 = tpu.memref_slice %arg5[%dma_start3A_334, %dma_start3A_335] : memref<40448x128xf32, #tpu.memory_space<hbm>> -> memref<40448x128xf32, #tpu.memory_space<hbm>>
        tpu.enqueue_indirect_dma source(%dma_start3A_336 : memref<40448x128xf32, #tpu.memory_space<hbm>>) target(%dma_start3A_330 : memref<64x128xf32, #tpu.memory_space<vmem>>) offsets(%dma_start3A_333 : memref<64xi32, #tpu.memory_space<vmem>>) semaphore(%arg11 : memref<!tpu.dma_semaphore, #tpu.memory_space<semaphore_mem>>)
        %dma_start3A_337 = arith.constant 64 : i32
        %dma_start3A_338 = arith.constant 0 : i32
        %dma_start3A_339 = tpu.memref_slice %arg9[%dma_start3A_337, %dma_start3A_338] : memref<128x128xf32, #tpu.memory_space<vmem>> -> memref<64x128xf32, #tpu.memory_space<vmem>>
        %dma_start3A_340 = arith.constant 64 : i32
        %dma_start3A_341 = tpu.memref_slice %arg7[%add3A_327, %dma_start3A_340] : memref<80x128xi32, #tpu.memory_space<vmem>> -> memref<1x64xi32, #tpu.memory_space<vmem>>
        %dma_start3A_342 = tpu.memref_squeeze %dma_start3A_341 : memref<1x64xi32, #tpu.memory_space<vmem>> -> memref<64xi32, #tpu.memory_space<vmem>>
        %dma_start3A_343 = arith.constant 0 : i32
        %dma_start3A_344 = arith.constant 0 : i32
        %dma_start3A_345 = tpu.memref_slice %arg5[%dma_start3A_343, %dma_start3A_344] : memref<40448x128xf32, #tpu.memory_space<hbm>> -> memref<40448x128xf32, #tpu.memory_space<hbm>>
        tpu.enqueue_indirect_dma source(%dma_start3A_345 : memref<40448x128xf32, #tpu.memory_space<hbm>>) target(%dma_start3A_339 : memref<64x128xf32, #tpu.memory_space<vmem>>) offsets(%dma_start3A_342 : memref<64xi32, #tpu.memory_space<vmem>>) semaphore(%arg13 : memref<!tpu.dma_semaphore, #tpu.memory_space<semaphore_mem>>)
      } else {
      }
      %add3A_239 = arith.constant 4 : i32
      %add3A_240 = arith.addi %add3A_207, %add3A_239 : i32
      %lt3A_241 = arith.constant 80 : i32
      %lt3A_242 = arith.cmpi slt, %add3A_240, %lt3A_241 : i32
      %convert_element_type3A_243 = arith.extui %lt3A_242 : i1 to i32
      %cond3A_244 = arith.constant 0 : i32
      %cond3A_245 = arith.cmpi ne, %convert_element_type3A_243, %cond3A_244 : i32
      scf.if %cond3A_245 {
        %add3A_326 = arith.constant 4 : i32
        %add3A_327 = arith.addi %add3A_207, %add3A_326 : i32
        %mul3A_328 = arith.constant 128 : i32
        %mul3A_329 = arith.muli %add3A_327, %mul3A_328 : i32
        %add3A_330 = arith.addi %multiple_of3A_3, %mul3A_329 : i32
        %multiple_of3A_331 = tpu.assume_multiple %add3A_330, 128 : i32
        %dma_start3A_332 = tpu.memref_slice %arg3[%multiple_of3A_331] : memref<163840xi32, #tpu.memory_space<hbm>> -> memref<128xi32, #tpu.memory_space<hbm>>
        %dma_start3A_333 = tpu.memref_slice %arg3[%multiple_of3A_331] : memref<163840xi32, #tpu.memory_space<hbm>> -> memref<128xi32, #tpu.memory_space<hbm>>
        tpu.enqueue_dma source(%dma_start3A_333 : memref<128xi32, #tpu.memory_space<hbm>>) target(%arg15 : memref<128xi32, #tpu.memory_space<vmem>>) target_semaphore(%arg19 : memref<!tpu.dma_semaphore, #tpu.memory_space<semaphore_mem>>)
      } else {
      }
      %add3A_246 = arith.constant 2 : i32
      %add3A_247 = arith.addi %add3A_169, %add3A_246 : i32
      %dma_wait3A_248 = arith.constant 0 : i32
      %dma_wait3A_249 = arith.constant 0 : i32
      %dma_wait3A_250 = arith.constant 0 : i32
      %dma_wait3A_251 = tpu.memref_slice %arg8[%dma_wait3A_249, %dma_wait3A_250] : memref<128x128xf32, #tpu.memory_space<vmem>> -> memref<64x128xf32, #tpu.memory_space<vmem>>
      %dma_wait3A_252 = arith.constant 0 : i32
      %dma_wait3A_253 = tpu.memref_slice %arg7[%dma_wait3A_248, %dma_wait3A_252] : memref<80x128xi32, #tpu.memory_space<vmem>> -> memref<1x64xi32, #tpu.memory_space<vmem>>
      %dma_wait3A_254 = tpu.memref_squeeze %dma_wait3A_253 : memref<1x64xi32, #tpu.memory_space<vmem>> -> memref<64xi32, #tpu.memory_space<vmem>>
      %dma_wait3A_255 = arith.constant 0 : i32
      %dma_wait3A_256 = arith.constant 0 : i32
      %dma_wait3A_257 = tpu.memref_slice %arg5[%dma_wait3A_255, %dma_wait3A_256] : memref<40448x128xf32, #tpu.memory_space<hbm>> -> memref<40448x128xf32, #tpu.memory_space<hbm>>
      tpu.wait_indirect_dma semaphore(%arg10 : memref<!tpu.dma_semaphore, #tpu.memory_space<semaphore_mem>>) src(%dma_wait3A_257 : memref<40448x128xf32, #tpu.memory_space<hbm>>) dst(%dma_wait3A_251 : memref<64x128xf32, #tpu.memory_space<vmem>>)
      %dma_wait3A_258 = arith.constant 0 : i32
      %dma_wait3A_259 = arith.constant 64 : i32
      %dma_wait3A_260 = arith.constant 0 : i32
      %dma_wait3A_261 = tpu.memref_slice %arg8[%dma_wait3A_259, %dma_wait3A_260] : memref<128x128xf32, #tpu.memory_space<vmem>> -> memref<64x128xf32, #tpu.memory_space<vmem>>
      %dma_wait3A_262 = arith.constant 0 : i32
      %dma_wait3A_263 = tpu.memref_slice %arg7[%dma_wait3A_258, %dma_wait3A_262] : memref<80x128xi32, #tpu.memory_space<vmem>> -> memref<1x64xi32, #tpu.memory_space<vmem>>
      %dma_wait3A_264 = tpu.memref_squeeze %dma_wait3A_263 : memref<1x64xi32, #tpu.memory_space<vmem>> -> memref<64xi32, #tpu.memory_space<vmem>>
      %dma_wait3A_265 = arith.constant 0 : i32
      %dma_wait3A_266 = arith.constant 0 : i32
      %dma_wait3A_267 = tpu.memref_slice %arg5[%dma_wait3A_265, %dma_wait3A_266] : memref<40448x128xf32, #tpu.memory_space<hbm>> -> memref<40448x128xf32, #tpu.memory_space<hbm>>
      tpu.wait_indirect_dma semaphore(%arg12 : memref<!tpu.dma_semaphore, #tpu.memory_space<semaphore_mem>>) src(%dma_wait3A_267 : memref<40448x128xf32, #tpu.memory_space<hbm>>) dst(%dma_wait3A_261 : memref<64x128xf32, #tpu.memory_space<vmem>>)
      %dma_wait3A_268 = arith.constant 0 : i32
      %dma_wait3A_269 = tpu.memref_slice %arg3[%dma_wait3A_268] : memref<163840xi32, #tpu.memory_space<hbm>> -> memref<128xi32, #tpu.memory_space<hbm>>
      %dma_wait3A_270 = arith.constant 0 : i32
      %dma_wait3A_271 = tpu.memref_slice %arg3[%dma_wait3A_270] : memref<163840xi32, #tpu.memory_space<hbm>> -> memref<128xi32, #tpu.memory_space<hbm>>
      tpu.wait_dma2 semaphore(%arg20 : memref<!tpu.dma_semaphore, #tpu.memory_space<semaphore_mem>>) src(%dma_wait3A_271 : memref<128xi32, #tpu.memory_space<hbm>>) dst(%arg16 : memref<128xi32, #tpu.memory_space<vmem>>)
      "tpu.region"() ({
        %run_scoped3A = tpu.sem_alloc : memref<!tpu.dma_semaphore, #tpu.memory_space<semaphore_mem>>
        %dma_start3A_326 = arith.constant 0 : i32
        %dma_start3A_327 = arith.constant 0 : i32
        %dma_start3A_328 = tpu.memref_slice %arg22[%dma_start3A_326, %dma_start3A_327] : memref<10112x128xf32, #tpu.memory_space<vmem_shared>> -> memref<10112x128xf32, #tpu.memory_space<vmem_shared>>
        tpu.enqueue_indirect_dma source(%arg8 : memref<128x128xf32, #tpu.memory_space<vmem>>) target(%dma_start3A_328 : memref<10112x128xf32, #tpu.memory_space<vmem_shared>>) offsets(%arg16 : memref<128xi32, #tpu.memory_space<vmem>>) semaphore(%run_scoped3A : memref<!tpu.dma_semaphore, #tpu.memory_space<semaphore_mem>>) {add = true}
        %dma_wait3A_329 = arith.constant 0 : i32
        %dma_wait3A_330 = arith.constant 0 : i32
        %dma_wait3A_331 = tpu.memref_slice %arg22[%dma_wait3A_329, %dma_wait3A_330] : memref<10112x128xf32, #tpu.memory_space<vmem_shared>> -> memref<10112x128xf32, #tpu.memory_space<vmem_shared>>
        tpu.wait_indirect_dma semaphore(%run_scoped3A : memref<!tpu.dma_semaphore, #tpu.memory_space<semaphore_mem>>) src(%arg8 : memref<128x128xf32, #tpu.memory_space<vmem>>) dst(%dma_wait3A_331 : memref<10112x128xf32, #tpu.memory_space<vmem_shared>>)
        tpu.yield
      }) : () -> ()
      %add3A_272 = arith.constant 2 : i32
      %add3A_273 = arith.addi %add3A_247, %add3A_272 : i32
      %lt3A_274 = arith.constant 80 : i32
      %lt3A_275 = arith.cmpi slt, %add3A_273, %lt3A_274 : i32
      %convert_element_type3A_276 = arith.extui %lt3A_275 : i1 to i32
      %cond3A_277 = arith.constant 0 : i32
      %cond3A_278 = arith.cmpi ne, %convert_element_type3A_276, %cond3A_277 : i32
      scf.if %cond3A_278 {
        %add3A_326 = arith.constant 2 : i32
        %add3A_327 = arith.addi %add3A_247, %add3A_326 : i32
        %dma_start3A_328 = arith.constant 0 : i32
        %dma_start3A_329 = arith.constant 0 : i32
        %dma_start3A_330 = tpu.memref_slice %arg8[%dma_start3A_328, %dma_start3A_329] : memref<128x128xf32, #tpu.memory_space<vmem>> -> memref<64x128xf32, #tpu.memory_space<vmem>>
        %dma_start3A_331 = arith.constant 0 : i32
        %dma_start3A_332 = tpu.memref_slice %arg7[%add3A_327, %dma_start3A_331] : memref<80x128xi32, #tpu.memory_space<vmem>> -> memref<1x64xi32, #tpu.memory_space<vmem>>
        %dma_start3A_333 = tpu.memref_squeeze %dma_start3A_332 : memref<1x64xi32, #tpu.memory_space<vmem>> -> memref<64xi32, #tpu.memory_space<vmem>>
        %dma_start3A_334 = arith.constant 0 : i32
        %dma_start3A_335 = arith.constant 0 : i32
        %dma_start3A_336 = tpu.memref_slice %arg5[%dma_start3A_334, %dma_start3A_335] : memref<40448x128xf32, #tpu.memory_space<hbm>> -> memref<40448x128xf32, #tpu.memory_space<hbm>>
        tpu.enqueue_indirect_dma source(%dma_start3A_336 : memref<40448x128xf32, #tpu.memory_space<hbm>>) target(%dma_start3A_330 : memref<64x128xf32, #tpu.memory_space<vmem>>) offsets(%dma_start3A_333 : memref<64xi32, #tpu.memory_space<vmem>>) semaphore(%arg10 : memref<!tpu.dma_semaphore, #tpu.memory_space<semaphore_mem>>)
        %dma_start3A_337 = arith.constant 64 : i32
        %dma_start3A_338 = arith.constant 0 : i32
        %dma_start3A_339 = tpu.memref_slice %arg8[%dma_start3A_337, %dma_start3A_338] : memref<128x128xf32, #tpu.memory_space<vmem>> -> memref<64x128xf32, #tpu.memory_space<vmem>>
        %dma_start3A_340 = arith.constant 64 : i32
        %dma_start3A_341 = tpu.memref_slice %arg7[%add3A_327, %dma_start3A_340] : memref<80x128xi32, #tpu.memory_space<vmem>> -> memref<1x64xi32, #tpu.memory_space<vmem>>
        %dma_start3A_342 = tpu.memref_squeeze %dma_start3A_341 : memref<1x64xi32, #tpu.memory_space<vmem>> -> memref<64xi32, #tpu.memory_space<vmem>>
        %dma_start3A_343 = arith.constant 0 : i32
        %dma_start3A_344 = arith.constant 0 : i32
        %dma_start3A_345 = tpu.memref_slice %arg5[%dma_start3A_343, %dma_start3A_344] : memref<40448x128xf32, #tpu.memory_space<hbm>> -> memref<40448x128xf32, #tpu.memory_space<hbm>>
        tpu.enqueue_indirect_dma source(%dma_start3A_345 : memref<40448x128xf32, #tpu.memory_space<hbm>>) target(%dma_start3A_339 : memref<64x128xf32, #tpu.memory_space<vmem>>) offsets(%dma_start3A_342 : memref<64xi32, #tpu.memory_space<vmem>>) semaphore(%arg12 : memref<!tpu.dma_semaphore, #tpu.memory_space<semaphore_mem>>)
      } else {
      }
      %add3A_279 = arith.constant 4 : i32
      %add3A_280 = arith.addi %add3A_247, %add3A_279 : i32
      %lt3A_281 = arith.constant 80 : i32
      %lt3A_282 = arith.cmpi slt, %add3A_280, %lt3A_281 : i32
      %convert_element_type3A_283 = arith.extui %lt3A_282 : i1 to i32
      %cond3A_284 = arith.constant 0 : i32
      %cond3A_285 = arith.cmpi ne, %convert_element_type3A_283, %cond3A_284 : i32
      scf.if %cond3A_285 {
        %add3A_326 = arith.constant 4 : i32
        %add3A_327 = arith.addi %add3A_247, %add3A_326 : i32
        %mul3A_328 = arith.constant 128 : i32
        %mul3A_329 = arith.muli %add3A_327, %mul3A_328 : i32
        %add3A_330 = arith.addi %multiple_of3A_3, %mul3A_329 : i32
        %multiple_of3A_331 = tpu.assume_multiple %add3A_330, 128 : i32
        %dma_start3A_332 = tpu.memref_slice %arg3[%multiple_of3A_331] : memref<163840xi32, #tpu.memory_space<hbm>> -> memref<128xi32, #tpu.memory_space<hbm>>
        %dma_start3A_333 = tpu.memref_slice %arg3[%multiple_of3A_331] : memref<163840xi32, #tpu.memory_space<hbm>> -> memref<128xi32, #tpu.memory_space<hbm>>
        tpu.enqueue_dma source(%dma_start3A_333 : memref<128xi32, #tpu.memory_space<hbm>>) target(%arg16 : memref<128xi32, #tpu.memory_space<vmem>>) target_semaphore(%arg20 : memref<!tpu.dma_semaphore, #tpu.memory_space<semaphore_mem>>)
      } else {
      }
      %add3A_286 = arith.constant 3 : i32
      %add3A_287 = arith.addi %add3A_169, %add3A_286 : i32
      %dma_wait3A_288 = arith.constant 0 : i32
      %dma_wait3A_289 = arith.constant 0 : i32
      %dma_wait3A_290 = arith.constant 0 : i32
      %dma_wait3A_291 = tpu.memref_slice %arg9[%dma_wait3A_289, %dma_wait3A_290] : memref<128x128xf32, #tpu.memory_space<vmem>> -> memref<64x128xf32, #tpu.memory_space<vmem>>
      %dma_wait3A_292 = arith.constant 0 : i32
      %dma_wait3A_293 = tpu.memref_slice %arg7[%dma_wait3A_288, %dma_wait3A_292] : memref<80x128xi32, #tpu.memory_space<vmem>> -> memref<1x64xi32, #tpu.memory_space<vmem>>
      %dma_wait3A_294 = tpu.memref_squeeze %dma_wait3A_293 : memref<1x64xi32, #tpu.memory_space<vmem>> -> memref<64xi32, #tpu.memory_space<vmem>>
      %dma_wait3A_295 = arith.constant 0 : i32
      %dma_wait3A_296 = arith.constant 0 : i32
      %dma_wait3A_297 = tpu.memref_slice %arg5[%dma_wait3A_295, %dma_wait3A_296] : memref<40448x128xf32, #tpu.memory_space<hbm>> -> memref<40448x128xf32, #tpu.memory_space<hbm>>
      tpu.wait_indirect_dma semaphore(%arg11 : memref<!tpu.dma_semaphore, #tpu.memory_space<semaphore_mem>>) src(%dma_wait3A_297 : memref<40448x128xf32, #tpu.memory_space<hbm>>) dst(%dma_wait3A_291 : memref<64x128xf32, #tpu.memory_space<vmem>>)
      %dma_wait3A_298 = arith.constant 0 : i32
      %dma_wait3A_299 = arith.constant 64 : i32
      %dma_wait3A_300 = arith.constant 0 : i32
      %dma_wait3A_301 = tpu.memref_slice %arg9[%dma_wait3A_299, %dma_wait3A_300] : memref<128x128xf32, #tpu.memory_space<vmem>> -> memref<64x128xf32, #tpu.memory_space<vmem>>
      %dma_wait3A_302 = arith.constant 0 : i32
      %dma_wait3A_303 = tpu.memref_slice %arg7[%dma_wait3A_298, %dma_wait3A_302] : memref<80x128xi32, #tpu.memory_space<vmem>> -> memref<1x64xi32, #tpu.memory_space<vmem>>
      %dma_wait3A_304 = tpu.memref_squeeze %dma_wait3A_303 : memref<1x64xi32, #tpu.memory_space<vmem>> -> memref<64xi32, #tpu.memory_space<vmem>>
      %dma_wait3A_305 = arith.constant 0 : i32
      %dma_wait3A_306 = arith.constant 0 : i32
      %dma_wait3A_307 = tpu.memref_slice %arg5[%dma_wait3A_305, %dma_wait3A_306] : memref<40448x128xf32, #tpu.memory_space<hbm>> -> memref<40448x128xf32, #tpu.memory_space<hbm>>
      tpu.wait_indirect_dma semaphore(%arg13 : memref<!tpu.dma_semaphore, #tpu.memory_space<semaphore_mem>>) src(%dma_wait3A_307 : memref<40448x128xf32, #tpu.memory_space<hbm>>) dst(%dma_wait3A_301 : memref<64x128xf32, #tpu.memory_space<vmem>>)
      %dma_wait3A_308 = arith.constant 0 : i32
      %dma_wait3A_309 = tpu.memref_slice %arg3[%dma_wait3A_308] : memref<163840xi32, #tpu.memory_space<hbm>> -> memref<128xi32, #tpu.memory_space<hbm>>
      %dma_wait3A_310 = arith.constant 0 : i32
      %dma_wait3A_311 = tpu.memref_slice %arg3[%dma_wait3A_310] : memref<163840xi32, #tpu.memory_space<hbm>> -> memref<128xi32, #tpu.memory_space<hbm>>
      tpu.wait_dma2 semaphore(%arg21 : memref<!tpu.dma_semaphore, #tpu.memory_space<semaphore_mem>>) src(%dma_wait3A_311 : memref<128xi32, #tpu.memory_space<hbm>>) dst(%arg17 : memref<128xi32, #tpu.memory_space<vmem>>)
      "tpu.region"() ({
        %run_scoped3A = tpu.sem_alloc : memref<!tpu.dma_semaphore, #tpu.memory_space<semaphore_mem>>
        %dma_start3A_326 = arith.constant 0 : i32
        %dma_start3A_327 = arith.constant 0 : i32
        %dma_start3A_328 = tpu.memref_slice %arg22[%dma_start3A_326, %dma_start3A_327] : memref<10112x128xf32, #tpu.memory_space<vmem_shared>> -> memref<10112x128xf32, #tpu.memory_space<vmem_shared>>
        tpu.enqueue_indirect_dma source(%arg9 : memref<128x128xf32, #tpu.memory_space<vmem>>) target(%dma_start3A_328 : memref<10112x128xf32, #tpu.memory_space<vmem_shared>>) offsets(%arg17 : memref<128xi32, #tpu.memory_space<vmem>>) semaphore(%run_scoped3A : memref<!tpu.dma_semaphore, #tpu.memory_space<semaphore_mem>>) {add = true}
        %dma_wait3A_329 = arith.constant 0 : i32
        %dma_wait3A_330 = arith.constant 0 : i32
        %dma_wait3A_331 = tpu.memref_slice %arg22[%dma_wait3A_329, %dma_wait3A_330] : memref<10112x128xf32, #tpu.memory_space<vmem_shared>> -> memref<10112x128xf32, #tpu.memory_space<vmem_shared>>
        tpu.wait_indirect_dma semaphore(%run_scoped3A : memref<!tpu.dma_semaphore, #tpu.memory_space<semaphore_mem>>) src(%arg9 : memref<128x128xf32, #tpu.memory_space<vmem>>) dst(%dma_wait3A_331 : memref<10112x128xf32, #tpu.memory_space<vmem_shared>>)
        tpu.yield
      }) : () -> ()
      %add3A_312 = arith.constant 2 : i32
      %add3A_313 = arith.addi %add3A_287, %add3A_312 : i32
      %lt3A_314 = arith.constant 80 : i32
      %lt3A_315 = arith.cmpi slt, %add3A_313, %lt3A_314 : i32
      %convert_element_type3A_316 = arith.extui %lt3A_315 : i1 to i32
      %cond3A_317 = arith.constant 0 : i32
      %cond3A_318 = arith.cmpi ne, %convert_element_type3A_316, %cond3A_317 : i32
      scf.if %cond3A_318 {
        %add3A_326 = arith.constant 2 : i32
        %add3A_327 = arith.addi %add3A_287, %add3A_326 : i32
        %dma_start3A_328 = arith.constant 0 : i32
        %dma_start3A_329 = arith.constant 0 : i32
        %dma_start3A_330 = tpu.memref_slice %arg9[%dma_start3A_328, %dma_start3A_329] : memref<128x128xf32, #tpu.memory_space<vmem>> -> memref<64x128xf32, #tpu.memory_space<vmem>>
        %dma_start3A_331 = arith.constant 0 : i32
        %dma_start3A_332 = tpu.memref_slice %arg7[%add3A_327, %dma_start3A_331] : memref<80x128xi32, #tpu.memory_space<vmem>> -> memref<1x64xi32, #tpu.memory_space<vmem>>
        %dma_start3A_333 = tpu.memref_squeeze %dma_start3A_332 : memref<1x64xi32, #tpu.memory_space<vmem>> -> memref<64xi32, #tpu.memory_space<vmem>>
        %dma_start3A_334 = arith.constant 0 : i32
        %dma_start3A_335 = arith.constant 0 : i32
        %dma_start3A_336 = tpu.memref_slice %arg5[%dma_start3A_334, %dma_start3A_335] : memref<40448x128xf32, #tpu.memory_space<hbm>> -> memref<40448x128xf32, #tpu.memory_space<hbm>>
        tpu.enqueue_indirect_dma source(%dma_start3A_336 : memref<40448x128xf32, #tpu.memory_space<hbm>>) target(%dma_start3A_330 : memref<64x128xf32, #tpu.memory_space<vmem>>) offsets(%dma_start3A_333 : memref<64xi32, #tpu.memory_space<vmem>>) semaphore(%arg11 : memref<!tpu.dma_semaphore, #tpu.memory_space<semaphore_mem>>)
        %dma_start3A_337 = arith.constant 64 : i32
        %dma_start3A_338 = arith.constant 0 : i32
        %dma_start3A_339 = tpu.memref_slice %arg9[%dma_start3A_337, %dma_start3A_338] : memref<128x128xf32, #tpu.memory_space<vmem>> -> memref<64x128xf32, #tpu.memory_space<vmem>>
        %dma_start3A_340 = arith.constant 64 : i32
        %dma_start3A_341 = tpu.memref_slice %arg7[%add3A_327, %dma_start3A_340] : memref<80x128xi32, #tpu.memory_space<vmem>> -> memref<1x64xi32, #tpu.memory_space<vmem>>
        %dma_start3A_342 = tpu.memref_squeeze %dma_start3A_341 : memref<1x64xi32, #tpu.memory_space<vmem>> -> memref<64xi32, #tpu.memory_space<vmem>>
        %dma_start3A_343 = arith.constant 0 : i32
        %dma_start3A_344 = arith.constant 0 : i32
        %dma_start3A_345 = tpu.memref_slice %arg5[%dma_start3A_343, %dma_start3A_344] : memref<40448x128xf32, #tpu.memory_space<hbm>> -> memref<40448x128xf32, #tpu.memory_space<hbm>>
        tpu.enqueue_indirect_dma source(%dma_start3A_345 : memref<40448x128xf32, #tpu.memory_space<hbm>>) target(%dma_start3A_339 : memref<64x128xf32, #tpu.memory_space<vmem>>) offsets(%dma_start3A_342 : memref<64xi32, #tpu.memory_space<vmem>>) semaphore(%arg13 : memref<!tpu.dma_semaphore, #tpu.memory_space<semaphore_mem>>)
      } else {
      }
      %add3A_319 = arith.constant 4 : i32
      %add3A_320 = arith.addi %add3A_287, %add3A_319 : i32
      %lt3A_321 = arith.constant 80 : i32
      %lt3A_322 = arith.cmpi slt, %add3A_320, %lt3A_321 : i32
      %convert_element_type3A_323 = arith.extui %lt3A_322 : i1 to i32
      %cond3A_324 = arith.constant 0 : i32
      %cond3A_325 = arith.cmpi ne, %convert_element_type3A_323, %cond3A_324 : i32
      scf.if %cond3A_325 {
        %add3A_326 = arith.constant 4 : i32
        %add3A_327 = arith.addi %add3A_287, %add3A_326 : i32
        %mul3A_328 = arith.constant 128 : i32
        %mul3A_329 = arith.muli %add3A_327, %mul3A_328 : i32
        %add3A_330 = arith.addi %multiple_of3A_3, %mul3A_329 : i32
        %multiple_of3A_331 = tpu.assume_multiple %add3A_330, 128 : i32
        %dma_start3A_332 = tpu.memref_slice %arg3[%multiple_of3A_331] : memref<163840xi32, #tpu.memory_space<hbm>> -> memref<128xi32, #tpu.memory_space<hbm>>
        %dma_start3A_333 = tpu.memref_slice %arg3[%multiple_of3A_331] : memref<163840xi32, #tpu.memory_space<hbm>> -> memref<128xi32, #tpu.memory_space<hbm>>
        tpu.enqueue_dma source(%dma_start3A_333 : memref<128xi32, #tpu.memory_space<hbm>>) target(%arg17 : memref<128xi32, #tpu.memory_space<vmem>>) target_semaphore(%arg21 : memref<!tpu.dma_semaphore, #tpu.memory_space<semaphore_mem>>)
      } else {
      }
    }
    %scan3A_159 = arith.constant 20 : i32
    %barrier3A_160 = arith.constant 0 : index
    tpu.barrier barrier_id(%barrier3A_160)
    %mul3A_161 = arith.constant 10112 : i32
    %mul3A_162 = arith.muli %add3A_88, %mul3A_161 : i32
    %add3A_163 = arith.addi %mul3A_162, %multiple_of3A_6 : i32
    %multiple_of3A_164 = tpu.assume_multiple %add3A_163, 8 : i32
    "tpu.region"() ({
      %run_scoped3A = tpu.sem_alloc : memref<!tpu.dma_semaphore, #tpu.memory_space<semaphore_mem>>
      %dma_start3A_165 = arith.constant 0 : i32
      %dma_start3A_166 = tpu.memref_slice %arg6[%multiple_of3A_164, %dma_start3A_165] : memref<40448x128xf32, #tpu.memory_space<hbm>> -> memref<632x128xf32, #tpu.memory_space<hbm>>
      %dma_start3A_167 = arith.constant 0 : i32
      %dma_start3A_168 = tpu.memref_slice %arg22[%multiple_of3A_6, %dma_start3A_167] : memref<10112x128xf32, #tpu.memory_space<vmem_shared>> -> memref<632x128xf32, #tpu.memory_space<vmem_shared>>
      tpu.enqueue_dma source(%dma_start3A_168 : memref<632x128xf32, #tpu.memory_space<vmem_shared>>) target(%dma_start3A_166 : memref<632x128xf32, #tpu.memory_space<hbm>>) target_semaphore(%run_scoped3A : memref<!tpu.dma_semaphore, #tpu.memory_space<semaphore_mem>>)
      %dma_wait3A = arith.constant 0 : i32
      %dma_wait3A_169 = tpu.memref_slice %arg6[%multiple_of3A_164, %dma_wait3A] : memref<40448x128xf32, #tpu.memory_space<hbm>> -> memref<632x128xf32, #tpu.memory_space<hbm>>
      %dma_wait3A_170 = arith.constant 0 : i32
      %dma_wait3A_171 = tpu.memref_slice %arg22[%multiple_of3A_6, %dma_wait3A_170] : memref<10112x128xf32, #tpu.memory_space<vmem_shared>> -> memref<632x128xf32, #tpu.memory_space<vmem_shared>>
      tpu.wait_dma2 semaphore(%run_scoped3A : memref<!tpu.dma_semaphore, #tpu.memory_space<semaphore_mem>>) src(%dma_wait3A_171 : memref<632x128xf32, #tpu.memory_space<vmem_shared>>) dst(%dma_wait3A_169 : memref<632x128xf32, #tpu.memory_space<hbm>>)
      tpu.yield
    }) : () -> ()
    return
  }
}

#map = affine_map<(d0, d1) -> (0, 0)>
#map1 = affine_map<(d0, d1) -> (0)>
module attributes {stable_mosaic.version = 14 : i64} {
  func.func @sc_segment_sum_2(%arg0: i32, %arg1: i32, %arg2: memref<1280x128xi32, #tpu.memory_space<hbm>>, %arg3: memref<163840xi32, #tpu.memory_space<hbm>>, %arg4: memref<10112x128xf32, #tpu.memory_space<hbm>>, %arg5: memref<20224x128xf32, #tpu.memory_space<hbm>>, %arg6: memref<20224x128xf32, #tpu.memory_space<hbm>>, %arg7: memref<80x128xi32, #tpu.memory_space<vmem>>, %arg8: memref<128x128xf32, #tpu.memory_space<vmem>>, %arg9: memref<128x128xf32, #tpu.memory_space<vmem>>, %arg10: memref<!tpu.dma_semaphore, #tpu.memory_space<semaphore_mem>>, %arg11: memref<!tpu.dma_semaphore, #tpu.memory_space<semaphore_mem>>, %arg12: memref<!tpu.dma_semaphore, #tpu.memory_space<semaphore_mem>>, %arg13: memref<!tpu.dma_semaphore, #tpu.memory_space<semaphore_mem>>, %arg14: memref<128xi32, #tpu.memory_space<vmem>>, %arg15: memref<128xi32, #tpu.memory_space<vmem>>, %arg16: memref<128xi32, #tpu.memory_space<vmem>>, %arg17: memref<128xi32, #tpu.memory_space<vmem>>, %arg18: memref<!tpu.dma_semaphore, #tpu.memory_space<semaphore_mem>>, %arg19: memref<!tpu.dma_semaphore, #tpu.memory_space<semaphore_mem>>, %arg20: memref<!tpu.dma_semaphore, #tpu.memory_space<semaphore_mem>>, %arg21: memref<!tpu.dma_semaphore, #tpu.memory_space<semaphore_mem>>, %arg22: memref<10112x128xf32, #tpu.memory_space<vmem_shared>>) attributes {dimension_semantics = [#tpu.dimension_semantics<core_parallel>, #tpu.dimension_semantics<subcore_parallel>], iteration_bounds = array<i64: 2, 16>, scalar_prefetch = 0 : i64, scratch_operands = 16 : i64, tpu.core_type = #tpu.core_type<sc_vector_subcore>, window_params = [{transform_indices = #map}, {transform_indices = #map1}, {transform_indices = #map}, {transform_indices = #map}, {transform_indices = #map}]} {
    %mul3A = arith.constant 80 : i32
    %mul3A_0 = arith.muli %arg1, %mul3A : i32
    %multiple_of3A = tpu.assume_multiple %mul3A_0, 8 : i32
    %mul3A_1 = arith.constant 10240 : i32
    %mul3A_2 = arith.muli %arg1, %mul3A_1 : i32
    %multiple_of3A_3 = tpu.assume_multiple %mul3A_2, 128 : i32
    %mul3A_4 = arith.constant 632 : i32
    %mul3A_5 = arith.muli %arg1, %mul3A_4 : i32
    %multiple_of3A_6 = tpu.assume_multiple %mul3A_5, 8 : i32
    "tpu.region"() ({
      %run_scoped3A = tpu.sem_alloc : memref<!tpu.dma_semaphore, #tpu.memory_space<semaphore_mem>>
      %dma_start3A_85 = arith.constant 0 : i32
      %dma_start3A_86 = tpu.memref_slice %arg2[%multiple_of3A, %dma_start3A_85] : memref<1280x128xi32, #tpu.memory_space<hbm>> -> memref<80x128xi32, #tpu.memory_space<hbm>>
      %dma_start3A_87 = arith.constant 0 : i32
      %dma_start3A_88 = tpu.memref_slice %arg2[%multiple_of3A, %dma_start3A_87] : memref<1280x128xi32, #tpu.memory_space<hbm>> -> memref<80x128xi32, #tpu.memory_space<hbm>>
      tpu.enqueue_dma source(%dma_start3A_88 : memref<80x128xi32, #tpu.memory_space<hbm>>) target(%arg7 : memref<80x128xi32, #tpu.memory_space<vmem>>) target_semaphore(%run_scoped3A : memref<!tpu.dma_semaphore, #tpu.memory_space<semaphore_mem>>)
      %dma_wait3A = arith.constant 0 : i32
      %dma_wait3A_89 = tpu.memref_slice %arg2[%multiple_of3A, %dma_wait3A] : memref<1280x128xi32, #tpu.memory_space<hbm>> -> memref<80x128xi32, #tpu.memory_space<hbm>>
      %dma_wait3A_90 = arith.constant 0 : i32
      %dma_wait3A_91 = tpu.memref_slice %arg2[%multiple_of3A, %dma_wait3A_90] : memref<1280x128xi32, #tpu.memory_space<hbm>> -> memref<80x128xi32, #tpu.memory_space<hbm>>
      tpu.wait_dma2 semaphore(%run_scoped3A : memref<!tpu.dma_semaphore, #tpu.memory_space<semaphore_mem>>) src(%dma_wait3A_91 : memref<80x128xi32, #tpu.memory_space<hbm>>) dst(%arg7 : memref<80x128xi32, #tpu.memory_space<vmem>>)
      tpu.yield
    }) : () -> ()
    %mul3A_7 = arith.constant 1 : i32
    %mul3A_8 = arith.muli %arg0, %mul3A_7 : i32
    %add3A = arith.constant 0 : i32
    %add3A_9 = arith.addi %mul3A_8, %add3A : i32
    %mul3A_10 = arith.constant 10112 : i32
    %mul3A_11 = arith.muli %arg0, %mul3A_10 : i32
    %scan3A = arith.constant 0 : i32
    %scan3A_12 = arith.constant 80 : i32
    %scan3A_13 = arith.addi %scan3A, %scan3A_12 : i32
    %scan3A_14 = arith.constant 1 : i32
    scf.for %scan3A_85 = %scan3A to %scan3A_13 step %scan3A_14  : i32 {
      %mul3A_86 = arith.constant 1 : i32
      %mul3A_87 = arith.muli %scan3A_85, %mul3A_86 : i32
      %add3A_88 = arith.constant 0 : i32
      %add3A_89 = arith.addi %add3A_88, %mul3A_87 : i32
      %get3A = arith.index_cast %add3A_89 : i32 to index
      %get3A_90 = arith.constant 0 : index
      %get3A_91 = tpu.vector_load %arg7[%get3A, %get3A_90] {strides = array<i32>} : memref<80x128xi32, #tpu.memory_space<vmem>>, vector<1x16xi32>,
      %get3A_92 = vector.shape_cast %get3A_91 : vector<1x16xi32> to vector<16xi32>
      %add3A_93 = vector.broadcast %mul3A_11 : i32 to vector<16xi32>
      %add3A_94 = arith.addi %get3A_92, %add3A_93 : vector<16xi32>
      %swap3A = arith.index_cast %add3A_89 : i32 to index
      %swap3A_95 = arith.constant 0 : index
      %swap3A_96 = tpu.vector_load %arg7[%swap3A, %swap3A_95] {strides = array<i32>} : memref<80x128xi32, #tpu.memory_space<vmem>>, vector<1x16xi32>,
      %swap3A_97 = vector.shape_cast %swap3A_96 : vector<1x16xi32> to vector<16xi32>
      %swap3A_98 = vector.shape_cast %add3A_94 : vector<16xi32> to vector<1x16xi32>
      tpu.vector_store %arg7[%swap3A, %swap3A_95], %swap3A_98 {strides = array<i32>} : memref<80x128xi32, #tpu.memory_space<vmem>>, vector<1x16xi32>,
      %get3A_99 = arith.index_cast %add3A_89 : i32 to index
      %get3A_100 = arith.constant 16 : index
      %get3A_101 = tpu.vector_load %arg7[%get3A_99, %get3A_100] {strides = array<i32>} : memref<80x128xi32, #tpu.memory_space<vmem>>, vector<1x16xi32>,
      %get3A_102 = vector.shape_cast %get3A_101 : vector<1x16xi32> to vector<16xi32>
      %add3A_103 = vector.broadcast %mul3A_11 : i32 to vector<16xi32>
      %add3A_104 = arith.addi %get3A_102, %add3A_103 : vector<16xi32>
      %swap3A_105 = arith.index_cast %add3A_89 : i32 to index
      %swap3A_106 = arith.constant 16 : index
      %swap3A_107 = tpu.vector_load %arg7[%swap3A_105, %swap3A_106] {strides = array<i32>} : memref<80x128xi32, #tpu.memory_space<vmem>>, vector<1x16xi32>,
      %swap3A_108 = vector.shape_cast %swap3A_107 : vector<1x16xi32> to vector<16xi32>
      %swap3A_109 = vector.shape_cast %add3A_104 : vector<16xi32> to vector<1x16xi32>
      tpu.vector_store %arg7[%swap3A_105, %swap3A_106], %swap3A_109 {strides = array<i32>} : memref<80x128xi32, #tpu.memory_space<vmem>>, vector<1x16xi32>,
      %get3A_110 = arith.index_cast %add3A_89 : i32 to index
      %get3A_111 = arith.constant 32 : index
      %get3A_112 = tpu.vector_load %arg7[%get3A_110, %get3A_111] {strides = array<i32>} : memref<80x128xi32, #tpu.memory_space<vmem>>, vector<1x16xi32>,
      %get3A_113 = vector.shape_cast %get3A_112 : vector<1x16xi32> to vector<16xi32>
      %add3A_114 = vector.broadcast %mul3A_11 : i32 to vector<16xi32>
      %add3A_115 = arith.addi %get3A_113, %add3A_114 : vector<16xi32>
      %swap3A_116 = arith.index_cast %add3A_89 : i32 to index
      %swap3A_117 = arith.constant 32 : index
      %swap3A_118 = tpu.vector_load %arg7[%swap3A_116, %swap3A_117] {strides = array<i32>} : memref<80x128xi32, #tpu.memory_space<vmem>>, vector<1x16xi32>,
      %swap3A_119 = vector.shape_cast %swap3A_118 : vector<1x16xi32> to vector<16xi32>
      %swap3A_120 = vector.shape_cast %add3A_115 : vector<16xi32> to vector<1x16xi32>
      tpu.vector_store %arg7[%swap3A_116, %swap3A_117], %swap3A_120 {strides = array<i32>} : memref<80x128xi32, #tpu.memory_space<vmem>>, vector<1x16xi32>,
      %get3A_121 = arith.index_cast %add3A_89 : i32 to index
      %get3A_122 = arith.constant 48 : index
      %get3A_123 = tpu.vector_load %arg7[%get3A_121, %get3A_122] {strides = array<i32>} : memref<80x128xi32, #tpu.memory_space<vmem>>, vector<1x16xi32>,
      %get3A_124 = vector.shape_cast %get3A_123 : vector<1x16xi32> to vector<16xi32>
      %add3A_125 = vector.broadcast %mul3A_11 : i32 to vector<16xi32>
      %add3A_126 = arith.addi %get3A_124, %add3A_125 : vector<16xi32>
      %swap3A_127 = arith.index_cast %add3A_89 : i32 to index
      %swap3A_128 = arith.constant 48 : index
      %swap3A_129 = tpu.vector_load %arg7[%swap3A_127, %swap3A_128] {strides = array<i32>} : memref<80x128xi32, #tpu.memory_space<vmem>>, vector<1x16xi32>,
      %swap3A_130 = vector.shape_cast %swap3A_129 : vector<1x16xi32> to vector<16xi32>
      %swap3A_131 = vector.shape_cast %add3A_126 : vector<16xi32> to vector<1x16xi32>
      tpu.vector_store %arg7[%swap3A_127, %swap3A_128], %swap3A_131 {strides = array<i32>} : memref<80x128xi32, #tpu.memory_space<vmem>>, vector<1x16xi32>,
      %get3A_132 = arith.index_cast %add3A_89 : i32 to index
      %get3A_133 = arith.constant 64 : index
      %get3A_134 = tpu.vector_load %arg7[%get3A_132, %get3A_133] {strides = array<i32>} : memref<80x128xi32, #tpu.memory_space<vmem>>, vector<1x16xi32>,
      %get3A_135 = vector.shape_cast %get3A_134 : vector<1x16xi32> to vector<16xi32>
      %add3A_136 = vector.broadcast %mul3A_11 : i32 to vector<16xi32>
      %add3A_137 = arith.addi %get3A_135, %add3A_136 : vector<16xi32>
      %swap3A_138 = arith.index_cast %add3A_89 : i32 to index
      %swap3A_139 = arith.constant 64 : index
      %swap3A_140 = tpu.vector_load %arg7[%swap3A_138, %swap3A_139] {strides = array<i32>} : memref<80x128xi32, #tpu.memory_space<vmem>>, vector<1x16xi32>,
      %swap3A_141 = vector.shape_cast %swap3A_140 : vector<1x16xi32> to vector<16xi32>
      %swap3A_142 = vector.shape_cast %add3A_137 : vector<16xi32> to vector<1x16xi32>
      tpu.vector_store %arg7[%swap3A_138, %swap3A_139], %swap3A_142 {strides = array<i32>} : memref<80x128xi32, #tpu.memory_space<vmem>>, vector<1x16xi32>,
      %get3A_143 = arith.index_cast %add3A_89 : i32 to index
      %get3A_144 = arith.constant 80 : index
      %get3A_145 = tpu.vector_load %arg7[%get3A_143, %get3A_144] {strides = array<i32>} : memref<80x128xi32, #tpu.memory_space<vmem>>, vector<1x16xi32>,
      %get3A_146 = vector.shape_cast %get3A_145 : vector<1x16xi32> to vector<16xi32>
      %add3A_147 = vector.broadcast %mul3A_11 : i32 to vector<16xi32>
      %add3A_148 = arith.addi %get3A_146, %add3A_147 : vector<16xi32>
      %swap3A_149 = arith.index_cast %add3A_89 : i32 to index
      %swap3A_150 = arith.constant 80 : index
      %swap3A_151 = tpu.vector_load %arg7[%swap3A_149, %swap3A_150] {strides = array<i32>} : memref<80x128xi32, #tpu.memory_space<vmem>>, vector<1x16xi32>,
      %swap3A_152 = vector.shape_cast %swap3A_151 : vector<1x16xi32> to vector<16xi32>
      %swap3A_153 = vector.shape_cast %add3A_148 : vector<16xi32> to vector<1x16xi32>
      tpu.vector_store %arg7[%swap3A_149, %swap3A_150], %swap3A_153 {strides = array<i32>} : memref<80x128xi32, #tpu.memory_space<vmem>>, vector<1x16xi32>,
      %get3A_154 = arith.index_cast %add3A_89 : i32 to index
      %get3A_155 = arith.constant 96 : index
      %get3A_156 = tpu.vector_load %arg7[%get3A_154, %get3A_155] {strides = array<i32>} : memref<80x128xi32, #tpu.memory_space<vmem>>, vector<1x16xi32>,
      %get3A_157 = vector.shape_cast %get3A_156 : vector<1x16xi32> to vector<16xi32>
      %add3A_158 = vector.broadcast %mul3A_11 : i32 to vector<16xi32>
      %add3A_159 = arith.addi %get3A_157, %add3A_158 : vector<16xi32>
      %swap3A_160 = arith.index_cast %add3A_89 : i32 to index
      %swap3A_161 = arith.constant 96 : index
      %swap3A_162 = tpu.vector_load %arg7[%swap3A_160, %swap3A_161] {strides = array<i32>} : memref<80x128xi32, #tpu.memory_space<vmem>>, vector<1x16xi32>,
      %swap3A_163 = vector.shape_cast %swap3A_162 : vector<1x16xi32> to vector<16xi32>
      %swap3A_164 = vector.shape_cast %add3A_159 : vector<16xi32> to vector<1x16xi32>
      tpu.vector_store %arg7[%swap3A_160, %swap3A_161], %swap3A_164 {strides = array<i32>} : memref<80x128xi32, #tpu.memory_space<vmem>>, vector<1x16xi32>,
      %get3A_165 = arith.index_cast %add3A_89 : i32 to index
      %get3A_166 = arith.constant 112 : index
      %get3A_167 = tpu.vector_load %arg7[%get3A_165, %get3A_166] {strides = array<i32>} : memref<80x128xi32, #tpu.memory_space<vmem>>, vector<1x16xi32>,
      %get3A_168 = vector.shape_cast %get3A_167 : vector<1x16xi32> to vector<16xi32>
      %add3A_169 = vector.broadcast %mul3A_11 : i32 to vector<16xi32>
      %add3A_170 = arith.addi %get3A_168, %add3A_169 : vector<16xi32>
      %swap3A_171 = arith.index_cast %add3A_89 : i32 to index
      %swap3A_172 = arith.constant 112 : index
      %swap3A_173 = tpu.vector_load %arg7[%swap3A_171, %swap3A_172] {strides = array<i32>} : memref<80x128xi32, #tpu.memory_space<vmem>>, vector<1x16xi32>,
      %swap3A_174 = vector.shape_cast %swap3A_173 : vector<1x16xi32> to vector<16xi32>
      %swap3A_175 = vector.shape_cast %add3A_170 : vector<16xi32> to vector<1x16xi32>
      tpu.vector_store %arg7[%swap3A_171, %swap3A_172], %swap3A_175 {strides = array<i32>} : memref<80x128xi32, #tpu.memory_space<vmem>>, vector<1x16xi32>,
    }
    %scan3A_15 = arith.constant 80 : i32
    "tpu.region"() ({
      %run_scoped3A = tpu.sem_alloc : memref<!tpu.dma_semaphore, #tpu.memory_space<semaphore_mem>>
      %dma_start3A_85 = arith.constant 0 : i32
      %dma_start3A_86 = tpu.memref_slice %arg22[%multiple_of3A_6, %dma_start3A_85] : memref<10112x128xf32, #tpu.memory_space<vmem_shared>> -> memref<632x128xf32, #tpu.memory_space<vmem_shared>>
      %dma_start3A_87 = arith.constant 0 : i32
      %dma_start3A_88 = tpu.memref_slice %arg4[%multiple_of3A_6, %dma_start3A_87] : memref<10112x128xf32, #tpu.memory_space<hbm>> -> memref<632x128xf32, #tpu.memory_space<hbm>>
      tpu.enqueue_dma source(%dma_start3A_88 : memref<632x128xf32, #tpu.memory_space<hbm>>) target(%dma_start3A_86 : memref<632x128xf32, #tpu.memory_space<vmem_shared>>) target_semaphore(%run_scoped3A : memref<!tpu.dma_semaphore, #tpu.memory_space<semaphore_mem>>)
      %dma_wait3A = arith.constant 0 : i32
      %dma_wait3A_89 = tpu.memref_slice %arg22[%multiple_of3A_6, %dma_wait3A] : memref<10112x128xf32, #tpu.memory_space<vmem_shared>> -> memref<632x128xf32, #tpu.memory_space<vmem_shared>>
      %dma_wait3A_90 = arith.constant 0 : i32
      %dma_wait3A_91 = tpu.memref_slice %arg4[%multiple_of3A_6, %dma_wait3A_90] : memref<10112x128xf32, #tpu.memory_space<hbm>> -> memref<632x128xf32, #tpu.memory_space<hbm>>
      tpu.wait_dma2 semaphore(%run_scoped3A : memref<!tpu.dma_semaphore, #tpu.memory_space<semaphore_mem>>) src(%dma_wait3A_91 : memref<632x128xf32, #tpu.memory_space<hbm>>) dst(%dma_wait3A_89 : memref<632x128xf32, #tpu.memory_space<vmem_shared>>)
      tpu.yield
    }) : () -> ()
    %barrier3A = arith.constant 0 : index
    tpu.barrier barrier_id(%barrier3A)
    %add3A_16 = arith.constant 0 : i32
    %add3A_17 = arith.addi %multiple_of3A_3, %add3A_16 : i32
    %multiple_of3A_18 = tpu.assume_multiple %add3A_17, 128 : i32
    %dma_start3A = tpu.memref_slice %arg3[%multiple_of3A_18] : memref<163840xi32, #tpu.memory_space<hbm>> -> memref<128xi32, #tpu.memory_space<hbm>>
    %dma_start3A_19 = tpu.memref_slice %arg3[%multiple_of3A_18] : memref<163840xi32, #tpu.memory_space<hbm>> -> memref<128xi32, #tpu.memory_space<hbm>>
    tpu.enqueue_dma source(%dma_start3A_19 : memref<128xi32, #tpu.memory_space<hbm>>) target(%arg14 : memref<128xi32, #tpu.memory_space<vmem>>) target_semaphore(%arg18 : memref<!tpu.dma_semaphore, #tpu.memory_space<semaphore_mem>>)
    %add3A_20 = arith.constant 128 : i32
    %add3A_21 = arith.addi %multiple_of3A_3, %add3A_20 : i32
    %multiple_of3A_22 = tpu.assume_multiple %add3A_21, 128 : i32
    %dma_start3A_23 = tpu.memref_slice %arg3[%multiple_of3A_22] : memref<163840xi32, #tpu.memory_space<hbm>> -> memref<128xi32, #tpu.memory_space<hbm>>
    %dma_start3A_24 = tpu.memref_slice %arg3[%multiple_of3A_22] : memref<163840xi32, #tpu.memory_space<hbm>> -> memref<128xi32, #tpu.memory_space<hbm>>
    tpu.enqueue_dma source(%dma_start3A_24 : memref<128xi32, #tpu.memory_space<hbm>>) target(%arg15 : memref<128xi32, #tpu.memory_space<vmem>>) target_semaphore(%arg19 : memref<!tpu.dma_semaphore, #tpu.memory_space<semaphore_mem>>)
    %add3A_25 = arith.constant 256 : i32
    %add3A_26 = arith.addi %multiple_of3A_3, %add3A_25 : i32
    %multiple_of3A_27 = tpu.assume_multiple %add3A_26, 128 : i32
    %dma_start3A_28 = tpu.memref_slice %arg3[%multiple_of3A_27] : memref<163840xi32, #tpu.memory_space<hbm>> -> memref<128xi32, #tpu.memory_space<hbm>>
    %dma_start3A_29 = tpu.memref_slice %arg3[%multiple_of3A_27] : memref<163840xi32, #tpu.memory_space<hbm>> -> memref<128xi32, #tpu.memory_space<hbm>>
    tpu.enqueue_dma source(%dma_start3A_29 : memref<128xi32, #tpu.memory_space<hbm>>) target(%arg16 : memref<128xi32, #tpu.memory_space<vmem>>) target_semaphore(%arg20 : memref<!tpu.dma_semaphore, #tpu.memory_space<semaphore_mem>>)
    %add3A_30 = arith.constant 384 : i32
    %add3A_31 = arith.addi %multiple_of3A_3, %add3A_30 : i32
    %multiple_of3A_32 = tpu.assume_multiple %add3A_31, 128 : i32
    %dma_start3A_33 = tpu.memref_slice %arg3[%multiple_of3A_32] : memref<163840xi32, #tpu.memory_space<hbm>> -> memref<128xi32, #tpu.memory_space<hbm>>
    %dma_start3A_34 = tpu.memref_slice %arg3[%multiple_of3A_32] : memref<163840xi32, #tpu.memory_space<hbm>> -> memref<128xi32, #tpu.memory_space<hbm>>
    tpu.enqueue_dma source(%dma_start3A_34 : memref<128xi32, #tpu.memory_space<hbm>>) target(%arg17 : memref<128xi32, #tpu.memory_space<vmem>>) target_semaphore(%arg21 : memref<!tpu.dma_semaphore, #tpu.memory_space<semaphore_mem>>)
    %dma_start3A_35 = arith.constant 0 : i32
    %dma_start3A_36 = arith.constant 0 : i32
    %dma_start3A_37 = arith.constant 0 : i32
    %dma_start3A_38 = tpu.memref_slice %arg8[%dma_start3A_36, %dma_start3A_37] : memref<128x128xf32, #tpu.memory_space<vmem>> -> memref<64x128xf32, #tpu.memory_space<vmem>>
    %dma_start3A_39 = arith.constant 0 : i32
    %dma_start3A_40 = tpu.memref_slice %arg7[%dma_start3A_35, %dma_start3A_39] : memref<80x128xi32, #tpu.memory_space<vmem>> -> memref<1x64xi32, #tpu.memory_space<vmem>>
    %dma_start3A_41 = tpu.memref_squeeze %dma_start3A_40 : memref<1x64xi32, #tpu.memory_space<vmem>> -> memref<64xi32, #tpu.memory_space<vmem>>
    %dma_start3A_42 = arith.constant 0 : i32
    %dma_start3A_43 = arith.constant 0 : i32
    %dma_start3A_44 = tpu.memref_slice %arg5[%dma_start3A_42, %dma_start3A_43] : memref<20224x128xf32, #tpu.memory_space<hbm>> -> memref<20224x128xf32, #tpu.memory_space<hbm>>
    tpu.enqueue_indirect_dma source(%dma_start3A_44 : memref<20224x128xf32, #tpu.memory_space<hbm>>) target(%dma_start3A_38 : memref<64x128xf32, #tpu.memory_space<vmem>>) offsets(%dma_start3A_41 : memref<64xi32, #tpu.memory_space<vmem>>) semaphore(%arg10 : memref<!tpu.dma_semaphore, #tpu.memory_space<semaphore_mem>>)
    %dma_start3A_45 = arith.constant 0 : i32
    %dma_start3A_46 = arith.constant 64 : i32
    %dma_start3A_47 = arith.constant 0 : i32
    %dma_start3A_48 = tpu.memref_slice %arg8[%dma_start3A_46, %dma_start3A_47] : memref<128x128xf32, #tpu.memory_space<vmem>> -> memref<64x128xf32, #tpu.memory_space<vmem>>
    %dma_start3A_49 = arith.constant 64 : i32
    %dma_start3A_50 = tpu.memref_slice %arg7[%dma_start3A_45, %dma_start3A_49] : memref<80x128xi32, #tpu.memory_space<vmem>> -> memref<1x64xi32, #tpu.memory_space<vmem>>
    %dma_start3A_51 = tpu.memref_squeeze %dma_start3A_50 : memref<1x64xi32, #tpu.memory_space<vmem>> -> memref<64xi32, #tpu.memory_space<vmem>>
    %dma_start3A_52 = arith.constant 0 : i32
    %dma_start3A_53 = arith.constant 0 : i32
    %dma_start3A_54 = tpu.memref_slice %arg5[%dma_start3A_52, %dma_start3A_53] : memref<20224x128xf32, #tpu.memory_space<hbm>> -> memref<20224x128xf32, #tpu.memory_space<hbm>>
    tpu.enqueue_indirect_dma source(%dma_start3A_54 : memref<20224x128xf32, #tpu.memory_space<hbm>>) target(%dma_start3A_48 : memref<64x128xf32, #tpu.memory_space<vmem>>) offsets(%dma_start3A_51 : memref<64xi32, #tpu.memory_space<vmem>>) semaphore(%arg12 : memref<!tpu.dma_semaphore, #tpu.memory_space<semaphore_mem>>)
    %dma_start3A_55 = arith.constant 1 : i32
    %dma_start3A_56 = arith.constant 0 : i32
    %dma_start3A_57 = arith.constant 0 : i32
    %dma_start3A_58 = tpu.memref_slice %arg9[%dma_start3A_56, %dma_start3A_57] : memref<128x128xf32, #tpu.memory_space<vmem>> -> memref<64x128xf32, #tpu.memory_space<vmem>>
    %dma_start3A_59 = arith.constant 0 : i32
    %dma_start3A_60 = tpu.memref_slice %arg7[%dma_start3A_55, %dma_start3A_59] : memref<80x128xi32, #tpu.memory_space<vmem>> -> memref<1x64xi32, #tpu.memory_space<vmem>>
    %dma_start3A_61 = tpu.memref_squeeze %dma_start3A_60 : memref<1x64xi32, #tpu.memory_space<vmem>> -> memref<64xi32, #tpu.memory_space<vmem>>
    %dma_start3A_62 = arith.constant 0 : i32
    %dma_start3A_63 = arith.constant 0 : i32
    %dma_start3A_64 = tpu.memref_slice %arg5[%dma_start3A_62, %dma_start3A_63] : memref<20224x128xf32, #tpu.memory_space<hbm>> -> memref<20224x128xf32, #tpu.memory_space<hbm>>
    tpu.enqueue_indirect_dma source(%dma_start3A_64 : memref<20224x128xf32, #tpu.memory_space<hbm>>) target(%dma_start3A_58 : memref<64x128xf32, #tpu.memory_space<vmem>>) offsets(%dma_start3A_61 : memref<64xi32, #tpu.memory_space<vmem>>) semaphore(%arg11 : memref<!tpu.dma_semaphore, #tpu.memory_space<semaphore_mem>>)
    %dma_start3A_65 = arith.constant 1 : i32
    %dma_start3A_66 = arith.constant 64 : i32
    %dma_start3A_67 = arith.constant 0 : i32
    %dma_start3A_68 = tpu.memref_slice %arg9[%dma_start3A_66, %dma_start3A_67] : memref<128x128xf32, #tpu.memory_space<vmem>> -> memref<64x128xf32, #tpu.memory_space<vmem>>
    %dma_start3A_69 = arith.constant 64 : i32
    %dma_start3A_70 = tpu.memref_slice %arg7[%dma_start3A_65, %dma_start3A_69] : memref<80x128xi32, #tpu.memory_space<vmem>> -> memref<1x64xi32, #tpu.memory_space<vmem>>
    %dma_start3A_71 = tpu.memref_squeeze %dma_start3A_70 : memref<1x64xi32, #tpu.memory_space<vmem>> -> memref<64xi32, #tpu.memory_space<vmem>>
    %dma_start3A_72 = arith.constant 0 : i32
    %dma_start3A_73 = arith.constant 0 : i32
    %dma_start3A_74 = tpu.memref_slice %arg5[%dma_start3A_72, %dma_start3A_73] : memref<20224x128xf32, #tpu.memory_space<hbm>> -> memref<20224x128xf32, #tpu.memory_space<hbm>>
    tpu.enqueue_indirect_dma source(%dma_start3A_74 : memref<20224x128xf32, #tpu.memory_space<hbm>>) target(%dma_start3A_68 : memref<64x128xf32, #tpu.memory_space<vmem>>) offsets(%dma_start3A_71 : memref<64xi32, #tpu.memory_space<vmem>>) semaphore(%arg13 : memref<!tpu.dma_semaphore, #tpu.memory_space<semaphore_mem>>)
    %scan3A_75 = arith.constant 0 : i32
    %scan3A_76 = arith.constant 20 : i32
    %scan3A_77 = arith.addi %scan3A_75, %scan3A_76 : i32
    %scan3A_78 = arith.constant 1 : i32
    scf.for %scan3A_85 = %scan3A_75 to %scan3A_77 step %scan3A_78  : i32 {
      %mul3A_86 = arith.constant 4 : i32
      %mul3A_87 = arith.muli %scan3A_85, %mul3A_86 : i32
      %add3A_88 = arith.constant 0 : i32
      %add3A_89 = arith.addi %add3A_88, %mul3A_87 : i32
      %add3A_90 = arith.constant 0 : i32
      %add3A_91 = arith.addi %add3A_89, %add3A_90 : i32
      %dma_wait3A = arith.constant 0 : i32
      %dma_wait3A_92 = arith.constant 0 : i32
      %dma_wait3A_93 = arith.constant 0 : i32
      %dma_wait3A_94 = tpu.memref_slice %arg8[%dma_wait3A_92, %dma_wait3A_93] : memref<128x128xf32, #tpu.memory_space<vmem>> -> memref<64x128xf32, #tpu.memory_space<vmem>>
      %dma_wait3A_95 = arith.constant 0 : i32
      %dma_wait3A_96 = tpu.memref_slice %arg7[%dma_wait3A, %dma_wait3A_95] : memref<80x128xi32, #tpu.memory_space<vmem>> -> memref<1x64xi32, #tpu.memory_space<vmem>>
      %dma_wait3A_97 = tpu.memref_squeeze %dma_wait3A_96 : memref<1x64xi32, #tpu.memory_space<vmem>> -> memref<64xi32, #tpu.memory_space<vmem>>
      %dma_wait3A_98 = arith.constant 0 : i32
      %dma_wait3A_99 = arith.constant 0 : i32
      %dma_wait3A_100 = tpu.memref_slice %arg5[%dma_wait3A_98, %dma_wait3A_99] : memref<20224x128xf32, #tpu.memory_space<hbm>> -> memref<20224x128xf32, #tpu.memory_space<hbm>>
      tpu.wait_indirect_dma semaphore(%arg10 : memref<!tpu.dma_semaphore, #tpu.memory_space<semaphore_mem>>) src(%dma_wait3A_100 : memref<20224x128xf32, #tpu.memory_space<hbm>>) dst(%dma_wait3A_94 : memref<64x128xf32, #tpu.memory_space<vmem>>)
      %dma_wait3A_101 = arith.constant 0 : i32
      %dma_wait3A_102 = arith.constant 64 : i32
      %dma_wait3A_103 = arith.constant 0 : i32
      %dma_wait3A_104 = tpu.memref_slice %arg8[%dma_wait3A_102, %dma_wait3A_103] : memref<128x128xf32, #tpu.memory_space<vmem>> -> memref<64x128xf32, #tpu.memory_space<vmem>>
      %dma_wait3A_105 = arith.constant 0 : i32
      %dma_wait3A_106 = tpu.memref_slice %arg7[%dma_wait3A_101, %dma_wait3A_105] : memref<80x128xi32, #tpu.memory_space<vmem>> -> memref<1x64xi32, #tpu.memory_space<vmem>>
      %dma_wait3A_107 = tpu.memref_squeeze %dma_wait3A_106 : memref<1x64xi32, #tpu.memory_space<vmem>> -> memref<64xi32, #tpu.memory_space<vmem>>
      %dma_wait3A_108 = arith.constant 0 : i32
      %dma_wait3A_109 = arith.constant 0 : i32
      %dma_wait3A_110 = tpu.memref_slice %arg5[%dma_wait3A_108, %dma_wait3A_109] : memref<20224x128xf32, #tpu.memory_space<hbm>> -> memref<20224x128xf32, #tpu.memory_space<hbm>>
      tpu.wait_indirect_dma semaphore(%arg12 : memref<!tpu.dma_semaphore, #tpu.memory_space<semaphore_mem>>) src(%dma_wait3A_110 : memref<20224x128xf32, #tpu.memory_space<hbm>>) dst(%dma_wait3A_104 : memref<64x128xf32, #tpu.memory_space<vmem>>)
      %dma_wait3A_111 = arith.constant 0 : i32
      %dma_wait3A_112 = tpu.memref_slice %arg3[%dma_wait3A_111] : memref<163840xi32, #tpu.memory_space<hbm>> -> memref<128xi32, #tpu.memory_space<hbm>>
      %dma_wait3A_113 = arith.constant 0 : i32
      %dma_wait3A_114 = tpu.memref_slice %arg3[%dma_wait3A_113] : memref<163840xi32, #tpu.memory_space<hbm>> -> memref<128xi32, #tpu.memory_space<hbm>>
      tpu.wait_dma2 semaphore(%arg18 : memref<!tpu.dma_semaphore, #tpu.memory_space<semaphore_mem>>) src(%dma_wait3A_114 : memref<128xi32, #tpu.memory_space<hbm>>) dst(%arg14 : memref<128xi32, #tpu.memory_space<vmem>>)
      "tpu.region"() ({
        %run_scoped3A = tpu.sem_alloc : memref<!tpu.dma_semaphore, #tpu.memory_space<semaphore_mem>>
        %dma_start3A_246 = arith.constant 0 : i32
        %dma_start3A_247 = arith.constant 0 : i32
        %dma_start3A_248 = tpu.memref_slice %arg22[%dma_start3A_246, %dma_start3A_247] : memref<10112x128xf32, #tpu.memory_space<vmem_shared>> -> memref<10112x128xf32, #tpu.memory_space<vmem_shared>>
        tpu.enqueue_indirect_dma source(%arg8 : memref<128x128xf32, #tpu.memory_space<vmem>>) target(%dma_start3A_248 : memref<10112x128xf32, #tpu.memory_space<vmem_shared>>) offsets(%arg14 : memref<128xi32, #tpu.memory_space<vmem>>) semaphore(%run_scoped3A : memref<!tpu.dma_semaphore, #tpu.memory_space<semaphore_mem>>) {add = true}
        %dma_wait3A_249 = arith.constant 0 : i32
        %dma_wait3A_250 = arith.constant 0 : i32
        %dma_wait3A_251 = tpu.memref_slice %arg22[%dma_wait3A_249, %dma_wait3A_250] : memref<10112x128xf32, #tpu.memory_space<vmem_shared>> -> memref<10112x128xf32, #tpu.memory_space<vmem_shared>>
        tpu.wait_indirect_dma semaphore(%run_scoped3A : memref<!tpu.dma_semaphore, #tpu.memory_space<semaphore_mem>>) src(%arg8 : memref<128x128xf32, #tpu.memory_space<vmem>>) dst(%dma_wait3A_251 : memref<10112x128xf32, #tpu.memory_space<vmem_shared>>)
        tpu.yield
      }) : () -> ()
      %add3A_115 = arith.constant 2 : i32
      %add3A_116 = arith.addi %add3A_91, %add3A_115 : i32
      %lt3A = arith.constant 80 : i32
      %lt3A_117 = arith.cmpi slt, %add3A_116, %lt3A : i32
      %convert_element_type3A = arith.extui %lt3A_117 : i1 to i32
      %cond3A = arith.constant 0 : i32
      %cond3A_118 = arith.cmpi ne, %convert_element_type3A, %cond3A : i32
      scf.if %cond3A_118 {
        %add3A_246 = arith.constant 2 : i32
        %add3A_247 = arith.addi %add3A_91, %add3A_246 : i32
        %dma_start3A_248 = arith.constant 0 : i32
        %dma_start3A_249 = arith.constant 0 : i32
        %dma_start3A_250 = tpu.memref_slice %arg8[%dma_start3A_248, %dma_start3A_249] : memref<128x128xf32, #tpu.memory_space<vmem>> -> memref<64x128xf32, #tpu.memory_space<vmem>>
        %dma_start3A_251 = arith.constant 0 : i32
        %dma_start3A_252 = tpu.memref_slice %arg7[%add3A_247, %dma_start3A_251] : memref<80x128xi32, #tpu.memory_space<vmem>> -> memref<1x64xi32, #tpu.memory_space<vmem>>
        %dma_start3A_253 = tpu.memref_squeeze %dma_start3A_252 : memref<1x64xi32, #tpu.memory_space<vmem>> -> memref<64xi32, #tpu.memory_space<vmem>>
        %dma_start3A_254 = arith.constant 0 : i32
        %dma_start3A_255 = arith.constant 0 : i32
        %dma_start3A_256 = tpu.memref_slice %arg5[%dma_start3A_254, %dma_start3A_255] : memref<20224x128xf32, #tpu.memory_space<hbm>> -> memref<20224x128xf32, #tpu.memory_space<hbm>>
        tpu.enqueue_indirect_dma source(%dma_start3A_256 : memref<20224x128xf32, #tpu.memory_space<hbm>>) target(%dma_start3A_250 : memref<64x128xf32, #tpu.memory_space<vmem>>) offsets(%dma_start3A_253 : memref<64xi32, #tpu.memory_space<vmem>>) semaphore(%arg10 : memref<!tpu.dma_semaphore, #tpu.memory_space<semaphore_mem>>)
        %dma_start3A_257 = arith.constant 64 : i32
        %dma_start3A_258 = arith.constant 0 : i32
        %dma_start3A_259 = tpu.memref_slice %arg8[%dma_start3A_257, %dma_start3A_258] : memref<128x128xf32, #tpu.memory_space<vmem>> -> memref<64x128xf32, #tpu.memory_space<vmem>>
        %dma_start3A_260 = arith.constant 64 : i32
        %dma_start3A_261 = tpu.memref_slice %arg7[%add3A_247, %dma_start3A_260] : memref<80x128xi32, #tpu.memory_space<vmem>> -> memref<1x64xi32, #tpu.memory_space<vmem>>
        %dma_start3A_262 = tpu.memref_squeeze %dma_start3A_261 : memref<1x64xi32, #tpu.memory_space<vmem>> -> memref<64xi32, #tpu.memory_space<vmem>>
        %dma_start3A_263 = arith.constant 0 : i32
        %dma_start3A_264 = arith.constant 0 : i32
        %dma_start3A_265 = tpu.memref_slice %arg5[%dma_start3A_263, %dma_start3A_264] : memref<20224x128xf32, #tpu.memory_space<hbm>> -> memref<20224x128xf32, #tpu.memory_space<hbm>>
        tpu.enqueue_indirect_dma source(%dma_start3A_265 : memref<20224x128xf32, #tpu.memory_space<hbm>>) target(%dma_start3A_259 : memref<64x128xf32, #tpu.memory_space<vmem>>) offsets(%dma_start3A_262 : memref<64xi32, #tpu.memory_space<vmem>>) semaphore(%arg12 : memref<!tpu.dma_semaphore, #tpu.memory_space<semaphore_mem>>)
      } else {
      }
      %add3A_119 = arith.constant 4 : i32
      %add3A_120 = arith.addi %add3A_91, %add3A_119 : i32
      %lt3A_121 = arith.constant 80 : i32
      %lt3A_122 = arith.cmpi slt, %add3A_120, %lt3A_121 : i32
      %convert_element_type3A_123 = arith.extui %lt3A_122 : i1 to i32
      %cond3A_124 = arith.constant 0 : i32
      %cond3A_125 = arith.cmpi ne, %convert_element_type3A_123, %cond3A_124 : i32
      scf.if %cond3A_125 {
        %add3A_246 = arith.constant 4 : i32
        %add3A_247 = arith.addi %add3A_91, %add3A_246 : i32
        %mul3A_248 = arith.constant 128 : i32
        %mul3A_249 = arith.muli %add3A_247, %mul3A_248 : i32
        %add3A_250 = arith.addi %multiple_of3A_3, %mul3A_249 : i32
        %multiple_of3A_251 = tpu.assume_multiple %add3A_250, 128 : i32
        %dma_start3A_252 = tpu.memref_slice %arg3[%multiple_of3A_251] : memref<163840xi32, #tpu.memory_space<hbm>> -> memref<128xi32, #tpu.memory_space<hbm>>
        %dma_start3A_253 = tpu.memref_slice %arg3[%multiple_of3A_251] : memref<163840xi32, #tpu.memory_space<hbm>> -> memref<128xi32, #tpu.memory_space<hbm>>
        tpu.enqueue_dma source(%dma_start3A_253 : memref<128xi32, #tpu.memory_space<hbm>>) target(%arg14 : memref<128xi32, #tpu.memory_space<vmem>>) target_semaphore(%arg18 : memref<!tpu.dma_semaphore, #tpu.memory_space<semaphore_mem>>)
      } else {
      }
      %add3A_126 = arith.constant 1 : i32
      %add3A_127 = arith.addi %add3A_89, %add3A_126 : i32
      %dma_wait3A_128 = arith.constant 0 : i32
      %dma_wait3A_129 = arith.constant 0 : i32
      %dma_wait3A_130 = arith.constant 0 : i32
      %dma_wait3A_131 = tpu.memref_slice %arg9[%dma_wait3A_129, %dma_wait3A_130] : memref<128x128xf32, #tpu.memory_space<vmem>> -> memref<64x128xf32, #tpu.memory_space<vmem>>
      %dma_wait3A_132 = arith.constant 0 : i32
      %dma_wait3A_133 = tpu.memref_slice %arg7[%dma_wait3A_128, %dma_wait3A_132] : memref<80x128xi32, #tpu.memory_space<vmem>> -> memref<1x64xi32, #tpu.memory_space<vmem>>
      %dma_wait3A_134 = tpu.memref_squeeze %dma_wait3A_133 : memref<1x64xi32, #tpu.memory_space<vmem>> -> memref<64xi32, #tpu.memory_space<vmem>>
      %dma_wait3A_135 = arith.constant 0 : i32
      %dma_wait3A_136 = arith.constant 0 : i32
      %dma_wait3A_137 = tpu.memref_slice %arg5[%dma_wait3A_135, %dma_wait3A_136] : memref<20224x128xf32, #tpu.memory_space<hbm>> -> memref<20224x128xf32, #tpu.memory_space<hbm>>
      tpu.wait_indirect_dma semaphore(%arg11 : memref<!tpu.dma_semaphore, #tpu.memory_space<semaphore_mem>>) src(%dma_wait3A_137 : memref<20224x128xf32, #tpu.memory_space<hbm>>) dst(%dma_wait3A_131 : memref<64x128xf32, #tpu.memory_space<vmem>>)
      %dma_wait3A_138 = arith.constant 0 : i32
      %dma_wait3A_139 = arith.constant 64 : i32
      %dma_wait3A_140 = arith.constant 0 : i32
      %dma_wait3A_141 = tpu.memref_slice %arg9[%dma_wait3A_139, %dma_wait3A_140] : memref<128x128xf32, #tpu.memory_space<vmem>> -> memref<64x128xf32, #tpu.memory_space<vmem>>
      %dma_wait3A_142 = arith.constant 0 : i32
      %dma_wait3A_143 = tpu.memref_slice %arg7[%dma_wait3A_138, %dma_wait3A_142] : memref<80x128xi32, #tpu.memory_space<vmem>> -> memref<1x64xi32, #tpu.memory_space<vmem>>
      %dma_wait3A_144 = tpu.memref_squeeze %dma_wait3A_143 : memref<1x64xi32, #tpu.memory_space<vmem>> -> memref<64xi32, #tpu.memory_space<vmem>>
      %dma_wait3A_145 = arith.constant 0 : i32
      %dma_wait3A_146 = arith.constant 0 : i32
      %dma_wait3A_147 = tpu.memref_slice %arg5[%dma_wait3A_145, %dma_wait3A_146] : memref<20224x128xf32, #tpu.memory_space<hbm>> -> memref<20224x128xf32, #tpu.memory_space<hbm>>
      tpu.wait_indirect_dma semaphore(%arg13 : memref<!tpu.dma_semaphore, #tpu.memory_space<semaphore_mem>>) src(%dma_wait3A_147 : memref<20224x128xf32, #tpu.memory_space<hbm>>) dst(%dma_wait3A_141 : memref<64x128xf32, #tpu.memory_space<vmem>>)
      %dma_wait3A_148 = arith.constant 0 : i32
      %dma_wait3A_149 = tpu.memref_slice %arg3[%dma_wait3A_148] : memref<163840xi32, #tpu.memory_space<hbm>> -> memref<128xi32, #tpu.memory_space<hbm>>
      %dma_wait3A_150 = arith.constant 0 : i32
      %dma_wait3A_151 = tpu.memref_slice %arg3[%dma_wait3A_150] : memref<163840xi32, #tpu.memory_space<hbm>> -> memref<128xi32, #tpu.memory_space<hbm>>
      tpu.wait_dma2 semaphore(%arg19 : memref<!tpu.dma_semaphore, #tpu.memory_space<semaphore_mem>>) src(%dma_wait3A_151 : memref<128xi32, #tpu.memory_space<hbm>>) dst(%arg15 : memref<128xi32, #tpu.memory_space<vmem>>)
      "tpu.region"() ({
        %run_scoped3A = tpu.sem_alloc : memref<!tpu.dma_semaphore, #tpu.memory_space<semaphore_mem>>
        %dma_start3A_246 = arith.constant 0 : i32
        %dma_start3A_247 = arith.constant 0 : i32
        %dma_start3A_248 = tpu.memref_slice %arg22[%dma_start3A_246, %dma_start3A_247] : memref<10112x128xf32, #tpu.memory_space<vmem_shared>> -> memref<10112x128xf32, #tpu.memory_space<vmem_shared>>
        tpu.enqueue_indirect_dma source(%arg9 : memref<128x128xf32, #tpu.memory_space<vmem>>) target(%dma_start3A_248 : memref<10112x128xf32, #tpu.memory_space<vmem_shared>>) offsets(%arg15 : memref<128xi32, #tpu.memory_space<vmem>>) semaphore(%run_scoped3A : memref<!tpu.dma_semaphore, #tpu.memory_space<semaphore_mem>>) {add = true}
        %dma_wait3A_249 = arith.constant 0 : i32
        %dma_wait3A_250 = arith.constant 0 : i32
        %dma_wait3A_251 = tpu.memref_slice %arg22[%dma_wait3A_249, %dma_wait3A_250] : memref<10112x128xf32, #tpu.memory_space<vmem_shared>> -> memref<10112x128xf32, #tpu.memory_space<vmem_shared>>
        tpu.wait_indirect_dma semaphore(%run_scoped3A : memref<!tpu.dma_semaphore, #tpu.memory_space<semaphore_mem>>) src(%arg9 : memref<128x128xf32, #tpu.memory_space<vmem>>) dst(%dma_wait3A_251 : memref<10112x128xf32, #tpu.memory_space<vmem_shared>>)
        tpu.yield
      }) : () -> ()
      %add3A_152 = arith.constant 2 : i32
      %add3A_153 = arith.addi %add3A_127, %add3A_152 : i32
      %lt3A_154 = arith.constant 80 : i32
      %lt3A_155 = arith.cmpi slt, %add3A_153, %lt3A_154 : i32
      %convert_element_type3A_156 = arith.extui %lt3A_155 : i1 to i32
      %cond3A_157 = arith.constant 0 : i32
      %cond3A_158 = arith.cmpi ne, %convert_element_type3A_156, %cond3A_157 : i32
      scf.if %cond3A_158 {
        %add3A_246 = arith.constant 2 : i32
        %add3A_247 = arith.addi %add3A_127, %add3A_246 : i32
        %dma_start3A_248 = arith.constant 0 : i32
        %dma_start3A_249 = arith.constant 0 : i32
        %dma_start3A_250 = tpu.memref_slice %arg9[%dma_start3A_248, %dma_start3A_249] : memref<128x128xf32, #tpu.memory_space<vmem>> -> memref<64x128xf32, #tpu.memory_space<vmem>>
        %dma_start3A_251 = arith.constant 0 : i32
        %dma_start3A_252 = tpu.memref_slice %arg7[%add3A_247, %dma_start3A_251] : memref<80x128xi32, #tpu.memory_space<vmem>> -> memref<1x64xi32, #tpu.memory_space<vmem>>
        %dma_start3A_253 = tpu.memref_squeeze %dma_start3A_252 : memref<1x64xi32, #tpu.memory_space<vmem>> -> memref<64xi32, #tpu.memory_space<vmem>>
        %dma_start3A_254 = arith.constant 0 : i32
        %dma_start3A_255 = arith.constant 0 : i32
        %dma_start3A_256 = tpu.memref_slice %arg5[%dma_start3A_254, %dma_start3A_255] : memref<20224x128xf32, #tpu.memory_space<hbm>> -> memref<20224x128xf32, #tpu.memory_space<hbm>>
        tpu.enqueue_indirect_dma source(%dma_start3A_256 : memref<20224x128xf32, #tpu.memory_space<hbm>>) target(%dma_start3A_250 : memref<64x128xf32, #tpu.memory_space<vmem>>) offsets(%dma_start3A_253 : memref<64xi32, #tpu.memory_space<vmem>>) semaphore(%arg11 : memref<!tpu.dma_semaphore, #tpu.memory_space<semaphore_mem>>)
        %dma_start3A_257 = arith.constant 64 : i32
        %dma_start3A_258 = arith.constant 0 : i32
        %dma_start3A_259 = tpu.memref_slice %arg9[%dma_start3A_257, %dma_start3A_258] : memref<128x128xf32, #tpu.memory_space<vmem>> -> memref<64x128xf32, #tpu.memory_space<vmem>>
        %dma_start3A_260 = arith.constant 64 : i32
        %dma_start3A_261 = tpu.memref_slice %arg7[%add3A_247, %dma_start3A_260] : memref<80x128xi32, #tpu.memory_space<vmem>> -> memref<1x64xi32, #tpu.memory_space<vmem>>
        %dma_start3A_262 = tpu.memref_squeeze %dma_start3A_261 : memref<1x64xi32, #tpu.memory_space<vmem>> -> memref<64xi32, #tpu.memory_space<vmem>>
        %dma_start3A_263 = arith.constant 0 : i32
        %dma_start3A_264 = arith.constant 0 : i32
        %dma_start3A_265 = tpu.memref_slice %arg5[%dma_start3A_263, %dma_start3A_264] : memref<20224x128xf32, #tpu.memory_space<hbm>> -> memref<20224x128xf32, #tpu.memory_space<hbm>>
        tpu.enqueue_indirect_dma source(%dma_start3A_265 : memref<20224x128xf32, #tpu.memory_space<hbm>>) target(%dma_start3A_259 : memref<64x128xf32, #tpu.memory_space<vmem>>) offsets(%dma_start3A_262 : memref<64xi32, #tpu.memory_space<vmem>>) semaphore(%arg13 : memref<!tpu.dma_semaphore, #tpu.memory_space<semaphore_mem>>)
      } else {
      }
      %add3A_159 = arith.constant 4 : i32
      %add3A_160 = arith.addi %add3A_127, %add3A_159 : i32
      %lt3A_161 = arith.constant 80 : i32
      %lt3A_162 = arith.cmpi slt, %add3A_160, %lt3A_161 : i32
      %convert_element_type3A_163 = arith.extui %lt3A_162 : i1 to i32
      %cond3A_164 = arith.constant 0 : i32
      %cond3A_165 = arith.cmpi ne, %convert_element_type3A_163, %cond3A_164 : i32
      scf.if %cond3A_165 {
        %add3A_246 = arith.constant 4 : i32
        %add3A_247 = arith.addi %add3A_127, %add3A_246 : i32
        %mul3A_248 = arith.constant 128 : i32
        %mul3A_249 = arith.muli %add3A_247, %mul3A_248 : i32
        %add3A_250 = arith.addi %multiple_of3A_3, %mul3A_249 : i32
        %multiple_of3A_251 = tpu.assume_multiple %add3A_250, 128 : i32
        %dma_start3A_252 = tpu.memref_slice %arg3[%multiple_of3A_251] : memref<163840xi32, #tpu.memory_space<hbm>> -> memref<128xi32, #tpu.memory_space<hbm>>
        %dma_start3A_253 = tpu.memref_slice %arg3[%multiple_of3A_251] : memref<163840xi32, #tpu.memory_space<hbm>> -> memref<128xi32, #tpu.memory_space<hbm>>
        tpu.enqueue_dma source(%dma_start3A_253 : memref<128xi32, #tpu.memory_space<hbm>>) target(%arg15 : memref<128xi32, #tpu.memory_space<vmem>>) target_semaphore(%arg19 : memref<!tpu.dma_semaphore, #tpu.memory_space<semaphore_mem>>)
      } else {
      }
      %add3A_166 = arith.constant 2 : i32
      %add3A_167 = arith.addi %add3A_89, %add3A_166 : i32
      %dma_wait3A_168 = arith.constant 0 : i32
      %dma_wait3A_169 = arith.constant 0 : i32
      %dma_wait3A_170 = arith.constant 0 : i32
      %dma_wait3A_171 = tpu.memref_slice %arg8[%dma_wait3A_169, %dma_wait3A_170] : memref<128x128xf32, #tpu.memory_space<vmem>> -> memref<64x128xf32, #tpu.memory_space<vmem>>
      %dma_wait3A_172 = arith.constant 0 : i32
      %dma_wait3A_173 = tpu.memref_slice %arg7[%dma_wait3A_168, %dma_wait3A_172] : memref<80x128xi32, #tpu.memory_space<vmem>> -> memref<1x64xi32, #tpu.memory_space<vmem>>
      %dma_wait3A_174 = tpu.memref_squeeze %dma_wait3A_173 : memref<1x64xi32, #tpu.memory_space<vmem>> -> memref<64xi32, #tpu.memory_space<vmem>>
      %dma_wait3A_175 = arith.constant 0 : i32
      %dma_wait3A_176 = arith.constant 0 : i32
      %dma_wait3A_177 = tpu.memref_slice %arg5[%dma_wait3A_175, %dma_wait3A_176] : memref<20224x128xf32, #tpu.memory_space<hbm>> -> memref<20224x128xf32, #tpu.memory_space<hbm>>
      tpu.wait_indirect_dma semaphore(%arg10 : memref<!tpu.dma_semaphore, #tpu.memory_space<semaphore_mem>>) src(%dma_wait3A_177 : memref<20224x128xf32, #tpu.memory_space<hbm>>) dst(%dma_wait3A_171 : memref<64x128xf32, #tpu.memory_space<vmem>>)
      %dma_wait3A_178 = arith.constant 0 : i32
      %dma_wait3A_179 = arith.constant 64 : i32
      %dma_wait3A_180 = arith.constant 0 : i32
      %dma_wait3A_181 = tpu.memref_slice %arg8[%dma_wait3A_179, %dma_wait3A_180] : memref<128x128xf32, #tpu.memory_space<vmem>> -> memref<64x128xf32, #tpu.memory_space<vmem>>
      %dma_wait3A_182 = arith.constant 0 : i32
      %dma_wait3A_183 = tpu.memref_slice %arg7[%dma_wait3A_178, %dma_wait3A_182] : memref<80x128xi32, #tpu.memory_space<vmem>> -> memref<1x64xi32, #tpu.memory_space<vmem>>
      %dma_wait3A_184 = tpu.memref_squeeze %dma_wait3A_183 : memref<1x64xi32, #tpu.memory_space<vmem>> -> memref<64xi32, #tpu.memory_space<vmem>>
      %dma_wait3A_185 = arith.constant 0 : i32
      %dma_wait3A_186 = arith.constant 0 : i32
      %dma_wait3A_187 = tpu.memref_slice %arg5[%dma_wait3A_185, %dma_wait3A_186] : memref<20224x128xf32, #tpu.memory_space<hbm>> -> memref<20224x128xf32, #tpu.memory_space<hbm>>
      tpu.wait_indirect_dma semaphore(%arg12 : memref<!tpu.dma_semaphore, #tpu.memory_space<semaphore_mem>>) src(%dma_wait3A_187 : memref<20224x128xf32, #tpu.memory_space<hbm>>) dst(%dma_wait3A_181 : memref<64x128xf32, #tpu.memory_space<vmem>>)
      %dma_wait3A_188 = arith.constant 0 : i32
      %dma_wait3A_189 = tpu.memref_slice %arg3[%dma_wait3A_188] : memref<163840xi32, #tpu.memory_space<hbm>> -> memref<128xi32, #tpu.memory_space<hbm>>
      %dma_wait3A_190 = arith.constant 0 : i32
      %dma_wait3A_191 = tpu.memref_slice %arg3[%dma_wait3A_190] : memref<163840xi32, #tpu.memory_space<hbm>> -> memref<128xi32, #tpu.memory_space<hbm>>
      tpu.wait_dma2 semaphore(%arg20 : memref<!tpu.dma_semaphore, #tpu.memory_space<semaphore_mem>>) src(%dma_wait3A_191 : memref<128xi32, #tpu.memory_space<hbm>>) dst(%arg16 : memref<128xi32, #tpu.memory_space<vmem>>)
      "tpu.region"() ({
        %run_scoped3A = tpu.sem_alloc : memref<!tpu.dma_semaphore, #tpu.memory_space<semaphore_mem>>
        %dma_start3A_246 = arith.constant 0 : i32
        %dma_start3A_247 = arith.constant 0 : i32
        %dma_start3A_248 = tpu.memref_slice %arg22[%dma_start3A_246, %dma_start3A_247] : memref<10112x128xf32, #tpu.memory_space<vmem_shared>> -> memref<10112x128xf32, #tpu.memory_space<vmem_shared>>
        tpu.enqueue_indirect_dma source(%arg8 : memref<128x128xf32, #tpu.memory_space<vmem>>) target(%dma_start3A_248 : memref<10112x128xf32, #tpu.memory_space<vmem_shared>>) offsets(%arg16 : memref<128xi32, #tpu.memory_space<vmem>>) semaphore(%run_scoped3A : memref<!tpu.dma_semaphore, #tpu.memory_space<semaphore_mem>>) {add = true}
        %dma_wait3A_249 = arith.constant 0 : i32
        %dma_wait3A_250 = arith.constant 0 : i32
        %dma_wait3A_251 = tpu.memref_slice %arg22[%dma_wait3A_249, %dma_wait3A_250] : memref<10112x128xf32, #tpu.memory_space<vmem_shared>> -> memref<10112x128xf32, #tpu.memory_space<vmem_shared>>
        tpu.wait_indirect_dma semaphore(%run_scoped3A : memref<!tpu.dma_semaphore, #tpu.memory_space<semaphore_mem>>) src(%arg8 : memref<128x128xf32, #tpu.memory_space<vmem>>) dst(%dma_wait3A_251 : memref<10112x128xf32, #tpu.memory_space<vmem_shared>>)
        tpu.yield
      }) : () -> ()
      %add3A_192 = arith.constant 2 : i32
      %add3A_193 = arith.addi %add3A_167, %add3A_192 : i32
      %lt3A_194 = arith.constant 80 : i32
      %lt3A_195 = arith.cmpi slt, %add3A_193, %lt3A_194 : i32
      %convert_element_type3A_196 = arith.extui %lt3A_195 : i1 to i32
      %cond3A_197 = arith.constant 0 : i32
      %cond3A_198 = arith.cmpi ne, %convert_element_type3A_196, %cond3A_197 : i32
      scf.if %cond3A_198 {
        %add3A_246 = arith.constant 2 : i32
        %add3A_247 = arith.addi %add3A_167, %add3A_246 : i32
        %dma_start3A_248 = arith.constant 0 : i32
        %dma_start3A_249 = arith.constant 0 : i32
        %dma_start3A_250 = tpu.memref_slice %arg8[%dma_start3A_248, %dma_start3A_249] : memref<128x128xf32, #tpu.memory_space<vmem>> -> memref<64x128xf32, #tpu.memory_space<vmem>>
        %dma_start3A_251 = arith.constant 0 : i32
        %dma_start3A_252 = tpu.memref_slice %arg7[%add3A_247, %dma_start3A_251] : memref<80x128xi32, #tpu.memory_space<vmem>> -> memref<1x64xi32, #tpu.memory_space<vmem>>
        %dma_start3A_253 = tpu.memref_squeeze %dma_start3A_252 : memref<1x64xi32, #tpu.memory_space<vmem>> -> memref<64xi32, #tpu.memory_space<vmem>>
        %dma_start3A_254 = arith.constant 0 : i32
        %dma_start3A_255 = arith.constant 0 : i32
        %dma_start3A_256 = tpu.memref_slice %arg5[%dma_start3A_254, %dma_start3A_255] : memref<20224x128xf32, #tpu.memory_space<hbm>> -> memref<20224x128xf32, #tpu.memory_space<hbm>>
        tpu.enqueue_indirect_dma source(%dma_start3A_256 : memref<20224x128xf32, #tpu.memory_space<hbm>>) target(%dma_start3A_250 : memref<64x128xf32, #tpu.memory_space<vmem>>) offsets(%dma_start3A_253 : memref<64xi32, #tpu.memory_space<vmem>>) semaphore(%arg10 : memref<!tpu.dma_semaphore, #tpu.memory_space<semaphore_mem>>)
        %dma_start3A_257 = arith.constant 64 : i32
        %dma_start3A_258 = arith.constant 0 : i32
        %dma_start3A_259 = tpu.memref_slice %arg8[%dma_start3A_257, %dma_start3A_258] : memref<128x128xf32, #tpu.memory_space<vmem>> -> memref<64x128xf32, #tpu.memory_space<vmem>>
        %dma_start3A_260 = arith.constant 64 : i32
        %dma_start3A_261 = tpu.memref_slice %arg7[%add3A_247, %dma_start3A_260] : memref<80x128xi32, #tpu.memory_space<vmem>> -> memref<1x64xi32, #tpu.memory_space<vmem>>
        %dma_start3A_262 = tpu.memref_squeeze %dma_start3A_261 : memref<1x64xi32, #tpu.memory_space<vmem>> -> memref<64xi32, #tpu.memory_space<vmem>>
        %dma_start3A_263 = arith.constant 0 : i32
        %dma_start3A_264 = arith.constant 0 : i32
        %dma_start3A_265 = tpu.memref_slice %arg5[%dma_start3A_263, %dma_start3A_264] : memref<20224x128xf32, #tpu.memory_space<hbm>> -> memref<20224x128xf32, #tpu.memory_space<hbm>>
        tpu.enqueue_indirect_dma source(%dma_start3A_265 : memref<20224x128xf32, #tpu.memory_space<hbm>>) target(%dma_start3A_259 : memref<64x128xf32, #tpu.memory_space<vmem>>) offsets(%dma_start3A_262 : memref<64xi32, #tpu.memory_space<vmem>>) semaphore(%arg12 : memref<!tpu.dma_semaphore, #tpu.memory_space<semaphore_mem>>)
      } else {
      }
      %add3A_199 = arith.constant 4 : i32
      %add3A_200 = arith.addi %add3A_167, %add3A_199 : i32
      %lt3A_201 = arith.constant 80 : i32
      %lt3A_202 = arith.cmpi slt, %add3A_200, %lt3A_201 : i32
      %convert_element_type3A_203 = arith.extui %lt3A_202 : i1 to i32
      %cond3A_204 = arith.constant 0 : i32
      %cond3A_205 = arith.cmpi ne, %convert_element_type3A_203, %cond3A_204 : i32
      scf.if %cond3A_205 {
        %add3A_246 = arith.constant 4 : i32
        %add3A_247 = arith.addi %add3A_167, %add3A_246 : i32
        %mul3A_248 = arith.constant 128 : i32
        %mul3A_249 = arith.muli %add3A_247, %mul3A_248 : i32
        %add3A_250 = arith.addi %multiple_of3A_3, %mul3A_249 : i32
        %multiple_of3A_251 = tpu.assume_multiple %add3A_250, 128 : i32
        %dma_start3A_252 = tpu.memref_slice %arg3[%multiple_of3A_251] : memref<163840xi32, #tpu.memory_space<hbm>> -> memref<128xi32, #tpu.memory_space<hbm>>
        %dma_start3A_253 = tpu.memref_slice %arg3[%multiple_of3A_251] : memref<163840xi32, #tpu.memory_space<hbm>> -> memref<128xi32, #tpu.memory_space<hbm>>
        tpu.enqueue_dma source(%dma_start3A_253 : memref<128xi32, #tpu.memory_space<hbm>>) target(%arg16 : memref<128xi32, #tpu.memory_space<vmem>>) target_semaphore(%arg20 : memref<!tpu.dma_semaphore, #tpu.memory_space<semaphore_mem>>)
      } else {
      }
      %add3A_206 = arith.constant 3 : i32
      %add3A_207 = arith.addi %add3A_89, %add3A_206 : i32
      %dma_wait3A_208 = arith.constant 0 : i32
      %dma_wait3A_209 = arith.constant 0 : i32
      %dma_wait3A_210 = arith.constant 0 : i32
      %dma_wait3A_211 = tpu.memref_slice %arg9[%dma_wait3A_209, %dma_wait3A_210] : memref<128x128xf32, #tpu.memory_space<vmem>> -> memref<64x128xf32, #tpu.memory_space<vmem>>
      %dma_wait3A_212 = arith.constant 0 : i32
      %dma_wait3A_213 = tpu.memref_slice %arg7[%dma_wait3A_208, %dma_wait3A_212] : memref<80x128xi32, #tpu.memory_space<vmem>> -> memref<1x64xi32, #tpu.memory_space<vmem>>
      %dma_wait3A_214 = tpu.memref_squeeze %dma_wait3A_213 : memref<1x64xi32, #tpu.memory_space<vmem>> -> memref<64xi32, #tpu.memory_space<vmem>>
      %dma_wait3A_215 = arith.constant 0 : i32
      %dma_wait3A_216 = arith.constant 0 : i32
      %dma_wait3A_217 = tpu.memref_slice %arg5[%dma_wait3A_215, %dma_wait3A_216] : memref<20224x128xf32, #tpu.memory_space<hbm>> -> memref<20224x128xf32, #tpu.memory_space<hbm>>
      tpu.wait_indirect_dma semaphore(%arg11 : memref<!tpu.dma_semaphore, #tpu.memory_space<semaphore_mem>>) src(%dma_wait3A_217 : memref<20224x128xf32, #tpu.memory_space<hbm>>) dst(%dma_wait3A_211 : memref<64x128xf32, #tpu.memory_space<vmem>>)
      %dma_wait3A_218 = arith.constant 0 : i32
      %dma_wait3A_219 = arith.constant 64 : i32
      %dma_wait3A_220 = arith.constant 0 : i32
      %dma_wait3A_221 = tpu.memref_slice %arg9[%dma_wait3A_219, %dma_wait3A_220] : memref<128x128xf32, #tpu.memory_space<vmem>> -> memref<64x128xf32, #tpu.memory_space<vmem>>
      %dma_wait3A_222 = arith.constant 0 : i32
      %dma_wait3A_223 = tpu.memref_slice %arg7[%dma_wait3A_218, %dma_wait3A_222] : memref<80x128xi32, #tpu.memory_space<vmem>> -> memref<1x64xi32, #tpu.memory_space<vmem>>
      %dma_wait3A_224 = tpu.memref_squeeze %dma_wait3A_223 : memref<1x64xi32, #tpu.memory_space<vmem>> -> memref<64xi32, #tpu.memory_space<vmem>>
      %dma_wait3A_225 = arith.constant 0 : i32
      %dma_wait3A_226 = arith.constant 0 : i32
      %dma_wait3A_227 = tpu.memref_slice %arg5[%dma_wait3A_225, %dma_wait3A_226] : memref<20224x128xf32, #tpu.memory_space<hbm>> -> memref<20224x128xf32, #tpu.memory_space<hbm>>
      tpu.wait_indirect_dma semaphore(%arg13 : memref<!tpu.dma_semaphore, #tpu.memory_space<semaphore_mem>>) src(%dma_wait3A_227 : memref<20224x128xf32, #tpu.memory_space<hbm>>) dst(%dma_wait3A_221 : memref<64x128xf32, #tpu.memory_space<vmem>>)
      %dma_wait3A_228 = arith.constant 0 : i32
      %dma_wait3A_229 = tpu.memref_slice %arg3[%dma_wait3A_228] : memref<163840xi32, #tpu.memory_space<hbm>> -> memref<128xi32, #tpu.memory_space<hbm>>
      %dma_wait3A_230 = arith.constant 0 : i32
      %dma_wait3A_231 = tpu.memref_slice %arg3[%dma_wait3A_230] : memref<163840xi32, #tpu.memory_space<hbm>> -> memref<128xi32, #tpu.memory_space<hbm>>
      tpu.wait_dma2 semaphore(%arg21 : memref<!tpu.dma_semaphore, #tpu.memory_space<semaphore_mem>>) src(%dma_wait3A_231 : memref<128xi32, #tpu.memory_space<hbm>>) dst(%arg17 : memref<128xi32, #tpu.memory_space<vmem>>)
      "tpu.region"() ({
        %run_scoped3A = tpu.sem_alloc : memref<!tpu.dma_semaphore, #tpu.memory_space<semaphore_mem>>
        %dma_start3A_246 = arith.constant 0 : i32
        %dma_start3A_247 = arith.constant 0 : i32
        %dma_start3A_248 = tpu.memref_slice %arg22[%dma_start3A_246, %dma_start3A_247] : memref<10112x128xf32, #tpu.memory_space<vmem_shared>> -> memref<10112x128xf32, #tpu.memory_space<vmem_shared>>
        tpu.enqueue_indirect_dma source(%arg9 : memref<128x128xf32, #tpu.memory_space<vmem>>) target(%dma_start3A_248 : memref<10112x128xf32, #tpu.memory_space<vmem_shared>>) offsets(%arg17 : memref<128xi32, #tpu.memory_space<vmem>>) semaphore(%run_scoped3A : memref<!tpu.dma_semaphore, #tpu.memory_space<semaphore_mem>>) {add = true}
        %dma_wait3A_249 = arith.constant 0 : i32
        %dma_wait3A_250 = arith.constant 0 : i32
        %dma_wait3A_251 = tpu.memref_slice %arg22[%dma_wait3A_249, %dma_wait3A_250] : memref<10112x128xf32, #tpu.memory_space<vmem_shared>> -> memref<10112x128xf32, #tpu.memory_space<vmem_shared>>
        tpu.wait_indirect_dma semaphore(%run_scoped3A : memref<!tpu.dma_semaphore, #tpu.memory_space<semaphore_mem>>) src(%arg9 : memref<128x128xf32, #tpu.memory_space<vmem>>) dst(%dma_wait3A_251 : memref<10112x128xf32, #tpu.memory_space<vmem_shared>>)
        tpu.yield
      }) : () -> ()
      %add3A_232 = arith.constant 2 : i32
      %add3A_233 = arith.addi %add3A_207, %add3A_232 : i32
      %lt3A_234 = arith.constant 80 : i32
      %lt3A_235 = arith.cmpi slt, %add3A_233, %lt3A_234 : i32
      %convert_element_type3A_236 = arith.extui %lt3A_235 : i1 to i32
      %cond3A_237 = arith.constant 0 : i32
      %cond3A_238 = arith.cmpi ne, %convert_element_type3A_236, %cond3A_237 : i32
      scf.if %cond3A_238 {
        %add3A_246 = arith.constant 2 : i32
        %add3A_247 = arith.addi %add3A_207, %add3A_246 : i32
        %dma_start3A_248 = arith.constant 0 : i32
        %dma_start3A_249 = arith.constant 0 : i32
        %dma_start3A_250 = tpu.memref_slice %arg9[%dma_start3A_248, %dma_start3A_249] : memref<128x128xf32, #tpu.memory_space<vmem>> -> memref<64x128xf32, #tpu.memory_space<vmem>>
        %dma_start3A_251 = arith.constant 0 : i32
        %dma_start3A_252 = tpu.memref_slice %arg7[%add3A_247, %dma_start3A_251] : memref<80x128xi32, #tpu.memory_space<vmem>> -> memref<1x64xi32, #tpu.memory_space<vmem>>
        %dma_start3A_253 = tpu.memref_squeeze %dma_start3A_252 : memref<1x64xi32, #tpu.memory_space<vmem>> -> memref<64xi32, #tpu.memory_space<vmem>>
        %dma_start3A_254 = arith.constant 0 : i32
        %dma_start3A_255 = arith.constant 0 : i32
        %dma_start3A_256 = tpu.memref_slice %arg5[%dma_start3A_254, %dma_start3A_255] : memref<20224x128xf32, #tpu.memory_space<hbm>> -> memref<20224x128xf32, #tpu.memory_space<hbm>>
        tpu.enqueue_indirect_dma source(%dma_start3A_256 : memref<20224x128xf32, #tpu.memory_space<hbm>>) target(%dma_start3A_250 : memref<64x128xf32, #tpu.memory_space<vmem>>) offsets(%dma_start3A_253 : memref<64xi32, #tpu.memory_space<vmem>>) semaphore(%arg11 : memref<!tpu.dma_semaphore, #tpu.memory_space<semaphore_mem>>)
        %dma_start3A_257 = arith.constant 64 : i32
        %dma_start3A_258 = arith.constant 0 : i32
        %dma_start3A_259 = tpu.memref_slice %arg9[%dma_start3A_257, %dma_start3A_258] : memref<128x128xf32, #tpu.memory_space<vmem>> -> memref<64x128xf32, #tpu.memory_space<vmem>>
        %dma_start3A_260 = arith.constant 64 : i32
        %dma_start3A_261 = tpu.memref_slice %arg7[%add3A_247, %dma_start3A_260] : memref<80x128xi32, #tpu.memory_space<vmem>> -> memref<1x64xi32, #tpu.memory_space<vmem>>
        %dma_start3A_262 = tpu.memref_squeeze %dma_start3A_261 : memref<1x64xi32, #tpu.memory_space<vmem>> -> memref<64xi32, #tpu.memory_space<vmem>>
        %dma_start3A_263 = arith.constant 0 : i32
        %dma_start3A_264 = arith.constant 0 : i32
        %dma_start3A_265 = tpu.memref_slice %arg5[%dma_start3A_263, %dma_start3A_264] : memref<20224x128xf32, #tpu.memory_space<hbm>> -> memref<20224x128xf32, #tpu.memory_space<hbm>>
        tpu.enqueue_indirect_dma source(%dma_start3A_265 : memref<20224x128xf32, #tpu.memory_space<hbm>>) target(%dma_start3A_259 : memref<64x128xf32, #tpu.memory_space<vmem>>) offsets(%dma_start3A_262 : memref<64xi32, #tpu.memory_space<vmem>>) semaphore(%arg13 : memref<!tpu.dma_semaphore, #tpu.memory_space<semaphore_mem>>)
      } else {
      }
      %add3A_239 = arith.constant 4 : i32
      %add3A_240 = arith.addi %add3A_207, %add3A_239 : i32
      %lt3A_241 = arith.constant 80 : i32
      %lt3A_242 = arith.cmpi slt, %add3A_240, %lt3A_241 : i32
      %convert_element_type3A_243 = arith.extui %lt3A_242 : i1 to i32
      %cond3A_244 = arith.constant 0 : i32
      %cond3A_245 = arith.cmpi ne, %convert_element_type3A_243, %cond3A_244 : i32
      scf.if %cond3A_245 {
        %add3A_246 = arith.constant 4 : i32
        %add3A_247 = arith.addi %add3A_207, %add3A_246 : i32
        %mul3A_248 = arith.constant 128 : i32
        %mul3A_249 = arith.muli %add3A_247, %mul3A_248 : i32
        %add3A_250 = arith.addi %multiple_of3A_3, %mul3A_249 : i32
        %multiple_of3A_251 = tpu.assume_multiple %add3A_250, 128 : i32
        %dma_start3A_252 = tpu.memref_slice %arg3[%multiple_of3A_251] : memref<163840xi32, #tpu.memory_space<hbm>> -> memref<128xi32, #tpu.memory_space<hbm>>
        %dma_start3A_253 = tpu.memref_slice %arg3[%multiple_of3A_251] : memref<163840xi32, #tpu.memory_space<hbm>> -> memref<128xi32, #tpu.memory_space<hbm>>
        tpu.enqueue_dma source(%dma_start3A_253 : memref<128xi32, #tpu.memory_space<hbm>>) target(%arg17 : memref<128xi32, #tpu.memory_space<vmem>>) target_semaphore(%arg21 : memref<!tpu.dma_semaphore, #tpu.memory_space<semaphore_mem>>)
      } else {
      }
    }
    %scan3A_79 = arith.constant 20 : i32
    %barrier3A_80 = arith.constant 0 : index
    tpu.barrier barrier_id(%barrier3A_80)
    %mul3A_81 = arith.constant 10112 : i32
    %mul3A_82 = arith.muli %add3A_9, %mul3A_81 : i32
    %add3A_83 = arith.addi %mul3A_82, %multiple_of3A_6 : i32
    %multiple_of3A_84 = tpu.assume_multiple %add3A_83, 8 : i32
    "tpu.region"() ({
      %run_scoped3A = tpu.sem_alloc : memref<!tpu.dma_semaphore, #tpu.memory_space<semaphore_mem>>
      %dma_start3A_85 = arith.constant 0 : i32
      %dma_start3A_86 = tpu.memref_slice %arg6[%multiple_of3A_84, %dma_start3A_85] : memref<20224x128xf32, #tpu.memory_space<hbm>> -> memref<632x128xf32, #tpu.memory_space<hbm>>
      %dma_start3A_87 = arith.constant 0 : i32
      %dma_start3A_88 = tpu.memref_slice %arg22[%multiple_of3A_6, %dma_start3A_87] : memref<10112x128xf32, #tpu.memory_space<vmem_shared>> -> memref<632x128xf32, #tpu.memory_space<vmem_shared>>
      tpu.enqueue_dma source(%dma_start3A_88 : memref<632x128xf32, #tpu.memory_space<vmem_shared>>) target(%dma_start3A_86 : memref<632x128xf32, #tpu.memory_space<hbm>>) target_semaphore(%run_scoped3A : memref<!tpu.dma_semaphore, #tpu.memory_space<semaphore_mem>>)
      %dma_wait3A = arith.constant 0 : i32
      %dma_wait3A_89 = tpu.memref_slice %arg6[%multiple_of3A_84, %dma_wait3A] : memref<20224x128xf32, #tpu.memory_space<hbm>> -> memref<632x128xf32, #tpu.memory_space<hbm>>
      %dma_wait3A_90 = arith.constant 0 : i32
      %dma_wait3A_91 = tpu.memref_slice %arg22[%multiple_of3A_6, %dma_wait3A_90] : memref<10112x128xf32, #tpu.memory_space<vmem_shared>> -> memref<632x128xf32, #tpu.memory_space<vmem_shared>>
      tpu.wait_dma2 semaphore(%run_scoped3A : memref<!tpu.dma_semaphore, #tpu.memory_space<semaphore_mem>>) src(%dma_wait3A_91 : memref<632x128xf32, #tpu.memory_space<vmem_shared>>) dst(%dma_wait3A_89 : memref<632x128xf32, #tpu.memory_space<hbm>>)
      tpu.yield
    }) : () -> ()
    return
  }
}

#map = affine_map<(d0, d1) -> (0, 0)>
#map1 = affine_map<(d0, d1) -> (0)>
module attributes {stable_mosaic.version = 14 : i64} {
  func.func @sc_segment_sum_4(%arg0: i32, %arg1: i32, %arg2: memref<1280x128xi32, #tpu.memory_space<hbm>>, %arg3: memref<163840xi32, #tpu.memory_space<hbm>>, %arg4: memref<10112x128xf32, #tpu.memory_space<hbm>>, %arg5: memref<40448x128xf32, #tpu.memory_space<hbm>>, %arg6: memref<40448x128xf32, #tpu.memory_space<hbm>>, %arg7: memref<80x128xi32, #tpu.memory_space<vmem>>, %arg8: memref<128x128xf32, #tpu.memory_space<vmem>>, %arg9: memref<128x128xf32, #tpu.memory_space<vmem>>, %arg10: memref<!tpu.dma_semaphore, #tpu.memory_space<semaphore_mem>>, %arg11: memref<!tpu.dma_semaphore, #tpu.memory_space<semaphore_mem>>, %arg12: memref<!tpu.dma_semaphore, #tpu.memory_space<semaphore_mem>>, %arg13: memref<!tpu.dma_semaphore, #tpu.memory_space<semaphore_mem>>, %arg14: memref<128xi32, #tpu.memory_space<vmem>>, %arg15: memref<128xi32, #tpu.memory_space<vmem>>, %arg16: memref<128xi32, #tpu.memory_space<vmem>>, %arg17: memref<128xi32, #tpu.memory_space<vmem>>, %arg18: memref<!tpu.dma_semaphore, #tpu.memory_space<semaphore_mem>>, %arg19: memref<!tpu.dma_semaphore, #tpu.memory_space<semaphore_mem>>, %arg20: memref<!tpu.dma_semaphore, #tpu.memory_space<semaphore_mem>>, %arg21: memref<!tpu.dma_semaphore, #tpu.memory_space<semaphore_mem>>, %arg22: memref<10112x128xf32, #tpu.memory_space<vmem_shared>>) attributes {dimension_semantics = [#tpu.dimension_semantics<core_parallel>, #tpu.dimension_semantics<subcore_parallel>], iteration_bounds = array<i64: 2, 16>, scalar_prefetch = 0 : i64, scratch_operands = 16 : i64, tpu.core_type = #tpu.core_type<sc_vector_subcore>, window_params = [{transform_indices = #map}, {transform_indices = #map1}, {transform_indices = #map}, {transform_indices = #map}, {transform_indices = #map}]} {
    %mul3A = arith.constant 80 : i32
    %mul3A_0 = arith.muli %arg1, %mul3A : i32
    %multiple_of3A = tpu.assume_multiple %mul3A_0, 8 : i32
    %mul3A_1 = arith.constant 10240 : i32
    %mul3A_2 = arith.muli %arg1, %mul3A_1 : i32
    %multiple_of3A_3 = tpu.assume_multiple %mul3A_2, 128 : i32
    %mul3A_4 = arith.constant 632 : i32
    %mul3A_5 = arith.muli %arg1, %mul3A_4 : i32
    %multiple_of3A_6 = tpu.assume_multiple %mul3A_5, 8 : i32
    "tpu.region"() ({
      %run_scoped3A = tpu.sem_alloc : memref<!tpu.dma_semaphore, #tpu.memory_space<semaphore_mem>>
      %dma_start3A_165 = arith.constant 0 : i32
      %dma_start3A_166 = tpu.memref_slice %arg2[%multiple_of3A, %dma_start3A_165] : memref<1280x128xi32, #tpu.memory_space<hbm>> -> memref<80x128xi32, #tpu.memory_space<hbm>>
      %dma_start3A_167 = arith.constant 0 : i32
      %dma_start3A_168 = tpu.memref_slice %arg2[%multiple_of3A, %dma_start3A_167] : memref<1280x128xi32, #tpu.memory_space<hbm>> -> memref<80x128xi32, #tpu.memory_space<hbm>>
      tpu.enqueue_dma source(%dma_start3A_168 : memref<80x128xi32, #tpu.memory_space<hbm>>) target(%arg7 : memref<80x128xi32, #tpu.memory_space<vmem>>) target_semaphore(%run_scoped3A : memref<!tpu.dma_semaphore, #tpu.memory_space<semaphore_mem>>)
      %dma_wait3A = arith.constant 0 : i32
      %dma_wait3A_169 = tpu.memref_slice %arg2[%multiple_of3A, %dma_wait3A] : memref<1280x128xi32, #tpu.memory_space<hbm>> -> memref<80x128xi32, #tpu.memory_space<hbm>>
      %dma_wait3A_170 = arith.constant 0 : i32
      %dma_wait3A_171 = tpu.memref_slice %arg2[%multiple_of3A, %dma_wait3A_170] : memref<1280x128xi32, #tpu.memory_space<hbm>> -> memref<80x128xi32, #tpu.memory_space<hbm>>
      tpu.wait_dma2 semaphore(%run_scoped3A : memref<!tpu.dma_semaphore, #tpu.memory_space<semaphore_mem>>) src(%dma_wait3A_171 : memref<80x128xi32, #tpu.memory_space<hbm>>) dst(%arg7 : memref<80x128xi32, #tpu.memory_space<vmem>>)
      tpu.yield
    }) : () -> ()
    %mul3A_7 = arith.constant 2 : i32
    %mul3A_8 = arith.muli %arg0, %mul3A_7 : i32
    %add3A = arith.constant 0 : i32
    %add3A_9 = arith.addi %mul3A_8, %add3A : i32
    %mul3A_10 = arith.constant 20224 : i32
    %mul3A_11 = arith.muli %arg0, %mul3A_10 : i32
    %scan3A = arith.constant 0 : i32
    %scan3A_12 = arith.constant 80 : i32
    %scan3A_13 = arith.addi %scan3A, %scan3A_12 : i32
    %scan3A_14 = arith.constant 1 : i32
    scf.for %scan3A_165 = %scan3A to %scan3A_13 step %scan3A_14  : i32 {
      %mul3A_166 = arith.constant 1 : i32
      %mul3A_167 = arith.muli %scan3A_165, %mul3A_166 : i32
      %add3A_168 = arith.constant 0 : i32
      %add3A_169 = arith.addi %add3A_168, %mul3A_167 : i32
      %get3A = arith.index_cast %add3A_169 : i32 to index
      %get3A_170 = arith.constant 0 : index
      %get3A_171 = tpu.vector_load %arg7[%get3A, %get3A_170] {strides = array<i32>} : memref<80x128xi32, #tpu.memory_space<vmem>>, vector<1x16xi32>,
      %get3A_172 = vector.shape_cast %get3A_171 : vector<1x16xi32> to vector<16xi32>
      %add3A_173 = vector.broadcast %mul3A_11 : i32 to vector<16xi32>
      %add3A_174 = arith.addi %get3A_172, %add3A_173 : vector<16xi32>
      %swap3A = arith.index_cast %add3A_169 : i32 to index
      %swap3A_175 = arith.constant 0 : index
      %swap3A_176 = tpu.vector_load %arg7[%swap3A, %swap3A_175] {strides = array<i32>} : memref<80x128xi32, #tpu.memory_space<vmem>>, vector<1x16xi32>,
      %swap3A_177 = vector.shape_cast %swap3A_176 : vector<1x16xi32> to vector<16xi32>
      %swap3A_178 = vector.shape_cast %add3A_174 : vector<16xi32> to vector<1x16xi32>
      tpu.vector_store %arg7[%swap3A, %swap3A_175], %swap3A_178 {strides = array<i32>} : memref<80x128xi32, #tpu.memory_space<vmem>>, vector<1x16xi32>,
      %get3A_179 = arith.index_cast %add3A_169 : i32 to index
      %get3A_180 = arith.constant 16 : index
      %get3A_181 = tpu.vector_load %arg7[%get3A_179, %get3A_180] {strides = array<i32>} : memref<80x128xi32, #tpu.memory_space<vmem>>, vector<1x16xi32>,
      %get3A_182 = vector.shape_cast %get3A_181 : vector<1x16xi32> to vector<16xi32>
      %add3A_183 = vector.broadcast %mul3A_11 : i32 to vector<16xi32>
      %add3A_184 = arith.addi %get3A_182, %add3A_183 : vector<16xi32>
      %swap3A_185 = arith.index_cast %add3A_169 : i32 to index
      %swap3A_186 = arith.constant 16 : index
      %swap3A_187 = tpu.vector_load %arg7[%swap3A_185, %swap3A_186] {strides = array<i32>} : memref<80x128xi32, #tpu.memory_space<vmem>>, vector<1x16xi32>,
      %swap3A_188 = vector.shape_cast %swap3A_187 : vector<1x16xi32> to vector<16xi32>
      %swap3A_189 = vector.shape_cast %add3A_184 : vector<16xi32> to vector<1x16xi32>
      tpu.vector_store %arg7[%swap3A_185, %swap3A_186], %swap3A_189 {strides = array<i32>} : memref<80x128xi32, #tpu.memory_space<vmem>>, vector<1x16xi32>,
      %get3A_190 = arith.index_cast %add3A_169 : i32 to index
      %get3A_191 = arith.constant 32 : index
      %get3A_192 = tpu.vector_load %arg7[%get3A_190, %get3A_191] {strides = array<i32>} : memref<80x128xi32, #tpu.memory_space<vmem>>, vector<1x16xi32>,
      %get3A_193 = vector.shape_cast %get3A_192 : vector<1x16xi32> to vector<16xi32>
      %add3A_194 = vector.broadcast %mul3A_11 : i32 to vector<16xi32>
      %add3A_195 = arith.addi %get3A_193, %add3A_194 : vector<16xi32>
      %swap3A_196 = arith.index_cast %add3A_169 : i32 to index
      %swap3A_197 = arith.constant 32 : index
      %swap3A_198 = tpu.vector_load %arg7[%swap3A_196, %swap3A_197] {strides = array<i32>} : memref<80x128xi32, #tpu.memory_space<vmem>>, vector<1x16xi32>,
      %swap3A_199 = vector.shape_cast %swap3A_198 : vector<1x16xi32> to vector<16xi32>
      %swap3A_200 = vector.shape_cast %add3A_195 : vector<16xi32> to vector<1x16xi32>
      tpu.vector_store %arg7[%swap3A_196, %swap3A_197], %swap3A_200 {strides = array<i32>} : memref<80x128xi32, #tpu.memory_space<vmem>>, vector<1x16xi32>,
      %get3A_201 = arith.index_cast %add3A_169 : i32 to index
      %get3A_202 = arith.constant 48 : index
      %get3A_203 = tpu.vector_load %arg7[%get3A_201, %get3A_202] {strides = array<i32>} : memref<80x128xi32, #tpu.memory_space<vmem>>, vector<1x16xi32>,
      %get3A_204 = vector.shape_cast %get3A_203 : vector<1x16xi32> to vector<16xi32>
      %add3A_205 = vector.broadcast %mul3A_11 : i32 to vector<16xi32>
      %add3A_206 = arith.addi %get3A_204, %add3A_205 : vector<16xi32>
      %swap3A_207 = arith.index_cast %add3A_169 : i32 to index
      %swap3A_208 = arith.constant 48 : index
      %swap3A_209 = tpu.vector_load %arg7[%swap3A_207, %swap3A_208] {strides = array<i32>} : memref<80x128xi32, #tpu.memory_space<vmem>>, vector<1x16xi32>,
      %swap3A_210 = vector.shape_cast %swap3A_209 : vector<1x16xi32> to vector<16xi32>
      %swap3A_211 = vector.shape_cast %add3A_206 : vector<16xi32> to vector<1x16xi32>
      tpu.vector_store %arg7[%swap3A_207, %swap3A_208], %swap3A_211 {strides = array<i32>} : memref<80x128xi32, #tpu.memory_space<vmem>>, vector<1x16xi32>,
      %get3A_212 = arith.index_cast %add3A_169 : i32 to index
      %get3A_213 = arith.constant 64 : index
      %get3A_214 = tpu.vector_load %arg7[%get3A_212, %get3A_213] {strides = array<i32>} : memref<80x128xi32, #tpu.memory_space<vmem>>, vector<1x16xi32>,
      %get3A_215 = vector.shape_cast %get3A_214 : vector<1x16xi32> to vector<16xi32>
      %add3A_216 = vector.broadcast %mul3A_11 : i32 to vector<16xi32>
      %add3A_217 = arith.addi %get3A_215, %add3A_216 : vector<16xi32>
      %swap3A_218 = arith.index_cast %add3A_169 : i32 to index
      %swap3A_219 = arith.constant 64 : index
      %swap3A_220 = tpu.vector_load %arg7[%swap3A_218, %swap3A_219] {strides = array<i32>} : memref<80x128xi32, #tpu.memory_space<vmem>>, vector<1x16xi32>,
      %swap3A_221 = vector.shape_cast %swap3A_220 : vector<1x16xi32> to vector<16xi32>
      %swap3A_222 = vector.shape_cast %add3A_217 : vector<16xi32> to vector<1x16xi32>
      tpu.vector_store %arg7[%swap3A_218, %swap3A_219], %swap3A_222 {strides = array<i32>} : memref<80x128xi32, #tpu.memory_space<vmem>>, vector<1x16xi32>,
      %get3A_223 = arith.index_cast %add3A_169 : i32 to index
      %get3A_224 = arith.constant 80 : index
      %get3A_225 = tpu.vector_load %arg7[%get3A_223, %get3A_224] {strides = array<i32>} : memref<80x128xi32, #tpu.memory_space<vmem>>, vector<1x16xi32>,
      %get3A_226 = vector.shape_cast %get3A_225 : vector<1x16xi32> to vector<16xi32>
      %add3A_227 = vector.broadcast %mul3A_11 : i32 to vector<16xi32>
      %add3A_228 = arith.addi %get3A_226, %add3A_227 : vector<16xi32>
      %swap3A_229 = arith.index_cast %add3A_169 : i32 to index
      %swap3A_230 = arith.constant 80 : index
      %swap3A_231 = tpu.vector_load %arg7[%swap3A_229, %swap3A_230] {strides = array<i32>} : memref<80x128xi32, #tpu.memory_space<vmem>>, vector<1x16xi32>,
      %swap3A_232 = vector.shape_cast %swap3A_231 : vector<1x16xi32> to vector<16xi32>
      %swap3A_233 = vector.shape_cast %add3A_228 : vector<16xi32> to vector<1x16xi32>
      tpu.vector_store %arg7[%swap3A_229, %swap3A_230], %swap3A_233 {strides = array<i32>} : memref<80x128xi32, #tpu.memory_space<vmem>>, vector<1x16xi32>,
      %get3A_234 = arith.index_cast %add3A_169 : i32 to index
      %get3A_235 = arith.constant 96 : index
      %get3A_236 = tpu.vector_load %arg7[%get3A_234, %get3A_235] {strides = array<i32>} : memref<80x128xi32, #tpu.memory_space<vmem>>, vector<1x16xi32>,
      %get3A_237 = vector.shape_cast %get3A_236 : vector<1x16xi32> to vector<16xi32>
      %add3A_238 = vector.broadcast %mul3A_11 : i32 to vector<16xi32>
      %add3A_239 = arith.addi %get3A_237, %add3A_238 : vector<16xi32>
      %swap3A_240 = arith.index_cast %add3A_169 : i32 to index
      %swap3A_241 = arith.constant 96 : index
      %swap3A_242 = tpu.vector_load %arg7[%swap3A_240, %swap3A_241] {strides = array<i32>} : memref<80x128xi32, #tpu.memory_space<vmem>>, vector<1x16xi32>,
      %swap3A_243 = vector.shape_cast %swap3A_242 : vector<1x16xi32> to vector<16xi32>
      %swap3A_244 = vector.shape_cast %add3A_239 : vector<16xi32> to vector<1x16xi32>
      tpu.vector_store %arg7[%swap3A_240, %swap3A_241], %swap3A_244 {strides = array<i32>} : memref<80x128xi32, #tpu.memory_space<vmem>>, vector<1x16xi32>,
      %get3A_245 = arith.index_cast %add3A_169 : i32 to index
      %get3A_246 = arith.constant 112 : index
      %get3A_247 = tpu.vector_load %arg7[%get3A_245, %get3A_246] {strides = array<i32>} : memref<80x128xi32, #tpu.memory_space<vmem>>, vector<1x16xi32>,
      %get3A_248 = vector.shape_cast %get3A_247 : vector<1x16xi32> to vector<16xi32>
      %add3A_249 = vector.broadcast %mul3A_11 : i32 to vector<16xi32>
      %add3A_250 = arith.addi %get3A_248, %add3A_249 : vector<16xi32>
      %swap3A_251 = arith.index_cast %add3A_169 : i32 to index
      %swap3A_252 = arith.constant 112 : index
      %swap3A_253 = tpu.vector_load %arg7[%swap3A_251, %swap3A_252] {strides = array<i32>} : memref<80x128xi32, #tpu.memory_space<vmem>>, vector<1x16xi32>,
      %swap3A_254 = vector.shape_cast %swap3A_253 : vector<1x16xi32> to vector<16xi32>
      %swap3A_255 = vector.shape_cast %add3A_250 : vector<16xi32> to vector<1x16xi32>
      tpu.vector_store %arg7[%swap3A_251, %swap3A_252], %swap3A_255 {strides = array<i32>} : memref<80x128xi32, #tpu.memory_space<vmem>>, vector<1x16xi32>,
    }
    %scan3A_15 = arith.constant 80 : i32
    "tpu.region"() ({
      %run_scoped3A = tpu.sem_alloc : memref<!tpu.dma_semaphore, #tpu.memory_space<semaphore_mem>>
      %dma_start3A_165 = arith.constant 0 : i32
      %dma_start3A_166 = tpu.memref_slice %arg22[%multiple_of3A_6, %dma_start3A_165] : memref<10112x128xf32, #tpu.memory_space<vmem_shared>> -> memref<632x128xf32, #tpu.memory_space<vmem_shared>>
      %dma_start3A_167 = arith.constant 0 : i32
      %dma_start3A_168 = tpu.memref_slice %arg4[%multiple_of3A_6, %dma_start3A_167] : memref<10112x128xf32, #tpu.memory_space<hbm>> -> memref<632x128xf32, #tpu.memory_space<hbm>>
      tpu.enqueue_dma source(%dma_start3A_168 : memref<632x128xf32, #tpu.memory_space<hbm>>) target(%dma_start3A_166 : memref<632x128xf32, #tpu.memory_space<vmem_shared>>) target_semaphore(%run_scoped3A : memref<!tpu.dma_semaphore, #tpu.memory_space<semaphore_mem>>)
      %dma_wait3A = arith.constant 0 : i32
      %dma_wait3A_169 = tpu.memref_slice %arg22[%multiple_of3A_6, %dma_wait3A] : memref<10112x128xf32, #tpu.memory_space<vmem_shared>> -> memref<632x128xf32, #tpu.memory_space<vmem_shared>>
      %dma_wait3A_170 = arith.constant 0 : i32
      %dma_wait3A_171 = tpu.memref_slice %arg4[%multiple_of3A_6, %dma_wait3A_170] : memref<10112x128xf32, #tpu.memory_space<hbm>> -> memref<632x128xf32, #tpu.memory_space<hbm>>
      tpu.wait_dma2 semaphore(%run_scoped3A : memref<!tpu.dma_semaphore, #tpu.memory_space<semaphore_mem>>) src(%dma_wait3A_171 : memref<632x128xf32, #tpu.memory_space<hbm>>) dst(%dma_wait3A_169 : memref<632x128xf32, #tpu.memory_space<vmem_shared>>)
      tpu.yield
    }) : () -> ()
    %barrier3A = arith.constant 0 : index
    tpu.barrier barrier_id(%barrier3A)
    %add3A_16 = arith.constant 0 : i32
    %add3A_17 = arith.addi %multiple_of3A_3, %add3A_16 : i32
    %multiple_of3A_18 = tpu.assume_multiple %add3A_17, 128 : i32
    %dma_start3A = tpu.memref_slice %arg3[%multiple_of3A_18] : memref<163840xi32, #tpu.memory_space<hbm>> -> memref<128xi32, #tpu.memory_space<hbm>>
    %dma_start3A_19 = tpu.memref_slice %arg3[%multiple_of3A_18] : memref<163840xi32, #tpu.memory_space<hbm>> -> memref<128xi32, #tpu.memory_space<hbm>>
    tpu.enqueue_dma source(%dma_start3A_19 : memref<128xi32, #tpu.memory_space<hbm>>) target(%arg14 : memref<128xi32, #tpu.memory_space<vmem>>) target_semaphore(%arg18 : memref<!tpu.dma_semaphore, #tpu.memory_space<semaphore_mem>>)
    %add3A_20 = arith.constant 128 : i32
    %add3A_21 = arith.addi %multiple_of3A_3, %add3A_20 : i32
    %multiple_of3A_22 = tpu.assume_multiple %add3A_21, 128 : i32
    %dma_start3A_23 = tpu.memref_slice %arg3[%multiple_of3A_22] : memref<163840xi32, #tpu.memory_space<hbm>> -> memref<128xi32, #tpu.memory_space<hbm>>
    %dma_start3A_24 = tpu.memref_slice %arg3[%multiple_of3A_22] : memref<163840xi32, #tpu.memory_space<hbm>> -> memref<128xi32, #tpu.memory_space<hbm>>
    tpu.enqueue_dma source(%dma_start3A_24 : memref<128xi32, #tpu.memory_space<hbm>>) target(%arg15 : memref<128xi32, #tpu.memory_space<vmem>>) target_semaphore(%arg19 : memref<!tpu.dma_semaphore, #tpu.memory_space<semaphore_mem>>)
    %add3A_25 = arith.constant 256 : i32
    %add3A_26 = arith.addi %multiple_of3A_3, %add3A_25 : i32
    %multiple_of3A_27 = tpu.assume_multiple %add3A_26, 128 : i32
    %dma_start3A_28 = tpu.memref_slice %arg3[%multiple_of3A_27] : memref<163840xi32, #tpu.memory_space<hbm>> -> memref<128xi32, #tpu.memory_space<hbm>>
    %dma_start3A_29 = tpu.memref_slice %arg3[%multiple_of3A_27] : memref<163840xi32, #tpu.memory_space<hbm>> -> memref<128xi32, #tpu.memory_space<hbm>>
    tpu.enqueue_dma source(%dma_start3A_29 : memref<128xi32, #tpu.memory_space<hbm>>) target(%arg16 : memref<128xi32, #tpu.memory_space<vmem>>) target_semaphore(%arg20 : memref<!tpu.dma_semaphore, #tpu.memory_space<semaphore_mem>>)
    %add3A_30 = arith.constant 384 : i32
    %add3A_31 = arith.addi %multiple_of3A_3, %add3A_30 : i32
    %multiple_of3A_32 = tpu.assume_multiple %add3A_31, 128 : i32
    %dma_start3A_33 = tpu.memref_slice %arg3[%multiple_of3A_32] : memref<163840xi32, #tpu.memory_space<hbm>> -> memref<128xi32, #tpu.memory_space<hbm>>
    %dma_start3A_34 = tpu.memref_slice %arg3[%multiple_of3A_32] : memref<163840xi32, #tpu.memory_space<hbm>> -> memref<128xi32, #tpu.memory_space<hbm>>
    tpu.enqueue_dma source(%dma_start3A_34 : memref<128xi32, #tpu.memory_space<hbm>>) target(%arg17 : memref<128xi32, #tpu.memory_space<vmem>>) target_semaphore(%arg21 : memref<!tpu.dma_semaphore, #tpu.memory_space<semaphore_mem>>)
    %dma_start3A_35 = arith.constant 0 : i32
    %dma_start3A_36 = arith.constant 0 : i32
    %dma_start3A_37 = arith.constant 0 : i32
    %dma_start3A_38 = tpu.memref_slice %arg8[%dma_start3A_36, %dma_start3A_37] : memref<128x128xf32, #tpu.memory_space<vmem>> -> memref<64x128xf32, #tpu.memory_space<vmem>>
    %dma_start3A_39 = arith.constant 0 : i32
    %dma_start3A_40 = tpu.memref_slice %arg7[%dma_start3A_35, %dma_start3A_39] : memref<80x128xi32, #tpu.memory_space<vmem>> -> memref<1x64xi32, #tpu.memory_space<vmem>>
    %dma_start3A_41 = tpu.memref_squeeze %dma_start3A_40 : memref<1x64xi32, #tpu.memory_space<vmem>> -> memref<64xi32, #tpu.memory_space<vmem>>
    %dma_start3A_42 = arith.constant 0 : i32
    %dma_start3A_43 = arith.constant 0 : i32
    %dma_start3A_44 = tpu.memref_slice %arg5[%dma_start3A_42, %dma_start3A_43] : memref<40448x128xf32, #tpu.memory_space<hbm>> -> memref<40448x128xf32, #tpu.memory_space<hbm>>
    tpu.enqueue_indirect_dma source(%dma_start3A_44 : memref<40448x128xf32, #tpu.memory_space<hbm>>) target(%dma_start3A_38 : memref<64x128xf32, #tpu.memory_space<vmem>>) offsets(%dma_start3A_41 : memref<64xi32, #tpu.memory_space<vmem>>) semaphore(%arg10 : memref<!tpu.dma_semaphore, #tpu.memory_space<semaphore_mem>>)
    %dma_start3A_45 = arith.constant 0 : i32
    %dma_start3A_46 = arith.constant 64 : i32
    %dma_start3A_47 = arith.constant 0 : i32
    %dma_start3A_48 = tpu.memref_slice %arg8[%dma_start3A_46, %dma_start3A_47] : memref<128x128xf32, #tpu.memory_space<vmem>> -> memref<64x128xf32, #tpu.memory_space<vmem>>
    %dma_start3A_49 = arith.constant 64 : i32
    %dma_start3A_50 = tpu.memref_slice %arg7[%dma_start3A_45, %dma_start3A_49] : memref<80x128xi32, #tpu.memory_space<vmem>> -> memref<1x64xi32, #tpu.memory_space<vmem>>
    %dma_start3A_51 = tpu.memref_squeeze %dma_start3A_50 : memref<1x64xi32, #tpu.memory_space<vmem>> -> memref<64xi32, #tpu.memory_space<vmem>>
    %dma_start3A_52 = arith.constant 0 : i32
    %dma_start3A_53 = arith.constant 0 : i32
    %dma_start3A_54 = tpu.memref_slice %arg5[%dma_start3A_52, %dma_start3A_53] : memref<40448x128xf32, #tpu.memory_space<hbm>> -> memref<40448x128xf32, #tpu.memory_space<hbm>>
    tpu.enqueue_indirect_dma source(%dma_start3A_54 : memref<40448x128xf32, #tpu.memory_space<hbm>>) target(%dma_start3A_48 : memref<64x128xf32, #tpu.memory_space<vmem>>) offsets(%dma_start3A_51 : memref<64xi32, #tpu.memory_space<vmem>>) semaphore(%arg12 : memref<!tpu.dma_semaphore, #tpu.memory_space<semaphore_mem>>)
    %dma_start3A_55 = arith.constant 1 : i32
    %dma_start3A_56 = arith.constant 0 : i32
    %dma_start3A_57 = arith.constant 0 : i32
    %dma_start3A_58 = tpu.memref_slice %arg9[%dma_start3A_56, %dma_start3A_57] : memref<128x128xf32, #tpu.memory_space<vmem>> -> memref<64x128xf32, #tpu.memory_space<vmem>>
    %dma_start3A_59 = arith.constant 0 : i32
    %dma_start3A_60 = tpu.memref_slice %arg7[%dma_start3A_55, %dma_start3A_59] : memref<80x128xi32, #tpu.memory_space<vmem>> -> memref<1x64xi32, #tpu.memory_space<vmem>>
    %dma_start3A_61 = tpu.memref_squeeze %dma_start3A_60 : memref<1x64xi32, #tpu.memory_space<vmem>> -> memref<64xi32, #tpu.memory_space<vmem>>
    %dma_start3A_62 = arith.constant 0 : i32
    %dma_start3A_63 = arith.constant 0 : i32
    %dma_start3A_64 = tpu.memref_slice %arg5[%dma_start3A_62, %dma_start3A_63] : memref<40448x128xf32, #tpu.memory_space<hbm>> -> memref<40448x128xf32, #tpu.memory_space<hbm>>
    tpu.enqueue_indirect_dma source(%dma_start3A_64 : memref<40448x128xf32, #tpu.memory_space<hbm>>) target(%dma_start3A_58 : memref<64x128xf32, #tpu.memory_space<vmem>>) offsets(%dma_start3A_61 : memref<64xi32, #tpu.memory_space<vmem>>) semaphore(%arg11 : memref<!tpu.dma_semaphore, #tpu.memory_space<semaphore_mem>>)
    %dma_start3A_65 = arith.constant 1 : i32
    %dma_start3A_66 = arith.constant 64 : i32
    %dma_start3A_67 = arith.constant 0 : i32
    %dma_start3A_68 = tpu.memref_slice %arg9[%dma_start3A_66, %dma_start3A_67] : memref<128x128xf32, #tpu.memory_space<vmem>> -> memref<64x128xf32, #tpu.memory_space<vmem>>
    %dma_start3A_69 = arith.constant 64 : i32
    %dma_start3A_70 = tpu.memref_slice %arg7[%dma_start3A_65, %dma_start3A_69] : memref<80x128xi32, #tpu.memory_space<vmem>> -> memref<1x64xi32, #tpu.memory_space<vmem>>
    %dma_start3A_71 = tpu.memref_squeeze %dma_start3A_70 : memref<1x64xi32, #tpu.memory_space<vmem>> -> memref<64xi32, #tpu.memory_space<vmem>>
    %dma_start3A_72 = arith.constant 0 : i32
    %dma_start3A_73 = arith.constant 0 : i32
    %dma_start3A_74 = tpu.memref_slice %arg5[%dma_start3A_72, %dma_start3A_73] : memref<40448x128xf32, #tpu.memory_space<hbm>> -> memref<40448x128xf32, #tpu.memory_space<hbm>>
    tpu.enqueue_indirect_dma source(%dma_start3A_74 : memref<40448x128xf32, #tpu.memory_space<hbm>>) target(%dma_start3A_68 : memref<64x128xf32, #tpu.memory_space<vmem>>) offsets(%dma_start3A_71 : memref<64xi32, #tpu.memory_space<vmem>>) semaphore(%arg13 : memref<!tpu.dma_semaphore, #tpu.memory_space<semaphore_mem>>)
    %scan3A_75 = arith.constant 0 : i32
    %scan3A_76 = arith.constant 20 : i32
    %scan3A_77 = arith.addi %scan3A_75, %scan3A_76 : i32
    %scan3A_78 = arith.constant 1 : i32
    scf.for %scan3A_165 = %scan3A_75 to %scan3A_77 step %scan3A_78  : i32 {
      %mul3A_166 = arith.constant 4 : i32
      %mul3A_167 = arith.muli %scan3A_165, %mul3A_166 : i32
      %add3A_168 = arith.constant 0 : i32
      %add3A_169 = arith.addi %add3A_168, %mul3A_167 : i32
      %add3A_170 = arith.constant 0 : i32
      %add3A_171 = arith.addi %add3A_169, %add3A_170 : i32
      %dma_wait3A = arith.constant 0 : i32
      %dma_wait3A_172 = arith.constant 0 : i32
      %dma_wait3A_173 = arith.constant 0 : i32
      %dma_wait3A_174 = tpu.memref_slice %arg8[%dma_wait3A_172, %dma_wait3A_173] : memref<128x128xf32, #tpu.memory_space<vmem>> -> memref<64x128xf32, #tpu.memory_space<vmem>>
      %dma_wait3A_175 = arith.constant 0 : i32
      %dma_wait3A_176 = tpu.memref_slice %arg7[%dma_wait3A, %dma_wait3A_175] : memref<80x128xi32, #tpu.memory_space<vmem>> -> memref<1x64xi32, #tpu.memory_space<vmem>>
      %dma_wait3A_177 = tpu.memref_squeeze %dma_wait3A_176 : memref<1x64xi32, #tpu.memory_space<vmem>> -> memref<64xi32, #tpu.memory_space<vmem>>
      %dma_wait3A_178 = arith.constant 0 : i32
      %dma_wait3A_179 = arith.constant 0 : i32
      %dma_wait3A_180 = tpu.memref_slice %arg5[%dma_wait3A_178, %dma_wait3A_179] : memref<40448x128xf32, #tpu.memory_space<hbm>> -> memref<40448x128xf32, #tpu.memory_space<hbm>>
      tpu.wait_indirect_dma semaphore(%arg10 : memref<!tpu.dma_semaphore, #tpu.memory_space<semaphore_mem>>) src(%dma_wait3A_180 : memref<40448x128xf32, #tpu.memory_space<hbm>>) dst(%dma_wait3A_174 : memref<64x128xf32, #tpu.memory_space<vmem>>)
      %dma_wait3A_181 = arith.constant 0 : i32
      %dma_wait3A_182 = arith.constant 64 : i32
      %dma_wait3A_183 = arith.constant 0 : i32
      %dma_wait3A_184 = tpu.memref_slice %arg8[%dma_wait3A_182, %dma_wait3A_183] : memref<128x128xf32, #tpu.memory_space<vmem>> -> memref<64x128xf32, #tpu.memory_space<vmem>>
      %dma_wait3A_185 = arith.constant 0 : i32
      %dma_wait3A_186 = tpu.memref_slice %arg7[%dma_wait3A_181, %dma_wait3A_185] : memref<80x128xi32, #tpu.memory_space<vmem>> -> memref<1x64xi32, #tpu.memory_space<vmem>>
      %dma_wait3A_187 = tpu.memref_squeeze %dma_wait3A_186 : memref<1x64xi32, #tpu.memory_space<vmem>> -> memref<64xi32, #tpu.memory_space<vmem>>
      %dma_wait3A_188 = arith.constant 0 : i32
      %dma_wait3A_189 = arith.constant 0 : i32
      %dma_wait3A_190 = tpu.memref_slice %arg5[%dma_wait3A_188, %dma_wait3A_189] : memref<40448x128xf32, #tpu.memory_space<hbm>> -> memref<40448x128xf32, #tpu.memory_space<hbm>>
      tpu.wait_indirect_dma semaphore(%arg12 : memref<!tpu.dma_semaphore, #tpu.memory_space<semaphore_mem>>) src(%dma_wait3A_190 : memref<40448x128xf32, #tpu.memory_space<hbm>>) dst(%dma_wait3A_184 : memref<64x128xf32, #tpu.memory_space<vmem>>)
      %dma_wait3A_191 = arith.constant 0 : i32
      %dma_wait3A_192 = tpu.memref_slice %arg3[%dma_wait3A_191] : memref<163840xi32, #tpu.memory_space<hbm>> -> memref<128xi32, #tpu.memory_space<hbm>>
      %dma_wait3A_193 = arith.constant 0 : i32
      %dma_wait3A_194 = tpu.memref_slice %arg3[%dma_wait3A_193] : memref<163840xi32, #tpu.memory_space<hbm>> -> memref<128xi32, #tpu.memory_space<hbm>>
      tpu.wait_dma2 semaphore(%arg18 : memref<!tpu.dma_semaphore, #tpu.memory_space<semaphore_mem>>) src(%dma_wait3A_194 : memref<128xi32, #tpu.memory_space<hbm>>) dst(%arg14 : memref<128xi32, #tpu.memory_space<vmem>>)
      "tpu.region"() ({
        %run_scoped3A = tpu.sem_alloc : memref<!tpu.dma_semaphore, #tpu.memory_space<semaphore_mem>>
        %dma_start3A_326 = arith.constant 0 : i32
        %dma_start3A_327 = arith.constant 0 : i32
        %dma_start3A_328 = tpu.memref_slice %arg22[%dma_start3A_326, %dma_start3A_327] : memref<10112x128xf32, #tpu.memory_space<vmem_shared>> -> memref<10112x128xf32, #tpu.memory_space<vmem_shared>>
        tpu.enqueue_indirect_dma source(%arg8 : memref<128x128xf32, #tpu.memory_space<vmem>>) target(%dma_start3A_328 : memref<10112x128xf32, #tpu.memory_space<vmem_shared>>) offsets(%arg14 : memref<128xi32, #tpu.memory_space<vmem>>) semaphore(%run_scoped3A : memref<!tpu.dma_semaphore, #tpu.memory_space<semaphore_mem>>) {add = true}
        %dma_wait3A_329 = arith.constant 0 : i32
        %dma_wait3A_330 = arith.constant 0 : i32
        %dma_wait3A_331 = tpu.memref_slice %arg22[%dma_wait3A_329, %dma_wait3A_330] : memref<10112x128xf32, #tpu.memory_space<vmem_shared>> -> memref<10112x128xf32, #tpu.memory_space<vmem_shared>>
        tpu.wait_indirect_dma semaphore(%run_scoped3A : memref<!tpu.dma_semaphore, #tpu.memory_space<semaphore_mem>>) src(%arg8 : memref<128x128xf32, #tpu.memory_space<vmem>>) dst(%dma_wait3A_331 : memref<10112x128xf32, #tpu.memory_space<vmem_shared>>)
        tpu.yield
      }) : () -> ()
      %add3A_195 = arith.constant 2 : i32
      %add3A_196 = arith.addi %add3A_171, %add3A_195 : i32
      %lt3A = arith.constant 80 : i32
      %lt3A_197 = arith.cmpi slt, %add3A_196, %lt3A : i32
      %convert_element_type3A = arith.extui %lt3A_197 : i1 to i32
      %cond3A = arith.constant 0 : i32
      %cond3A_198 = arith.cmpi ne, %convert_element_type3A, %cond3A : i32
      scf.if %cond3A_198 {
        %add3A_326 = arith.constant 2 : i32
        %add3A_327 = arith.addi %add3A_171, %add3A_326 : i32
        %dma_start3A_328 = arith.constant 0 : i32
        %dma_start3A_329 = arith.constant 0 : i32
        %dma_start3A_330 = tpu.memref_slice %arg8[%dma_start3A_328, %dma_start3A_329] : memref<128x128xf32, #tpu.memory_space<vmem>> -> memref<64x128xf32, #tpu.memory_space<vmem>>
        %dma_start3A_331 = arith.constant 0 : i32
        %dma_start3A_332 = tpu.memref_slice %arg7[%add3A_327, %dma_start3A_331] : memref<80x128xi32, #tpu.memory_space<vmem>> -> memref<1x64xi32, #tpu.memory_space<vmem>>
        %dma_start3A_333 = tpu.memref_squeeze %dma_start3A_332 : memref<1x64xi32, #tpu.memory_space<vmem>> -> memref<64xi32, #tpu.memory_space<vmem>>
        %dma_start3A_334 = arith.constant 0 : i32
        %dma_start3A_335 = arith.constant 0 : i32
        %dma_start3A_336 = tpu.memref_slice %arg5[%dma_start3A_334, %dma_start3A_335] : memref<40448x128xf32, #tpu.memory_space<hbm>> -> memref<40448x128xf32, #tpu.memory_space<hbm>>
        tpu.enqueue_indirect_dma source(%dma_start3A_336 : memref<40448x128xf32, #tpu.memory_space<hbm>>) target(%dma_start3A_330 : memref<64x128xf32, #tpu.memory_space<vmem>>) offsets(%dma_start3A_333 : memref<64xi32, #tpu.memory_space<vmem>>) semaphore(%arg10 : memref<!tpu.dma_semaphore, #tpu.memory_space<semaphore_mem>>)
        %dma_start3A_337 = arith.constant 64 : i32
        %dma_start3A_338 = arith.constant 0 : i32
        %dma_start3A_339 = tpu.memref_slice %arg8[%dma_start3A_337, %dma_start3A_338] : memref<128x128xf32, #tpu.memory_space<vmem>> -> memref<64x128xf32, #tpu.memory_space<vmem>>
        %dma_start3A_340 = arith.constant 64 : i32
        %dma_start3A_341 = tpu.memref_slice %arg7[%add3A_327, %dma_start3A_340] : memref<80x128xi32, #tpu.memory_space<vmem>> -> memref<1x64xi32, #tpu.memory_space<vmem>>
        %dma_start3A_342 = tpu.memref_squeeze %dma_start3A_341 : memref<1x64xi32, #tpu.memory_space<vmem>> -> memref<64xi32, #tpu.memory_space<vmem>>
        %dma_start3A_343 = arith.constant 0 : i32
        %dma_start3A_344 = arith.constant 0 : i32
        %dma_start3A_345 = tpu.memref_slice %arg5[%dma_start3A_343, %dma_start3A_344] : memref<40448x128xf32, #tpu.memory_space<hbm>> -> memref<40448x128xf32, #tpu.memory_space<hbm>>
        tpu.enqueue_indirect_dma source(%dma_start3A_345 : memref<40448x128xf32, #tpu.memory_space<hbm>>) target(%dma_start3A_339 : memref<64x128xf32, #tpu.memory_space<vmem>>) offsets(%dma_start3A_342 : memref<64xi32, #tpu.memory_space<vmem>>) semaphore(%arg12 : memref<!tpu.dma_semaphore, #tpu.memory_space<semaphore_mem>>)
      } else {
      }
      %add3A_199 = arith.constant 4 : i32
      %add3A_200 = arith.addi %add3A_171, %add3A_199 : i32
      %lt3A_201 = arith.constant 80 : i32
      %lt3A_202 = arith.cmpi slt, %add3A_200, %lt3A_201 : i32
      %convert_element_type3A_203 = arith.extui %lt3A_202 : i1 to i32
      %cond3A_204 = arith.constant 0 : i32
      %cond3A_205 = arith.cmpi ne, %convert_element_type3A_203, %cond3A_204 : i32
      scf.if %cond3A_205 {
        %add3A_326 = arith.constant 4 : i32
        %add3A_327 = arith.addi %add3A_171, %add3A_326 : i32
        %mul3A_328 = arith.constant 128 : i32
        %mul3A_329 = arith.muli %add3A_327, %mul3A_328 : i32
        %add3A_330 = arith.addi %multiple_of3A_3, %mul3A_329 : i32
        %multiple_of3A_331 = tpu.assume_multiple %add3A_330, 128 : i32
        %dma_start3A_332 = tpu.memref_slice %arg3[%multiple_of3A_331] : memref<163840xi32, #tpu.memory_space<hbm>> -> memref<128xi32, #tpu.memory_space<hbm>>
        %dma_start3A_333 = tpu.memref_slice %arg3[%multiple_of3A_331] : memref<163840xi32, #tpu.memory_space<hbm>> -> memref<128xi32, #tpu.memory_space<hbm>>
        tpu.enqueue_dma source(%dma_start3A_333 : memref<128xi32, #tpu.memory_space<hbm>>) target(%arg14 : memref<128xi32, #tpu.memory_space<vmem>>) target_semaphore(%arg18 : memref<!tpu.dma_semaphore, #tpu.memory_space<semaphore_mem>>)
      } else {
      }
      %add3A_206 = arith.constant 1 : i32
      %add3A_207 = arith.addi %add3A_169, %add3A_206 : i32
      %dma_wait3A_208 = arith.constant 0 : i32
      %dma_wait3A_209 = arith.constant 0 : i32
      %dma_wait3A_210 = arith.constant 0 : i32
      %dma_wait3A_211 = tpu.memref_slice %arg9[%dma_wait3A_209, %dma_wait3A_210] : memref<128x128xf32, #tpu.memory_space<vmem>> -> memref<64x128xf32, #tpu.memory_space<vmem>>
      %dma_wait3A_212 = arith.constant 0 : i32
      %dma_wait3A_213 = tpu.memref_slice %arg7[%dma_wait3A_208, %dma_wait3A_212] : memref<80x128xi32, #tpu.memory_space<vmem>> -> memref<1x64xi32, #tpu.memory_space<vmem>>
      %dma_wait3A_214 = tpu.memref_squeeze %dma_wait3A_213 : memref<1x64xi32, #tpu.memory_space<vmem>> -> memref<64xi32, #tpu.memory_space<vmem>>
      %dma_wait3A_215 = arith.constant 0 : i32
      %dma_wait3A_216 = arith.constant 0 : i32
      %dma_wait3A_217 = tpu.memref_slice %arg5[%dma_wait3A_215, %dma_wait3A_216] : memref<40448x128xf32, #tpu.memory_space<hbm>> -> memref<40448x128xf32, #tpu.memory_space<hbm>>
      tpu.wait_indirect_dma semaphore(%arg11 : memref<!tpu.dma_semaphore, #tpu.memory_space<semaphore_mem>>) src(%dma_wait3A_217 : memref<40448x128xf32, #tpu.memory_space<hbm>>) dst(%dma_wait3A_211 : memref<64x128xf32, #tpu.memory_space<vmem>>)
      %dma_wait3A_218 = arith.constant 0 : i32
      %dma_wait3A_219 = arith.constant 64 : i32
      %dma_wait3A_220 = arith.constant 0 : i32
      %dma_wait3A_221 = tpu.memref_slice %arg9[%dma_wait3A_219, %dma_wait3A_220] : memref<128x128xf32, #tpu.memory_space<vmem>> -> memref<64x128xf32, #tpu.memory_space<vmem>>
      %dma_wait3A_222 = arith.constant 0 : i32
      %dma_wait3A_223 = tpu.memref_slice %arg7[%dma_wait3A_218, %dma_wait3A_222] : memref<80x128xi32, #tpu.memory_space<vmem>> -> memref<1x64xi32, #tpu.memory_space<vmem>>
      %dma_wait3A_224 = tpu.memref_squeeze %dma_wait3A_223 : memref<1x64xi32, #tpu.memory_space<vmem>> -> memref<64xi32, #tpu.memory_space<vmem>>
      %dma_wait3A_225 = arith.constant 0 : i32
      %dma_wait3A_226 = arith.constant 0 : i32
      %dma_wait3A_227 = tpu.memref_slice %arg5[%dma_wait3A_225, %dma_wait3A_226] : memref<40448x128xf32, #tpu.memory_space<hbm>> -> memref<40448x128xf32, #tpu.memory_space<hbm>>
      tpu.wait_indirect_dma semaphore(%arg13 : memref<!tpu.dma_semaphore, #tpu.memory_space<semaphore_mem>>) src(%dma_wait3A_227 : memref<40448x128xf32, #tpu.memory_space<hbm>>) dst(%dma_wait3A_221 : memref<64x128xf32, #tpu.memory_space<vmem>>)
      %dma_wait3A_228 = arith.constant 0 : i32
      %dma_wait3A_229 = tpu.memref_slice %arg3[%dma_wait3A_228] : memref<163840xi32, #tpu.memory_space<hbm>> -> memref<128xi32, #tpu.memory_space<hbm>>
      %dma_wait3A_230 = arith.constant 0 : i32
      %dma_wait3A_231 = tpu.memref_slice %arg3[%dma_wait3A_230] : memref<163840xi32, #tpu.memory_space<hbm>> -> memref<128xi32, #tpu.memory_space<hbm>>
      tpu.wait_dma2 semaphore(%arg19 : memref<!tpu.dma_semaphore, #tpu.memory_space<semaphore_mem>>) src(%dma_wait3A_231 : memref<128xi32, #tpu.memory_space<hbm>>) dst(%arg15 : memref<128xi32, #tpu.memory_space<vmem>>)
      "tpu.region"() ({
        %run_scoped3A = tpu.sem_alloc : memref<!tpu.dma_semaphore, #tpu.memory_space<semaphore_mem>>
        %dma_start3A_326 = arith.constant 0 : i32
        %dma_start3A_327 = arith.constant 0 : i32
        %dma_start3A_328 = tpu.memref_slice %arg22[%dma_start3A_326, %dma_start3A_327] : memref<10112x128xf32, #tpu.memory_space<vmem_shared>> -> memref<10112x128xf32, #tpu.memory_space<vmem_shared>>
        tpu.enqueue_indirect_dma source(%arg9 : memref<128x128xf32, #tpu.memory_space<vmem>>) target(%dma_start3A_328 : memref<10112x128xf32, #tpu.memory_space<vmem_shared>>) offsets(%arg15 : memref<128xi32, #tpu.memory_space<vmem>>) semaphore(%run_scoped3A : memref<!tpu.dma_semaphore, #tpu.memory_space<semaphore_mem>>) {add = true}
        %dma_wait3A_329 = arith.constant 0 : i32
        %dma_wait3A_330 = arith.constant 0 : i32
        %dma_wait3A_331 = tpu.memref_slice %arg22[%dma_wait3A_329, %dma_wait3A_330] : memref<10112x128xf32, #tpu.memory_space<vmem_shared>> -> memref<10112x128xf32, #tpu.memory_space<vmem_shared>>
        tpu.wait_indirect_dma semaphore(%run_scoped3A : memref<!tpu.dma_semaphore, #tpu.memory_space<semaphore_mem>>) src(%arg9 : memref<128x128xf32, #tpu.memory_space<vmem>>) dst(%dma_wait3A_331 : memref<10112x128xf32, #tpu.memory_space<vmem_shared>>)
        tpu.yield
      }) : () -> ()
      %add3A_232 = arith.constant 2 : i32
      %add3A_233 = arith.addi %add3A_207, %add3A_232 : i32
      %lt3A_234 = arith.constant 80 : i32
      %lt3A_235 = arith.cmpi slt, %add3A_233, %lt3A_234 : i32
      %convert_element_type3A_236 = arith.extui %lt3A_235 : i1 to i32
      %cond3A_237 = arith.constant 0 : i32
      %cond3A_238 = arith.cmpi ne, %convert_element_type3A_236, %cond3A_237 : i32
      scf.if %cond3A_238 {
        %add3A_326 = arith.constant 2 : i32
        %add3A_327 = arith.addi %add3A_207, %add3A_326 : i32
        %dma_start3A_328 = arith.constant 0 : i32
        %dma_start3A_329 = arith.constant 0 : i32
        %dma_start3A_330 = tpu.memref_slice %arg9[%dma_start3A_328, %dma_start3A_329] : memref<128x128xf32, #tpu.memory_space<vmem>> -> memref<64x128xf32, #tpu.memory_space<vmem>>
        %dma_start3A_331 = arith.constant 0 : i32
        %dma_start3A_332 = tpu.memref_slice %arg7[%add3A_327, %dma_start3A_331] : memref<80x128xi32, #tpu.memory_space<vmem>> -> memref<1x64xi32, #tpu.memory_space<vmem>>
        %dma_start3A_333 = tpu.memref_squeeze %dma_start3A_332 : memref<1x64xi32, #tpu.memory_space<vmem>> -> memref<64xi32, #tpu.memory_space<vmem>>
        %dma_start3A_334 = arith.constant 0 : i32
        %dma_start3A_335 = arith.constant 0 : i32
        %dma_start3A_336 = tpu.memref_slice %arg5[%dma_start3A_334, %dma_start3A_335] : memref<40448x128xf32, #tpu.memory_space<hbm>> -> memref<40448x128xf32, #tpu.memory_space<hbm>>
        tpu.enqueue_indirect_dma source(%dma_start3A_336 : memref<40448x128xf32, #tpu.memory_space<hbm>>) target(%dma_start3A_330 : memref<64x128xf32, #tpu.memory_space<vmem>>) offsets(%dma_start3A_333 : memref<64xi32, #tpu.memory_space<vmem>>) semaphore(%arg11 : memref<!tpu.dma_semaphore, #tpu.memory_space<semaphore_mem>>)
        %dma_start3A_337 = arith.constant 64 : i32
        %dma_start3A_338 = arith.constant 0 : i32
        %dma_start3A_339 = tpu.memref_slice %arg9[%dma_start3A_337, %dma_start3A_338] : memref<128x128xf32, #tpu.memory_space<vmem>> -> memref<64x128xf32, #tpu.memory_space<vmem>>
        %dma_start3A_340 = arith.constant 64 : i32
        %dma_start3A_341 = tpu.memref_slice %arg7[%add3A_327, %dma_start3A_340] : memref<80x128xi32, #tpu.memory_space<vmem>> -> memref<1x64xi32, #tpu.memory_space<vmem>>
        %dma_start3A_342 = tpu.memref_squeeze %dma_start3A_341 : memref<1x64xi32, #tpu.memory_space<vmem>> -> memref<64xi32, #tpu.memory_space<vmem>>
        %dma_start3A_343 = arith.constant 0 : i32
        %dma_start3A_344 = arith.constant 0 : i32
        %dma_start3A_345 = tpu.memref_slice %arg5[%dma_start3A_343, %dma_start3A_344] : memref<40448x128xf32, #tpu.memory_space<hbm>> -> memref<40448x128xf32, #tpu.memory_space<hbm>>
        tpu.enqueue_indirect_dma source(%dma_start3A_345 : memref<40448x128xf32, #tpu.memory_space<hbm>>) target(%dma_start3A_339 : memref<64x128xf32, #tpu.memory_space<vmem>>) offsets(%dma_start3A_342 : memref<64xi32, #tpu.memory_space<vmem>>) semaphore(%arg13 : memref<!tpu.dma_semaphore, #tpu.memory_space<semaphore_mem>>)
      } else {
      }
      %add3A_239 = arith.constant 4 : i32
      %add3A_240 = arith.addi %add3A_207, %add3A_239 : i32
      %lt3A_241 = arith.constant 80 : i32
      %lt3A_242 = arith.cmpi slt, %add3A_240, %lt3A_241 : i32
      %convert_element_type3A_243 = arith.extui %lt3A_242 : i1 to i32
      %cond3A_244 = arith.constant 0 : i32
      %cond3A_245 = arith.cmpi ne, %convert_element_type3A_243, %cond3A_244 : i32
      scf.if %cond3A_245 {
        %add3A_326 = arith.constant 4 : i32
        %add3A_327 = arith.addi %add3A_207, %add3A_326 : i32
        %mul3A_328 = arith.constant 128 : i32
        %mul3A_329 = arith.muli %add3A_327, %mul3A_328 : i32
        %add3A_330 = arith.addi %multiple_of3A_3, %mul3A_329 : i32
        %multiple_of3A_331 = tpu.assume_multiple %add3A_330, 128 : i32
        %dma_start3A_332 = tpu.memref_slice %arg3[%multiple_of3A_331] : memref<163840xi32, #tpu.memory_space<hbm>> -> memref<128xi32, #tpu.memory_space<hbm>>
        %dma_start3A_333 = tpu.memref_slice %arg3[%multiple_of3A_331] : memref<163840xi32, #tpu.memory_space<hbm>> -> memref<128xi32, #tpu.memory_space<hbm>>
        tpu.enqueue_dma source(%dma_start3A_333 : memref<128xi32, #tpu.memory_space<hbm>>) target(%arg15 : memref<128xi32, #tpu.memory_space<vmem>>) target_semaphore(%arg19 : memref<!tpu.dma_semaphore, #tpu.memory_space<semaphore_mem>>)
      } else {
      }
      %add3A_246 = arith.constant 2 : i32
      %add3A_247 = arith.addi %add3A_169, %add3A_246 : i32
      %dma_wait3A_248 = arith.constant 0 : i32
      %dma_wait3A_249 = arith.constant 0 : i32
      %dma_wait3A_250 = arith.constant 0 : i32
      %dma_wait3A_251 = tpu.memref_slice %arg8[%dma_wait3A_249, %dma_wait3A_250] : memref<128x128xf32, #tpu.memory_space<vmem>> -> memref<64x128xf32, #tpu.memory_space<vmem>>
      %dma_wait3A_252 = arith.constant 0 : i32
      %dma_wait3A_253 = tpu.memref_slice %arg7[%dma_wait3A_248, %dma_wait3A_252] : memref<80x128xi32, #tpu.memory_space<vmem>> -> memref<1x64xi32, #tpu.memory_space<vmem>>
      %dma_wait3A_254 = tpu.memref_squeeze %dma_wait3A_253 : memref<1x64xi32, #tpu.memory_space<vmem>> -> memref<64xi32, #tpu.memory_space<vmem>>
      %dma_wait3A_255 = arith.constant 0 : i32
      %dma_wait3A_256 = arith.constant 0 : i32
      %dma_wait3A_257 = tpu.memref_slice %arg5[%dma_wait3A_255, %dma_wait3A_256] : memref<40448x128xf32, #tpu.memory_space<hbm>> -> memref<40448x128xf32, #tpu.memory_space<hbm>>
      tpu.wait_indirect_dma semaphore(%arg10 : memref<!tpu.dma_semaphore, #tpu.memory_space<semaphore_mem>>) src(%dma_wait3A_257 : memref<40448x128xf32, #tpu.memory_space<hbm>>) dst(%dma_wait3A_251 : memref<64x128xf32, #tpu.memory_space<vmem>>)
      %dma_wait3A_258 = arith.constant 0 : i32
      %dma_wait3A_259 = arith.constant 64 : i32
      %dma_wait3A_260 = arith.constant 0 : i32
      %dma_wait3A_261 = tpu.memref_slice %arg8[%dma_wait3A_259, %dma_wait3A_260] : memref<128x128xf32, #tpu.memory_space<vmem>> -> memref<64x128xf32, #tpu.memory_space<vmem>>
      %dma_wait3A_262 = arith.constant 0 : i32
      %dma_wait3A_263 = tpu.memref_slice %arg7[%dma_wait3A_258, %dma_wait3A_262] : memref<80x128xi32, #tpu.memory_space<vmem>> -> memref<1x64xi32, #tpu.memory_space<vmem>>
      %dma_wait3A_264 = tpu.memref_squeeze %dma_wait3A_263 : memref<1x64xi32, #tpu.memory_space<vmem>> -> memref<64xi32, #tpu.memory_space<vmem>>
      %dma_wait3A_265 = arith.constant 0 : i32
      %dma_wait3A_266 = arith.constant 0 : i32
      %dma_wait3A_267 = tpu.memref_slice %arg5[%dma_wait3A_265, %dma_wait3A_266] : memref<40448x128xf32, #tpu.memory_space<hbm>> -> memref<40448x128xf32, #tpu.memory_space<hbm>>
      tpu.wait_indirect_dma semaphore(%arg12 : memref<!tpu.dma_semaphore, #tpu.memory_space<semaphore_mem>>) src(%dma_wait3A_267 : memref<40448x128xf32, #tpu.memory_space<hbm>>) dst(%dma_wait3A_261 : memref<64x128xf32, #tpu.memory_space<vmem>>)
      %dma_wait3A_268 = arith.constant 0 : i32
      %dma_wait3A_269 = tpu.memref_slice %arg3[%dma_wait3A_268] : memref<163840xi32, #tpu.memory_space<hbm>> -> memref<128xi32, #tpu.memory_space<hbm>>
      %dma_wait3A_270 = arith.constant 0 : i32
      %dma_wait3A_271 = tpu.memref_slice %arg3[%dma_wait3A_270] : memref<163840xi32, #tpu.memory_space<hbm>> -> memref<128xi32, #tpu.memory_space<hbm>>
      tpu.wait_dma2 semaphore(%arg20 : memref<!tpu.dma_semaphore, #tpu.memory_space<semaphore_mem>>) src(%dma_wait3A_271 : memref<128xi32, #tpu.memory_space<hbm>>) dst(%arg16 : memref<128xi32, #tpu.memory_space<vmem>>)
      "tpu.region"() ({
        %run_scoped3A = tpu.sem_alloc : memref<!tpu.dma_semaphore, #tpu.memory_space<semaphore_mem>>
        %dma_start3A_326 = arith.constant 0 : i32
        %dma_start3A_327 = arith.constant 0 : i32
        %dma_start3A_328 = tpu.memref_slice %arg22[%dma_start3A_326, %dma_start3A_327] : memref<10112x128xf32, #tpu.memory_space<vmem_shared>> -> memref<10112x128xf32, #tpu.memory_space<vmem_shared>>
        tpu.enqueue_indirect_dma source(%arg8 : memref<128x128xf32, #tpu.memory_space<vmem>>) target(%dma_start3A_328 : memref<10112x128xf32, #tpu.memory_space<vmem_shared>>) offsets(%arg16 : memref<128xi32, #tpu.memory_space<vmem>>) semaphore(%run_scoped3A : memref<!tpu.dma_semaphore, #tpu.memory_space<semaphore_mem>>) {add = true}
        %dma_wait3A_329 = arith.constant 0 : i32
        %dma_wait3A_330 = arith.constant 0 : i32
        %dma_wait3A_331 = tpu.memref_slice %arg22[%dma_wait3A_329, %dma_wait3A_330] : memref<10112x128xf32, #tpu.memory_space<vmem_shared>> -> memref<10112x128xf32, #tpu.memory_space<vmem_shared>>
        tpu.wait_indirect_dma semaphore(%run_scoped3A : memref<!tpu.dma_semaphore, #tpu.memory_space<semaphore_mem>>) src(%arg8 : memref<128x128xf32, #tpu.memory_space<vmem>>) dst(%dma_wait3A_331 : memref<10112x128xf32, #tpu.memory_space<vmem_shared>>)
        tpu.yield
      }) : () -> ()
      %add3A_272 = arith.constant 2 : i32
      %add3A_273 = arith.addi %add3A_247, %add3A_272 : i32
      %lt3A_274 = arith.constant 80 : i32
      %lt3A_275 = arith.cmpi slt, %add3A_273, %lt3A_274 : i32
      %convert_element_type3A_276 = arith.extui %lt3A_275 : i1 to i32
      %cond3A_277 = arith.constant 0 : i32
      %cond3A_278 = arith.cmpi ne, %convert_element_type3A_276, %cond3A_277 : i32
      scf.if %cond3A_278 {
        %add3A_326 = arith.constant 2 : i32
        %add3A_327 = arith.addi %add3A_247, %add3A_326 : i32
        %dma_start3A_328 = arith.constant 0 : i32
        %dma_start3A_329 = arith.constant 0 : i32
        %dma_start3A_330 = tpu.memref_slice %arg8[%dma_start3A_328, %dma_start3A_329] : memref<128x128xf32, #tpu.memory_space<vmem>> -> memref<64x128xf32, #tpu.memory_space<vmem>>
        %dma_start3A_331 = arith.constant 0 : i32
        %dma_start3A_332 = tpu.memref_slice %arg7[%add3A_327, %dma_start3A_331] : memref<80x128xi32, #tpu.memory_space<vmem>> -> memref<1x64xi32, #tpu.memory_space<vmem>>
        %dma_start3A_333 = tpu.memref_squeeze %dma_start3A_332 : memref<1x64xi32, #tpu.memory_space<vmem>> -> memref<64xi32, #tpu.memory_space<vmem>>
        %dma_start3A_334 = arith.constant 0 : i32
        %dma_start3A_335 = arith.constant 0 : i32
        %dma_start3A_336 = tpu.memref_slice %arg5[%dma_start3A_334, %dma_start3A_335] : memref<40448x128xf32, #tpu.memory_space<hbm>> -> memref<40448x128xf32, #tpu.memory_space<hbm>>
        tpu.enqueue_indirect_dma source(%dma_start3A_336 : memref<40448x128xf32, #tpu.memory_space<hbm>>) target(%dma_start3A_330 : memref<64x128xf32, #tpu.memory_space<vmem>>) offsets(%dma_start3A_333 : memref<64xi32, #tpu.memory_space<vmem>>) semaphore(%arg10 : memref<!tpu.dma_semaphore, #tpu.memory_space<semaphore_mem>>)
        %dma_start3A_337 = arith.constant 64 : i32
        %dma_start3A_338 = arith.constant 0 : i32
        %dma_start3A_339 = tpu.memref_slice %arg8[%dma_start3A_337, %dma_start3A_338] : memref<128x128xf32, #tpu.memory_space<vmem>> -> memref<64x128xf32, #tpu.memory_space<vmem>>
        %dma_start3A_340 = arith.constant 64 : i32
        %dma_start3A_341 = tpu.memref_slice %arg7[%add3A_327, %dma_start3A_340] : memref<80x128xi32, #tpu.memory_space<vmem>> -> memref<1x64xi32, #tpu.memory_space<vmem>>
        %dma_start3A_342 = tpu.memref_squeeze %dma_start3A_341 : memref<1x64xi32, #tpu.memory_space<vmem>> -> memref<64xi32, #tpu.memory_space<vmem>>
        %dma_start3A_343 = arith.constant 0 : i32
        %dma_start3A_344 = arith.constant 0 : i32
        %dma_start3A_345 = tpu.memref_slice %arg5[%dma_start3A_343, %dma_start3A_344] : memref<40448x128xf32, #tpu.memory_space<hbm>> -> memref<40448x128xf32, #tpu.memory_space<hbm>>
        tpu.enqueue_indirect_dma source(%dma_start3A_345 : memref<40448x128xf32, #tpu.memory_space<hbm>>) target(%dma_start3A_339 : memref<64x128xf32, #tpu.memory_space<vmem>>) offsets(%dma_start3A_342 : memref<64xi32, #tpu.memory_space<vmem>>) semaphore(%arg12 : memref<!tpu.dma_semaphore, #tpu.memory_space<semaphore_mem>>)
      } else {
      }
      %add3A_279 = arith.constant 4 : i32
      %add3A_280 = arith.addi %add3A_247, %add3A_279 : i32
      %lt3A_281 = arith.constant 80 : i32
      %lt3A_282 = arith.cmpi slt, %add3A_280, %lt3A_281 : i32
      %convert_element_type3A_283 = arith.extui %lt3A_282 : i1 to i32
      %cond3A_284 = arith.constant 0 : i32
      %cond3A_285 = arith.cmpi ne, %convert_element_type3A_283, %cond3A_284 : i32
      scf.if %cond3A_285 {
        %add3A_326 = arith.constant 4 : i32
        %add3A_327 = arith.addi %add3A_247, %add3A_326 : i32
        %mul3A_328 = arith.constant 128 : i32
        %mul3A_329 = arith.muli %add3A_327, %mul3A_328 : i32
        %add3A_330 = arith.addi %multiple_of3A_3, %mul3A_329 : i32
        %multiple_of3A_331 = tpu.assume_multiple %add3A_330, 128 : i32
        %dma_start3A_332 = tpu.memref_slice %arg3[%multiple_of3A_331] : memref<163840xi32, #tpu.memory_space<hbm>> -> memref<128xi32, #tpu.memory_space<hbm>>
        %dma_start3A_333 = tpu.memref_slice %arg3[%multiple_of3A_331] : memref<163840xi32, #tpu.memory_space<hbm>> -> memref<128xi32, #tpu.memory_space<hbm>>
        tpu.enqueue_dma source(%dma_start3A_333 : memref<128xi32, #tpu.memory_space<hbm>>) target(%arg16 : memref<128xi32, #tpu.memory_space<vmem>>) target_semaphore(%arg20 : memref<!tpu.dma_semaphore, #tpu.memory_space<semaphore_mem>>)
      } else {
      }
      %add3A_286 = arith.constant 3 : i32
      %add3A_287 = arith.addi %add3A_169, %add3A_286 : i32
      %dma_wait3A_288 = arith.constant 0 : i32
      %dma_wait3A_289 = arith.constant 0 : i32
      %dma_wait3A_290 = arith.constant 0 : i32
      %dma_wait3A_291 = tpu.memref_slice %arg9[%dma_wait3A_289, %dma_wait3A_290] : memref<128x128xf32, #tpu.memory_space<vmem>> -> memref<64x128xf32, #tpu.memory_space<vmem>>
      %dma_wait3A_292 = arith.constant 0 : i32
      %dma_wait3A_293 = tpu.memref_slice %arg7[%dma_wait3A_288, %dma_wait3A_292] : memref<80x128xi32, #tpu.memory_space<vmem>> -> memref<1x64xi32, #tpu.memory_space<vmem>>
      %dma_wait3A_294 = tpu.memref_squeeze %dma_wait3A_293 : memref<1x64xi32, #tpu.memory_space<vmem>> -> memref<64xi32, #tpu.memory_space<vmem>>
      %dma_wait3A_295 = arith.constant 0 : i32
      %dma_wait3A_296 = arith.constant 0 : i32
      %dma_wait3A_297 = tpu.memref_slice %arg5[%dma_wait3A_295, %dma_wait3A_296] : memref<40448x128xf32, #tpu.memory_space<hbm>> -> memref<40448x128xf32, #tpu.memory_space<hbm>>
      tpu.wait_indirect_dma semaphore(%arg11 : memref<!tpu.dma_semaphore, #tpu.memory_space<semaphore_mem>>) src(%dma_wait3A_297 : memref<40448x128xf32, #tpu.memory_space<hbm>>) dst(%dma_wait3A_291 : memref<64x128xf32, #tpu.memory_space<vmem>>)
      %dma_wait3A_298 = arith.constant 0 : i32
      %dma_wait3A_299 = arith.constant 64 : i32
      %dma_wait3A_300 = arith.constant 0 : i32
      %dma_wait3A_301 = tpu.memref_slice %arg9[%dma_wait3A_299, %dma_wait3A_300] : memref<128x128xf32, #tpu.memory_space<vmem>> -> memref<64x128xf32, #tpu.memory_space<vmem>>
      %dma_wait3A_302 = arith.constant 0 : i32
      %dma_wait3A_303 = tpu.memref_slice %arg7[%dma_wait3A_298, %dma_wait3A_302] : memref<80x128xi32, #tpu.memory_space<vmem>> -> memref<1x64xi32, #tpu.memory_space<vmem>>
      %dma_wait3A_304 = tpu.memref_squeeze %dma_wait3A_303 : memref<1x64xi32, #tpu.memory_space<vmem>> -> memref<64xi32, #tpu.memory_space<vmem>>
      %dma_wait3A_305 = arith.constant 0 : i32
      %dma_wait3A_306 = arith.constant 0 : i32
      %dma_wait3A_307 = tpu.memref_slice %arg5[%dma_wait3A_305, %dma_wait3A_306] : memref<40448x128xf32, #tpu.memory_space<hbm>> -> memref<40448x128xf32, #tpu.memory_space<hbm>>
      tpu.wait_indirect_dma semaphore(%arg13 : memref<!tpu.dma_semaphore, #tpu.memory_space<semaphore_mem>>) src(%dma_wait3A_307 : memref<40448x128xf32, #tpu.memory_space<hbm>>) dst(%dma_wait3A_301 : memref<64x128xf32, #tpu.memory_space<vmem>>)
      %dma_wait3A_308 = arith.constant 0 : i32
      %dma_wait3A_309 = tpu.memref_slice %arg3[%dma_wait3A_308] : memref<163840xi32, #tpu.memory_space<hbm>> -> memref<128xi32, #tpu.memory_space<hbm>>
      %dma_wait3A_310 = arith.constant 0 : i32
      %dma_wait3A_311 = tpu.memref_slice %arg3[%dma_wait3A_310] : memref<163840xi32, #tpu.memory_space<hbm>> -> memref<128xi32, #tpu.memory_space<hbm>>
      tpu.wait_dma2 semaphore(%arg21 : memref<!tpu.dma_semaphore, #tpu.memory_space<semaphore_mem>>) src(%dma_wait3A_311 : memref<128xi32, #tpu.memory_space<hbm>>) dst(%arg17 : memref<128xi32, #tpu.memory_space<vmem>>)
      "tpu.region"() ({
        %run_scoped3A = tpu.sem_alloc : memref<!tpu.dma_semaphore, #tpu.memory_space<semaphore_mem>>
        %dma_start3A_326 = arith.constant 0 : i32
        %dma_start3A_327 = arith.constant 0 : i32
        %dma_start3A_328 = tpu.memref_slice %arg22[%dma_start3A_326, %dma_start3A_327] : memref<10112x128xf32, #tpu.memory_space<vmem_shared>> -> memref<10112x128xf32, #tpu.memory_space<vmem_shared>>
        tpu.enqueue_indirect_dma source(%arg9 : memref<128x128xf32, #tpu.memory_space<vmem>>) target(%dma_start3A_328 : memref<10112x128xf32, #tpu.memory_space<vmem_shared>>) offsets(%arg17 : memref<128xi32, #tpu.memory_space<vmem>>) semaphore(%run_scoped3A : memref<!tpu.dma_semaphore, #tpu.memory_space<semaphore_mem>>) {add = true}
        %dma_wait3A_329 = arith.constant 0 : i32
        %dma_wait3A_330 = arith.constant 0 : i32
        %dma_wait3A_331 = tpu.memref_slice %arg22[%dma_wait3A_329, %dma_wait3A_330] : memref<10112x128xf32, #tpu.memory_space<vmem_shared>> -> memref<10112x128xf32, #tpu.memory_space<vmem_shared>>
        tpu.wait_indirect_dma semaphore(%run_scoped3A : memref<!tpu.dma_semaphore, #tpu.memory_space<semaphore_mem>>) src(%arg9 : memref<128x128xf32, #tpu.memory_space<vmem>>) dst(%dma_wait3A_331 : memref<10112x128xf32, #tpu.memory_space<vmem_shared>>)
        tpu.yield
      }) : () -> ()
      %add3A_312 = arith.constant 2 : i32
      %add3A_313 = arith.addi %add3A_287, %add3A_312 : i32
      %lt3A_314 = arith.constant 80 : i32
      %lt3A_315 = arith.cmpi slt, %add3A_313, %lt3A_314 : i32
      %convert_element_type3A_316 = arith.extui %lt3A_315 : i1 to i32
      %cond3A_317 = arith.constant 0 : i32
      %cond3A_318 = arith.cmpi ne, %convert_element_type3A_316, %cond3A_317 : i32
      scf.if %cond3A_318 {
        %add3A_326 = arith.constant 2 : i32
        %add3A_327 = arith.addi %add3A_287, %add3A_326 : i32
        %dma_start3A_328 = arith.constant 0 : i32
        %dma_start3A_329 = arith.constant 0 : i32
        %dma_start3A_330 = tpu.memref_slice %arg9[%dma_start3A_328, %dma_start3A_329] : memref<128x128xf32, #tpu.memory_space<vmem>> -> memref<64x128xf32, #tpu.memory_space<vmem>>
        %dma_start3A_331 = arith.constant 0 : i32
        %dma_start3A_332 = tpu.memref_slice %arg7[%add3A_327, %dma_start3A_331] : memref<80x128xi32, #tpu.memory_space<vmem>> -> memref<1x64xi32, #tpu.memory_space<vmem>>
        %dma_start3A_333 = tpu.memref_squeeze %dma_start3A_332 : memref<1x64xi32, #tpu.memory_space<vmem>> -> memref<64xi32, #tpu.memory_space<vmem>>
        %dma_start3A_334 = arith.constant 0 : i32
        %dma_start3A_335 = arith.constant 0 : i32
        %dma_start3A_336 = tpu.memref_slice %arg5[%dma_start3A_334, %dma_start3A_335] : memref<40448x128xf32, #tpu.memory_space<hbm>> -> memref<40448x128xf32, #tpu.memory_space<hbm>>
        tpu.enqueue_indirect_dma source(%dma_start3A_336 : memref<40448x128xf32, #tpu.memory_space<hbm>>) target(%dma_start3A_330 : memref<64x128xf32, #tpu.memory_space<vmem>>) offsets(%dma_start3A_333 : memref<64xi32, #tpu.memory_space<vmem>>) semaphore(%arg11 : memref<!tpu.dma_semaphore, #tpu.memory_space<semaphore_mem>>)
        %dma_start3A_337 = arith.constant 64 : i32
        %dma_start3A_338 = arith.constant 0 : i32
        %dma_start3A_339 = tpu.memref_slice %arg9[%dma_start3A_337, %dma_start3A_338] : memref<128x128xf32, #tpu.memory_space<vmem>> -> memref<64x128xf32, #tpu.memory_space<vmem>>
        %dma_start3A_340 = arith.constant 64 : i32
        %dma_start3A_341 = tpu.memref_slice %arg7[%add3A_327, %dma_start3A_340] : memref<80x128xi32, #tpu.memory_space<vmem>> -> memref<1x64xi32, #tpu.memory_space<vmem>>
        %dma_start3A_342 = tpu.memref_squeeze %dma_start3A_341 : memref<1x64xi32, #tpu.memory_space<vmem>> -> memref<64xi32, #tpu.memory_space<vmem>>
        %dma_start3A_343 = arith.constant 0 : i32
        %dma_start3A_344 = arith.constant 0 : i32
        %dma_start3A_345 = tpu.memref_slice %arg5[%dma_start3A_343, %dma_start3A_344] : memref<40448x128xf32, #tpu.memory_space<hbm>> -> memref<40448x128xf32, #tpu.memory_space<hbm>>
        tpu.enqueue_indirect_dma source(%dma_start3A_345 : memref<40448x128xf32, #tpu.memory_space<hbm>>) target(%dma_start3A_339 : memref<64x128xf32, #tpu.memory_space<vmem>>) offsets(%dma_start3A_342 : memref<64xi32, #tpu.memory_space<vmem>>) semaphore(%arg13 : memref<!tpu.dma_semaphore, #tpu.memory_space<semaphore_mem>>)
      } else {
      }
      %add3A_319 = arith.constant 4 : i32
      %add3A_320 = arith.addi %add3A_287, %add3A_319 : i32
      %lt3A_321 = arith.constant 80 : i32
      %lt3A_322 = arith.cmpi slt, %add3A_320, %lt3A_321 : i32
      %convert_element_type3A_323 = arith.extui %lt3A_322 : i1 to i32
      %cond3A_324 = arith.constant 0 : i32
      %cond3A_325 = arith.cmpi ne, %convert_element_type3A_323, %cond3A_324 : i32
      scf.if %cond3A_325 {
        %add3A_326 = arith.constant 4 : i32
        %add3A_327 = arith.addi %add3A_287, %add3A_326 : i32
        %mul3A_328 = arith.constant 128 : i32
        %mul3A_329 = arith.muli %add3A_327, %mul3A_328 : i32
        %add3A_330 = arith.addi %multiple_of3A_3, %mul3A_329 : i32
        %multiple_of3A_331 = tpu.assume_multiple %add3A_330, 128 : i32
        %dma_start3A_332 = tpu.memref_slice %arg3[%multiple_of3A_331] : memref<163840xi32, #tpu.memory_space<hbm>> -> memref<128xi32, #tpu.memory_space<hbm>>
        %dma_start3A_333 = tpu.memref_slice %arg3[%multiple_of3A_331] : memref<163840xi32, #tpu.memory_space<hbm>> -> memref<128xi32, #tpu.memory_space<hbm>>
        tpu.enqueue_dma source(%dma_start3A_333 : memref<128xi32, #tpu.memory_space<hbm>>) target(%arg17 : memref<128xi32, #tpu.memory_space<vmem>>) target_semaphore(%arg21 : memref<!tpu.dma_semaphore, #tpu.memory_space<semaphore_mem>>)
      } else {
      }
    }
    %scan3A_79 = arith.constant 20 : i32
    %barrier3A_80 = arith.constant 0 : index
    tpu.barrier barrier_id(%barrier3A_80)
    %mul3A_81 = arith.constant 10112 : i32
    %mul3A_82 = arith.muli %add3A_9, %mul3A_81 : i32
    %add3A_83 = arith.addi %mul3A_82, %multiple_of3A_6 : i32
    %multiple_of3A_84 = tpu.assume_multiple %add3A_83, 8 : i32
    "tpu.region"() ({
      %run_scoped3A = tpu.sem_alloc : memref<!tpu.dma_semaphore, #tpu.memory_space<semaphore_mem>>
      %dma_start3A_165 = arith.constant 0 : i32
      %dma_start3A_166 = tpu.memref_slice %arg6[%multiple_of3A_84, %dma_start3A_165] : memref<40448x128xf32, #tpu.memory_space<hbm>> -> memref<632x128xf32, #tpu.memory_space<hbm>>
      %dma_start3A_167 = arith.constant 0 : i32
      %dma_start3A_168 = tpu.memref_slice %arg22[%multiple_of3A_6, %dma_start3A_167] : memref<10112x128xf32, #tpu.memory_space<vmem_shared>> -> memref<632x128xf32, #tpu.memory_space<vmem_shared>>
      tpu.enqueue_dma source(%dma_start3A_168 : memref<632x128xf32, #tpu.memory_space<vmem_shared>>) target(%dma_start3A_166 : memref<632x128xf32, #tpu.memory_space<hbm>>) target_semaphore(%run_scoped3A : memref<!tpu.dma_semaphore, #tpu.memory_space<semaphore_mem>>)
      %dma_wait3A = arith.constant 0 : i32
      %dma_wait3A_169 = tpu.memref_slice %arg6[%multiple_of3A_84, %dma_wait3A] : memref<40448x128xf32, #tpu.memory_space<hbm>> -> memref<632x128xf32, #tpu.memory_space<hbm>>
      %dma_wait3A_170 = arith.constant 0 : i32
      %dma_wait3A_171 = tpu.memref_slice %arg22[%multiple_of3A_6, %dma_wait3A_170] : memref<10112x128xf32, #tpu.memory_space<vmem_shared>> -> memref<632x128xf32, #tpu.memory_space<vmem_shared>>
      tpu.wait_dma2 semaphore(%run_scoped3A : memref<!tpu.dma_semaphore, #tpu.memory_space<semaphore_mem>>) src(%dma_wait3A_171 : memref<632x128xf32, #tpu.memory_space<vmem_shared>>) dst(%dma_wait3A_169 : memref<632x128xf32, #tpu.memory_space<hbm>>)
      tpu.yield
    }) : () -> ()
    %mul3A_85 = arith.constant 2 : i32
    %mul3A_86 = arith.muli %arg0, %mul3A_85 : i32
    %add3A_87 = arith.constant 1 : i32
    %add3A_88 = arith.addi %mul3A_86, %add3A_87 : i32
    %scan3A_89 = arith.constant 0 : i32
    %scan3A_90 = arith.constant 80 : i32
    %scan3A_91 = arith.addi %scan3A_89, %scan3A_90 : i32
    %scan3A_92 = arith.constant 1 : i32
    scf.for %scan3A_165 = %scan3A_89 to %scan3A_91 step %scan3A_92  : i32 {
      %mul3A_166 = arith.constant 1 : i32
      %mul3A_167 = arith.muli %scan3A_165, %mul3A_166 : i32
      %add3A_168 = arith.constant 0 : i32
      %add3A_169 = arith.addi %add3A_168, %mul3A_167 : i32
      %get3A = arith.index_cast %add3A_169 : i32 to index
      %get3A_170 = arith.constant 0 : index
      %get3A_171 = tpu.vector_load %arg7[%get3A, %get3A_170] {strides = array<i32>} : memref<80x128xi32, #tpu.memory_space<vmem>>, vector<1x16xi32>,
      %get3A_172 = vector.shape_cast %get3A_171 : vector<1x16xi32> to vector<16xi32>
      %add3A_173 = arith.constant 10112 : i32
      %add3A_174 = vector.broadcast %add3A_173 : i32 to vector<16xi32>
      %add3A_175 = arith.addi %get3A_172, %add3A_174 : vector<16xi32>
      %swap3A = arith.index_cast %add3A_169 : i32 to index
      %swap3A_176 = arith.constant 0 : index
      %swap3A_177 = tpu.vector_load %arg7[%swap3A, %swap3A_176] {strides = array<i32>} : memref<80x128xi32, #tpu.memory_space<vmem>>, vector<1x16xi32>,
      %swap3A_178 = vector.shape_cast %swap3A_177 : vector<1x16xi32> to vector<16xi32>
      %swap3A_179 = vector.shape_cast %add3A_175 : vector<16xi32> to vector<1x16xi32>
      tpu.vector_store %arg7[%swap3A, %swap3A_176], %swap3A_179 {strides = array<i32>} : memref<80x128xi32, #tpu.memory_space<vmem>>, vector<1x16xi32>,
      %get3A_180 = arith.index_cast %add3A_169 : i32 to index
      %get3A_181 = arith.constant 16 : index
      %get3A_182 = tpu.vector_load %arg7[%get3A_180, %get3A_181] {strides = array<i32>} : memref<80x128xi32, #tpu.memory_space<vmem>>, vector<1x16xi32>,
      %get3A_183 = vector.shape_cast %get3A_182 : vector<1x16xi32> to vector<16xi32>
      %add3A_184 = arith.constant 10112 : i32
      %add3A_185 = vector.broadcast %add3A_184 : i32 to vector<16xi32>
      %add3A_186 = arith.addi %get3A_183, %add3A_185 : vector<16xi32>
      %swap3A_187 = arith.index_cast %add3A_169 : i32 to index
      %swap3A_188 = arith.constant 16 : index
      %swap3A_189 = tpu.vector_load %arg7[%swap3A_187, %swap3A_188] {strides = array<i32>} : memref<80x128xi32, #tpu.memory_space<vmem>>, vector<1x16xi32>,
      %swap3A_190 = vector.shape_cast %swap3A_189 : vector<1x16xi32> to vector<16xi32>
      %swap3A_191 = vector.shape_cast %add3A_186 : vector<16xi32> to vector<1x16xi32>
      tpu.vector_store %arg7[%swap3A_187, %swap3A_188], %swap3A_191 {strides = array<i32>} : memref<80x128xi32, #tpu.memory_space<vmem>>, vector<1x16xi32>,
      %get3A_192 = arith.index_cast %add3A_169 : i32 to index
      %get3A_193 = arith.constant 32 : index
      %get3A_194 = tpu.vector_load %arg7[%get3A_192, %get3A_193] {strides = array<i32>} : memref<80x128xi32, #tpu.memory_space<vmem>>, vector<1x16xi32>,
      %get3A_195 = vector.shape_cast %get3A_194 : vector<1x16xi32> to vector<16xi32>
      %add3A_196 = arith.constant 10112 : i32
      %add3A_197 = vector.broadcast %add3A_196 : i32 to vector<16xi32>
      %add3A_198 = arith.addi %get3A_195, %add3A_197 : vector<16xi32>
      %swap3A_199 = arith.index_cast %add3A_169 : i32 to index
      %swap3A_200 = arith.constant 32 : index
      %swap3A_201 = tpu.vector_load %arg7[%swap3A_199, %swap3A_200] {strides = array<i32>} : memref<80x128xi32, #tpu.memory_space<vmem>>, vector<1x16xi32>,
      %swap3A_202 = vector.shape_cast %swap3A_201 : vector<1x16xi32> to vector<16xi32>
      %swap3A_203 = vector.shape_cast %add3A_198 : vector<16xi32> to vector<1x16xi32>
      tpu.vector_store %arg7[%swap3A_199, %swap3A_200], %swap3A_203 {strides = array<i32>} : memref<80x128xi32, #tpu.memory_space<vmem>>, vector<1x16xi32>,
      %get3A_204 = arith.index_cast %add3A_169 : i32 to index
      %get3A_205 = arith.constant 48 : index
      %get3A_206 = tpu.vector_load %arg7[%get3A_204, %get3A_205] {strides = array<i32>} : memref<80x128xi32, #tpu.memory_space<vmem>>, vector<1x16xi32>,
      %get3A_207 = vector.shape_cast %get3A_206 : vector<1x16xi32> to vector<16xi32>
      %add3A_208 = arith.constant 10112 : i32
      %add3A_209 = vector.broadcast %add3A_208 : i32 to vector<16xi32>
      %add3A_210 = arith.addi %get3A_207, %add3A_209 : vector<16xi32>
      %swap3A_211 = arith.index_cast %add3A_169 : i32 to index
      %swap3A_212 = arith.constant 48 : index
      %swap3A_213 = tpu.vector_load %arg7[%swap3A_211, %swap3A_212] {strides = array<i32>} : memref<80x128xi32, #tpu.memory_space<vmem>>, vector<1x16xi32>,
      %swap3A_214 = vector.shape_cast %swap3A_213 : vector<1x16xi32> to vector<16xi32>
      %swap3A_215 = vector.shape_cast %add3A_210 : vector<16xi32> to vector<1x16xi32>
      tpu.vector_store %arg7[%swap3A_211, %swap3A_212], %swap3A_215 {strides = array<i32>} : memref<80x128xi32, #tpu.memory_space<vmem>>, vector<1x16xi32>,
      %get3A_216 = arith.index_cast %add3A_169 : i32 to index
      %get3A_217 = arith.constant 64 : index
      %get3A_218 = tpu.vector_load %arg7[%get3A_216, %get3A_217] {strides = array<i32>} : memref<80x128xi32, #tpu.memory_space<vmem>>, vector<1x16xi32>,
      %get3A_219 = vector.shape_cast %get3A_218 : vector<1x16xi32> to vector<16xi32>
      %add3A_220 = arith.constant 10112 : i32
      %add3A_221 = vector.broadcast %add3A_220 : i32 to vector<16xi32>
      %add3A_222 = arith.addi %get3A_219, %add3A_221 : vector<16xi32>
      %swap3A_223 = arith.index_cast %add3A_169 : i32 to index
      %swap3A_224 = arith.constant 64 : index
      %swap3A_225 = tpu.vector_load %arg7[%swap3A_223, %swap3A_224] {strides = array<i32>} : memref<80x128xi32, #tpu.memory_space<vmem>>, vector<1x16xi32>,
      %swap3A_226 = vector.shape_cast %swap3A_225 : vector<1x16xi32> to vector<16xi32>
      %swap3A_227 = vector.shape_cast %add3A_222 : vector<16xi32> to vector<1x16xi32>
      tpu.vector_store %arg7[%swap3A_223, %swap3A_224], %swap3A_227 {strides = array<i32>} : memref<80x128xi32, #tpu.memory_space<vmem>>, vector<1x16xi32>,
      %get3A_228 = arith.index_cast %add3A_169 : i32 to index
      %get3A_229 = arith.constant 80 : index
      %get3A_230 = tpu.vector_load %arg7[%get3A_228, %get3A_229] {strides = array<i32>} : memref<80x128xi32, #tpu.memory_space<vmem>>, vector<1x16xi32>,
      %get3A_231 = vector.shape_cast %get3A_230 : vector<1x16xi32> to vector<16xi32>
      %add3A_232 = arith.constant 10112 : i32
      %add3A_233 = vector.broadcast %add3A_232 : i32 to vector<16xi32>
      %add3A_234 = arith.addi %get3A_231, %add3A_233 : vector<16xi32>
      %swap3A_235 = arith.index_cast %add3A_169 : i32 to index
      %swap3A_236 = arith.constant 80 : index
      %swap3A_237 = tpu.vector_load %arg7[%swap3A_235, %swap3A_236] {strides = array<i32>} : memref<80x128xi32, #tpu.memory_space<vmem>>, vector<1x16xi32>,
      %swap3A_238 = vector.shape_cast %swap3A_237 : vector<1x16xi32> to vector<16xi32>
      %swap3A_239 = vector.shape_cast %add3A_234 : vector<16xi32> to vector<1x16xi32>
      tpu.vector_store %arg7[%swap3A_235, %swap3A_236], %swap3A_239 {strides = array<i32>} : memref<80x128xi32, #tpu.memory_space<vmem>>, vector<1x16xi32>,
      %get3A_240 = arith.index_cast %add3A_169 : i32 to index
      %get3A_241 = arith.constant 96 : index
      %get3A_242 = tpu.vector_load %arg7[%get3A_240, %get3A_241] {strides = array<i32>} : memref<80x128xi32, #tpu.memory_space<vmem>>, vector<1x16xi32>,
      %get3A_243 = vector.shape_cast %get3A_242 : vector<1x16xi32> to vector<16xi32>
      %add3A_244 = arith.constant 10112 : i32
      %add3A_245 = vector.broadcast %add3A_244 : i32 to vector<16xi32>
      %add3A_246 = arith.addi %get3A_243, %add3A_245 : vector<16xi32>
      %swap3A_247 = arith.index_cast %add3A_169 : i32 to index
      %swap3A_248 = arith.constant 96 : index
      %swap3A_249 = tpu.vector_load %arg7[%swap3A_247, %swap3A_248] {strides = array<i32>} : memref<80x128xi32, #tpu.memory_space<vmem>>, vector<1x16xi32>,
      %swap3A_250 = vector.shape_cast %swap3A_249 : vector<1x16xi32> to vector<16xi32>
      %swap3A_251 = vector.shape_cast %add3A_246 : vector<16xi32> to vector<1x16xi32>
      tpu.vector_store %arg7[%swap3A_247, %swap3A_248], %swap3A_251 {strides = array<i32>} : memref<80x128xi32, #tpu.memory_space<vmem>>, vector<1x16xi32>,
      %get3A_252 = arith.index_cast %add3A_169 : i32 to index
      %get3A_253 = arith.constant 112 : index
      %get3A_254 = tpu.vector_load %arg7[%get3A_252, %get3A_253] {strides = array<i32>} : memref<80x128xi32, #tpu.memory_space<vmem>>, vector<1x16xi32>,
      %get3A_255 = vector.shape_cast %get3A_254 : vector<1x16xi32> to vector<16xi32>
      %add3A_256 = arith.constant 10112 : i32
      %add3A_257 = vector.broadcast %add3A_256 : i32 to vector<16xi32>
      %add3A_258 = arith.addi %get3A_255, %add3A_257 : vector<16xi32>
      %swap3A_259 = arith.index_cast %add3A_169 : i32 to index
      %swap3A_260 = arith.constant 112 : index
      %swap3A_261 = tpu.vector_load %arg7[%swap3A_259, %swap3A_260] {strides = array<i32>} : memref<80x128xi32, #tpu.memory_space<vmem>>, vector<1x16xi32>,
      %swap3A_262 = vector.shape_cast %swap3A_261 : vector<1x16xi32> to vector<16xi32>
      %swap3A_263 = vector.shape_cast %add3A_258 : vector<16xi32> to vector<1x16xi32>
      tpu.vector_store %arg7[%swap3A_259, %swap3A_260], %swap3A_263 {strides = array<i32>} : memref<80x128xi32, #tpu.memory_space<vmem>>, vector<1x16xi32>,
    }
    %scan3A_93 = arith.constant 80 : i32
    "tpu.region"() ({
      %run_scoped3A = tpu.sem_alloc : memref<!tpu.dma_semaphore, #tpu.memory_space<semaphore_mem>>
      %dma_start3A_165 = arith.constant 0 : i32
      %dma_start3A_166 = tpu.memref_slice %arg22[%multiple_of3A_6, %dma_start3A_165] : memref<10112x128xf32, #tpu.memory_space<vmem_shared>> -> memref<632x128xf32, #tpu.memory_space<vmem_shared>>
      %dma_start3A_167 = arith.constant 0 : i32
      %dma_start3A_168 = tpu.memref_slice %arg4[%multiple_of3A_6, %dma_start3A_167] : memref<10112x128xf32, #tpu.memory_space<hbm>> -> memref<632x128xf32, #tpu.memory_space<hbm>>
      tpu.enqueue_dma source(%dma_start3A_168 : memref<632x128xf32, #tpu.memory_space<hbm>>) target(%dma_start3A_166 : memref<632x128xf32, #tpu.memory_space<vmem_shared>>) target_semaphore(%run_scoped3A : memref<!tpu.dma_semaphore, #tpu.memory_space<semaphore_mem>>)
      %dma_wait3A = arith.constant 0 : i32
      %dma_wait3A_169 = tpu.memref_slice %arg22[%multiple_of3A_6, %dma_wait3A] : memref<10112x128xf32, #tpu.memory_space<vmem_shared>> -> memref<632x128xf32, #tpu.memory_space<vmem_shared>>
      %dma_wait3A_170 = arith.constant 0 : i32
      %dma_wait3A_171 = tpu.memref_slice %arg4[%multiple_of3A_6, %dma_wait3A_170] : memref<10112x128xf32, #tpu.memory_space<hbm>> -> memref<632x128xf32, #tpu.memory_space<hbm>>
      tpu.wait_dma2 semaphore(%run_scoped3A : memref<!tpu.dma_semaphore, #tpu.memory_space<semaphore_mem>>) src(%dma_wait3A_171 : memref<632x128xf32, #tpu.memory_space<hbm>>) dst(%dma_wait3A_169 : memref<632x128xf32, #tpu.memory_space<vmem_shared>>)
      tpu.yield
    }) : () -> ()
    %barrier3A_94 = arith.constant 0 : index
    tpu.barrier barrier_id(%barrier3A_94)
    %add3A_95 = arith.constant 0 : i32
    %add3A_96 = arith.addi %multiple_of3A_3, %add3A_95 : i32
    %multiple_of3A_97 = tpu.assume_multiple %add3A_96, 128 : i32
    %dma_start3A_98 = tpu.memref_slice %arg3[%multiple_of3A_97] : memref<163840xi32, #tpu.memory_space<hbm>> -> memref<128xi32, #tpu.memory_space<hbm>>
    %dma_start3A_99 = tpu.memref_slice %arg3[%multiple_of3A_97] : memref<163840xi32, #tpu.memory_space<hbm>> -> memref<128xi32, #tpu.memory_space<hbm>>
    tpu.enqueue_dma source(%dma_start3A_99 : memref<128xi32, #tpu.memory_space<hbm>>) target(%arg14 : memref<128xi32, #tpu.memory_space<vmem>>) target_semaphore(%arg18 : memref<!tpu.dma_semaphore, #tpu.memory_space<semaphore_mem>>)
    %add3A_100 = arith.constant 128 : i32
    %add3A_101 = arith.addi %multiple_of3A_3, %add3A_100 : i32
    %multiple_of3A_102 = tpu.assume_multiple %add3A_101, 128 : i32
    %dma_start3A_103 = tpu.memref_slice %arg3[%multiple_of3A_102] : memref<163840xi32, #tpu.memory_space<hbm>> -> memref<128xi32, #tpu.memory_space<hbm>>
    %dma_start3A_104 = tpu.memref_slice %arg3[%multiple_of3A_102] : memref<163840xi32, #tpu.memory_space<hbm>> -> memref<128xi32, #tpu.memory_space<hbm>>
    tpu.enqueue_dma source(%dma_start3A_104 : memref<128xi32, #tpu.memory_space<hbm>>) target(%arg15 : memref<128xi32, #tpu.memory_space<vmem>>) target_semaphore(%arg19 : memref<!tpu.dma_semaphore, #tpu.memory_space<semaphore_mem>>)
    %add3A_105 = arith.constant 256 : i32
    %add3A_106 = arith.addi %multiple_of3A_3, %add3A_105 : i32
    %multiple_of3A_107 = tpu.assume_multiple %add3A_106, 128 : i32
    %dma_start3A_108 = tpu.memref_slice %arg3[%multiple_of3A_107] : memref<163840xi32, #tpu.memory_space<hbm>> -> memref<128xi32, #tpu.memory_space<hbm>>
    %dma_start3A_109 = tpu.memref_slice %arg3[%multiple_of3A_107] : memref<163840xi32, #tpu.memory_space<hbm>> -> memref<128xi32, #tpu.memory_space<hbm>>
    tpu.enqueue_dma source(%dma_start3A_109 : memref<128xi32, #tpu.memory_space<hbm>>) target(%arg16 : memref<128xi32, #tpu.memory_space<vmem>>) target_semaphore(%arg20 : memref<!tpu.dma_semaphore, #tpu.memory_space<semaphore_mem>>)
    %add3A_110 = arith.constant 384 : i32
    %add3A_111 = arith.addi %multiple_of3A_3, %add3A_110 : i32
    %multiple_of3A_112 = tpu.assume_multiple %add3A_111, 128 : i32
    %dma_start3A_113 = tpu.memref_slice %arg3[%multiple_of3A_112] : memref<163840xi32, #tpu.memory_space<hbm>> -> memref<128xi32, #tpu.memory_space<hbm>>
    %dma_start3A_114 = tpu.memref_slice %arg3[%multiple_of3A_112] : memref<163840xi32, #tpu.memory_space<hbm>> -> memref<128xi32, #tpu.memory_space<hbm>>
    tpu.enqueue_dma source(%dma_start3A_114 : memref<128xi32, #tpu.memory_space<hbm>>) target(%arg17 : memref<128xi32, #tpu.memory_space<vmem>>) target_semaphore(%arg21 : memref<!tpu.dma_semaphore, #tpu.memory_space<semaphore_mem>>)
    %dma_start3A_115 = arith.constant 0 : i32
    %dma_start3A_116 = arith.constant 0 : i32
    %dma_start3A_117 = arith.constant 0 : i32
    %dma_start3A_118 = tpu.memref_slice %arg8[%dma_start3A_116, %dma_start3A_117] : memref<128x128xf32, #tpu.memory_space<vmem>> -> memref<64x128xf32, #tpu.memory_space<vmem>>
    %dma_start3A_119 = arith.constant 0 : i32
    %dma_start3A_120 = tpu.memref_slice %arg7[%dma_start3A_115, %dma_start3A_119] : memref<80x128xi32, #tpu.memory_space<vmem>> -> memref<1x64xi32, #tpu.memory_space<vmem>>
    %dma_start3A_121 = tpu.memref_squeeze %dma_start3A_120 : memref<1x64xi32, #tpu.memory_space<vmem>> -> memref<64xi32, #tpu.memory_space<vmem>>
    %dma_start3A_122 = arith.constant 0 : i32
    %dma_start3A_123 = arith.constant 0 : i32
    %dma_start3A_124 = tpu.memref_slice %arg5[%dma_start3A_122, %dma_start3A_123] : memref<40448x128xf32, #tpu.memory_space<hbm>> -> memref<40448x128xf32, #tpu.memory_space<hbm>>
    tpu.enqueue_indirect_dma source(%dma_start3A_124 : memref<40448x128xf32, #tpu.memory_space<hbm>>) target(%dma_start3A_118 : memref<64x128xf32, #tpu.memory_space<vmem>>) offsets(%dma_start3A_121 : memref<64xi32, #tpu.memory_space<vmem>>) semaphore(%arg10 : memref<!tpu.dma_semaphore, #tpu.memory_space<semaphore_mem>>)
    %dma_start3A_125 = arith.constant 0 : i32
    %dma_start3A_126 = arith.constant 64 : i32
    %dma_start3A_127 = arith.constant 0 : i32
    %dma_start3A_128 = tpu.memref_slice %arg8[%dma_start3A_126, %dma_start3A_127] : memref<128x128xf32, #tpu.memory_space<vmem>> -> memref<64x128xf32, #tpu.memory_space<vmem>>
    %dma_start3A_129 = arith.constant 64 : i32
    %dma_start3A_130 = tpu.memref_slice %arg7[%dma_start3A_125, %dma_start3A_129] : memref<80x128xi32, #tpu.memory_space<vmem>> -> memref<1x64xi32, #tpu.memory_space<vmem>>
    %dma_start3A_131 = tpu.memref_squeeze %dma_start3A_130 : memref<1x64xi32, #tpu.memory_space<vmem>> -> memref<64xi32, #tpu.memory_space<vmem>>
    %dma_start3A_132 = arith.constant 0 : i32
    %dma_start3A_133 = arith.constant 0 : i32
    %dma_start3A_134 = tpu.memref_slice %arg5[%dma_start3A_132, %dma_start3A_133] : memref<40448x128xf32, #tpu.memory_space<hbm>> -> memref<40448x128xf32, #tpu.memory_space<hbm>>
    tpu.enqueue_indirect_dma source(%dma_start3A_134 : memref<40448x128xf32, #tpu.memory_space<hbm>>) target(%dma_start3A_128 : memref<64x128xf32, #tpu.memory_space<vmem>>) offsets(%dma_start3A_131 : memref<64xi32, #tpu.memory_space<vmem>>) semaphore(%arg12 : memref<!tpu.dma_semaphore, #tpu.memory_space<semaphore_mem>>)
    %dma_start3A_135 = arith.constant 1 : i32
    %dma_start3A_136 = arith.constant 0 : i32
    %dma_start3A_137 = arith.constant 0 : i32
    %dma_start3A_138 = tpu.memref_slice %arg9[%dma_start3A_136, %dma_start3A_137] : memref<128x128xf32, #tpu.memory_space<vmem>> -> memref<64x128xf32, #tpu.memory_space<vmem>>
    %dma_start3A_139 = arith.constant 0 : i32
    %dma_start3A_140 = tpu.memref_slice %arg7[%dma_start3A_135, %dma_start3A_139] : memref<80x128xi32, #tpu.memory_space<vmem>> -> memref<1x64xi32, #tpu.memory_space<vmem>>
    %dma_start3A_141 = tpu.memref_squeeze %dma_start3A_140 : memref<1x64xi32, #tpu.memory_space<vmem>> -> memref<64xi32, #tpu.memory_space<vmem>>
    %dma_start3A_142 = arith.constant 0 : i32
    %dma_start3A_143 = arith.constant 0 : i32
    %dma_start3A_144 = tpu.memref_slice %arg5[%dma_start3A_142, %dma_start3A_143] : memref<40448x128xf32, #tpu.memory_space<hbm>> -> memref<40448x128xf32, #tpu.memory_space<hbm>>
    tpu.enqueue_indirect_dma source(%dma_start3A_144 : memref<40448x128xf32, #tpu.memory_space<hbm>>) target(%dma_start3A_138 : memref<64x128xf32, #tpu.memory_space<vmem>>) offsets(%dma_start3A_141 : memref<64xi32, #tpu.memory_space<vmem>>) semaphore(%arg11 : memref<!tpu.dma_semaphore, #tpu.memory_space<semaphore_mem>>)
    %dma_start3A_145 = arith.constant 1 : i32
    %dma_start3A_146 = arith.constant 64 : i32
    %dma_start3A_147 = arith.constant 0 : i32
    %dma_start3A_148 = tpu.memref_slice %arg9[%dma_start3A_146, %dma_start3A_147] : memref<128x128xf32, #tpu.memory_space<vmem>> -> memref<64x128xf32, #tpu.memory_space<vmem>>
    %dma_start3A_149 = arith.constant 64 : i32
    %dma_start3A_150 = tpu.memref_slice %arg7[%dma_start3A_145, %dma_start3A_149] : memref<80x128xi32, #tpu.memory_space<vmem>> -> memref<1x64xi32, #tpu.memory_space<vmem>>
    %dma_start3A_151 = tpu.memref_squeeze %dma_start3A_150 : memref<1x64xi32, #tpu.memory_space<vmem>> -> memref<64xi32, #tpu.memory_space<vmem>>
    %dma_start3A_152 = arith.constant 0 : i32
    %dma_start3A_153 = arith.constant 0 : i32
    %dma_start3A_154 = tpu.memref_slice %arg5[%dma_start3A_152, %dma_start3A_153] : memref<40448x128xf32, #tpu.memory_space<hbm>> -> memref<40448x128xf32, #tpu.memory_space<hbm>>
    tpu.enqueue_indirect_dma source(%dma_start3A_154 : memref<40448x128xf32, #tpu.memory_space<hbm>>) target(%dma_start3A_148 : memref<64x128xf32, #tpu.memory_space<vmem>>) offsets(%dma_start3A_151 : memref<64xi32, #tpu.memory_space<vmem>>) semaphore(%arg13 : memref<!tpu.dma_semaphore, #tpu.memory_space<semaphore_mem>>)
    %scan3A_155 = arith.constant 0 : i32
    %scan3A_156 = arith.constant 20 : i32
    %scan3A_157 = arith.addi %scan3A_155, %scan3A_156 : i32
    %scan3A_158 = arith.constant 1 : i32
    scf.for %scan3A_165 = %scan3A_155 to %scan3A_157 step %scan3A_158  : i32 {
      %mul3A_166 = arith.constant 4 : i32
      %mul3A_167 = arith.muli %scan3A_165, %mul3A_166 : i32
      %add3A_168 = arith.constant 0 : i32
      %add3A_169 = arith.addi %add3A_168, %mul3A_167 : i32
      %add3A_170 = arith.constant 0 : i32
      %add3A_171 = arith.addi %add3A_169, %add3A_170 : i32
      %dma_wait3A = arith.constant 0 : i32
      %dma_wait3A_172 = arith.constant 0 : i32
      %dma_wait3A_173 = arith.constant 0 : i32
      %dma_wait3A_174 = tpu.memref_slice %arg8[%dma_wait3A_172, %dma_wait3A_173] : memref<128x128xf32, #tpu.memory_space<vmem>> -> memref<64x128xf32, #tpu.memory_space<vmem>>
      %dma_wait3A_175 = arith.constant 0 : i32
      %dma_wait3A_176 = tpu.memref_slice %arg7[%dma_wait3A, %dma_wait3A_175] : memref<80x128xi32, #tpu.memory_space<vmem>> -> memref<1x64xi32, #tpu.memory_space<vmem>>
      %dma_wait3A_177 = tpu.memref_squeeze %dma_wait3A_176 : memref<1x64xi32, #tpu.memory_space<vmem>> -> memref<64xi32, #tpu.memory_space<vmem>>
      %dma_wait3A_178 = arith.constant 0 : i32
      %dma_wait3A_179 = arith.constant 0 : i32
      %dma_wait3A_180 = tpu.memref_slice %arg5[%dma_wait3A_178, %dma_wait3A_179] : memref<40448x128xf32, #tpu.memory_space<hbm>> -> memref<40448x128xf32, #tpu.memory_space<hbm>>
      tpu.wait_indirect_dma semaphore(%arg10 : memref<!tpu.dma_semaphore, #tpu.memory_space<semaphore_mem>>) src(%dma_wait3A_180 : memref<40448x128xf32, #tpu.memory_space<hbm>>) dst(%dma_wait3A_174 : memref<64x128xf32, #tpu.memory_space<vmem>>)
      %dma_wait3A_181 = arith.constant 0 : i32
      %dma_wait3A_182 = arith.constant 64 : i32
      %dma_wait3A_183 = arith.constant 0 : i32
      %dma_wait3A_184 = tpu.memref_slice %arg8[%dma_wait3A_182, %dma_wait3A_183] : memref<128x128xf32, #tpu.memory_space<vmem>> -> memref<64x128xf32, #tpu.memory_space<vmem>>
      %dma_wait3A_185 = arith.constant 0 : i32
      %dma_wait3A_186 = tpu.memref_slice %arg7[%dma_wait3A_181, %dma_wait3A_185] : memref<80x128xi32, #tpu.memory_space<vmem>> -> memref<1x64xi32, #tpu.memory_space<vmem>>
      %dma_wait3A_187 = tpu.memref_squeeze %dma_wait3A_186 : memref<1x64xi32, #tpu.memory_space<vmem>> -> memref<64xi32, #tpu.memory_space<vmem>>
      %dma_wait3A_188 = arith.constant 0 : i32
      %dma_wait3A_189 = arith.constant 0 : i32
      %dma_wait3A_190 = tpu.memref_slice %arg5[%dma_wait3A_188, %dma_wait3A_189] : memref<40448x128xf32, #tpu.memory_space<hbm>> -> memref<40448x128xf32, #tpu.memory_space<hbm>>
      tpu.wait_indirect_dma semaphore(%arg12 : memref<!tpu.dma_semaphore, #tpu.memory_space<semaphore_mem>>) src(%dma_wait3A_190 : memref<40448x128xf32, #tpu.memory_space<hbm>>) dst(%dma_wait3A_184 : memref<64x128xf32, #tpu.memory_space<vmem>>)
      %dma_wait3A_191 = arith.constant 0 : i32
      %dma_wait3A_192 = tpu.memref_slice %arg3[%dma_wait3A_191] : memref<163840xi32, #tpu.memory_space<hbm>> -> memref<128xi32, #tpu.memory_space<hbm>>
      %dma_wait3A_193 = arith.constant 0 : i32
      %dma_wait3A_194 = tpu.memref_slice %arg3[%dma_wait3A_193] : memref<163840xi32, #tpu.memory_space<hbm>> -> memref<128xi32, #tpu.memory_space<hbm>>
      tpu.wait_dma2 semaphore(%arg18 : memref<!tpu.dma_semaphore, #tpu.memory_space<semaphore_mem>>) src(%dma_wait3A_194 : memref<128xi32, #tpu.memory_space<hbm>>) dst(%arg14 : memref<128xi32, #tpu.memory_space<vmem>>)
      "tpu.region"() ({
        %run_scoped3A = tpu.sem_alloc : memref<!tpu.dma_semaphore, #tpu.memory_space<semaphore_mem>>
        %dma_start3A_326 = arith.constant 0 : i32
        %dma_start3A_327 = arith.constant 0 : i32
        %dma_start3A_328 = tpu.memref_slice %arg22[%dma_start3A_326, %dma_start3A_327] : memref<10112x128xf32, #tpu.memory_space<vmem_shared>> -> memref<10112x128xf32, #tpu.memory_space<vmem_shared>>
        tpu.enqueue_indirect_dma source(%arg8 : memref<128x128xf32, #tpu.memory_space<vmem>>) target(%dma_start3A_328 : memref<10112x128xf32, #tpu.memory_space<vmem_shared>>) offsets(%arg14 : memref<128xi32, #tpu.memory_space<vmem>>) semaphore(%run_scoped3A : memref<!tpu.dma_semaphore, #tpu.memory_space<semaphore_mem>>) {add = true}
        %dma_wait3A_329 = arith.constant 0 : i32
        %dma_wait3A_330 = arith.constant 0 : i32
        %dma_wait3A_331 = tpu.memref_slice %arg22[%dma_wait3A_329, %dma_wait3A_330] : memref<10112x128xf32, #tpu.memory_space<vmem_shared>> -> memref<10112x128xf32, #tpu.memory_space<vmem_shared>>
        tpu.wait_indirect_dma semaphore(%run_scoped3A : memref<!tpu.dma_semaphore, #tpu.memory_space<semaphore_mem>>) src(%arg8 : memref<128x128xf32, #tpu.memory_space<vmem>>) dst(%dma_wait3A_331 : memref<10112x128xf32, #tpu.memory_space<vmem_shared>>)
        tpu.yield
      }) : () -> ()
      %add3A_195 = arith.constant 2 : i32
      %add3A_196 = arith.addi %add3A_171, %add3A_195 : i32
      %lt3A = arith.constant 80 : i32
      %lt3A_197 = arith.cmpi slt, %add3A_196, %lt3A : i32
      %convert_element_type3A = arith.extui %lt3A_197 : i1 to i32
      %cond3A = arith.constant 0 : i32
      %cond3A_198 = arith.cmpi ne, %convert_element_type3A, %cond3A : i32
      scf.if %cond3A_198 {
        %add3A_326 = arith.constant 2 : i32
        %add3A_327 = arith.addi %add3A_171, %add3A_326 : i32
        %dma_start3A_328 = arith.constant 0 : i32
        %dma_start3A_329 = arith.constant 0 : i32
        %dma_start3A_330 = tpu.memref_slice %arg8[%dma_start3A_328, %dma_start3A_329] : memref<128x128xf32, #tpu.memory_space<vmem>> -> memref<64x128xf32, #tpu.memory_space<vmem>>
        %dma_start3A_331 = arith.constant 0 : i32
        %dma_start3A_332 = tpu.memref_slice %arg7[%add3A_327, %dma_start3A_331] : memref<80x128xi32, #tpu.memory_space<vmem>> -> memref<1x64xi32, #tpu.memory_space<vmem>>
        %dma_start3A_333 = tpu.memref_squeeze %dma_start3A_332 : memref<1x64xi32, #tpu.memory_space<vmem>> -> memref<64xi32, #tpu.memory_space<vmem>>
        %dma_start3A_334 = arith.constant 0 : i32
        %dma_start3A_335 = arith.constant 0 : i32
        %dma_start3A_336 = tpu.memref_slice %arg5[%dma_start3A_334, %dma_start3A_335] : memref<40448x128xf32, #tpu.memory_space<hbm>> -> memref<40448x128xf32, #tpu.memory_space<hbm>>
        tpu.enqueue_indirect_dma source(%dma_start3A_336 : memref<40448x128xf32, #tpu.memory_space<hbm>>) target(%dma_start3A_330 : memref<64x128xf32, #tpu.memory_space<vmem>>) offsets(%dma_start3A_333 : memref<64xi32, #tpu.memory_space<vmem>>) semaphore(%arg10 : memref<!tpu.dma_semaphore, #tpu.memory_space<semaphore_mem>>)
        %dma_start3A_337 = arith.constant 64 : i32
        %dma_start3A_338 = arith.constant 0 : i32
        %dma_start3A_339 = tpu.memref_slice %arg8[%dma_start3A_337, %dma_start3A_338] : memref<128x128xf32, #tpu.memory_space<vmem>> -> memref<64x128xf32, #tpu.memory_space<vmem>>
        %dma_start3A_340 = arith.constant 64 : i32
        %dma_start3A_341 = tpu.memref_slice %arg7[%add3A_327, %dma_start3A_340] : memref<80x128xi32, #tpu.memory_space<vmem>> -> memref<1x64xi32, #tpu.memory_space<vmem>>
        %dma_start3A_342 = tpu.memref_squeeze %dma_start3A_341 : memref<1x64xi32, #tpu.memory_space<vmem>> -> memref<64xi32, #tpu.memory_space<vmem>>
        %dma_start3A_343 = arith.constant 0 : i32
        %dma_start3A_344 = arith.constant 0 : i32
        %dma_start3A_345 = tpu.memref_slice %arg5[%dma_start3A_343, %dma_start3A_344] : memref<40448x128xf32, #tpu.memory_space<hbm>> -> memref<40448x128xf32, #tpu.memory_space<hbm>>
        tpu.enqueue_indirect_dma source(%dma_start3A_345 : memref<40448x128xf32, #tpu.memory_space<hbm>>) target(%dma_start3A_339 : memref<64x128xf32, #tpu.memory_space<vmem>>) offsets(%dma_start3A_342 : memref<64xi32, #tpu.memory_space<vmem>>) semaphore(%arg12 : memref<!tpu.dma_semaphore, #tpu.memory_space<semaphore_mem>>)
      } else {
      }
      %add3A_199 = arith.constant 4 : i32
      %add3A_200 = arith.addi %add3A_171, %add3A_199 : i32
      %lt3A_201 = arith.constant 80 : i32
      %lt3A_202 = arith.cmpi slt, %add3A_200, %lt3A_201 : i32
      %convert_element_type3A_203 = arith.extui %lt3A_202 : i1 to i32
      %cond3A_204 = arith.constant 0 : i32
      %cond3A_205 = arith.cmpi ne, %convert_element_type3A_203, %cond3A_204 : i32
      scf.if %cond3A_205 {
        %add3A_326 = arith.constant 4 : i32
        %add3A_327 = arith.addi %add3A_171, %add3A_326 : i32
        %mul3A_328 = arith.constant 128 : i32
        %mul3A_329 = arith.muli %add3A_327, %mul3A_328 : i32
        %add3A_330 = arith.addi %multiple_of3A_3, %mul3A_329 : i32
        %multiple_of3A_331 = tpu.assume_multiple %add3A_330, 128 : i32
        %dma_start3A_332 = tpu.memref_slice %arg3[%multiple_of3A_331] : memref<163840xi32, #tpu.memory_space<hbm>> -> memref<128xi32, #tpu.memory_space<hbm>>
        %dma_start3A_333 = tpu.memref_slice %arg3[%multiple_of3A_331] : memref<163840xi32, #tpu.memory_space<hbm>> -> memref<128xi32, #tpu.memory_space<hbm>>
        tpu.enqueue_dma source(%dma_start3A_333 : memref<128xi32, #tpu.memory_space<hbm>>) target(%arg14 : memref<128xi32, #tpu.memory_space<vmem>>) target_semaphore(%arg18 : memref<!tpu.dma_semaphore, #tpu.memory_space<semaphore_mem>>)
      } else {
      }
      %add3A_206 = arith.constant 1 : i32
      %add3A_207 = arith.addi %add3A_169, %add3A_206 : i32
      %dma_wait3A_208 = arith.constant 0 : i32
      %dma_wait3A_209 = arith.constant 0 : i32
      %dma_wait3A_210 = arith.constant 0 : i32
      %dma_wait3A_211 = tpu.memref_slice %arg9[%dma_wait3A_209, %dma_wait3A_210] : memref<128x128xf32, #tpu.memory_space<vmem>> -> memref<64x128xf32, #tpu.memory_space<vmem>>
      %dma_wait3A_212 = arith.constant 0 : i32
      %dma_wait3A_213 = tpu.memref_slice %arg7[%dma_wait3A_208, %dma_wait3A_212] : memref<80x128xi32, #tpu.memory_space<vmem>> -> memref<1x64xi32, #tpu.memory_space<vmem>>
      %dma_wait3A_214 = tpu.memref_squeeze %dma_wait3A_213 : memref<1x64xi32, #tpu.memory_space<vmem>> -> memref<64xi32, #tpu.memory_space<vmem>>
      %dma_wait3A_215 = arith.constant 0 : i32
      %dma_wait3A_216 = arith.constant 0 : i32
      %dma_wait3A_217 = tpu.memref_slice %arg5[%dma_wait3A_215, %dma_wait3A_216] : memref<40448x128xf32, #tpu.memory_space<hbm>> -> memref<40448x128xf32, #tpu.memory_space<hbm>>
      tpu.wait_indirect_dma semaphore(%arg11 : memref<!tpu.dma_semaphore, #tpu.memory_space<semaphore_mem>>) src(%dma_wait3A_217 : memref<40448x128xf32, #tpu.memory_space<hbm>>) dst(%dma_wait3A_211 : memref<64x128xf32, #tpu.memory_space<vmem>>)
      %dma_wait3A_218 = arith.constant 0 : i32
      %dma_wait3A_219 = arith.constant 64 : i32
      %dma_wait3A_220 = arith.constant 0 : i32
      %dma_wait3A_221 = tpu.memref_slice %arg9[%dma_wait3A_219, %dma_wait3A_220] : memref<128x128xf32, #tpu.memory_space<vmem>> -> memref<64x128xf32, #tpu.memory_space<vmem>>
      %dma_wait3A_222 = arith.constant 0 : i32
      %dma_wait3A_223 = tpu.memref_slice %arg7[%dma_wait3A_218, %dma_wait3A_222] : memref<80x128xi32, #tpu.memory_space<vmem>> -> memref<1x64xi32, #tpu.memory_space<vmem>>
      %dma_wait3A_224 = tpu.memref_squeeze %dma_wait3A_223 : memref<1x64xi32, #tpu.memory_space<vmem>> -> memref<64xi32, #tpu.memory_space<vmem>>
      %dma_wait3A_225 = arith.constant 0 : i32
      %dma_wait3A_226 = arith.constant 0 : i32
      %dma_wait3A_227 = tpu.memref_slice %arg5[%dma_wait3A_225, %dma_wait3A_226] : memref<40448x128xf32, #tpu.memory_space<hbm>> -> memref<40448x128xf32, #tpu.memory_space<hbm>>
      tpu.wait_indirect_dma semaphore(%arg13 : memref<!tpu.dma_semaphore, #tpu.memory_space<semaphore_mem>>) src(%dma_wait3A_227 : memref<40448x128xf32, #tpu.memory_space<hbm>>) dst(%dma_wait3A_221 : memref<64x128xf32, #tpu.memory_space<vmem>>)
      %dma_wait3A_228 = arith.constant 0 : i32
      %dma_wait3A_229 = tpu.memref_slice %arg3[%dma_wait3A_228] : memref<163840xi32, #tpu.memory_space<hbm>> -> memref<128xi32, #tpu.memory_space<hbm>>
      %dma_wait3A_230 = arith.constant 0 : i32
      %dma_wait3A_231 = tpu.memref_slice %arg3[%dma_wait3A_230] : memref<163840xi32, #tpu.memory_space<hbm>> -> memref<128xi32, #tpu.memory_space<hbm>>
      tpu.wait_dma2 semaphore(%arg19 : memref<!tpu.dma_semaphore, #tpu.memory_space<semaphore_mem>>) src(%dma_wait3A_231 : memref<128xi32, #tpu.memory_space<hbm>>) dst(%arg15 : memref<128xi32, #tpu.memory_space<vmem>>)
      "tpu.region"() ({
        %run_scoped3A = tpu.sem_alloc : memref<!tpu.dma_semaphore, #tpu.memory_space<semaphore_mem>>
        %dma_start3A_326 = arith.constant 0 : i32
        %dma_start3A_327 = arith.constant 0 : i32
        %dma_start3A_328 = tpu.memref_slice %arg22[%dma_start3A_326, %dma_start3A_327] : memref<10112x128xf32, #tpu.memory_space<vmem_shared>> -> memref<10112x128xf32, #tpu.memory_space<vmem_shared>>
        tpu.enqueue_indirect_dma source(%arg9 : memref<128x128xf32, #tpu.memory_space<vmem>>) target(%dma_start3A_328 : memref<10112x128xf32, #tpu.memory_space<vmem_shared>>) offsets(%arg15 : memref<128xi32, #tpu.memory_space<vmem>>) semaphore(%run_scoped3A : memref<!tpu.dma_semaphore, #tpu.memory_space<semaphore_mem>>) {add = true}
        %dma_wait3A_329 = arith.constant 0 : i32
        %dma_wait3A_330 = arith.constant 0 : i32
        %dma_wait3A_331 = tpu.memref_slice %arg22[%dma_wait3A_329, %dma_wait3A_330] : memref<10112x128xf32, #tpu.memory_space<vmem_shared>> -> memref<10112x128xf32, #tpu.memory_space<vmem_shared>>
        tpu.wait_indirect_dma semaphore(%run_scoped3A : memref<!tpu.dma_semaphore, #tpu.memory_space<semaphore_mem>>) src(%arg9 : memref<128x128xf32, #tpu.memory_space<vmem>>) dst(%dma_wait3A_331 : memref<10112x128xf32, #tpu.memory_space<vmem_shared>>)
        tpu.yield
      }) : () -> ()
      %add3A_232 = arith.constant 2 : i32
      %add3A_233 = arith.addi %add3A_207, %add3A_232 : i32
      %lt3A_234 = arith.constant 80 : i32
      %lt3A_235 = arith.cmpi slt, %add3A_233, %lt3A_234 : i32
      %convert_element_type3A_236 = arith.extui %lt3A_235 : i1 to i32
      %cond3A_237 = arith.constant 0 : i32
      %cond3A_238 = arith.cmpi ne, %convert_element_type3A_236, %cond3A_237 : i32
      scf.if %cond3A_238 {
        %add3A_326 = arith.constant 2 : i32
        %add3A_327 = arith.addi %add3A_207, %add3A_326 : i32
        %dma_start3A_328 = arith.constant 0 : i32
        %dma_start3A_329 = arith.constant 0 : i32
        %dma_start3A_330 = tpu.memref_slice %arg9[%dma_start3A_328, %dma_start3A_329] : memref<128x128xf32, #tpu.memory_space<vmem>> -> memref<64x128xf32, #tpu.memory_space<vmem>>
        %dma_start3A_331 = arith.constant 0 : i32
        %dma_start3A_332 = tpu.memref_slice %arg7[%add3A_327, %dma_start3A_331] : memref<80x128xi32, #tpu.memory_space<vmem>> -> memref<1x64xi32, #tpu.memory_space<vmem>>
        %dma_start3A_333 = tpu.memref_squeeze %dma_start3A_332 : memref<1x64xi32, #tpu.memory_space<vmem>> -> memref<64xi32, #tpu.memory_space<vmem>>
        %dma_start3A_334 = arith.constant 0 : i32
        %dma_start3A_335 = arith.constant 0 : i32
        %dma_start3A_336 = tpu.memref_slice %arg5[%dma_start3A_334, %dma_start3A_335] : memref<40448x128xf32, #tpu.memory_space<hbm>> -> memref<40448x128xf32, #tpu.memory_space<hbm>>
        tpu.enqueue_indirect_dma source(%dma_start3A_336 : memref<40448x128xf32, #tpu.memory_space<hbm>>) target(%dma_start3A_330 : memref<64x128xf32, #tpu.memory_space<vmem>>) offsets(%dma_start3A_333 : memref<64xi32, #tpu.memory_space<vmem>>) semaphore(%arg11 : memref<!tpu.dma_semaphore, #tpu.memory_space<semaphore_mem>>)
        %dma_start3A_337 = arith.constant 64 : i32
        %dma_start3A_338 = arith.constant 0 : i32
        %dma_start3A_339 = tpu.memref_slice %arg9[%dma_start3A_337, %dma_start3A_338] : memref<128x128xf32, #tpu.memory_space<vmem>> -> memref<64x128xf32, #tpu.memory_space<vmem>>
        %dma_start3A_340 = arith.constant 64 : i32
        %dma_start3A_341 = tpu.memref_slice %arg7[%add3A_327, %dma_start3A_340] : memref<80x128xi32, #tpu.memory_space<vmem>> -> memref<1x64xi32, #tpu.memory_space<vmem>>
        %dma_start3A_342 = tpu.memref_squeeze %dma_start3A_341 : memref<1x64xi32, #tpu.memory_space<vmem>> -> memref<64xi32, #tpu.memory_space<vmem>>
        %dma_start3A_343 = arith.constant 0 : i32
        %dma_start3A_344 = arith.constant 0 : i32
        %dma_start3A_345 = tpu.memref_slice %arg5[%dma_start3A_343, %dma_start3A_344] : memref<40448x128xf32, #tpu.memory_space<hbm>> -> memref<40448x128xf32, #tpu.memory_space<hbm>>
        tpu.enqueue_indirect_dma source(%dma_start3A_345 : memref<40448x128xf32, #tpu.memory_space<hbm>>) target(%dma_start3A_339 : memref<64x128xf32, #tpu.memory_space<vmem>>) offsets(%dma_start3A_342 : memref<64xi32, #tpu.memory_space<vmem>>) semaphore(%arg13 : memref<!tpu.dma_semaphore, #tpu.memory_space<semaphore_mem>>)
      } else {
      }
      %add3A_239 = arith.constant 4 : i32
      %add3A_240 = arith.addi %add3A_207, %add3A_239 : i32
      %lt3A_241 = arith.constant 80 : i32
      %lt3A_242 = arith.cmpi slt, %add3A_240, %lt3A_241 : i32
      %convert_element_type3A_243 = arith.extui %lt3A_242 : i1 to i32
      %cond3A_244 = arith.constant 0 : i32
      %cond3A_245 = arith.cmpi ne, %convert_element_type3A_243, %cond3A_244 : i32
      scf.if %cond3A_245 {
        %add3A_326 = arith.constant 4 : i32
        %add3A_327 = arith.addi %add3A_207, %add3A_326 : i32
        %mul3A_328 = arith.constant 128 : i32
        %mul3A_329 = arith.muli %add3A_327, %mul3A_328 : i32
        %add3A_330 = arith.addi %multiple_of3A_3, %mul3A_329 : i32
        %multiple_of3A_331 = tpu.assume_multiple %add3A_330, 128 : i32
        %dma_start3A_332 = tpu.memref_slice %arg3[%multiple_of3A_331] : memref<163840xi32, #tpu.memory_space<hbm>> -> memref<128xi32, #tpu.memory_space<hbm>>
        %dma_start3A_333 = tpu.memref_slice %arg3[%multiple_of3A_331] : memref<163840xi32, #tpu.memory_space<hbm>> -> memref<128xi32, #tpu.memory_space<hbm>>
        tpu.enqueue_dma source(%dma_start3A_333 : memref<128xi32, #tpu.memory_space<hbm>>) target(%arg15 : memref<128xi32, #tpu.memory_space<vmem>>) target_semaphore(%arg19 : memref<!tpu.dma_semaphore, #tpu.memory_space<semaphore_mem>>)
      } else {
      }
      %add3A_246 = arith.constant 2 : i32
      %add3A_247 = arith.addi %add3A_169, %add3A_246 : i32
      %dma_wait3A_248 = arith.constant 0 : i32
      %dma_wait3A_249 = arith.constant 0 : i32
      %dma_wait3A_250 = arith.constant 0 : i32
      %dma_wait3A_251 = tpu.memref_slice %arg8[%dma_wait3A_249, %dma_wait3A_250] : memref<128x128xf32, #tpu.memory_space<vmem>> -> memref<64x128xf32, #tpu.memory_space<vmem>>
      %dma_wait3A_252 = arith.constant 0 : i32
      %dma_wait3A_253 = tpu.memref_slice %arg7[%dma_wait3A_248, %dma_wait3A_252] : memref<80x128xi32, #tpu.memory_space<vmem>> -> memref<1x64xi32, #tpu.memory_space<vmem>>
      %dma_wait3A_254 = tpu.memref_squeeze %dma_wait3A_253 : memref<1x64xi32, #tpu.memory_space<vmem>> -> memref<64xi32, #tpu.memory_space<vmem>>
      %dma_wait3A_255 = arith.constant 0 : i32
      %dma_wait3A_256 = arith.constant 0 : i32
      %dma_wait3A_257 = tpu.memref_slice %arg5[%dma_wait3A_255, %dma_wait3A_256] : memref<40448x128xf32, #tpu.memory_space<hbm>> -> memref<40448x128xf32, #tpu.memory_space<hbm>>
      tpu.wait_indirect_dma semaphore(%arg10 : memref<!tpu.dma_semaphore, #tpu.memory_space<semaphore_mem>>) src(%dma_wait3A_257 : memref<40448x128xf32, #tpu.memory_space<hbm>>) dst(%dma_wait3A_251 : memref<64x128xf32, #tpu.memory_space<vmem>>)
      %dma_wait3A_258 = arith.constant 0 : i32
      %dma_wait3A_259 = arith.constant 64 : i32
      %dma_wait3A_260 = arith.constant 0 : i32
      %dma_wait3A_261 = tpu.memref_slice %arg8[%dma_wait3A_259, %dma_wait3A_260] : memref<128x128xf32, #tpu.memory_space<vmem>> -> memref<64x128xf32, #tpu.memory_space<vmem>>
      %dma_wait3A_262 = arith.constant 0 : i32
      %dma_wait3A_263 = tpu.memref_slice %arg7[%dma_wait3A_258, %dma_wait3A_262] : memref<80x128xi32, #tpu.memory_space<vmem>> -> memref<1x64xi32, #tpu.memory_space<vmem>>
      %dma_wait3A_264 = tpu.memref_squeeze %dma_wait3A_263 : memref<1x64xi32, #tpu.memory_space<vmem>> -> memref<64xi32, #tpu.memory_space<vmem>>
      %dma_wait3A_265 = arith.constant 0 : i32
      %dma_wait3A_266 = arith.constant 0 : i32
      %dma_wait3A_267 = tpu.memref_slice %arg5[%dma_wait3A_265, %dma_wait3A_266] : memref<40448x128xf32, #tpu.memory_space<hbm>> -> memref<40448x128xf32, #tpu.memory_space<hbm>>
      tpu.wait_indirect_dma semaphore(%arg12 : memref<!tpu.dma_semaphore, #tpu.memory_space<semaphore_mem>>) src(%dma_wait3A_267 : memref<40448x128xf32, #tpu.memory_space<hbm>>) dst(%dma_wait3A_261 : memref<64x128xf32, #tpu.memory_space<vmem>>)
      %dma_wait3A_268 = arith.constant 0 : i32
      %dma_wait3A_269 = tpu.memref_slice %arg3[%dma_wait3A_268] : memref<163840xi32, #tpu.memory_space<hbm>> -> memref<128xi32, #tpu.memory_space<hbm>>
      %dma_wait3A_270 = arith.constant 0 : i32
      %dma_wait3A_271 = tpu.memref_slice %arg3[%dma_wait3A_270] : memref<163840xi32, #tpu.memory_space<hbm>> -> memref<128xi32, #tpu.memory_space<hbm>>
      tpu.wait_dma2 semaphore(%arg20 : memref<!tpu.dma_semaphore, #tpu.memory_space<semaphore_mem>>) src(%dma_wait3A_271 : memref<128xi32, #tpu.memory_space<hbm>>) dst(%arg16 : memref<128xi32, #tpu.memory_space<vmem>>)
      "tpu.region"() ({
        %run_scoped3A = tpu.sem_alloc : memref<!tpu.dma_semaphore, #tpu.memory_space<semaphore_mem>>
        %dma_start3A_326 = arith.constant 0 : i32
        %dma_start3A_327 = arith.constant 0 : i32
        %dma_start3A_328 = tpu.memref_slice %arg22[%dma_start3A_326, %dma_start3A_327] : memref<10112x128xf32, #tpu.memory_space<vmem_shared>> -> memref<10112x128xf32, #tpu.memory_space<vmem_shared>>
        tpu.enqueue_indirect_dma source(%arg8 : memref<128x128xf32, #tpu.memory_space<vmem>>) target(%dma_start3A_328 : memref<10112x128xf32, #tpu.memory_space<vmem_shared>>) offsets(%arg16 : memref<128xi32, #tpu.memory_space<vmem>>) semaphore(%run_scoped3A : memref<!tpu.dma_semaphore, #tpu.memory_space<semaphore_mem>>) {add = true}
        %dma_wait3A_329 = arith.constant 0 : i32
        %dma_wait3A_330 = arith.constant 0 : i32
        %dma_wait3A_331 = tpu.memref_slice %arg22[%dma_wait3A_329, %dma_wait3A_330] : memref<10112x128xf32, #tpu.memory_space<vmem_shared>> -> memref<10112x128xf32, #tpu.memory_space<vmem_shared>>
        tpu.wait_indirect_dma semaphore(%run_scoped3A : memref<!tpu.dma_semaphore, #tpu.memory_space<semaphore_mem>>) src(%arg8 : memref<128x128xf32, #tpu.memory_space<vmem>>) dst(%dma_wait3A_331 : memref<10112x128xf32, #tpu.memory_space<vmem_shared>>)
        tpu.yield
      }) : () -> ()
      %add3A_272 = arith.constant 2 : i32
      %add3A_273 = arith.addi %add3A_247, %add3A_272 : i32
      %lt3A_274 = arith.constant 80 : i32
      %lt3A_275 = arith.cmpi slt, %add3A_273, %lt3A_274 : i32
      %convert_element_type3A_276 = arith.extui %lt3A_275 : i1 to i32
      %cond3A_277 = arith.constant 0 : i32
      %cond3A_278 = arith.cmpi ne, %convert_element_type3A_276, %cond3A_277 : i32
      scf.if %cond3A_278 {
        %add3A_326 = arith.constant 2 : i32
        %add3A_327 = arith.addi %add3A_247, %add3A_326 : i32
        %dma_start3A_328 = arith.constant 0 : i32
        %dma_start3A_329 = arith.constant 0 : i32
        %dma_start3A_330 = tpu.memref_slice %arg8[%dma_start3A_328, %dma_start3A_329] : memref<128x128xf32, #tpu.memory_space<vmem>> -> memref<64x128xf32, #tpu.memory_space<vmem>>
        %dma_start3A_331 = arith.constant 0 : i32
        %dma_start3A_332 = tpu.memref_slice %arg7[%add3A_327, %dma_start3A_331] : memref<80x128xi32, #tpu.memory_space<vmem>> -> memref<1x64xi32, #tpu.memory_space<vmem>>
        %dma_start3A_333 = tpu.memref_squeeze %dma_start3A_332 : memref<1x64xi32, #tpu.memory_space<vmem>> -> memref<64xi32, #tpu.memory_space<vmem>>
        %dma_start3A_334 = arith.constant 0 : i32
        %dma_start3A_335 = arith.constant 0 : i32
        %dma_start3A_336 = tpu.memref_slice %arg5[%dma_start3A_334, %dma_start3A_335] : memref<40448x128xf32, #tpu.memory_space<hbm>> -> memref<40448x128xf32, #tpu.memory_space<hbm>>
        tpu.enqueue_indirect_dma source(%dma_start3A_336 : memref<40448x128xf32, #tpu.memory_space<hbm>>) target(%dma_start3A_330 : memref<64x128xf32, #tpu.memory_space<vmem>>) offsets(%dma_start3A_333 : memref<64xi32, #tpu.memory_space<vmem>>) semaphore(%arg10 : memref<!tpu.dma_semaphore, #tpu.memory_space<semaphore_mem>>)
        %dma_start3A_337 = arith.constant 64 : i32
        %dma_start3A_338 = arith.constant 0 : i32
        %dma_start3A_339 = tpu.memref_slice %arg8[%dma_start3A_337, %dma_start3A_338] : memref<128x128xf32, #tpu.memory_space<vmem>> -> memref<64x128xf32, #tpu.memory_space<vmem>>
        %dma_start3A_340 = arith.constant 64 : i32
        %dma_start3A_341 = tpu.memref_slice %arg7[%add3A_327, %dma_start3A_340] : memref<80x128xi32, #tpu.memory_space<vmem>> -> memref<1x64xi32, #tpu.memory_space<vmem>>
        %dma_start3A_342 = tpu.memref_squeeze %dma_start3A_341 : memref<1x64xi32, #tpu.memory_space<vmem>> -> memref<64xi32, #tpu.memory_space<vmem>>
        %dma_start3A_343 = arith.constant 0 : i32
        %dma_start3A_344 = arith.constant 0 : i32
        %dma_start3A_345 = tpu.memref_slice %arg5[%dma_start3A_343, %dma_start3A_344] : memref<40448x128xf32, #tpu.memory_space<hbm>> -> memref<40448x128xf32, #tpu.memory_space<hbm>>
        tpu.enqueue_indirect_dma source(%dma_start3A_345 : memref<40448x128xf32, #tpu.memory_space<hbm>>) target(%dma_start3A_339 : memref<64x128xf32, #tpu.memory_space<vmem>>) offsets(%dma_start3A_342 : memref<64xi32, #tpu.memory_space<vmem>>) semaphore(%arg12 : memref<!tpu.dma_semaphore, #tpu.memory_space<semaphore_mem>>)
      } else {
      }
      %add3A_279 = arith.constant 4 : i32
      %add3A_280 = arith.addi %add3A_247, %add3A_279 : i32
      %lt3A_281 = arith.constant 80 : i32
      %lt3A_282 = arith.cmpi slt, %add3A_280, %lt3A_281 : i32
      %convert_element_type3A_283 = arith.extui %lt3A_282 : i1 to i32
      %cond3A_284 = arith.constant 0 : i32
      %cond3A_285 = arith.cmpi ne, %convert_element_type3A_283, %cond3A_284 : i32
      scf.if %cond3A_285 {
        %add3A_326 = arith.constant 4 : i32
        %add3A_327 = arith.addi %add3A_247, %add3A_326 : i32
        %mul3A_328 = arith.constant 128 : i32
        %mul3A_329 = arith.muli %add3A_327, %mul3A_328 : i32
        %add3A_330 = arith.addi %multiple_of3A_3, %mul3A_329 : i32
        %multiple_of3A_331 = tpu.assume_multiple %add3A_330, 128 : i32
        %dma_start3A_332 = tpu.memref_slice %arg3[%multiple_of3A_331] : memref<163840xi32, #tpu.memory_space<hbm>> -> memref<128xi32, #tpu.memory_space<hbm>>
        %dma_start3A_333 = tpu.memref_slice %arg3[%multiple_of3A_331] : memref<163840xi32, #tpu.memory_space<hbm>> -> memref<128xi32, #tpu.memory_space<hbm>>
        tpu.enqueue_dma source(%dma_start3A_333 : memref<128xi32, #tpu.memory_space<hbm>>) target(%arg16 : memref<128xi32, #tpu.memory_space<vmem>>) target_semaphore(%arg20 : memref<!tpu.dma_semaphore, #tpu.memory_space<semaphore_mem>>)
      } else {
      }
      %add3A_286 = arith.constant 3 : i32
      %add3A_287 = arith.addi %add3A_169, %add3A_286 : i32
      %dma_wait3A_288 = arith.constant 0 : i32
      %dma_wait3A_289 = arith.constant 0 : i32
      %dma_wait3A_290 = arith.constant 0 : i32
      %dma_wait3A_291 = tpu.memref_slice %arg9[%dma_wait3A_289, %dma_wait3A_290] : memref<128x128xf32, #tpu.memory_space<vmem>> -> memref<64x128xf32, #tpu.memory_space<vmem>>
      %dma_wait3A_292 = arith.constant 0 : i32
      %dma_wait3A_293 = tpu.memref_slice %arg7[%dma_wait3A_288, %dma_wait3A_292] : memref<80x128xi32, #tpu.memory_space<vmem>> -> memref<1x64xi32, #tpu.memory_space<vmem>>
      %dma_wait3A_294 = tpu.memref_squeeze %dma_wait3A_293 : memref<1x64xi32, #tpu.memory_space<vmem>> -> memref<64xi32, #tpu.memory_space<vmem>>
      %dma_wait3A_295 = arith.constant 0 : i32
      %dma_wait3A_296 = arith.constant 0 : i32
      %dma_wait3A_297 = tpu.memref_slice %arg5[%dma_wait3A_295, %dma_wait3A_296] : memref<40448x128xf32, #tpu.memory_space<hbm>> -> memref<40448x128xf32, #tpu.memory_space<hbm>>
      tpu.wait_indirect_dma semaphore(%arg11 : memref<!tpu.dma_semaphore, #tpu.memory_space<semaphore_mem>>) src(%dma_wait3A_297 : memref<40448x128xf32, #tpu.memory_space<hbm>>) dst(%dma_wait3A_291 : memref<64x128xf32, #tpu.memory_space<vmem>>)
      %dma_wait3A_298 = arith.constant 0 : i32
      %dma_wait3A_299 = arith.constant 64 : i32
      %dma_wait3A_300 = arith.constant 0 : i32
      %dma_wait3A_301 = tpu.memref_slice %arg9[%dma_wait3A_299, %dma_wait3A_300] : memref<128x128xf32, #tpu.memory_space<vmem>> -> memref<64x128xf32, #tpu.memory_space<vmem>>
      %dma_wait3A_302 = arith.constant 0 : i32
      %dma_wait3A_303 = tpu.memref_slice %arg7[%dma_wait3A_298, %dma_wait3A_302] : memref<80x128xi32, #tpu.memory_space<vmem>> -> memref<1x64xi32, #tpu.memory_space<vmem>>
      %dma_wait3A_304 = tpu.memref_squeeze %dma_wait3A_303 : memref<1x64xi32, #tpu.memory_space<vmem>> -> memref<64xi32, #tpu.memory_space<vmem>>
      %dma_wait3A_305 = arith.constant 0 : i32
      %dma_wait3A_306 = arith.constant 0 : i32
      %dma_wait3A_307 = tpu.memref_slice %arg5[%dma_wait3A_305, %dma_wait3A_306] : memref<40448x128xf32, #tpu.memory_space<hbm>> -> memref<40448x128xf32, #tpu.memory_space<hbm>>
      tpu.wait_indirect_dma semaphore(%arg13 : memref<!tpu.dma_semaphore, #tpu.memory_space<semaphore_mem>>) src(%dma_wait3A_307 : memref<40448x128xf32, #tpu.memory_space<hbm>>) dst(%dma_wait3A_301 : memref<64x128xf32, #tpu.memory_space<vmem>>)
      %dma_wait3A_308 = arith.constant 0 : i32
      %dma_wait3A_309 = tpu.memref_slice %arg3[%dma_wait3A_308] : memref<163840xi32, #tpu.memory_space<hbm>> -> memref<128xi32, #tpu.memory_space<hbm>>
      %dma_wait3A_310 = arith.constant 0 : i32
      %dma_wait3A_311 = tpu.memref_slice %arg3[%dma_wait3A_310] : memref<163840xi32, #tpu.memory_space<hbm>> -> memref<128xi32, #tpu.memory_space<hbm>>
      tpu.wait_dma2 semaphore(%arg21 : memref<!tpu.dma_semaphore, #tpu.memory_space<semaphore_mem>>) src(%dma_wait3A_311 : memref<128xi32, #tpu.memory_space<hbm>>) dst(%arg17 : memref<128xi32, #tpu.memory_space<vmem>>)
      "tpu.region"() ({
        %run_scoped3A = tpu.sem_alloc : memref<!tpu.dma_semaphore, #tpu.memory_space<semaphore_mem>>
        %dma_start3A_326 = arith.constant 0 : i32
        %dma_start3A_327 = arith.constant 0 : i32
        %dma_start3A_328 = tpu.memref_slice %arg22[%dma_start3A_326, %dma_start3A_327] : memref<10112x128xf32, #tpu.memory_space<vmem_shared>> -> memref<10112x128xf32, #tpu.memory_space<vmem_shared>>
        tpu.enqueue_indirect_dma source(%arg9 : memref<128x128xf32, #tpu.memory_space<vmem>>) target(%dma_start3A_328 : memref<10112x128xf32, #tpu.memory_space<vmem_shared>>) offsets(%arg17 : memref<128xi32, #tpu.memory_space<vmem>>) semaphore(%run_scoped3A : memref<!tpu.dma_semaphore, #tpu.memory_space<semaphore_mem>>) {add = true}
        %dma_wait3A_329 = arith.constant 0 : i32
        %dma_wait3A_330 = arith.constant 0 : i32
        %dma_wait3A_331 = tpu.memref_slice %arg22[%dma_wait3A_329, %dma_wait3A_330] : memref<10112x128xf32, #tpu.memory_space<vmem_shared>> -> memref<10112x128xf32, #tpu.memory_space<vmem_shared>>
        tpu.wait_indirect_dma semaphore(%run_scoped3A : memref<!tpu.dma_semaphore, #tpu.memory_space<semaphore_mem>>) src(%arg9 : memref<128x128xf32, #tpu.memory_space<vmem>>) dst(%dma_wait3A_331 : memref<10112x128xf32, #tpu.memory_space<vmem_shared>>)
        tpu.yield
      }) : () -> ()
      %add3A_312 = arith.constant 2 : i32
      %add3A_313 = arith.addi %add3A_287, %add3A_312 : i32
      %lt3A_314 = arith.constant 80 : i32
      %lt3A_315 = arith.cmpi slt, %add3A_313, %lt3A_314 : i32
      %convert_element_type3A_316 = arith.extui %lt3A_315 : i1 to i32
      %cond3A_317 = arith.constant 0 : i32
      %cond3A_318 = arith.cmpi ne, %convert_element_type3A_316, %cond3A_317 : i32
      scf.if %cond3A_318 {
        %add3A_326 = arith.constant 2 : i32
        %add3A_327 = arith.addi %add3A_287, %add3A_326 : i32
        %dma_start3A_328 = arith.constant 0 : i32
        %dma_start3A_329 = arith.constant 0 : i32
        %dma_start3A_330 = tpu.memref_slice %arg9[%dma_start3A_328, %dma_start3A_329] : memref<128x128xf32, #tpu.memory_space<vmem>> -> memref<64x128xf32, #tpu.memory_space<vmem>>
        %dma_start3A_331 = arith.constant 0 : i32
        %dma_start3A_332 = tpu.memref_slice %arg7[%add3A_327, %dma_start3A_331] : memref<80x128xi32, #tpu.memory_space<vmem>> -> memref<1x64xi32, #tpu.memory_space<vmem>>
        %dma_start3A_333 = tpu.memref_squeeze %dma_start3A_332 : memref<1x64xi32, #tpu.memory_space<vmem>> -> memref<64xi32, #tpu.memory_space<vmem>>
        %dma_start3A_334 = arith.constant 0 : i32
        %dma_start3A_335 = arith.constant 0 : i32
        %dma_start3A_336 = tpu.memref_slice %arg5[%dma_start3A_334, %dma_start3A_335] : memref<40448x128xf32, #tpu.memory_space<hbm>> -> memref<40448x128xf32, #tpu.memory_space<hbm>>
        tpu.enqueue_indirect_dma source(%dma_start3A_336 : memref<40448x128xf32, #tpu.memory_space<hbm>>) target(%dma_start3A_330 : memref<64x128xf32, #tpu.memory_space<vmem>>) offsets(%dma_start3A_333 : memref<64xi32, #tpu.memory_space<vmem>>) semaphore(%arg11 : memref<!tpu.dma_semaphore, #tpu.memory_space<semaphore_mem>>)
        %dma_start3A_337 = arith.constant 64 : i32
        %dma_start3A_338 = arith.constant 0 : i32
        %dma_start3A_339 = tpu.memref_slice %arg9[%dma_start3A_337, %dma_start3A_338] : memref<128x128xf32, #tpu.memory_space<vmem>> -> memref<64x128xf32, #tpu.memory_space<vmem>>
        %dma_start3A_340 = arith.constant 64 : i32
        %dma_start3A_341 = tpu.memref_slice %arg7[%add3A_327, %dma_start3A_340] : memref<80x128xi32, #tpu.memory_space<vmem>> -> memref<1x64xi32, #tpu.memory_space<vmem>>
        %dma_start3A_342 = tpu.memref_squeeze %dma_start3A_341 : memref<1x64xi32, #tpu.memory_space<vmem>> -> memref<64xi32, #tpu.memory_space<vmem>>
        %dma_start3A_343 = arith.constant 0 : i32
        %dma_start3A_344 = arith.constant 0 : i32
        %dma_start3A_345 = tpu.memref_slice %arg5[%dma_start3A_343, %dma_start3A_344] : memref<40448x128xf32, #tpu.memory_space<hbm>> -> memref<40448x128xf32, #tpu.memory_space<hbm>>
        tpu.enqueue_indirect_dma source(%dma_start3A_345 : memref<40448x128xf32, #tpu.memory_space<hbm>>) target(%dma_start3A_339 : memref<64x128xf32, #tpu.memory_space<vmem>>) offsets(%dma_start3A_342 : memref<64xi32, #tpu.memory_space<vmem>>) semaphore(%arg13 : memref<!tpu.dma_semaphore, #tpu.memory_space<semaphore_mem>>)
      } else {
      }
      %add3A_319 = arith.constant 4 : i32
      %add3A_320 = arith.addi %add3A_287, %add3A_319 : i32
      %lt3A_321 = arith.constant 80 : i32
      %lt3A_322 = arith.cmpi slt, %add3A_320, %lt3A_321 : i32
      %convert_element_type3A_323 = arith.extui %lt3A_322 : i1 to i32
      %cond3A_324 = arith.constant 0 : i32
      %cond3A_325 = arith.cmpi ne, %convert_element_type3A_323, %cond3A_324 : i32
      scf.if %cond3A_325 {
        %add3A_326 = arith.constant 4 : i32
        %add3A_327 = arith.addi %add3A_287, %add3A_326 : i32
        %mul3A_328 = arith.constant 128 : i32
        %mul3A_329 = arith.muli %add3A_327, %mul3A_328 : i32
        %add3A_330 = arith.addi %multiple_of3A_3, %mul3A_329 : i32
        %multiple_of3A_331 = tpu.assume_multiple %add3A_330, 128 : i32
        %dma_start3A_332 = tpu.memref_slice %arg3[%multiple_of3A_331] : memref<163840xi32, #tpu.memory_space<hbm>> -> memref<128xi32, #tpu.memory_space<hbm>>
        %dma_start3A_333 = tpu.memref_slice %arg3[%multiple_of3A_331] : memref<163840xi32, #tpu.memory_space<hbm>> -> memref<128xi32, #tpu.memory_space<hbm>>
        tpu.enqueue_dma source(%dma_start3A_333 : memref<128xi32, #tpu.memory_space<hbm>>) target(%arg17 : memref<128xi32, #tpu.memory_space<vmem>>) target_semaphore(%arg21 : memref<!tpu.dma_semaphore, #tpu.memory_space<semaphore_mem>>)
      } else {
      }
    }
    %scan3A_159 = arith.constant 20 : i32
    %barrier3A_160 = arith.constant 0 : index
    tpu.barrier barrier_id(%barrier3A_160)
    %mul3A_161 = arith.constant 10112 : i32
    %mul3A_162 = arith.muli %add3A_88, %mul3A_161 : i32
    %add3A_163 = arith.addi %mul3A_162, %multiple_of3A_6 : i32
    %multiple_of3A_164 = tpu.assume_multiple %add3A_163, 8 : i32
    "tpu.region"() ({
      %run_scoped3A = tpu.sem_alloc : memref<!tpu.dma_semaphore, #tpu.memory_space<semaphore_mem>>
      %dma_start3A_165 = arith.constant 0 : i32
      %dma_start3A_166 = tpu.memref_slice %arg6[%multiple_of3A_164, %dma_start3A_165] : memref<40448x128xf32, #tpu.memory_space<hbm>> -> memref<632x128xf32, #tpu.memory_space<hbm>>
      %dma_start3A_167 = arith.constant 0 : i32
      %dma_start3A_168 = tpu.memref_slice %arg22[%multiple_of3A_6, %dma_start3A_167] : memref<10112x128xf32, #tpu.memory_space<vmem_shared>> -> memref<632x128xf32, #tpu.memory_space<vmem_shared>>
      tpu.enqueue_dma source(%dma_start3A_168 : memref<632x128xf32, #tpu.memory_space<vmem_shared>>) target(%dma_start3A_166 : memref<632x128xf32, #tpu.memory_space<hbm>>) target_semaphore(%run_scoped3A : memref<!tpu.dma_semaphore, #tpu.memory_space<semaphore_mem>>)
      %dma_wait3A = arith.constant 0 : i32
      %dma_wait3A_169 = tpu.memref_slice %arg6[%multiple_of3A_164, %dma_wait3A] : memref<40448x128xf32, #tpu.memory_space<hbm>> -> memref<632x128xf32, #tpu.memory_space<hbm>>
      %dma_wait3A_170 = arith.constant 0 : i32
      %dma_wait3A_171 = tpu.memref_slice %arg22[%multiple_of3A_6, %dma_wait3A_170] : memref<10112x128xf32, #tpu.memory_space<vmem_shared>> -> memref<632x128xf32, #tpu.memory_space<vmem_shared>>
      tpu.wait_dma2 semaphore(%run_scoped3A : memref<!tpu.dma_semaphore, #tpu.memory_space<semaphore_mem>>) src(%dma_wait3A_171 : memref<632x128xf32, #tpu.memory_space<vmem_shared>>) dst(%dma_wait3A_169 : memref<632x128xf32, #tpu.memory_space<hbm>>)
      tpu.yield
    }) : () -> ()
    return
  }
}

#map = affine_map<(d0, d1) -> (0)>
#map1 = affine_map<(d0, d1) -> (0, 0)>
module attributes {stable_mosaic.version = 14 : i64} {
  func.func @sc_degree_count(%arg0: i32, %arg1: i32, %arg2: memref<163840xi32, #tpu.memory_space<hbm>>, %arg3: memref<10112x128xf32, #tpu.memory_space<hbm>>, %arg4: memref<128x128xf32, #tpu.memory_space<hbm>>, %arg5: memref<20224x128xf32, #tpu.memory_space<hbm>>, %arg6: memref<128x128xf32, #tpu.memory_space<vmem>>, %arg7: memref<128xi32, #tpu.memory_space<vmem>>, %arg8: memref<128xi32, #tpu.memory_space<vmem>>, %arg9: memref<128xi32, #tpu.memory_space<vmem>>, %arg10: memref<128xi32, #tpu.memory_space<vmem>>, %arg11: memref<!tpu.dma_semaphore, #tpu.memory_space<semaphore_mem>>, %arg12: memref<!tpu.dma_semaphore, #tpu.memory_space<semaphore_mem>>, %arg13: memref<!tpu.dma_semaphore, #tpu.memory_space<semaphore_mem>>, %arg14: memref<!tpu.dma_semaphore, #tpu.memory_space<semaphore_mem>>, %arg15: memref<10112x128xf32, #tpu.memory_space<vmem_shared>>) attributes {dimension_semantics = [#tpu.dimension_semantics<core_parallel>, #tpu.dimension_semantics<subcore_parallel>], iteration_bounds = array<i64: 2, 16>, scalar_prefetch = 0 : i64, scratch_operands = 10 : i64, tpu.core_type = #tpu.core_type<sc_vector_subcore>, window_params = [{transform_indices = #map}, {transform_indices = #map1}, {transform_indices = #map1}, {transform_indices = #map1}]} {
    %mul3A = arith.constant 81920 : i32
    %mul3A_0 = arith.muli %arg0, %mul3A : i32
    %mul3A_1 = arith.constant 5120 : i32
    %mul3A_2 = arith.muli %arg1, %mul3A_1 : i32
    %add3A = arith.addi %mul3A_0, %mul3A_2 : i32
    %multiple_of3A = tpu.assume_multiple %add3A, 128 : i32
    %mul3A_3 = arith.constant 632 : i32
    %mul3A_4 = arith.muli %arg1, %mul3A_3 : i32
    %multiple_of3A_5 = tpu.assume_multiple %mul3A_4, 8 : i32
    "tpu.region"() ({
      %run_scoped3A = tpu.sem_alloc : memref<!tpu.dma_semaphore, #tpu.memory_space<semaphore_mem>>
      tpu.enqueue_dma source(%arg4 : memref<128x128xf32, #tpu.memory_space<hbm>>) target(%arg6 : memref<128x128xf32, #tpu.memory_space<vmem>>) target_semaphore(%run_scoped3A : memref<!tpu.dma_semaphore, #tpu.memory_space<semaphore_mem>>)
      tpu.wait_dma2 semaphore(%run_scoped3A : memref<!tpu.dma_semaphore, #tpu.memory_space<semaphore_mem>>) src(%arg4 : memref<128x128xf32, #tpu.memory_space<hbm>>) dst(%arg6 : memref<128x128xf32, #tpu.memory_space<vmem>>)
      tpu.yield
    }) : () -> ()
    "tpu.region"() ({
      %run_scoped3A = tpu.sem_alloc : memref<!tpu.dma_semaphore, #tpu.memory_space<semaphore_mem>>
      %dma_start3A_34 = arith.constant 0 : i32
      %dma_start3A_35 = tpu.memref_slice %arg15[%multiple_of3A_5, %dma_start3A_34] : memref<10112x128xf32, #tpu.memory_space<vmem_shared>> -> memref<632x128xf32, #tpu.memory_space<vmem_shared>>
      %dma_start3A_36 = arith.constant 0 : i32
      %dma_start3A_37 = tpu.memref_slice %arg3[%multiple_of3A_5, %dma_start3A_36] : memref<10112x128xf32, #tpu.memory_space<hbm>> -> memref<632x128xf32, #tpu.memory_space<hbm>>
      tpu.enqueue_dma source(%dma_start3A_37 : memref<632x128xf32, #tpu.memory_space<hbm>>) target(%dma_start3A_35 : memref<632x128xf32, #tpu.memory_space<vmem_shared>>) target_semaphore(%run_scoped3A : memref<!tpu.dma_semaphore, #tpu.memory_space<semaphore_mem>>)
      %dma_wait3A = arith.constant 0 : i32
      %dma_wait3A_38 = tpu.memref_slice %arg15[%multiple_of3A_5, %dma_wait3A] : memref<10112x128xf32, #tpu.memory_space<vmem_shared>> -> memref<632x128xf32, #tpu.memory_space<vmem_shared>>
      %dma_wait3A_39 = arith.constant 0 : i32
      %dma_wait3A_40 = tpu.memref_slice %arg3[%multiple_of3A_5, %dma_wait3A_39] : memref<10112x128xf32, #tpu.memory_space<hbm>> -> memref<632x128xf32, #tpu.memory_space<hbm>>
      tpu.wait_dma2 semaphore(%run_scoped3A : memref<!tpu.dma_semaphore, #tpu.memory_space<semaphore_mem>>) src(%dma_wait3A_40 : memref<632x128xf32, #tpu.memory_space<hbm>>) dst(%dma_wait3A_38 : memref<632x128xf32, #tpu.memory_space<vmem_shared>>)
      tpu.yield
    }) : () -> ()
    %barrier3A = arith.constant 0 : index
    tpu.barrier barrier_id(%barrier3A)
    %add3A_6 = arith.constant 0 : i32
    %add3A_7 = arith.addi %multiple_of3A, %add3A_6 : i32
    %multiple_of3A_8 = tpu.assume_multiple %add3A_7, 128 : i32
    %dma_start3A = tpu.memref_slice %arg2[%multiple_of3A_8] : memref<163840xi32, #tpu.memory_space<hbm>> -> memref<128xi32, #tpu.memory_space<hbm>>
    %dma_start3A_9 = tpu.memref_slice %arg2[%multiple_of3A_8] : memref<163840xi32, #tpu.memory_space<hbm>> -> memref<128xi32, #tpu.memory_space<hbm>>
    tpu.enqueue_dma source(%dma_start3A_9 : memref<128xi32, #tpu.memory_space<hbm>>) target(%arg7 : memref<128xi32, #tpu.memory_space<vmem>>) target_semaphore(%arg11 : memref<!tpu.dma_semaphore, #tpu.memory_space<semaphore_mem>>)
    %add3A_10 = arith.constant 128 : i32
    %add3A_11 = arith.addi %multiple_of3A, %add3A_10 : i32
    %multiple_of3A_12 = tpu.assume_multiple %add3A_11, 128 : i32
    %dma_start3A_13 = tpu.memref_slice %arg2[%multiple_of3A_12] : memref<163840xi32, #tpu.memory_space<hbm>> -> memref<128xi32, #tpu.memory_space<hbm>>
    %dma_start3A_14 = tpu.memref_slice %arg2[%multiple_of3A_12] : memref<163840xi32, #tpu.memory_space<hbm>> -> memref<128xi32, #tpu.memory_space<hbm>>
    tpu.enqueue_dma source(%dma_start3A_14 : memref<128xi32, #tpu.memory_space<hbm>>) target(%arg8 : memref<128xi32, #tpu.memory_space<vmem>>) target_semaphore(%arg12 : memref<!tpu.dma_semaphore, #tpu.memory_space<semaphore_mem>>)
    %add3A_15 = arith.constant 256 : i32
    %add3A_16 = arith.addi %multiple_of3A, %add3A_15 : i32
    %multiple_of3A_17 = tpu.assume_multiple %add3A_16, 128 : i32
    %dma_start3A_18 = tpu.memref_slice %arg2[%multiple_of3A_17] : memref<163840xi32, #tpu.memory_space<hbm>> -> memref<128xi32, #tpu.memory_space<hbm>>
    %dma_start3A_19 = tpu.memref_slice %arg2[%multiple_of3A_17] : memref<163840xi32, #tpu.memory_space<hbm>> -> memref<128xi32, #tpu.memory_space<hbm>>
    tpu.enqueue_dma source(%dma_start3A_19 : memref<128xi32, #tpu.memory_space<hbm>>) target(%arg9 : memref<128xi32, #tpu.memory_space<vmem>>) target_semaphore(%arg13 : memref<!tpu.dma_semaphore, #tpu.memory_space<semaphore_mem>>)
    %add3A_20 = arith.constant 384 : i32
    %add3A_21 = arith.addi %multiple_of3A, %add3A_20 : i32
    %multiple_of3A_22 = tpu.assume_multiple %add3A_21, 128 : i32
    %dma_start3A_23 = tpu.memref_slice %arg2[%multiple_of3A_22] : memref<163840xi32, #tpu.memory_space<hbm>> -> memref<128xi32, #tpu.memory_space<hbm>>
    %dma_start3A_24 = tpu.memref_slice %arg2[%multiple_of3A_22] : memref<163840xi32, #tpu.memory_space<hbm>> -> memref<128xi32, #tpu.memory_space<hbm>>
    tpu.enqueue_dma source(%dma_start3A_24 : memref<128xi32, #tpu.memory_space<hbm>>) target(%arg10 : memref<128xi32, #tpu.memory_space<vmem>>) target_semaphore(%arg14 : memref<!tpu.dma_semaphore, #tpu.memory_space<semaphore_mem>>)
    %scan3A = arith.constant 0 : i32
    %scan3A_25 = arith.constant 10 : i32
    %scan3A_26 = arith.addi %scan3A, %scan3A_25 : i32
    %scan3A_27 = arith.constant 1 : i32
    scf.for %scan3A_34 = %scan3A to %scan3A_26 step %scan3A_27  : i32 {
      %mul3A_35 = arith.constant 4 : i32
      %mul3A_36 = arith.muli %scan3A_34, %mul3A_35 : i32
      %add3A_37 = arith.constant 0 : i32
      %add3A_38 = arith.addi %add3A_37, %mul3A_36 : i32
      %add3A_39 = arith.constant 0 : i32
      %add3A_40 = arith.addi %add3A_38, %add3A_39 : i32
      %dma_wait3A = arith.constant 0 : i32
      %dma_wait3A_41 = tpu.memref_slice %arg2[%dma_wait3A] : memref<163840xi32, #tpu.memory_space<hbm>> -> memref<128xi32, #tpu.memory_space<hbm>>
      %dma_wait3A_42 = arith.constant 0 : i32
      %dma_wait3A_43 = tpu.memref_slice %arg2[%dma_wait3A_42] : memref<163840xi32, #tpu.memory_space<hbm>> -> memref<128xi32, #tpu.memory_space<hbm>>
      tpu.wait_dma2 semaphore(%arg11 : memref<!tpu.dma_semaphore, #tpu.memory_space<semaphore_mem>>) src(%dma_wait3A_43 : memref<128xi32, #tpu.memory_space<hbm>>) dst(%arg7 : memref<128xi32, #tpu.memory_space<vmem>>)
      "tpu.region"() ({
        %run_scoped3A = tpu.sem_alloc : memref<!tpu.dma_semaphore, #tpu.memory_space<semaphore_mem>>
        %dma_start3A_87 = arith.constant 0 : i32
        %dma_start3A_88 = arith.constant 0 : i32
        %dma_start3A_89 = tpu.memref_slice %arg15[%dma_start3A_87, %dma_start3A_88] : memref<10112x128xf32, #tpu.memory_space<vmem_shared>> -> memref<10112x128xf32, #tpu.memory_space<vmem_shared>>
        tpu.enqueue_indirect_dma source(%arg6 : memref<128x128xf32, #tpu.memory_space<vmem>>) target(%dma_start3A_89 : memref<10112x128xf32, #tpu.memory_space<vmem_shared>>) offsets(%arg7 : memref<128xi32, #tpu.memory_space<vmem>>) semaphore(%run_scoped3A : memref<!tpu.dma_semaphore, #tpu.memory_space<semaphore_mem>>) {add = true}
        %dma_wait3A_90 = arith.constant 0 : i32
        %dma_wait3A_91 = arith.constant 0 : i32
        %dma_wait3A_92 = tpu.memref_slice %arg15[%dma_wait3A_90, %dma_wait3A_91] : memref<10112x128xf32, #tpu.memory_space<vmem_shared>> -> memref<10112x128xf32, #tpu.memory_space<vmem_shared>>
        tpu.wait_indirect_dma semaphore(%run_scoped3A : memref<!tpu.dma_semaphore, #tpu.memory_space<semaphore_mem>>) src(%arg6 : memref<128x128xf32, #tpu.memory_space<vmem>>) dst(%dma_wait3A_92 : memref<10112x128xf32, #tpu.memory_space<vmem_shared>>)
        tpu.yield
      }) : () -> ()
      %add3A_44 = arith.constant 4 : i32
      %add3A_45 = arith.addi %add3A_40, %add3A_44 : i32
      %lt3A = arith.constant 40 : i32
      %lt3A_46 = arith.cmpi slt, %add3A_45, %lt3A : i32
      %convert_element_type3A = arith.extui %lt3A_46 : i1 to i32
      %cond3A = arith.constant 0 : i32
      %cond3A_47 = arith.cmpi ne, %convert_element_type3A, %cond3A : i32
      scf.if %cond3A_47 {
        %add3A_87 = arith.constant 4 : i32
        %add3A_88 = arith.addi %add3A_40, %add3A_87 : i32
        %mul3A_89 = arith.constant 128 : i32
        %mul3A_90 = arith.muli %add3A_88, %mul3A_89 : i32
        %add3A_91 = arith.addi %multiple_of3A, %mul3A_90 : i32
        %multiple_of3A_92 = tpu.assume_multiple %add3A_91, 128 : i32
        %dma_start3A_93 = tpu.memref_slice %arg2[%multiple_of3A_92] : memref<163840xi32, #tpu.memory_space<hbm>> -> memref<128xi32, #tpu.memory_space<hbm>>
        %dma_start3A_94 = tpu.memref_slice %arg2[%multiple_of3A_92] : memref<163840xi32, #tpu.memory_space<hbm>> -> memref<128xi32, #tpu.memory_space<hbm>>
        tpu.enqueue_dma source(%dma_start3A_94 : memref<128xi32, #tpu.memory_space<hbm>>) target(%arg7 : memref<128xi32, #tpu.memory_space<vmem>>) target_semaphore(%arg11 : memref<!tpu.dma_semaphore, #tpu.memory_space<semaphore_mem>>)
      } else {
      }
      %add3A_48 = arith.constant 1 : i32
      %add3A_49 = arith.addi %add3A_38, %add3A_48 : i32
      %dma_wait3A_50 = arith.constant 0 : i32
      %dma_wait3A_51 = tpu.memref_slice %arg2[%dma_wait3A_50] : memref<163840xi32, #tpu.memory_space<hbm>> -> memref<128xi32, #tpu.memory_space<hbm>>
      %dma_wait3A_52 = arith.constant 0 : i32
      %dma_wait3A_53 = tpu.memref_slice %arg2[%dma_wait3A_52] : memref<163840xi32, #tpu.memory_space<hbm>> -> memref<128xi32, #tpu.memory_space<hbm>>
      tpu.wait_dma2 semaphore(%arg12 : memref<!tpu.dma_semaphore, #tpu.memory_space<semaphore_mem>>) src(%dma_wait3A_53 : memref<128xi32, #tpu.memory_space<hbm>>) dst(%arg8 : memref<128xi32, #tpu.memory_space<vmem>>)
      "tpu.region"() ({
        %run_scoped3A = tpu.sem_alloc : memref<!tpu.dma_semaphore, #tpu.memory_space<semaphore_mem>>
        %dma_start3A_87 = arith.constant 0 : i32
        %dma_start3A_88 = arith.constant 0 : i32
        %dma_start3A_89 = tpu.memref_slice %arg15[%dma_start3A_87, %dma_start3A_88] : memref<10112x128xf32, #tpu.memory_space<vmem_shared>> -> memref<10112x128xf32, #tpu.memory_space<vmem_shared>>
        tpu.enqueue_indirect_dma source(%arg6 : memref<128x128xf32, #tpu.memory_space<vmem>>) target(%dma_start3A_89 : memref<10112x128xf32, #tpu.memory_space<vmem_shared>>) offsets(%arg8 : memref<128xi32, #tpu.memory_space<vmem>>) semaphore(%run_scoped3A : memref<!tpu.dma_semaphore, #tpu.memory_space<semaphore_mem>>) {add = true}
        %dma_wait3A_90 = arith.constant 0 : i32
        %dma_wait3A_91 = arith.constant 0 : i32
        %dma_wait3A_92 = tpu.memref_slice %arg15[%dma_wait3A_90, %dma_wait3A_91] : memref<10112x128xf32, #tpu.memory_space<vmem_shared>> -> memref<10112x128xf32, #tpu.memory_space<vmem_shared>>
        tpu.wait_indirect_dma semaphore(%run_scoped3A : memref<!tpu.dma_semaphore, #tpu.memory_space<semaphore_mem>>) src(%arg6 : memref<128x128xf32, #tpu.memory_space<vmem>>) dst(%dma_wait3A_92 : memref<10112x128xf32, #tpu.memory_space<vmem_shared>>)
        tpu.yield
      }) : () -> ()
      %add3A_54 = arith.constant 4 : i32
      %add3A_55 = arith.addi %add3A_49, %add3A_54 : i32
      %lt3A_56 = arith.constant 40 : i32
      %lt3A_57 = arith.cmpi slt, %add3A_55, %lt3A_56 : i32
      %convert_element_type3A_58 = arith.extui %lt3A_57 : i1 to i32
      %cond3A_59 = arith.constant 0 : i32
      %cond3A_60 = arith.cmpi ne, %convert_element_type3A_58, %cond3A_59 : i32
      scf.if %cond3A_60 {
        %add3A_87 = arith.constant 4 : i32
        %add3A_88 = arith.addi %add3A_49, %add3A_87 : i32
        %mul3A_89 = arith.constant 128 : i32
        %mul3A_90 = arith.muli %add3A_88, %mul3A_89 : i32
        %add3A_91 = arith.addi %multiple_of3A, %mul3A_90 : i32
        %multiple_of3A_92 = tpu.assume_multiple %add3A_91, 128 : i32
        %dma_start3A_93 = tpu.memref_slice %arg2[%multiple_of3A_92] : memref<163840xi32, #tpu.memory_space<hbm>> -> memref<128xi32, #tpu.memory_space<hbm>>
        %dma_start3A_94 = tpu.memref_slice %arg2[%multiple_of3A_92] : memref<163840xi32, #tpu.memory_space<hbm>> -> memref<128xi32, #tpu.memory_space<hbm>>
        tpu.enqueue_dma source(%dma_start3A_94 : memref<128xi32, #tpu.memory_space<hbm>>) target(%arg8 : memref<128xi32, #tpu.memory_space<vmem>>) target_semaphore(%arg12 : memref<!tpu.dma_semaphore, #tpu.memory_space<semaphore_mem>>)
      } else {
      }
      %add3A_61 = arith.constant 2 : i32
      %add3A_62 = arith.addi %add3A_38, %add3A_61 : i32
      %dma_wait3A_63 = arith.constant 0 : i32
      %dma_wait3A_64 = tpu.memref_slice %arg2[%dma_wait3A_63] : memref<163840xi32, #tpu.memory_space<hbm>> -> memref<128xi32, #tpu.memory_space<hbm>>
      %dma_wait3A_65 = arith.constant 0 : i32
      %dma_wait3A_66 = tpu.memref_slice %arg2[%dma_wait3A_65] : memref<163840xi32, #tpu.memory_space<hbm>> -> memref<128xi32, #tpu.memory_space<hbm>>
      tpu.wait_dma2 semaphore(%arg13 : memref<!tpu.dma_semaphore, #tpu.memory_space<semaphore_mem>>) src(%dma_wait3A_66 : memref<128xi32, #tpu.memory_space<hbm>>) dst(%arg9 : memref<128xi32, #tpu.memory_space<vmem>>)
      "tpu.region"() ({
        %run_scoped3A = tpu.sem_alloc : memref<!tpu.dma_semaphore, #tpu.memory_space<semaphore_mem>>
        %dma_start3A_87 = arith.constant 0 : i32
        %dma_start3A_88 = arith.constant 0 : i32
        %dma_start3A_89 = tpu.memref_slice %arg15[%dma_start3A_87, %dma_start3A_88] : memref<10112x128xf32, #tpu.memory_space<vmem_shared>> -> memref<10112x128xf32, #tpu.memory_space<vmem_shared>>
        tpu.enqueue_indirect_dma source(%arg6 : memref<128x128xf32, #tpu.memory_space<vmem>>) target(%dma_start3A_89 : memref<10112x128xf32, #tpu.memory_space<vmem_shared>>) offsets(%arg9 : memref<128xi32, #tpu.memory_space<vmem>>) semaphore(%run_scoped3A : memref<!tpu.dma_semaphore, #tpu.memory_space<semaphore_mem>>) {add = true}
        %dma_wait3A_90 = arith.constant 0 : i32
        %dma_wait3A_91 = arith.constant 0 : i32
        %dma_wait3A_92 = tpu.memref_slice %arg15[%dma_wait3A_90, %dma_wait3A_91] : memref<10112x128xf32, #tpu.memory_space<vmem_shared>> -> memref<10112x128xf32, #tpu.memory_space<vmem_shared>>
        tpu.wait_indirect_dma semaphore(%run_scoped3A : memref<!tpu.dma_semaphore, #tpu.memory_space<semaphore_mem>>) src(%arg6 : memref<128x128xf32, #tpu.memory_space<vmem>>) dst(%dma_wait3A_92 : memref<10112x128xf32, #tpu.memory_space<vmem_shared>>)
        tpu.yield
      }) : () -> ()
      %add3A_67 = arith.constant 4 : i32
      %add3A_68 = arith.addi %add3A_62, %add3A_67 : i32
      %lt3A_69 = arith.constant 40 : i32
      %lt3A_70 = arith.cmpi slt, %add3A_68, %lt3A_69 : i32
      %convert_element_type3A_71 = arith.extui %lt3A_70 : i1 to i32
      %cond3A_72 = arith.constant 0 : i32
      %cond3A_73 = arith.cmpi ne, %convert_element_type3A_71, %cond3A_72 : i32
      scf.if %cond3A_73 {
        %add3A_87 = arith.constant 4 : i32
        %add3A_88 = arith.addi %add3A_62, %add3A_87 : i32
        %mul3A_89 = arith.constant 128 : i32
        %mul3A_90 = arith.muli %add3A_88, %mul3A_89 : i32
        %add3A_91 = arith.addi %multiple_of3A, %mul3A_90 : i32
        %multiple_of3A_92 = tpu.assume_multiple %add3A_91, 128 : i32
        %dma_start3A_93 = tpu.memref_slice %arg2[%multiple_of3A_92] : memref<163840xi32, #tpu.memory_space<hbm>> -> memref<128xi32, #tpu.memory_space<hbm>>
        %dma_start3A_94 = tpu.memref_slice %arg2[%multiple_of3A_92] : memref<163840xi32, #tpu.memory_space<hbm>> -> memref<128xi32, #tpu.memory_space<hbm>>
        tpu.enqueue_dma source(%dma_start3A_94 : memref<128xi32, #tpu.memory_space<hbm>>) target(%arg9 : memref<128xi32, #tpu.memory_space<vmem>>) target_semaphore(%arg13 : memref<!tpu.dma_semaphore, #tpu.memory_space<semaphore_mem>>)
      } else {
      }
      %add3A_74 = arith.constant 3 : i32
      %add3A_75 = arith.addi %add3A_38, %add3A_74 : i32
      %dma_wait3A_76 = arith.constant 0 : i32
      %dma_wait3A_77 = tpu.memref_slice %arg2[%dma_wait3A_76] : memref<163840xi32, #tpu.memory_space<hbm>> -> memref<128xi32, #tpu.memory_space<hbm>>
      %dma_wait3A_78 = arith.constant 0 : i32
      %dma_wait3A_79 = tpu.memref_slice %arg2[%dma_wait3A_78] : memref<163840xi32, #tpu.memory_space<hbm>> -> memref<128xi32, #tpu.memory_space<hbm>>
      tpu.wait_dma2 semaphore(%arg14 : memref<!tpu.dma_semaphore, #tpu.memory_space<semaphore_mem>>) src(%dma_wait3A_79 : memref<128xi32, #tpu.memory_space<hbm>>) dst(%arg10 : memref<128xi32, #tpu.memory_space<vmem>>)
      "tpu.region"() ({
        %run_scoped3A = tpu.sem_alloc : memref<!tpu.dma_semaphore, #tpu.memory_space<semaphore_mem>>
        %dma_start3A_87 = arith.constant 0 : i32
        %dma_start3A_88 = arith.constant 0 : i32
        %dma_start3A_89 = tpu.memref_slice %arg15[%dma_start3A_87, %dma_start3A_88] : memref<10112x128xf32, #tpu.memory_space<vmem_shared>> -> memref<10112x128xf32, #tpu.memory_space<vmem_shared>>
        tpu.enqueue_indirect_dma source(%arg6 : memref<128x128xf32, #tpu.memory_space<vmem>>) target(%dma_start3A_89 : memref<10112x128xf32, #tpu.memory_space<vmem_shared>>) offsets(%arg10 : memref<128xi32, #tpu.memory_space<vmem>>) semaphore(%run_scoped3A : memref<!tpu.dma_semaphore, #tpu.memory_space<semaphore_mem>>) {add = true}
        %dma_wait3A_90 = arith.constant 0 : i32
        %dma_wait3A_91 = arith.constant 0 : i32
        %dma_wait3A_92 = tpu.memref_slice %arg15[%dma_wait3A_90, %dma_wait3A_91] : memref<10112x128xf32, #tpu.memory_space<vmem_shared>> -> memref<10112x128xf32, #tpu.memory_space<vmem_shared>>
        tpu.wait_indirect_dma semaphore(%run_scoped3A : memref<!tpu.dma_semaphore, #tpu.memory_space<semaphore_mem>>) src(%arg6 : memref<128x128xf32, #tpu.memory_space<vmem>>) dst(%dma_wait3A_92 : memref<10112x128xf32, #tpu.memory_space<vmem_shared>>)
        tpu.yield
      }) : () -> ()
      %add3A_80 = arith.constant 4 : i32
      %add3A_81 = arith.addi %add3A_75, %add3A_80 : i32
      %lt3A_82 = arith.constant 40 : i32
      %lt3A_83 = arith.cmpi slt, %add3A_81, %lt3A_82 : i32
      %convert_element_type3A_84 = arith.extui %lt3A_83 : i1 to i32
      %cond3A_85 = arith.constant 0 : i32
      %cond3A_86 = arith.cmpi ne, %convert_element_type3A_84, %cond3A_85 : i32
      scf.if %cond3A_86 {
        %add3A_87 = arith.constant 4 : i32
        %add3A_88 = arith.addi %add3A_75, %add3A_87 : i32
        %mul3A_89 = arith.constant 128 : i32
        %mul3A_90 = arith.muli %add3A_88, %mul3A_89 : i32
        %add3A_91 = arith.addi %multiple_of3A, %mul3A_90 : i32
        %multiple_of3A_92 = tpu.assume_multiple %add3A_91, 128 : i32
        %dma_start3A_93 = tpu.memref_slice %arg2[%multiple_of3A_92] : memref<163840xi32, #tpu.memory_space<hbm>> -> memref<128xi32, #tpu.memory_space<hbm>>
        %dma_start3A_94 = tpu.memref_slice %arg2[%multiple_of3A_92] : memref<163840xi32, #tpu.memory_space<hbm>> -> memref<128xi32, #tpu.memory_space<hbm>>
        tpu.enqueue_dma source(%dma_start3A_94 : memref<128xi32, #tpu.memory_space<hbm>>) target(%arg10 : memref<128xi32, #tpu.memory_space<vmem>>) target_semaphore(%arg14 : memref<!tpu.dma_semaphore, #tpu.memory_space<semaphore_mem>>)
      } else {
      }
    }
    %scan3A_28 = arith.constant 10 : i32
    %barrier3A_29 = arith.constant 0 : index
    tpu.barrier barrier_id(%barrier3A_29)
    %mul3A_30 = arith.constant 10112 : i32
    %mul3A_31 = arith.muli %arg0, %mul3A_30 : i32
    %add3A_32 = arith.addi %mul3A_31, %multiple_of3A_5 : i32
    %multiple_of3A_33 = tpu.assume_multiple %add3A_32, 8 : i32
    "tpu.region"() ({
      %run_scoped3A = tpu.sem_alloc : memref<!tpu.dma_semaphore, #tpu.memory_space<semaphore_mem>>
      %dma_start3A_34 = arith.constant 0 : i32
      %dma_start3A_35 = tpu.memref_slice %arg5[%multiple_of3A_33, %dma_start3A_34] : memref<20224x128xf32, #tpu.memory_space<hbm>> -> memref<632x128xf32, #tpu.memory_space<hbm>>
      %dma_start3A_36 = arith.constant 0 : i32
      %dma_start3A_37 = tpu.memref_slice %arg15[%multiple_of3A_5, %dma_start3A_36] : memref<10112x128xf32, #tpu.memory_space<vmem_shared>> -> memref<632x128xf32, #tpu.memory_space<vmem_shared>>
      tpu.enqueue_dma source(%dma_start3A_37 : memref<632x128xf32, #tpu.memory_space<vmem_shared>>) target(%dma_start3A_35 : memref<632x128xf32, #tpu.memory_space<hbm>>) target_semaphore(%run_scoped3A : memref<!tpu.dma_semaphore, #tpu.memory_space<semaphore_mem>>)
      %dma_wait3A = arith.constant 0 : i32
      %dma_wait3A_38 = tpu.memref_slice %arg5[%multiple_of3A_33, %dma_wait3A] : memref<20224x128xf32, #tpu.memory_space<hbm>> -> memref<632x128xf32, #tpu.memory_space<hbm>>
      %dma_wait3A_39 = arith.constant 0 : i32
      %dma_wait3A_40 = tpu.memref_slice %arg15[%multiple_of3A_5, %dma_wait3A_39] : memref<10112x128xf32, #tpu.memory_space<vmem_shared>> -> memref<632x128xf32, #tpu.memory_space<vmem_shared>>
      tpu.wait_dma2 semaphore(%run_scoped3A : memref<!tpu.dma_semaphore, #tpu.memory_space<semaphore_mem>>) src(%dma_wait3A_40 : memref<632x128xf32, #tpu.memory_space<vmem_shared>>) dst(%dma_wait3A_38 : memref<632x128xf32, #tpu.memory_space<hbm>>)
      tpu.yield
    }) : () -> ()
    return
  }
}

module attributes {stable_mosaic.version = 14 : i64} {
  func.func @body(%arg0: i32, %arg1: memref<2x1000x128xf32, #tpu.memory_space<vmem>>, %arg2: memref<256x512xf32, #tpu.memory_space<vmem>>, %arg3: memref<1x512xf32, #tpu.memory_space<vmem>>, %arg4: memref<1000x512xf32, #tpu.memory_space<vmem>>) attributes {dimension_semantics = [#tpu.dimension_semantics<arbitrary>], iteration_bounds = array<i64: 10>, scalar_prefetch = 0 : i64, scratch_operands = 0 : i64, tpu.core_type = #tpu.core_type<tc>, window_params = [{transform_indices = @transform_0, window_bounds = array<i64: 2, 1000, 128>}, {pipeline_mode = #tpu.pipeline_mode<synchronous>, transform_indices = @transform_1, window_bounds = array<i64: 256, 512>}, {pipeline_mode = #tpu.pipeline_mode<synchronous>, transform_indices = @transform_2, window_bounds = array<i64: 1, 512>}, {transform_indices = @transform_3, window_bounds = array<i64: 1000, 512>}]} {
    %get3A = arith.constant 0 : index
    %get3A_0 = arith.constant 0 : index
    %get3A_1 = vector.load %arg3[%get3A, %get3A_0] : memref<1x512xf32, #tpu.memory_space<vmem>>, vector<1x512xf32>
    %broadcast_in_dim3A = arith.constant 0.000000e+00 : f32
    %broadcast_in_dim3A_2 = vector.broadcast %broadcast_in_dim3A : f32 to vector<1000x512xf32>
    %add3A = vector.broadcast %get3A_1 : vector<1x512xf32> to vector<1000x512xf32>
    %add3A_3 = arith.addf %add3A, %broadcast_in_dim3A_2 : vector<1000x512xf32>
    %get3A_4 = arith.constant 0 : index
    %get3A_5 = arith.constant 0 : index
    %get3A_6 = arith.constant 0 : index
    %get3A_7 = vector.load %arg1[%get3A_4, %get3A_5, %get3A_6] : memref<2x1000x128xf32, #tpu.memory_space<vmem>>, vector<1x1000x128xf32>
    %get3A_8 = vector.shape_cast %get3A_7 : vector<1x1000x128xf32> to vector<1000x128xf32>
    %get3A_9 = arith.constant 0 : index
    %get3A_10 = arith.constant 0 : index
    %get3A_11 = vector.load %arg2[%get3A_9, %get3A_10] : memref<256x512xf32, #tpu.memory_space<vmem>>, vector<128x512xf32>
    %dot_general3A = arith.constant dense<0.000000e+00> : vector<1000x512xf32>
    %dot_general3A_12 = tpu.matmul %get3A_8, %get3A_11, %dot_general3A {dimension_numbers = #tpu.dot_dimension_numbers<[1], [0], [0], [1], [0, 0, 1, 1], [], []>, transpose_lhs_hint = false} : vector<1000x128xf32>, vector<128x512xf32>, vector<1000x512xf32> -> vector<1000x512xf32>
    %add3A_13 = arith.addf %add3A_3, %dot_general3A_12 : vector<1000x512xf32>
    %get3A_14 = arith.constant 1 : index
    %get3A_15 = arith.constant 0 : index
    %get3A_16 = arith.constant 0 : index
    %get3A_17 = vector.load %arg1[%get3A_14, %get3A_15, %get3A_16] : memref<2x1000x128xf32, #tpu.memory_space<vmem>>, vector<1x1000x128xf32>
    %get3A_18 = vector.shape_cast %get3A_17 : vector<1x1000x128xf32> to vector<1000x128xf32>
    %get3A_19 = arith.constant 128 : index
    %get3A_20 = arith.constant 0 : index
    %get3A_21 = vector.load %arg2[%get3A_19, %get3A_20] : memref<256x512xf32, #tpu.memory_space<vmem>>, vector<128x512xf32>
    %dot_general3A_22 = arith.constant dense<0.000000e+00> : vector<1000x512xf32>
    %dot_general3A_23 = tpu.matmul %get3A_18, %get3A_21, %dot_general3A_22 {dimension_numbers = #tpu.dot_dimension_numbers<[1], [0], [0], [1], [0, 0, 1, 1], [], []>, transpose_lhs_hint = false} : vector<1000x128xf32>, vector<128x512xf32>, vector<1000x512xf32> -> vector<1000x512xf32>
    %add3A_24 = arith.addf %add3A_13, %dot_general3A_23 : vector<1000x512xf32>
    %swap3A = arith.constant 0 : index
    %swap3A_25 = arith.constant 0 : index
    %swap3A_26 = vector.load %arg4[%swap3A, %swap3A_25] : memref<1000x512xf32, #tpu.memory_space<vmem>>, vector<1000x512xf32>
    tpu.vector_store %arg4[%swap3A, %swap3A_25], %add3A_24 {strides = array<i32>} : memref<1000x512xf32, #tpu.memory_space<vmem>>, vector<1000x512xf32>,
    return
  }
  func.func @transform_0(%arg0: i32) -> (i32, i32, i32) {
    %c0_i32 = arith.constant 0 : i32
    %c0_i32_0 = arith.constant 0 : i32
    %c0_i32_1 = arith.constant 0 : i32
    return %c0_i32, %arg0, %c0_i32_0 : i32, i32, i32
  }
  func.func @transform_1(%arg0: i32) -> (i32, i32) {
    %c0_i32 = arith.constant 0 : i32
    %c0_i32_0 = arith.constant 0 : i32
    %c0_i32_1 = arith.constant 0 : i32
    return %c0_i32, %c0_i32_0 : i32, i32
  }
  func.func @transform_2(%arg0: i32) -> (i32, i32) {
    %c0_i32 = arith.constant 0 : i32
    %c0_i32_0 = arith.constant 0 : i32
    %c0_i32_1 = arith.constant 0 : i32
    return %c0_i32, %c0_i32_0 : i32, i32
  }
  func.func @transform_3(%arg0: i32) -> (i32, i32) {
    %c0_i32 = arith.constant 0 : i32
    %c0_i32_0 = arith.constant 0 : i32
    return %arg0, %c0_i32 : i32, i32
  }
}

module attributes {stable_mosaic.version = 14 : i64} {
  func.func @body(%arg0: i32, %arg1: memref<2x1000x128xf32, #tpu.memory_space<vmem>>, %arg2: memref<1000x512xf32, #tpu.memory_space<vmem>>, %arg3: memref<2x1000x128xf32, #tpu.memory_space<vmem>>, %arg4: memref<256x512xf32, #tpu.memory_space<vmem>>, %arg5: memref<4x1000x128xf32, #tpu.memory_space<vmem>>) attributes {dimension_semantics = [#tpu.dimension_semantics<arbitrary>], iteration_bounds = array<i64: 10>, scalar_prefetch = 0 : i64, scratch_operands = 0 : i64, tpu.core_type = #tpu.core_type<tc>, window_params = [{transform_indices = @transform_0, window_bounds = array<i64: 2, 1000, 128>}, {transform_indices = @transform_1, window_bounds = array<i64: 1000, 512>}, {transform_indices = @transform_2, window_bounds = array<i64: 2, 1000, 128>}, {pipeline_mode = #tpu.pipeline_mode<synchronous>, transform_indices = @transform_3, window_bounds = array<i64: 256, 512>}, {transform_indices = @transform_4, window_bounds = array<i64: 4, 1000, 128>}]} {
    %get3A = arith.constant 0 : index
    %get3A_0 = arith.constant 0 : index
    %get3A_1 = arith.constant 0 : index
    %get3A_2 = vector.load %arg3[%get3A, %get3A_0, %get3A_1] : memref<2x1000x128xf32, #tpu.memory_space<vmem>>, vector<1x1000x1xf32>
    %get3A_3 = vector.shape_cast %get3A_2 : vector<1x1000x1xf32> to vector<1000x1xf32>
    %get3A_4 = arith.constant 1 : index
    %get3A_5 = arith.constant 0 : index
    %get3A_6 = arith.constant 0 : index
    %get3A_7 = vector.load %arg3[%get3A_4, %get3A_5, %get3A_6] : memref<2x1000x128xf32, #tpu.memory_space<vmem>>, vector<1x1000x1xf32>
    %get3A_8 = vector.shape_cast %get3A_7 : vector<1x1000x1xf32> to vector<1000x1xf32>
    %add3A = arith.addf %get3A_3, %get3A_8 : vector<1000x1xf32>
    %max3A = arith.constant 1.000000e+00 : f32
    %max3A_9 = vector.broadcast %max3A : f32 to vector<1000x1xf32>
    %max3A_10 = arith.maximumf %add3A, %max3A_9 : vector<1000x1xf32>
    %div3A = arith.constant 1.000000e+00 : f32
    %div3A_11 = vector.broadcast %div3A : f32 to vector<1000x1xf32>
    %div3A_12 = arith.divf %div3A_11, %max3A_10 : vector<1000x1xf32>
    %get3A_13 = arith.constant 0 : index
    %get3A_14 = arith.constant 0 : index
    %get3A_15 = vector.load %arg2[%get3A_13, %get3A_14] : memref<1000x512xf32, #tpu.memory_space<vmem>>, vector<1000x512xf32>
    %get3A_16 = arith.constant 0 : index
    %get3A_17 = arith.constant 0 : index
    %get3A_18 = arith.constant 0 : index
    %get3A_19 = vector.load %arg1[%get3A_16, %get3A_17, %get3A_18] : memref<2x1000x128xf32, #tpu.memory_space<vmem>>, vector<1x1000x128xf32>
    %get3A_20 = vector.shape_cast %get3A_19 : vector<1x1000x128xf32> to vector<1000x128xf32>
    %mul3A = vector.broadcast %div3A_12 : vector<1000x1xf32> to vector<1000x128xf32>
    %mul3A_21 = arith.mulf %get3A_20, %mul3A : vector<1000x128xf32>
    %get3A_22 = arith.constant 0 : index
    %get3A_23 = arith.constant 0 : index
    %get3A_24 = vector.load %arg4[%get3A_22, %get3A_23] : memref<256x512xf32, #tpu.memory_space<vmem>>, vector<128x512xf32>
    %dot_general3A = arith.constant dense<0.000000e+00> : vector<1000x512xf32>
    %dot_general3A_25 = tpu.matmul %mul3A_21, %get3A_24, %dot_general3A {dimension_numbers = #tpu.dot_dimension_numbers<[1], [0], [0], [1], [0, 0, 1, 1], [], []>, transpose_lhs_hint = false} : vector<1000x128xf32>, vector<128x512xf32>, vector<1000x512xf32> -> vector<1000x512xf32>
    %add3A_26 = arith.addf %get3A_15, %dot_general3A_25 : vector<1000x512xf32>
    %get3A_27 = arith.constant 1 : index
    %get3A_28 = arith.constant 0 : index
    %get3A_29 = arith.constant 0 : index
    %get3A_30 = vector.load %arg1[%get3A_27, %get3A_28, %get3A_29] : memref<2x1000x128xf32, #tpu.memory_space<vmem>>, vector<1x1000x128xf32>
    %get3A_31 = vector.shape_cast %get3A_30 : vector<1x1000x128xf32> to vector<1000x128xf32>
    %mul3A_32 = vector.broadcast %div3A_12 : vector<1000x1xf32> to vector<1000x128xf32>
    %mul3A_33 = arith.mulf %get3A_31, %mul3A_32 : vector<1000x128xf32>
    %get3A_34 = arith.constant 128 : index
    %get3A_35 = arith.constant 0 : index
    %get3A_36 = vector.load %arg4[%get3A_34, %get3A_35] : memref<256x512xf32, #tpu.memory_space<vmem>>, vector<128x512xf32>
    %dot_general3A_37 = arith.constant dense<0.000000e+00> : vector<1000x512xf32>
    %dot_general3A_38 = tpu.matmul %mul3A_33, %get3A_36, %dot_general3A_37 {dimension_numbers = #tpu.dot_dimension_numbers<[1], [0], [0], [1], [0, 0, 1, 1], [], []>, transpose_lhs_hint = false} : vector<1000x128xf32>, vector<128x512xf32>, vector<1000x512xf32> -> vector<1000x512xf32>
    %add3A_39 = arith.addf %add3A_26, %dot_general3A_38 : vector<1000x512xf32>
    %mul3A_40 = arith.mulf %add3A_39, %add3A_39 : vector<1000x512xf32>
    %reduce_sum3A = arith.constant dense<0.000000e+00> : vector<1000xf32>
    %reduce_sum3A_41 = vector.multi_reduction <add>, %mul3A_40, %reduce_sum3A [1] : vector<1000x512xf32> to vector<1000xf32>
    %broadcast_in_dim3A = vector.shape_cast %reduce_sum3A_41 : vector<1000xf32> to vector<1000x1xf32>
    %max3A_42 = arith.constant 1.000000e-24 : f32
    %max3A_43 = vector.broadcast %max3A_42 : f32 to vector<1000x1xf32>
    %max3A_44 = arith.maximumf %broadcast_in_dim3A, %max3A_43 : vector<1000x1xf32>
    %rsqrt3A = math.rsqrt %max3A_44 : vector<1000x1xf32>
    %mul3A_45 = vector.broadcast %rsqrt3A : vector<1000x1xf32> to vector<1000x512xf32>
    %mul3A_46 = arith.mulf %add3A_39, %mul3A_45 : vector<1000x512xf32>
    %max3A_47 = arith.constant 0.000000e+00 : f32
    %max3A_48 = vector.broadcast %max3A_47 : f32 to vector<1000x512xf32>
    %max3A_49 = arith.maximumf %mul3A_46, %max3A_48 : vector<1000x512xf32>
    %slice3A = vector.extract_strided_slice %max3A_49 {offsets = [0, 0], sizes = [1000, 128], strides = [1, 1]} : vector<1000x512xf32> to vector<1000x128xf32>
    %swap3A = arith.constant 0 : index
    %swap3A_50 = arith.constant 0 : index
    %swap3A_51 = arith.constant 0 : index
    %swap3A_52 = vector.load %arg5[%swap3A, %swap3A_50, %swap3A_51] : memref<4x1000x128xf32, #tpu.memory_space<vmem>>, vector<1x1000x128xf32>
    %swap3A_53 = vector.shape_cast %swap3A_52 : vector<1x1000x128xf32> to vector<1000x128xf32>
    %swap3A_54 = vector.shape_cast %slice3A : vector<1000x128xf32> to vector<1x1000x128xf32>
    tpu.vector_store %arg5[%swap3A, %swap3A_50, %swap3A_51], %swap3A_54 {strides = array<i32>} : memref<4x1000x128xf32, #tpu.memory_space<vmem>>, vector<1x1000x128xf32>,
    %slice3A_55 = vector.extract_strided_slice %max3A_49 {offsets = [0, 128], sizes = [1000, 128], strides = [1, 1]} : vector<1000x512xf32> to vector<1000x128xf32>
    %swap3A_56 = arith.constant 1 : index
    %swap3A_57 = arith.constant 0 : index
    %swap3A_58 = arith.constant 0 : index
    %swap3A_59 = vector.load %arg5[%swap3A_56, %swap3A_57, %swap3A_58] : memref<4x1000x128xf32, #tpu.memory_space<vmem>>, vector<1x1000x128xf32>
    %swap3A_60 = vector.shape_cast %swap3A_59 : vector<1x1000x128xf32> to vector<1000x128xf32>
    %swap3A_61 = vector.shape_cast %slice3A_55 : vector<1000x128xf32> to vector<1x1000x128xf32>
    tpu.vector_store %arg5[%swap3A_56, %swap3A_57, %swap3A_58], %swap3A_61 {strides = array<i32>} : memref<4x1000x128xf32, #tpu.memory_space<vmem>>, vector<1x1000x128xf32>,
    %slice3A_62 = vector.extract_strided_slice %max3A_49 {offsets = [0, 256], sizes = [1000, 128], strides = [1, 1]} : vector<1000x512xf32> to vector<1000x128xf32>
    %swap3A_63 = arith.constant 2 : index
    %swap3A_64 = arith.constant 0 : index
    %swap3A_65 = arith.constant 0 : index
    %swap3A_66 = vector.load %arg5[%swap3A_63, %swap3A_64, %swap3A_65] : memref<4x1000x128xf32, #tpu.memory_space<vmem>>, vector<1x1000x128xf32>
    %swap3A_67 = vector.shape_cast %swap3A_66 : vector<1x1000x128xf32> to vector<1000x128xf32>
    %swap3A_68 = vector.shape_cast %slice3A_62 : vector<1000x128xf32> to vector<1x1000x128xf32>
    tpu.vector_store %arg5[%swap3A_63, %swap3A_64, %swap3A_65], %swap3A_68 {strides = array<i32>} : memref<4x1000x128xf32, #tpu.memory_space<vmem>>, vector<1x1000x128xf32>,
    %slice3A_69 = vector.extract_strided_slice %max3A_49 {offsets = [0, 384], sizes = [1000, 128], strides = [1, 1]} : vector<1000x512xf32> to vector<1000x128xf32>
    %swap3A_70 = arith.constant 3 : index
    %swap3A_71 = arith.constant 0 : index
    %swap3A_72 = arith.constant 0 : index
    %swap3A_73 = vector.load %arg5[%swap3A_70, %swap3A_71, %swap3A_72] : memref<4x1000x128xf32, #tpu.memory_space<vmem>>, vector<1x1000x128xf32>
    %swap3A_74 = vector.shape_cast %swap3A_73 : vector<1x1000x128xf32> to vector<1000x128xf32>
    %swap3A_75 = vector.shape_cast %slice3A_69 : vector<1000x128xf32> to vector<1x1000x128xf32>
    tpu.vector_store %arg5[%swap3A_70, %swap3A_71, %swap3A_72], %swap3A_75 {strides = array<i32>} : memref<4x1000x128xf32, #tpu.memory_space<vmem>>, vector<1x1000x128xf32>,
    return
  }
  func.func @transform_0(%arg0: i32) -> (i32, i32, i32) {
    %c0_i32 = arith.constant 0 : i32
    %c0_i32_0 = arith.constant 0 : i32
    %c0_i32_1 = arith.constant 0 : i32
    return %c0_i32, %arg0, %c0_i32_0 : i32, i32, i32
  }
  func.func @transform_1(%arg0: i32) -> (i32, i32) {
    %c0_i32 = arith.constant 0 : i32
    %c0_i32_0 = arith.constant 0 : i32
    return %arg0, %c0_i32 : i32, i32
  }
  func.func @transform_2(%arg0: i32) -> (i32, i32, i32) {
    %c0_i32 = arith.constant 0 : i32
    %c0_i32_0 = arith.constant 0 : i32
    %c0_i32_1 = arith.constant 0 : i32
    return %c0_i32, %arg0, %c0_i32_0 : i32, i32, i32
  }
  func.func @transform_3(%arg0: i32) -> (i32, i32) {
    %c0_i32 = arith.constant 0 : i32
    %c0_i32_0 = arith.constant 0 : i32
    %c0_i32_1 = arith.constant 0 : i32
    return %c0_i32, %c0_i32_0 : i32, i32
  }
  func.func @transform_4(%arg0: i32) -> (i32, i32, i32) {
    %c0_i32 = arith.constant 0 : i32
    %c0_i32_0 = arith.constant 0 : i32
    %c0_i32_1 = arith.constant 0 : i32
    return %c0_i32, %arg0, %c0_i32_0 : i32, i32, i32
  }
}

module attributes {stable_mosaic.version = 14 : i64} {
  func.func @body(%arg0: i32, %arg1: memref<4x1000x128xf32, #tpu.memory_space<vmem>>, %arg2: memref<512x512xf32, #tpu.memory_space<vmem>>, %arg3: memref<1x512xf32, #tpu.memory_space<vmem>>, %arg4: memref<1000x512xf32, #tpu.memory_space<vmem>>) attributes {dimension_semantics = [#tpu.dimension_semantics<arbitrary>], iteration_bounds = array<i64: 10>, scalar_prefetch = 0 : i64, scratch_operands = 0 : i64, tpu.core_type = #tpu.core_type<tc>, window_params = [{transform_indices = @transform_0, window_bounds = array<i64: 4, 1000, 128>}, {pipeline_mode = #tpu.pipeline_mode<synchronous>, transform_indices = @transform_1, window_bounds = array<i64: 512, 512>}, {pipeline_mode = #tpu.pipeline_mode<synchronous>, transform_indices = @transform_2, window_bounds = array<i64: 1, 512>}, {transform_indices = @transform_3, window_bounds = array<i64: 1000, 512>}]} {
    %get3A = arith.constant 0 : index
    %get3A_0 = arith.constant 0 : index
    %get3A_1 = vector.load %arg3[%get3A, %get3A_0] : memref<1x512xf32, #tpu.memory_space<vmem>>, vector<1x512xf32>
    %broadcast_in_dim3A = arith.constant 0.000000e+00 : f32
    %broadcast_in_dim3A_2 = vector.broadcast %broadcast_in_dim3A : f32 to vector<1000x512xf32>
    %add3A = vector.broadcast %get3A_1 : vector<1x512xf32> to vector<1000x512xf32>
    %add3A_3 = arith.addf %add3A, %broadcast_in_dim3A_2 : vector<1000x512xf32>
    %get3A_4 = arith.constant 0 : index
    %get3A_5 = arith.constant 0 : index
    %get3A_6 = arith.constant 0 : index
    %get3A_7 = vector.load %arg1[%get3A_4, %get3A_5, %get3A_6] : memref<4x1000x128xf32, #tpu.memory_space<vmem>>, vector<1x1000x128xf32>
    %get3A_8 = vector.shape_cast %get3A_7 : vector<1x1000x128xf32> to vector<1000x128xf32>
    %get3A_9 = arith.constant 0 : index
    %get3A_10 = arith.constant 0 : index
    %get3A_11 = vector.load %arg2[%get3A_9, %get3A_10] : memref<512x512xf32, #tpu.memory_space<vmem>>, vector<128x512xf32>
    %dot_general3A = arith.constant dense<0.000000e+00> : vector<1000x512xf32>
    %dot_general3A_12 = tpu.matmul %get3A_8, %get3A_11, %dot_general3A {dimension_numbers = #tpu.dot_dimension_numbers<[1], [0], [0], [1], [0, 0, 1, 1], [], []>, transpose_lhs_hint = false} : vector<1000x128xf32>, vector<128x512xf32>, vector<1000x512xf32> -> vector<1000x512xf32>
    %add3A_13 = arith.addf %add3A_3, %dot_general3A_12 : vector<1000x512xf32>
    %get3A_14 = arith.constant 1 : index
    %get3A_15 = arith.constant 0 : index
    %get3A_16 = arith.constant 0 : index
    %get3A_17 = vector.load %arg1[%get3A_14, %get3A_15, %get3A_16] : memref<4x1000x128xf32, #tpu.memory_space<vmem>>, vector<1x1000x128xf32>
    %get3A_18 = vector.shape_cast %get3A_17 : vector<1x1000x128xf32> to vector<1000x128xf32>
    %get3A_19 = arith.constant 128 : index
    %get3A_20 = arith.constant 0 : index
    %get3A_21 = vector.load %arg2[%get3A_19, %get3A_20] : memref<512x512xf32, #tpu.memory_space<vmem>>, vector<128x512xf32>
    %dot_general3A_22 = arith.constant dense<0.000000e+00> : vector<1000x512xf32>
    %dot_general3A_23 = tpu.matmul %get3A_18, %get3A_21, %dot_general3A_22 {dimension_numbers = #tpu.dot_dimension_numbers<[1], [0], [0], [1], [0, 0, 1, 1], [], []>, transpose_lhs_hint = false} : vector<1000x128xf32>, vector<128x512xf32>, vector<1000x512xf32> -> vector<1000x512xf32>
    %add3A_24 = arith.addf %add3A_13, %dot_general3A_23 : vector<1000x512xf32>
    %get3A_25 = arith.constant 2 : index
    %get3A_26 = arith.constant 0 : index
    %get3A_27 = arith.constant 0 : index
    %get3A_28 = vector.load %arg1[%get3A_25, %get3A_26, %get3A_27] : memref<4x1000x128xf32, #tpu.memory_space<vmem>>, vector<1x1000x128xf32>
    %get3A_29 = vector.shape_cast %get3A_28 : vector<1x1000x128xf32> to vector<1000x128xf32>
    %get3A_30 = arith.constant 256 : index
    %get3A_31 = arith.constant 0 : index
    %get3A_32 = vector.load %arg2[%get3A_30, %get3A_31] : memref<512x512xf32, #tpu.memory_space<vmem>>, vector<128x512xf32>
    %dot_general3A_33 = arith.constant dense<0.000000e+00> : vector<1000x512xf32>
    %dot_general3A_34 = tpu.matmul %get3A_29, %get3A_32, %dot_general3A_33 {dimension_numbers = #tpu.dot_dimension_numbers<[1], [0], [0], [1], [0, 0, 1, 1], [], []>, transpose_lhs_hint = false} : vector<1000x128xf32>, vector<128x512xf32>, vector<1000x512xf32> -> vector<1000x512xf32>
    %add3A_35 = arith.addf %add3A_24, %dot_general3A_34 : vector<1000x512xf32>
    %get3A_36 = arith.constant 3 : index
    %get3A_37 = arith.constant 0 : index
    %get3A_38 = arith.constant 0 : index
    %get3A_39 = vector.load %arg1[%get3A_36, %get3A_37, %get3A_38] : memref<4x1000x128xf32, #tpu.memory_space<vmem>>, vector<1x1000x128xf32>
    %get3A_40 = vector.shape_cast %get3A_39 : vector<1x1000x128xf32> to vector<1000x128xf32>
    %get3A_41 = arith.constant 384 : index
    %get3A_42 = arith.constant 0 : index
    %get3A_43 = vector.load %arg2[%get3A_41, %get3A_42] : memref<512x512xf32, #tpu.memory_space<vmem>>, vector<128x512xf32>
    %dot_general3A_44 = arith.constant dense<0.000000e+00> : vector<1000x512xf32>
    %dot_general3A_45 = tpu.matmul %get3A_40, %get3A_43, %dot_general3A_44 {dimension_numbers = #tpu.dot_dimension_numbers<[1], [0], [0], [1], [0, 0, 1, 1], [], []>, transpose_lhs_hint = false} : vector<1000x128xf32>, vector<128x512xf32>, vector<1000x512xf32> -> vector<1000x512xf32>
    %add3A_46 = arith.addf %add3A_35, %dot_general3A_45 : vector<1000x512xf32>
    %swap3A = arith.constant 0 : index
    %swap3A_47 = arith.constant 0 : index
    %swap3A_48 = vector.load %arg4[%swap3A, %swap3A_47] : memref<1000x512xf32, #tpu.memory_space<vmem>>, vector<1000x512xf32>
    tpu.vector_store %arg4[%swap3A, %swap3A_47], %add3A_46 {strides = array<i32>} : memref<1000x512xf32, #tpu.memory_space<vmem>>, vector<1000x512xf32>,
    return
  }
  func.func @transform_0(%arg0: i32) -> (i32, i32, i32) {
    %c0_i32 = arith.constant 0 : i32
    %c0_i32_0 = arith.constant 0 : i32
    %c0_i32_1 = arith.constant 0 : i32
    return %c0_i32, %arg0, %c0_i32_0 : i32, i32, i32
  }
  func.func @transform_1(%arg0: i32) -> (i32, i32) {
    %c0_i32 = arith.constant 0 : i32
    %c0_i32_0 = arith.constant 0 : i32
    %c0_i32_1 = arith.constant 0 : i32
    return %c0_i32, %c0_i32_0 : i32, i32
  }
  func.func @transform_2(%arg0: i32) -> (i32, i32) {
    %c0_i32 = arith.constant 0 : i32
    %c0_i32_0 = arith.constant 0 : i32
    %c0_i32_1 = arith.constant 0 : i32
    return %c0_i32, %c0_i32_0 : i32, i32
  }
  func.func @transform_3(%arg0: i32) -> (i32, i32) {
    %c0_i32 = arith.constant 0 : i32
    %c0_i32_0 = arith.constant 0 : i32
    return %arg0, %c0_i32 : i32, i32
  }
}

module attributes {stable_mosaic.version = 14 : i64} {
  func.func @body(%arg0: i32, %arg1: memref<4x1000x128xf32, #tpu.memory_space<vmem>>, %arg2: memref<1000x512xf32, #tpu.memory_space<vmem>>, %arg3: memref<2x1000x128xf32, #tpu.memory_space<vmem>>, %arg4: memref<512x512xf32, #tpu.memory_space<vmem>>, %arg5: memref<4x1000x128xf32, #tpu.memory_space<vmem>>) attributes {dimension_semantics = [#tpu.dimension_semantics<arbitrary>], iteration_bounds = array<i64: 10>, scalar_prefetch = 0 : i64, scratch_operands = 0 : i64, tpu.core_type = #tpu.core_type<tc>, window_params = [{transform_indices = @transform_0, window_bounds = array<i64: 4, 1000, 128>}, {transform_indices = @transform_1, window_bounds = array<i64: 1000, 512>}, {transform_indices = @transform_2, window_bounds = array<i64: 2, 1000, 128>}, {pipeline_mode = #tpu.pipeline_mode<synchronous>, transform_indices = @transform_3, window_bounds = array<i64: 512, 512>}, {transform_indices = @transform_4, window_bounds = array<i64: 4, 1000, 128>}]} {
    %get3A = arith.constant 0 : index
    %get3A_0 = arith.constant 0 : index
    %get3A_1 = arith.constant 0 : index
    %get3A_2 = vector.load %arg3[%get3A, %get3A_0, %get3A_1] : memref<2x1000x128xf32, #tpu.memory_space<vmem>>, vector<1x1000x1xf32>
    %get3A_3 = vector.shape_cast %get3A_2 : vector<1x1000x1xf32> to vector<1000x1xf32>
    %get3A_4 = arith.constant 1 : index
    %get3A_5 = arith.constant 0 : index
    %get3A_6 = arith.constant 0 : index
    %get3A_7 = vector.load %arg3[%get3A_4, %get3A_5, %get3A_6] : memref<2x1000x128xf32, #tpu.memory_space<vmem>>, vector<1x1000x1xf32>
    %get3A_8 = vector.shape_cast %get3A_7 : vector<1x1000x1xf32> to vector<1000x1xf32>
    %add3A = arith.addf %get3A_3, %get3A_8 : vector<1000x1xf32>
    %max3A = arith.constant 1.000000e+00 : f32
    %max3A_9 = vector.broadcast %max3A : f32 to vector<1000x1xf32>
    %max3A_10 = arith.maximumf %add3A, %max3A_9 : vector<1000x1xf32>
    %div3A = arith.constant 1.000000e+00 : f32
    %div3A_11 = vector.broadcast %div3A : f32 to vector<1000x1xf32>
    %div3A_12 = arith.divf %div3A_11, %max3A_10 : vector<1000x1xf32>
    %get3A_13 = arith.constant 0 : index
    %get3A_14 = arith.constant 0 : index
    %get3A_15 = vector.load %arg2[%get3A_13, %get3A_14] : memref<1000x512xf32, #tpu.memory_space<vmem>>, vector<1000x512xf32>
    %get3A_16 = arith.constant 0 : index
    %get3A_17 = arith.constant 0 : index
    %get3A_18 = arith.constant 0 : index
    %get3A_19 = vector.load %arg1[%get3A_16, %get3A_17, %get3A_18] : memref<4x1000x128xf32, #tpu.memory_space<vmem>>, vector<1x1000x128xf32>
    %get3A_20 = vector.shape_cast %get3A_19 : vector<1x1000x128xf32> to vector<1000x128xf32>
    %mul3A = vector.broadcast %div3A_12 : vector<1000x1xf32> to vector<1000x128xf32>
    %mul3A_21 = arith.mulf %get3A_20, %mul3A : vector<1000x128xf32>
    %get3A_22 = arith.constant 0 : index
    %get3A_23 = arith.constant 0 : index
    %get3A_24 = vector.load %arg4[%get3A_22, %get3A_23] : memref<512x512xf32, #tpu.memory_space<vmem>>, vector<128x512xf32>
    %dot_general3A = arith.constant dense<0.000000e+00> : vector<1000x512xf32>
    %dot_general3A_25 = tpu.matmul %mul3A_21, %get3A_24, %dot_general3A {dimension_numbers = #tpu.dot_dimension_numbers<[1], [0], [0], [1], [0, 0, 1, 1], [], []>, transpose_lhs_hint = false} : vector<1000x128xf32>, vector<128x512xf32>, vector<1000x512xf32> -> vector<1000x512xf32>
    %add3A_26 = arith.addf %get3A_15, %dot_general3A_25 : vector<1000x512xf32>
    %get3A_27 = arith.constant 1 : index
    %get3A_28 = arith.constant 0 : index
    %get3A_29 = arith.constant 0 : index
    %get3A_30 = vector.load %arg1[%get3A_27, %get3A_28, %get3A_29] : memref<4x1000x128xf32, #tpu.memory_space<vmem>>, vector<1x1000x128xf32>
    %get3A_31 = vector.shape_cast %get3A_30 : vector<1x1000x128xf32> to vector<1000x128xf32>
    %mul3A_32 = vector.broadcast %div3A_12 : vector<1000x1xf32> to vector<1000x128xf32>
    %mul3A_33 = arith.mulf %get3A_31, %mul3A_32 : vector<1000x128xf32>
    %get3A_34 = arith.constant 128 : index
    %get3A_35 = arith.constant 0 : index
    %get3A_36 = vector.load %arg4[%get3A_34, %get3A_35] : memref<512x512xf32, #tpu.memory_space<vmem>>, vector<128x512xf32>
    %dot_general3A_37 = arith.constant dense<0.000000e+00> : vector<1000x512xf32>
    %dot_general3A_38 = tpu.matmul %mul3A_33, %get3A_36, %dot_general3A_37 {dimension_numbers = #tpu.dot_dimension_numbers<[1], [0], [0], [1], [0, 0, 1, 1], [], []>, transpose_lhs_hint = false} : vector<1000x128xf32>, vector<128x512xf32>, vector<1000x512xf32> -> vector<1000x512xf32>
    %add3A_39 = arith.addf %add3A_26, %dot_general3A_38 : vector<1000x512xf32>
    %get3A_40 = arith.constant 2 : index
    %get3A_41 = arith.constant 0 : index
    %get3A_42 = arith.constant 0 : index
    %get3A_43 = vector.load %arg1[%get3A_40, %get3A_41, %get3A_42] : memref<4x1000x128xf32, #tpu.memory_space<vmem>>, vector<1x1000x128xf32>
    %get3A_44 = vector.shape_cast %get3A_43 : vector<1x1000x128xf32> to vector<1000x128xf32>
    %mul3A_45 = vector.broadcast %div3A_12 : vector<1000x1xf32> to vector<1000x128xf32>
    %mul3A_46 = arith.mulf %get3A_44, %mul3A_45 : vector<1000x128xf32>
    %get3A_47 = arith.constant 256 : index
    %get3A_48 = arith.constant 0 : index
    %get3A_49 = vector.load %arg4[%get3A_47, %get3A_48] : memref<512x512xf32, #tpu.memory_space<vmem>>, vector<128x512xf32>
    %dot_general3A_50 = arith.constant dense<0.000000e+00> : vector<1000x512xf32>
    %dot_general3A_51 = tpu.matmul %mul3A_46, %get3A_49, %dot_general3A_50 {dimension_numbers = #tpu.dot_dimension_numbers<[1], [0], [0], [1], [0, 0, 1, 1], [], []>, transpose_lhs_hint = false} : vector<1000x128xf32>, vector<128x512xf32>, vector<1000x512xf32> -> vector<1000x512xf32>
    %add3A_52 = arith.addf %add3A_39, %dot_general3A_51 : vector<1000x512xf32>
    %get3A_53 = arith.constant 3 : index
    %get3A_54 = arith.constant 0 : index
    %get3A_55 = arith.constant 0 : index
    %get3A_56 = vector.load %arg1[%get3A_53, %get3A_54, %get3A_55] : memref<4x1000x128xf32, #tpu.memory_space<vmem>>, vector<1x1000x128xf32>
    %get3A_57 = vector.shape_cast %get3A_56 : vector<1x1000x128xf32> to vector<1000x128xf32>
    %mul3A_58 = vector.broadcast %div3A_12 : vector<1000x1xf32> to vector<1000x128xf32>
    %mul3A_59 = arith.mulf %get3A_57, %mul3A_58 : vector<1000x128xf32>
    %get3A_60 = arith.constant 384 : index
    %get3A_61 = arith.constant 0 : index
    %get3A_62 = vector.load %arg4[%get3A_60, %get3A_61] : memref<512x512xf32, #tpu.memory_space<vmem>>, vector<128x512xf32>
    %dot_general3A_63 = arith.constant dense<0.000000e+00> : vector<1000x512xf32>
    %dot_general3A_64 = tpu.matmul %mul3A_59, %get3A_62, %dot_general3A_63 {dimension_numbers = #tpu.dot_dimension_numbers<[1], [0], [0], [1], [0, 0, 1, 1], [], []>, transpose_lhs_hint = false} : vector<1000x128xf32>, vector<128x512xf32>, vector<1000x512xf32> -> vector<1000x512xf32>
    %add3A_65 = arith.addf %add3A_52, %dot_general3A_64 : vector<1000x512xf32>
    %mul3A_66 = arith.mulf %add3A_65, %add3A_65 : vector<1000x512xf32>
    %reduce_sum3A = arith.constant dense<0.000000e+00> : vector<1000xf32>
    %reduce_sum3A_67 = vector.multi_reduction <add>, %mul3A_66, %reduce_sum3A [1] : vector<1000x512xf32> to vector<1000xf32>
    %broadcast_in_dim3A = vector.shape_cast %reduce_sum3A_67 : vector<1000xf32> to vector<1000x1xf32>
    %max3A_68 = arith.constant 1.000000e-24 : f32
    %max3A_69 = vector.broadcast %max3A_68 : f32 to vector<1000x1xf32>
    %max3A_70 = arith.maximumf %broadcast_in_dim3A, %max3A_69 : vector<1000x1xf32>
    %rsqrt3A = math.rsqrt %max3A_70 : vector<1000x1xf32>
    %mul3A_71 = vector.broadcast %rsqrt3A : vector<1000x1xf32> to vector<1000x512xf32>
    %mul3A_72 = arith.mulf %add3A_65, %mul3A_71 : vector<1000x512xf32>
    %max3A_73 = arith.constant 0.000000e+00 : f32
    %max3A_74 = vector.broadcast %max3A_73 : f32 to vector<1000x512xf32>
    %max3A_75 = arith.maximumf %mul3A_72, %max3A_74 : vector<1000x512xf32>
    %slice3A = vector.extract_strided_slice %max3A_75 {offsets = [0, 0], sizes = [1000, 128], strides = [1, 1]} : vector<1000x512xf32> to vector<1000x128xf32>
    %swap3A = arith.constant 0 : index
    %swap3A_76 = arith.constant 0 : index
    %swap3A_77 = arith.constant 0 : index
    %swap3A_78 = vector.load %arg5[%swap3A, %swap3A_76, %swap3A_77] : memref<4x1000x128xf32, #tpu.memory_space<vmem>>, vector<1x1000x128xf32>
    %swap3A_79 = vector.shape_cast %swap3A_78 : vector<1x1000x128xf32> to vector<1000x128xf32>
    %swap3A_80 = vector.shape_cast %slice3A : vector<1000x128xf32> to vector<1x1000x128xf32>
    tpu.vector_store %arg5[%swap3A, %swap3A_76, %swap3A_77], %swap3A_80 {strides = array<i32>} : memref<4x1000x128xf32, #tpu.memory_space<vmem>>, vector<1x1000x128xf32>,
    %slice3A_81 = vector.extract_strided_slice %max3A_75 {offsets = [0, 128], sizes = [1000, 128], strides = [1, 1]} : vector<1000x512xf32> to vector<1000x128xf32>
    %swap3A_82 = arith.constant 1 : index
    %swap3A_83 = arith.constant 0 : index
    %swap3A_84 = arith.constant 0 : index
    %swap3A_85 = vector.load %arg5[%swap3A_82, %swap3A_83, %swap3A_84] : memref<4x1000x128xf32, #tpu.memory_space<vmem>>, vector<1x1000x128xf32>
    %swap3A_86 = vector.shape_cast %swap3A_85 : vector<1x1000x128xf32> to vector<1000x128xf32>
    %swap3A_87 = vector.shape_cast %slice3A_81 : vector<1000x128xf32> to vector<1x1000x128xf32>
    tpu.vector_store %arg5[%swap3A_82, %swap3A_83, %swap3A_84], %swap3A_87 {strides = array<i32>} : memref<4x1000x128xf32, #tpu.memory_space<vmem>>, vector<1x1000x128xf32>,
    %slice3A_88 = vector.extract_strided_slice %max3A_75 {offsets = [0, 256], sizes = [1000, 128], strides = [1, 1]} : vector<1000x512xf32> to vector<1000x128xf32>
    %swap3A_89 = arith.constant 2 : index
    %swap3A_90 = arith.constant 0 : index
    %swap3A_91 = arith.constant 0 : index
    %swap3A_92 = vector.load %arg5[%swap3A_89, %swap3A_90, %swap3A_91] : memref<4x1000x128xf32, #tpu.memory_space<vmem>>, vector<1x1000x128xf32>
    %swap3A_93 = vector.shape_cast %swap3A_92 : vector<1x1000x128xf32> to vector<1000x128xf32>
    %swap3A_94 = vector.shape_cast %slice3A_88 : vector<1000x128xf32> to vector<1x1000x128xf32>
    tpu.vector_store %arg5[%swap3A_89, %swap3A_90, %swap3A_91], %swap3A_94 {strides = array<i32>} : memref<4x1000x128xf32, #tpu.memory_space<vmem>>, vector<1x1000x128xf32>,
    %slice3A_95 = vector.extract_strided_slice %max3A_75 {offsets = [0, 384], sizes = [1000, 128], strides = [1, 1]} : vector<1000x512xf32> to vector<1000x128xf32>
    %swap3A_96 = arith.constant 3 : index
    %swap3A_97 = arith.constant 0 : index
    %swap3A_98 = arith.constant 0 : index
    %swap3A_99 = vector.load %arg5[%swap3A_96, %swap3A_97, %swap3A_98] : memref<4x1000x128xf32, #tpu.memory_space<vmem>>, vector<1x1000x128xf32>
    %swap3A_100 = vector.shape_cast %swap3A_99 : vector<1x1000x128xf32> to vector<1000x128xf32>
    %swap3A_101 = vector.shape_cast %slice3A_95 : vector<1000x128xf32> to vector<1x1000x128xf32>
    tpu.vector_store %arg5[%swap3A_96, %swap3A_97, %swap3A_98], %swap3A_101 {strides = array<i32>} : memref<4x1000x128xf32, #tpu.memory_space<vmem>>, vector<1x1000x128xf32>,
    return
  }
  func.func @transform_0(%arg0: i32) -> (i32, i32, i32) {
    %c0_i32 = arith.constant 0 : i32
    %c0_i32_0 = arith.constant 0 : i32
    %c0_i32_1 = arith.constant 0 : i32
    return %c0_i32, %arg0, %c0_i32_0 : i32, i32, i32
  }
  func.func @transform_1(%arg0: i32) -> (i32, i32) {
    %c0_i32 = arith.constant 0 : i32
    %c0_i32_0 = arith.constant 0 : i32
    return %arg0, %c0_i32 : i32, i32
  }
  func.func @transform_2(%arg0: i32) -> (i32, i32, i32) {
    %c0_i32 = arith.constant 0 : i32
    %c0_i32_0 = arith.constant 0 : i32
    %c0_i32_1 = arith.constant 0 : i32
    return %c0_i32, %arg0, %c0_i32_0 : i32, i32, i32
  }
  func.func @transform_3(%arg0: i32) -> (i32, i32) {
    %c0_i32 = arith.constant 0 : i32
    %c0_i32_0 = arith.constant 0 : i32
    %c0_i32_1 = arith.constant 0 : i32
    return %c0_i32, %c0_i32_0 : i32, i32
  }
  func.func @transform_4(%arg0: i32) -> (i32, i32, i32) {
    %c0_i32 = arith.constant 0 : i32
    %c0_i32_0 = arith.constant 0 : i32
    %c0_i32_1 = arith.constant 0 : i32
    return %c0_i32, %arg0, %c0_i32_0 : i32, i32, i32
  }
}

module attributes {stable_mosaic.version = 14 : i64} {
  func.func @body(%arg0: i32, %arg1: memref<4x1000x128xf32, #tpu.memory_space<vmem>>, %arg2: memref<1000x512xf32, #tpu.memory_space<vmem>>, %arg3: memref<2x1000x128xf32, #tpu.memory_space<vmem>>, %arg4: memref<512x512xf32, #tpu.memory_space<vmem>>, %arg5: memref<1000x512xf32, #tpu.memory_space<vmem>>) attributes {dimension_semantics = [#tpu.dimension_semantics<arbitrary>], iteration_bounds = array<i64: 10>, scalar_prefetch = 0 : i64, scratch_operands = 0 : i64, tpu.core_type = #tpu.core_type<tc>, window_params = [{transform_indices = @transform_0, window_bounds = array<i64: 4, 1000, 128>}, {transform_indices = @transform_1, window_bounds = array<i64: 1000, 512>}, {transform_indices = @transform_2, window_bounds = array<i64: 2, 1000, 128>}, {pipeline_mode = #tpu.pipeline_mode<synchronous>, transform_indices = @transform_3, window_bounds = array<i64: 512, 512>}, {transform_indices = @transform_4, window_bounds = array<i64: 1000, 512>}]} {
    %get3A = arith.constant 0 : index
    %get3A_0 = arith.constant 0 : index
    %get3A_1 = arith.constant 0 : index
    %get3A_2 = vector.load %arg3[%get3A, %get3A_0, %get3A_1] : memref<2x1000x128xf32, #tpu.memory_space<vmem>>, vector<1x1000x1xf32>
    %get3A_3 = vector.shape_cast %get3A_2 : vector<1x1000x1xf32> to vector<1000x1xf32>
    %get3A_4 = arith.constant 1 : index
    %get3A_5 = arith.constant 0 : index
    %get3A_6 = arith.constant 0 : index
    %get3A_7 = vector.load %arg3[%get3A_4, %get3A_5, %get3A_6] : memref<2x1000x128xf32, #tpu.memory_space<vmem>>, vector<1x1000x1xf32>
    %get3A_8 = vector.shape_cast %get3A_7 : vector<1x1000x1xf32> to vector<1000x1xf32>
    %add3A = arith.addf %get3A_3, %get3A_8 : vector<1000x1xf32>
    %max3A = arith.constant 1.000000e+00 : f32
    %max3A_9 = vector.broadcast %max3A : f32 to vector<1000x1xf32>
    %max3A_10 = arith.maximumf %add3A, %max3A_9 : vector<1000x1xf32>
    %div3A = arith.constant 1.000000e+00 : f32
    %div3A_11 = vector.broadcast %div3A : f32 to vector<1000x1xf32>
    %div3A_12 = arith.divf %div3A_11, %max3A_10 : vector<1000x1xf32>
    %get3A_13 = arith.constant 0 : index
    %get3A_14 = arith.constant 0 : index
    %get3A_15 = vector.load %arg2[%get3A_13, %get3A_14] : memref<1000x512xf32, #tpu.memory_space<vmem>>, vector<1000x512xf32>
    %get3A_16 = arith.constant 0 : index
    %get3A_17 = arith.constant 0 : index
    %get3A_18 = arith.constant 0 : index
    %get3A_19 = vector.load %arg1[%get3A_16, %get3A_17, %get3A_18] : memref<4x1000x128xf32, #tpu.memory_space<vmem>>, vector<1x1000x128xf32>
    %get3A_20 = vector.shape_cast %get3A_19 : vector<1x1000x128xf32> to vector<1000x128xf32>
    %mul3A = vector.broadcast %div3A_12 : vector<1000x1xf32> to vector<1000x128xf32>
    %mul3A_21 = arith.mulf %get3A_20, %mul3A : vector<1000x128xf32>
    %get3A_22 = arith.constant 0 : index
    %get3A_23 = arith.constant 0 : index
    %get3A_24 = vector.load %arg4[%get3A_22, %get3A_23] : memref<512x512xf32, #tpu.memory_space<vmem>>, vector<128x512xf32>
    %dot_general3A = arith.constant dense<0.000000e+00> : vector<1000x512xf32>
    %dot_general3A_25 = tpu.matmul %mul3A_21, %get3A_24, %dot_general3A {dimension_numbers = #tpu.dot_dimension_numbers<[1], [0], [0], [1], [0, 0, 1, 1], [], []>, transpose_lhs_hint = false} : vector<1000x128xf32>, vector<128x512xf32>, vector<1000x512xf32> -> vector<1000x512xf32>
    %add3A_26 = arith.addf %get3A_15, %dot_general3A_25 : vector<1000x512xf32>
    %get3A_27 = arith.constant 1 : index
    %get3A_28 = arith.constant 0 : index
    %get3A_29 = arith.constant 0 : index
    %get3A_30 = vector.load %arg1[%get3A_27, %get3A_28, %get3A_29] : memref<4x1000x128xf32, #tpu.memory_space<vmem>>, vector<1x1000x128xf32>
    %get3A_31 = vector.shape_cast %get3A_30 : vector<1x1000x128xf32> to vector<1000x128xf32>
    %mul3A_32 = vector.broadcast %div3A_12 : vector<1000x1xf32> to vector<1000x128xf32>
    %mul3A_33 = arith.mulf %get3A_31, %mul3A_32 : vector<1000x128xf32>
    %get3A_34 = arith.constant 128 : index
    %get3A_35 = arith.constant 0 : index
    %get3A_36 = vector.load %arg4[%get3A_34, %get3A_35] : memref<512x512xf32, #tpu.memory_space<vmem>>, vector<128x512xf32>
    %dot_general3A_37 = arith.constant dense<0.000000e+00> : vector<1000x512xf32>
    %dot_general3A_38 = tpu.matmul %mul3A_33, %get3A_36, %dot_general3A_37 {dimension_numbers = #tpu.dot_dimension_numbers<[1], [0], [0], [1], [0, 0, 1, 1], [], []>, transpose_lhs_hint = false} : vector<1000x128xf32>, vector<128x512xf32>, vector<1000x512xf32> -> vector<1000x512xf32>
    %add3A_39 = arith.addf %add3A_26, %dot_general3A_38 : vector<1000x512xf32>
    %get3A_40 = arith.constant 2 : index
    %get3A_41 = arith.constant 0 : index
    %get3A_42 = arith.constant 0 : index
    %get3A_43 = vector.load %arg1[%get3A_40, %get3A_41, %get3A_42] : memref<4x1000x128xf32, #tpu.memory_space<vmem>>, vector<1x1000x128xf32>
    %get3A_44 = vector.shape_cast %get3A_43 : vector<1x1000x128xf32> to vector<1000x128xf32>
    %mul3A_45 = vector.broadcast %div3A_12 : vector<1000x1xf32> to vector<1000x128xf32>
    %mul3A_46 = arith.mulf %get3A_44, %mul3A_45 : vector<1000x128xf32>
    %get3A_47 = arith.constant 256 : index
    %get3A_48 = arith.constant 0 : index
    %get3A_49 = vector.load %arg4[%get3A_47, %get3A_48] : memref<512x512xf32, #tpu.memory_space<vmem>>, vector<128x512xf32>
    %dot_general3A_50 = arith.constant dense<0.000000e+00> : vector<1000x512xf32>
    %dot_general3A_51 = tpu.matmul %mul3A_46, %get3A_49, %dot_general3A_50 {dimension_numbers = #tpu.dot_dimension_numbers<[1], [0], [0], [1], [0, 0, 1, 1], [], []>, transpose_lhs_hint = false} : vector<1000x128xf32>, vector<128x512xf32>, vector<1000x512xf32> -> vector<1000x512xf32>
    %add3A_52 = arith.addf %add3A_39, %dot_general3A_51 : vector<1000x512xf32>
    %get3A_53 = arith.constant 3 : index
    %get3A_54 = arith.constant 0 : index
    %get3A_55 = arith.constant 0 : index
    %get3A_56 = vector.load %arg1[%get3A_53, %get3A_54, %get3A_55] : memref<4x1000x128xf32, #tpu.memory_space<vmem>>, vector<1x1000x128xf32>
    %get3A_57 = vector.shape_cast %get3A_56 : vector<1x1000x128xf32> to vector<1000x128xf32>
    %mul3A_58 = vector.broadcast %div3A_12 : vector<1000x1xf32> to vector<1000x128xf32>
    %mul3A_59 = arith.mulf %get3A_57, %mul3A_58 : vector<1000x128xf32>
    %get3A_60 = arith.constant 384 : index
    %get3A_61 = arith.constant 0 : index
    %get3A_62 = vector.load %arg4[%get3A_60, %get3A_61] : memref<512x512xf32, #tpu.memory_space<vmem>>, vector<128x512xf32>
    %dot_general3A_63 = arith.constant dense<0.000000e+00> : vector<1000x512xf32>
    %dot_general3A_64 = tpu.matmul %mul3A_59, %get3A_62, %dot_general3A_63 {dimension_numbers = #tpu.dot_dimension_numbers<[1], [0], [0], [1], [0, 0, 1, 1], [], []>, transpose_lhs_hint = false} : vector<1000x128xf32>, vector<128x512xf32>, vector<1000x512xf32> -> vector<1000x512xf32>
    %add3A_65 = arith.addf %add3A_52, %dot_general3A_64 : vector<1000x512xf32>
    %mul3A_66 = arith.mulf %add3A_65, %add3A_65 : vector<1000x512xf32>
    %reduce_sum3A = arith.constant dense<0.000000e+00> : vector<1000xf32>
    %reduce_sum3A_67 = vector.multi_reduction <add>, %mul3A_66, %reduce_sum3A [1] : vector<1000x512xf32> to vector<1000xf32>
    %broadcast_in_dim3A = vector.shape_cast %reduce_sum3A_67 : vector<1000xf32> to vector<1000x1xf32>
    %max3A_68 = arith.constant 1.000000e-24 : f32
    %max3A_69 = vector.broadcast %max3A_68 : f32 to vector<1000x1xf32>
    %max3A_70 = arith.maximumf %broadcast_in_dim3A, %max3A_69 : vector<1000x1xf32>
    %rsqrt3A = math.rsqrt %max3A_70 : vector<1000x1xf32>
    %mul3A_71 = vector.broadcast %rsqrt3A : vector<1000x1xf32> to vector<1000x512xf32>
    %mul3A_72 = arith.mulf %add3A_65, %mul3A_71 : vector<1000x512xf32>
    %max3A_73 = arith.constant 0.000000e+00 : f32
    %max3A_74 = vector.broadcast %max3A_73 : f32 to vector<1000x512xf32>
    %max3A_75 = arith.maximumf %mul3A_72, %max3A_74 : vector<1000x512xf32>
    %swap3A = arith.constant 0 : index
    %swap3A_76 = arith.constant 0 : index
    %swap3A_77 = vector.load %arg5[%swap3A, %swap3A_76] : memref<1000x512xf32, #tpu.memory_space<vmem>>, vector<1000x512xf32>
    tpu.vector_store %arg5[%swap3A, %swap3A_76], %max3A_75 {strides = array<i32>} : memref<1000x512xf32, #tpu.memory_space<vmem>>, vector<1000x512xf32>,
    return
  }
  func.func @transform_0(%arg0: i32) -> (i32, i32, i32) {
    %c0_i32 = arith.constant 0 : i32
    %c0_i32_0 = arith.constant 0 : i32
    %c0_i32_1 = arith.constant 0 : i32
    return %c0_i32, %arg0, %c0_i32_0 : i32, i32, i32
  }
  func.func @transform_1(%arg0: i32) -> (i32, i32) {
    %c0_i32 = arith.constant 0 : i32
    %c0_i32_0 = arith.constant 0 : i32
    return %arg0, %c0_i32 : i32, i32
  }
  func.func @transform_2(%arg0: i32) -> (i32, i32, i32) {
    %c0_i32 = arith.constant 0 : i32
    %c0_i32_0 = arith.constant 0 : i32
    %c0_i32_1 = arith.constant 0 : i32
    return %c0_i32, %arg0, %c0_i32_0 : i32, i32, i32
  }
  func.func @transform_3(%arg0: i32) -> (i32, i32) {
    %c0_i32 = arith.constant 0 : i32
    %c0_i32_0 = arith.constant 0 : i32
    %c0_i32_1 = arith.constant 0 : i32
    return %c0_i32, %c0_i32_0 : i32, i32
  }
  func.func @transform_4(%arg0: i32) -> (i32, i32) {
    %c0_i32 = arith.constant 0 : i32
    %c0_i32_0 = arith.constant 0 : i32
    return %arg0, %c0_i32 : i32, i32
  }
}

</mosaic_0001>

<sc_bundles>
// kernel: sc_degree_count.3.cloned.1.call-start
scs
__scs_entry_jumppad:
0x0: {  	(pc) =	sbr.rel $0x88, $3  }
0x1: {  	(tag) =	ssettag $0x0;
	lr =	simm.s32 $0x1  }
0x2: {  	[smem:$0x3F96] =	sst lr;
	_ =	strace $0xD0000000  }
0x3: {  	_ = 	snop  }
0x4: {  	_ = 	snop  }
0x5: {  	_ = 	snop  }
0x6: {  	_ = 	snop  }
0x7: {  	_ = 	snop  }
__scs_overlays_trampoline_lowered:
0x8: {  	[smem:$0x3FA5] =	sst s0  }
0x9: {  	[smem:$0x3FA6] =	sst s1  }
0xa: {  	[smem:$0x3FA7] =	sst s2  }
0xb: {  	[smem:$0x3FA8] =	sst s3  }
0xc: {  	[smem:$0x3FA9] =	sst s4  }
0xd: {  	[smem:$0x3FAA] =	sst s5  }
0xe: {  	[smem:$0x3FAB] =	sst s6  }
0xf: {  	[smem:$0x3FAC] =	sst s7  }
0x10: {  	[smem:$0x3FAD] =	sst s8  }
0x11: {  	[smem:$0x3FAE] =	sst s9;
	s0 =	simm.s32 @!p0 $0x0  }
0x12: {  	s1 =	sld [smem:$0x3F94];
	s0 =	simm.s32 @p0 $0x1  }
0x13: {  	[smem:$0x3FAF] =	sst s0;
	s0 =	simm.s32 @!p1 $0x0  }
0x14: {  	s2 =	sld [smem:$0x3F93];
	s0 =	simm.s32 @p1 $0x1  }
0x15: {  	[smem:$0x3FB0] =	sst s0;
	s0 =	simm.s32 @!p2 $0x0  }
0x16: {  	s3 =	sld [smem:$0x3FDB];
	s0 =	simm.s32 @p2 $0x1  }
0x17: {  	s4 =	simm.s32 $0x1BF5;
	[smem:$0x3FB2] =	sst s0  }
0x18: {  	s0 =	sld [smem:$0x3F95];
	_ =	swait.ge [sflag:s4], $0x0  }
0x19: {  	s7 =	sld [smem:$0x3F96]  }
0x1a: {  	s8 =	sadd.s32 $0xFFFFE003, lr  }
0x1b: {  	s9 =	sadd.s32 $0xFFFFFEF7, lr;
	s5 =	simm.s32 $0xFFFFFFFF;
	p2 =	slt.u32 s8, $0xFFFFF086  }
0x1c: {  	p1 =	slt.u32 s9, $0xF7A;
	s5 =	simm.s32 @!p2 $0x0  }
0x1d: {  	s5 =	simm.s32 @p1 $0x1;
	p0 =	seq.s32 s7, s2  }
0x1e: {  	s7 =	smul.u32 @!p0 $0xF7A, s2;
	p2 =	seq.s32 @!p0 s5, $0x0  }
0x1f: {  	s9 =	smul.u32 $0xF7A, s1;
	s8 =	simm.s32 @!p0 $0x1BF5;
	p2 =	por !p2, p0  }
0x20: {  	[sflag:s8] =	ssyncset.s32 @!p0 $0xFFFFF086;
	s6 =	sadd.s32 @!p0 s3, s7;
	s7 =	simm.s32 @!p0 $0x108  }
0x21: {  	s3 =	sadd.s32 s3, s9;
	s6 =	sadd.s32 @!p0 $0x88, s6;
	s7 =	simm.s32 @p2 $0x1082  }
0x22: {  	[simem:s7], [sflag:s8] =	dma.local @!p0 [hbm:s6], $0xF7A  }
0x23: {  	s9 =	sor.u32 $0xD0000000, s2;
	s6 =	simm.s32 $0x108;
	_ =	swait.ge @!p0 [sflag:s8], $0x0  }
0x24: {  	s3 =	sadd.s32 $0x88, s3;
	s6 =	simm.s32 @!p1 $0x1082;
	[sflag:s4] =	ssyncset.s32 $0xFFFFF086  }
0x25: {  	[simem:s6], [sflag:s4] =	dma.local [hbm:s3], $0xF7A  }
0x26: {  	[smem:$0x3F96] =	sst s1;
	(tag) =	ssettag s2;
	_ =	strace s9  }
0x27: {  	s1 =	sld [smem:$0x3FA6]  }
0x28: {  	s2 =	sld [smem:$0x3FA7]  }
0x29: {  	s4 =	sld [smem:$0x3FA9]  }
0x2a: {  	p0 =	seq.s32 s5, $0x0;
	s5 =	sld [smem:$0x3FAA]  }
0x2b: {  	s6 =	sld [smem:$0x3FAB]  }
0x2c: {  	s7 =	sld [smem:$0x3FAC]  }
0x2d: {  	s3 =	simm.s32 $0x108;
	s8 =	sld [smem:$0x3FAD]  }
0x2e: {  	s3 =	simm.s32 @!p0 $0x1082;
	s9 =	sld [smem:$0x3FAE]  }
0x2f: {  	lr =	sadd.s32 s0, s3;
	s0 =	sld [smem:$0x3FA5]  }
0x30: {  	s3 =	sld [smem:$0x3FA8]  }
0x31: {  	[smem:$0x3FB1] =	sst s10  }
0x32: {  	s10 =	sld [smem:$0x3FAF];
	_ =	sdelay $0x3  }
0x33: {  	p0 =	seq.s32 s10, $0x1;
	s10 =	sld [smem:$0x3FB1];
	_ =	sdelay $0x3  }
0x34: {  	[smem:$0x3FB1] =	sst s10  }
0x35: {  	s10 =	sld [smem:$0x3FB0];
	_ =	sdelay $0x3  }
0x36: {  	p1 =	seq.s32 s10, $0x1;
	s10 =	sld [smem:$0x3FB1];
	_ =	sdelay $0x3  }
0x37: {  	[smem:$0x3FB1] =	sst s10  }
0x38: {  	s10 =	sld [smem:$0x3FB2]  }
0x39: {  	_ = 	snop;
	(pc) =	sbr.ind lr, $3  }
0x3a: {  	_ = 	snop  }
0x3b: {  	_ = 	snop  }
0x3c: {  	p2 =	seq.s32 s10, $0x1;
	s10 =	sld [smem:$0x3FB1]  }
0x3d: {  	_ =	shalt  }
0x3e: {  	_ =	shalt  }
0x3f: {  	_ =	shalt  }
0x40: {  	_ =	shalt  }
0x41: {  	_ =	shalt  }
0x42: {  	_ =	shalt  }
0x43: {  	_ =	shalt  }
0x44: {  	_ =	shalt  }
0x45: {  	_ =	shalt  }
0x46: {  	_ =	shalt  }
0x47: {  	_ =	shalt  }
0x48: {  	_ =	shalt  }
0x49: {  	_ =	shalt  }
0x4a: {  	_ =	shalt  }
0x4b: {  	_ =	shalt  }
0x4c: {  	_ =	shalt  }
0x4d: {  	_ =	shalt  }
0x4e: {  	_ =	shalt  }
0x4f: {  	_ =	shalt  }
0x50: {  	_ =	shalt  }
0x51: {  	_ =	shalt  }
0x52: {  	_ =	shalt  }
0x53: {  	_ =	shalt  }
0x54: {  	_ =	shalt  }
0x55: {  	_ =	shalt  }
0x56: {  	_ =	shalt  }
0x57: {  	_ =	shalt  }
0x58: {  	_ =	shalt  }
0x59: {  	_ =	shalt  }
0x5a: {  	_ =	shalt  }
0x5b: {  	_ =	shalt  }
0x5c: {  	_ =	shalt  }
0x5d: {  	_ =	shalt  }
0x5e: {  	_ =	shalt  }
0x5f: {  	_ =	shalt  }
0x60: {  	_ =	shalt  }
0x61: {  	_ =	shalt  }
0x62: {  	_ =	shalt  }
0x63: {  	_ =	shalt  }
0x64: {  	_ =	shalt  }
0x65: {  	_ =	shalt  }
0x66: {  	_ =	shalt  }
0x67: {  	_ =	shalt  }
0x68: {  	_ =	shalt  }
0x69: {  	_ =	shalt  }
0x6a: {  	_ =	shalt  }
0x6b: {  	_ =	shalt  }
0x6c: {  	_ =	shalt  }
0x6d: {  	_ =	shalt  }
0x6e: {  	_ =	shalt  }
0x6f: {  	_ =	shalt  }
0x70: {  	_ =	shalt  }
0x71: {  	_ =	shalt  }
0x72: {  	_ =	shalt  }
0x73: {  	_ =	shalt  }
0x74: {  	_ =	shalt  }
0x75: {  	_ =	shalt  }
0x76: {  	_ =	shalt  }
0x77: {  	_ =	shalt  }
0x78: {  	_ =	shalt  }
0x79: {  	_ =	shalt  }
0x7a: {  	_ =	shalt  }
0x7b: {  	_ =	shalt  }
0x7c: {  	_ =	shalt  }
0x7d: {  	_ =	shalt  }
0x7e: {  	_ =	shalt  }
0x7f: {  	_ =	shalt  }
0x80: {  	_ =	shalt  }
0x81: {  	_ =	shalt  }
0x82: {  	_ =	shalt  }
0x83: {  	_ =	shalt  }
0x84: {  	_ =	shalt  }
0x85: {  	_ =	shalt  }
0x86: {  	_ =	shalt  }
0x87: {  	_ =	shalt  }
.Lfunc_end0:
.L_simem_size_0:
called_computation_lowered:
.L_overlay_start_0:
0x88: {  	s2 =	sld [smem:$0x3FD9]  }
0x89: {  	s3 =	sld [smem:$0x3FFE];
	_ =	sdelay $0x1  }
0x8a: {  	s1 =	srdreg.scid  }
0x8b: {  	s0 =	sand.u32 $0x1, s1  }
0x8c: {  	s17 =	sshll.u32 s0, $0xA;
	s2 =	sadd.s32 s3, s2  }
0x8d: {  	s2 =	sadd.s32 s2, s17  }
0x8e: {  	[smem:$0x3FBD] =	sst s2  }
0x8f: {  	_ = 	snop  }
0x90: {  	(tm) =	ssettm $0x1  }
0x91: {  	s18 =	sld [smem:$0x3FFB];
	_ =	sdelay $0x3  }
0x92: {  	_ =	strace s18  }
0x93: {  	s2 =	sld [smem:$0x3FFC];
	_ =	sdelay $0x3  }
0x94: {  	_ =	strace s2  }
0x95: {  	s2 =	sld [smem:$0x3FFD];
	_ =	sdelay $0x3  }
0x96: {  	_ =	strace s2  }
0x97: {  	_ =	strace $0x8FFFFFFF  }
0x98: {  	s19 =	sld [smem:$0x3FDB];
	_ =	sdelay $0x1  }
0x99: {  	s20 =	simm.s32 $_scs_section_size  }
0x9a: {  	s4 =	simm.s32 $_size__tile_overlayer_lowered;
	s5 =	simm.s32 $_tile_overlayer_lowered  }
0x9b: {  	s6 =	simm.s32 $0x1BFF;
	s21 =	sshll.u32 s5, $0x1;
	s3 =	sadd.s32 s20, s19  }
0x9c: {  	s22 =	simm.s32 $0x0;
	s4 =	sshll.u32 s4, $0x1;
	s5 =	sadd.s32 s21, s3  }
0x9d: {  	[timem:s22], [sflag:s6] =	dma.local [hbm:s5], s4  }
0x9e: {  	_ =	swait.ge [sflag:s6], s4  }
0x9f: {  	s4 =	ssub.s32 $0x0, s4;
	[sflag:s6] =	ssyncset.done $0x0  }
0xa0: {  	[sflag:s6] =	ssyncadd.s32 s4;
	_ =	sdelay $0x1  }
0xa1: {  	s23 =	simm.s32 $0x1B8B  }
0xa2: {  	_ =	swait.ge [sflag:s23], $0x1  }
0xa3: {  	[sflag:s23] =	ssyncset.done $0x0  }
0xa4: {  	[sflag:s23] =	ssyncadd.s32 $0xFFFFFFFF  }
0xa5: {  	s4 =	sld [smem:$0x0]  }
0xa6: {  	s5 =	sand.u32 $0xFFFFFFFE, s1  }
0xa7: {  	p0 =	sne.s32 s1, s5  }
0xa8: {  	s5 =	sshll.u32 @p0 s5, $0xE  }
0xa9: {  	s5 =	sadd.s32 @p0 $0x11B8D, s5;
	s6 =	sshll.u32 @p0 s4, $0x11  }
0xaa: {  	s5 =	sor.u32 @p0 s6, s5  }
0xab: {  	[sflag:s5] =	ssyncadd.remote.s32 @p0 $0x1;
	_ =	sdelay $0x1  }
0xac: {  	s5 =	simm.s32 @p0 $0x1B8D  }
0xad: {  	_ =	swait.eq @p0 [sflag:s5], $0x1  }
0xae: {  	[sflag:s5] =	ssyncadd.s32 @p0 $0xFFFFFFFF  }
0xaf: {  	s6 =	sshll.u32 @!p0 s1, $0xE  }
0xb0: {  	s6 =	sor.u32 @!p0 $0x4000, s6;
	s5 =	simm.s32 @!p0 $0x1B8D  }
0xb1: {  	s4 =	sshll.u32 @!p0 s4, $0x11;
	s6 =	sadd.s32 @!p0 $0x11B8D, s6;
	_ =	swait.eq @!p0 [sflag:s5], $0x1  }
0xb2: {  	s4 =	sor.u32 @!p0 s4, s6;
	[sflag:s5] =	ssyncadd.s32 @!p0 $0xFFFFFFFF  }
0xb3: {  	s25 =	simm.s32 $0x1B8E;
	s24 =	sld [smem:$0x3FFE];
	[sflag:s4] =	ssyncadd.remote.s32 @!p0 $0x1  }
0xb4: {  	s26 =	simm.s32 $execute0_lowered;
	[smem:$0x3FD2] =	sst s25  }
0xb5: {  	s5 =	sshll.u32 s26, $0x1;
	_ =	strace $0x80000049;
	[dreg:$0x1] =	wrdreg $0xFFFFFFFF  }
0xb6: {  	s28 =	simm.s32 $_size_execute0_lowered;
	s3 =	sadd.s32 s3, s5;
	[dreg:$0x0] =	wrdreg $0x0  }
0xb7: {  	s5 =	sshll.u32 s28, $0x1;
	[dreg:$0x2] =	wrdreg s3  }
0xb8: {  	[dreg:$0x3] =	wrdreg s5  }
0xb9: {  	[dreg:$0x4] =	wrdreg $0xC0  }
0xba: {  	_ =	task [dreg:s22], $0x5FFFF  }
0xbb: {  	[dreg:$0x1] =	wrdreg $0xFFFFFFFF  }
0xbc: {  	[dreg:$0x0] =	wrdreg $0x60  }
0xbd: {  	[dreg:$0x2] =	wrdreg s24  }
0xbe: {  	[dreg:$0x3] =	wrdreg $0x42000  }
0xbf: {  	[dreg:$0x4] =	wrdreg $0x9  }
0xc0: {  	_ =	task.clear_ibuf [dreg:s22], $0x5FFFF;
	_ =	strace $0x90000049  }
0xc1: {  	s29 =	simm.s32 $0x9;
	_ =	strace $0x8000004B  }
0xc2: {  	_ =	swait.ge [sflag:s29], $0x1  }
0xc3: {  	[sflag:s29] =	ssyncadd.s32 $0xFFFFFFFF  }
0xc4: {  	_ =	strace $0x9000004B  }
0xc5: {  	_ =	sfence  }
0xc6: {  	s30 =	sld [smem:$0x0];
	_ =	sdelay $0x2  }
0xc7: {  	s31 =	sshll.u32 s1, $0xD;
	s1 =	sshrl.u32 s1, $0x2  }
0xc8: {  	s4 =	sand.u32 $0x4000, s31;
	s1 =	sadd.s32 s1, s30  }
0xc9: {  	s0 =	sor.u32 s4, s0;
	s1 =	sshll.u32 s1, $0x11  }
0xca: {  	s0 =	sor.u32 s1, s0  }
0xcb: {  	s0 =	sadd.s32 $0x8F2B, s0  }
0xcc: {  	[sflag:s0] =	ssyncadd.remote.s32 $0x1  }
0xcd: {  	_ =	sfence.sel $0xFFFF  }
0xce: {  	[dreg:$0x0] =	wrdreg $0xFFFFFFFF;
	(pc) =	sbr.abs _section_cstart, $3  }
0xcf: {  	[dreg:$0x1] =	wrdreg $0xFFFFFFFF  }
0xd0: {  	_ =	task.clear_ibuf [dreg:s22], $0x2FFFF;
	_ =	strace $0x9FFFFFFF  }
0xd1: {  	(tm) =	ssettm $0x7FFFFFFF  }
tec
execute0_lowered:
.L_overlay_start_1:
0x0: {  	(tag) =	ssettag $0x1  }
0x1: {  	s5 =	rddreg [dreg:$0x0]  }
0x2: {  	s2 =	rddreg [dreg:$0x1]  }
0x3: {  	s1 =	stileid.u32;
	s4 =	srdreg.scid  }
0x4: {  	s3 =	simm.s32 $0x0;
	s19 =	simm.s32 $0x4000;
	s6 =	smul.u32 $0x2780, s1  }
0x5: {  	s28 =	simm.s32 $0x0;
	s7 =	sand.u32 $0x1, s4;
	s11 =	smul.u32 $0x1400, s1  }
0x6: {  	[smem:$0x7FF] =	sst s3;
	s15 =	sadd.s32 $0x8C00, s5;
	s20 =	smul.u32 $0x4F000, s1  }
0x7: {  	s4 =	sadd.s32 $0xD3400, s5;
	s31 =	sshll.u32 s1, $0x6;
	s8 =	smul.u32 $0x27800, s7  }
0x8: {  	_ =	strace $0x8000004A;
	s9 =	smul.u32 $0x14000, s7;
	s7 =	ssub.s32 $0x2, s7  }
0x9: {  	s10 =	sadd.s32 s6, s5;
	s21 =	sshrl.u32 s7, $0x1;
	s23 =	sshrl.u32 s20, $0x2  }
0xa: {  	s20 =	simm.s32 $0x4080;
	s6 =	sadd.s32 s6, s8;
	s13 =	sadd.s32 s11, s9  }
0xb: {  	s22 =	ssub.s32 s7, s21;
	s18 =	sadd.s32 s23, s2;
	s21 =	simm.s32 $0x4100  }
0xc: {  	s23 =	simm.s32 $0x1;
	s12 =	sadd.s32 s6, s5;
	s24 =	sshrl.u32 s13, $0x3  }
0xd: {  	s5 =	sadd.s32 $0x5CC00, s10;
	s14 =	sor.u32 $0x380, s13;
	s11 =	smax.u32 s22, $0x1  }
0xe: {  	s26 =	sor.u32 $0x300, s13;
	s16 =	sor.u32 $0x280, s13;
	s17 =	sor.u32 $0x200, s13  }
0xf: {  	s18 =	sshrl.u32 s18, $0x3;
	s22 =	simm.s32 $0x4180;
	s6 =	sadd.s32 s15, s24  }
0x10: {  	s10 =	sadd.s32 $0xD3C00, s12;
	s25 =	sshrl.u32 s14, $0x3;
	s14 =	sshrl.u32 s26, $0x3  }
.Ltmp0:
0x11: {  	s29 =	sshrl.u32 s16, $0x3;
	s30 =	sshrl.u32 s17, $0x3;
	(pc) =	sbr.rel .LBB2_1-.Ltmp0, $4  }
0x12: {  	s16 =	simm.s32 $0x5;
	s17 =	sor.u32 $0x1C05, s31;
	s24 =	simm.s32 $0x80  }
0x13: {  	s26 =	simm.s32 $0x4;
	s7 =	sadd.s32 $0x10, s6;
	s8 =	sadd.s32 $0x20, s6  }
0x14: {  	s9 =	sadd.s32 $0x30, s6;
	s12 =	sadd.s32 s25, s15;
	s13 =	sadd.s32 s14, s15  }
0x15: {  	s14 =	sadd.s32 s29, s15;
	s15 =	sadd.s32 s30, s15;
	s25 =	simm.s32 $0x3  }
.LBB2_4:
0x16: {  	_ =	swait.ge [sflag:s26], $0x80  }
0x17: {  	[sflag:s26] =	ssyncset.done $0x0  }
0x18: {  	[sflag:s26] =	ssyncadd.s32 $0xFFFFFF80  }
0x19: {  	[spmem:s2] =	stream.indirect.scatter.add.f32 [tilespmem:s3], [sflag:$0x5], $0x80, s22, s24, $0xb8;
	[tilespmem:$0x17E00] =	vst v63  }
0x1a: {  	_ =	swait.ge [sflag:s16], $0x4000  }
0x1b: {  	s28 =	sadd.s32 $0x1, s28;
	[sflag:s16] =	ssyncset.done $0x0  }
0x1c: {  	p0 =	sne.s32 s28, s11;
	[sflag:s16] =	ssyncadd.s32 $0xFFFFC000  }
.Ltmp1:
0x1d: {  	[bflag:$0x0] =	sbarrier.arrive $0xFFFF;
	(pc) =	sbr.rel @!p0 .LBB2_5-.Ltmp1, $4  }
0x1e: {  	[hbm:s10], [sflag:s17] =	dma.local [spmem:s18], $0x2780  }
0x1f: {  	_ =	swait.ge [sflag:s16], $0x2780  }
0x20: {  	[sflag:s16] =	ssyncset.done $0x0  }
0x21: {  	[sflag:s16] =	ssyncadd.s32 $0xFFFFD880  }
.LBB2_1:
0x22: {  	[tilespmem:s3], [sflag:$0x5] =	stream.linear.gather [hbm4b:s4+s3], $0x4000, $0x38;
	[tilespmem:$0x17E00] =	vst v63  }
0x23: {  	_ =	swait.ge [sflag:s16], $0x4000  }
0x24: {  	[sflag:s16] =	ssyncset.done $0x0  }
0x25: {  	[sflag:s16] =	ssyncadd.s32 $0xFFFFC000  }
0x26: {  	[spmem:s18], [sflag:s17] =	dma.local [hbm:s5], $0x2780  }
0x27: {  	_ =	swait.ge [sflag:s16], $0x2780  }
0x28: {  	[sflag:s16] =	ssyncset.done $0x0  }
0x29: {  	[sflag:s16] =	ssyncadd.s32 $0xFFFFD880  }
0x2a: {  	[bflag:$0x0] =	sbarrier.arrive $0xFFFF  }
0x2b: {  	[tilespmem:s19], [sflag:$0x1] =	stream.linear.gather [hbm4b:s6+s3], $0x80, $0x38;
	[tilespmem:$0x17E00] =	vst v63  }
0x2c: {  	_ = 	snop  }
0x2d: {  	[tilespmem:s20], [sflag:$0x2] =	stream.linear.gather [hbm4b:s7+s3], $0x80, $0x38;
	[tilespmem:$0x17E00] =	vst v63  }
0x2e: {  	_ = 	snop  }
0x2f: {  	[tilespmem:s21], [sflag:$0x3] =	stream.linear.gather [hbm4b:s8+s3], $0x80, $0x38;
	[tilespmem:$0x17E00] =	vst v63  }
0x30: {  	s29 =	simm.s32 $0x0  }
0x31: {  	[tilespmem:s22], [sflag:$0x4] =	stream.linear.gather [hbm4b:s9+s3], $0x80, $0x38;
	[tilespmem:$0x17E00] =	vst v63  }
.LBB2_2:
0x32: {  	_ =	swait.ge [sflag:s23], $0x80  }
0x33: {  	[sflag:s23] =	ssyncset.done $0x0  }
0x34: {  	[sflag:s23] =	ssyncadd.s32 $0xFFFFFF80  }
0x35: {  	[spmem:s2] =	stream.indirect.scatter.add.f32 [tilespmem:s3], [sflag:$0x5], $0x80, s19, s24, $0xb8;
	[tilespmem:$0x17E00] =	vst v63  }
0x36: {  	_ =	swait.ge [sflag:s16], $0x4000  }
0x37: {  	p0 =	seq.s32 s29, $0x240;
	[sflag:s16] =	ssyncset.done $0x0  }
0x38: {  	s30 =	simm.s32 @p0 $0x2;
	[sflag:s16] =	ssyncadd.s32 $0xFFFFC000  }
0x39: {  	_ =	swait.ge @p0 [sflag:s30], $0x80  }
0x3a: {  	s31 =	simm.s32 @p0 $0x4080;
	[sflag:s30] =	ssyncset.done @p0 $0x0  }
0x3b: {  	s0 =	simm.s32 @p0 $0x0;
	[sflag:s30] =	ssyncadd.s32 @p0 $0xFFFFFF80;
	s30 =	simm.s32 @p0 $0x80  }
0x3c: {  	[spmem:s2] =	stream.indirect.scatter.add.f32 @p0 [tilespmem:s0], [sflag:$0x5], $0x80, s31, s30, $0xb8;
	[tilespmem:$0x17E00] =	vst v63  }
0x3d: {  	s0 =	simm.s32 @p0 $0x5  }
0x3e: {  	_ =	swait.ge @p0 [sflag:s0], $0x4000  }
0x3f: {  	s30 =	simm.s32 @!p0 $0x0;
	[sflag:s0] =	ssyncset.done @p0 $0x0  }
0x40: {  	s31 =	simm.s32 @!p0 $0x4000;
	[sflag:s0] =	ssyncadd.s32 @p0 $0xFFFFC000;
	s0 =	sadd.s32 @!p0 s29, s15  }
0x41: {  	[tilespmem:s31], [sflag:$0x1] =	stream.linear.gather @!p0 [hbm4b:s0+s30], $0x80, $0x38;
	[tilespmem:$0x17E00] =	vst v63  }
0x42: {  	s0 =	simm.s32 @!p0 $0x2  }
0x43: {  	_ =	swait.ge @!p0 [sflag:s0], $0x80  }
0x44: {  	[sflag:s0] =	ssyncset.done @!p0 $0x0  }
0x45: {  	s31 =	simm.s32 @!p0 $0x4080;
	[sflag:s0] =	ssyncadd.s32 @!p0 $0xFFFFFF80;
	s0 =	simm.s32 @!p0 $0x80  }
0x46: {  	[spmem:s2] =	stream.indirect.scatter.add.f32 @!p0 [tilespmem:s30], [sflag:$0x5], $0x80, s31, s0, $0xb8;
	[tilespmem:$0x17E00] =	vst v63  }
0x47: {  	s0 =	simm.s32 @!p0 $0x5  }
0x48: {  	_ =	swait.ge @!p0 [sflag:s0], $0x4000  }
0x49: {  	[sflag:s0] =	ssyncset.done @!p0 $0x0  }
0x4a: {  	[sflag:s0] =	ssyncadd.s32 @!p0 $0xFFFFC000;
	s0 =	sadd.s32 @!p0 s29, s14  }
0x4b: {  	[tilespmem:s31], [sflag:$0x2] =	stream.linear.gather @!p0 [hbm4b:s0+s30], $0x80, $0x38;
	[tilespmem:$0x17E00] =	vst v63  }
0x4c: {  	_ =	swait.ge [sflag:s25], $0x80  }
0x4d: {  	[sflag:s25] =	ssyncset.done $0x0  }
.Ltmp2:
0x4e: {  	[sflag:s25] =	ssyncadd.s32 $0xFFFFFF80;
	(pc) =	sbr.rel @p0 .LBB2_4-.Ltmp2, $4  }
0x4f: {  	[spmem:s2] =	stream.indirect.scatter.add.f32 [tilespmem:s3], [sflag:$0x5], $0x80, s21, s24, $0xb8;
	[tilespmem:$0x17E00] =	vst v63  }
0x50: {  	_ =	swait.ge [sflag:s16], $0x4000  }
0x51: {  	[sflag:s16] =	ssyncset.done $0x0  }
0x52: {  	[sflag:s16] =	ssyncadd.s32 $0xFFFFC000  }
0x53: {  	s0 =	sadd.s32 s29, s13  }
0x54: {  	[tilespmem:s21], [sflag:$0x3] =	stream.linear.gather [hbm4b:s0+s3], $0x80, $0x38;
	[tilespmem:$0x17E00] =	vst v63  }
0x55: {  	_ =	swait.ge [sflag:s26], $0x80  }
0x56: {  	[sflag:s26] =	ssyncset.done $0x0  }
0x57: {  	[sflag:s26] =	ssyncadd.s32 $0xFFFFFF80  }
0x58: {  	[spmem:s2] =	stream.indirect.scatter.add.f32 [tilespmem:s3], [sflag:$0x5], $0x80, s22, s24, $0xb8;
	[tilespmem:$0x17E00] =	vst v63  }
.Ltmp3:
0x59: {  	_ = 	snop;
	(pc) =	sbr.rel .LBB2_2-.Ltmp3, $4  }
0x5a: {  	_ =	swait.ge [sflag:s16], $0x4000  }
0x5b: {  	[sflag:s16] =	ssyncset.done $0x0  }
0x5c: {  	s31 =	sadd.s32 s29, s12;
	s29 =	sadd.s32 $0x40, s29;
	[sflag:s16] =	ssyncadd.s32 $0xFFFFC000  }
0x5d: {  	[tilespmem:s22], [sflag:$0x4] =	stream.linear.gather [hbm4b:s31+s3], $0x80, $0x38;
	[tilespmem:$0x17E00] =	vst v63  }
.LBB2_5:
0x5e: {  	_ =	sfence.sel $0x180000  }
0x5f: {  	[bflag:$0x0] =	sbarrier.arrive $0xFFFF  }
0x60: {  	_ =	strace $0x9000004A  }
0x61: {  	[bflag:$0x2] =	sbarrier.arrive $0xFFFF  }
0x62: {  	p0 =	sne.s32 s1, $0x0;
	s0 =	rddreg [dreg:$0x2]  }
0x63: {  	s0 =	sadd.s32 @!p0 $0x100000, s0  }
0x64: {  	[sflag:s0] =	ssyncadd.tile.s32 @!p0 $0x1;
	_ =	shalt  }
.Lfunc_end2:
_tile_overlayer_lowered:
.L_overlay_start_2:
0x65: {  	(tag) =	ssettag $0x2  }
0x66: {  	s0 =	rddreg [dreg:$0x0];
	s2 =	stileid.u32  }
0x67: {  	s1 =	rddreg [dreg:$0x1];
	p0 =	sne.s32 s2, $0x0  }
0x68: {  	s3 =	rddreg [dreg:$0x2];
	[bflag:$0x3] =	sbarrier.arrive $0xFFFF;
	s2 =	simm.s32 @!p0 $0x1C05  }
0x69: {  	[timem:s3], [sflag:s2] =	dma.local @!p0 [hbm:s0], s1  }
0x6a: {  	s0 =	simm.s32 @!p0 $0x5  }
0x6b: {  	_ =	swait.ge @!p0 [sflag:s0], s1  }
0x6c: {  	s1 =	ssub.s32 @!p0 $0x0, s1;
	[sflag:s0] =	ssyncset.done @!p0 $0x0  }
0x6d: {  	[sflag:s0] =	ssyncadd.s32 @!p0 s1  }
0x6e: {  	[bflag:$0x3] =	sbarrier.arrive $0xFFFF  }
0x6f: {  	_ =	shalt  }

// kernel: sc_segment_sum_2.3.cloned.1.call-start
scs
__scs_entry_jumppad:
0x0: {  	(pc) =	sbr.rel $0x88, $3  }
0x1: {  	(tag) =	ssettag $0x0;
	lr =	simm.s32 $0x1  }
0x2: {  	[smem:$0x3F96] =	sst lr;
	_ =	strace $0xD0000000  }
0x3: {  	_ = 	snop  }
0x4: {  	_ = 	snop  }
0x5: {  	_ = 	snop  }
0x6: {  	_ = 	snop  }
0x7: {  	_ = 	snop  }
__scs_overlays_trampoline_lowered:
0x8: {  	[smem:$0x3FA5] =	sst s0  }
0x9: {  	[smem:$0x3FA6] =	sst s1  }
0xa: {  	[smem:$0x3FA7] =	sst s2  }
0xb: {  	[smem:$0x3FA8] =	sst s3  }
0xc: {  	[smem:$0x3FA9] =	sst s4  }
0xd: {  	[smem:$0x3FAA] =	sst s5  }
0xe: {  	[smem:$0x3FAB] =	sst s6  }
0xf: {  	[smem:$0x3FAC] =	sst s7  }
0x10: {  	[smem:$0x3FAD] =	sst s8  }
0x11: {  	[smem:$0x3FAE] =	sst s9;
	s0 =	simm.s32 @!p0 $0x0  }
0x12: {  	s1 =	sld [smem:$0x3F94];
	s0 =	simm.s32 @p0 $0x1  }
0x13: {  	[smem:$0x3FAF] =	sst s0;
	s0 =	simm.s32 @!p1 $0x0  }
0x14: {  	s2 =	sld [smem:$0x3F93];
	s0 =	simm.s32 @p1 $0x1  }
0x15: {  	[smem:$0x3FB0] =	sst s0;
	s0 =	simm.s32 @!p2 $0x0  }
0x16: {  	s3 =	sld [smem:$0x3FDB];
	s0 =	simm.s32 @p2 $0x1  }
0x17: {  	s4 =	simm.s32 $0x1BF5;
	[smem:$0x3FB2] =	sst s0  }
0x18: {  	s0 =	sld [smem:$0x3F95];
	_ =	swait.ge [sflag:s4], $0x0  }
0x19: {  	s7 =	sld [smem:$0x3F96]  }
0x1a: {  	s8 =	sadd.s32 $0xFFFFE003, lr  }
0x1b: {  	s9 =	sadd.s32 $0xFFFFFEF7, lr;
	s5 =	simm.s32 $0xFFFFFFFF;
	p2 =	slt.u32 s8, $0xFFFFF086  }
0x1c: {  	p1 =	slt.u32 s9, $0xF7A;
	s5 =	simm.s32 @!p2 $0x0  }
0x1d: {  	s5 =	simm.s32 @p1 $0x1;
	p0 =	seq.s32 s7, s2  }
0x1e: {  	s7 =	smul.u32 @!p0 $0xF7A, s2;
	p2 =	seq.s32 @!p0 s5, $0x0  }
0x1f: {  	s9 =	smul.u32 $0xF7A, s1;
	s8 =	simm.s32 @!p0 $0x1BF5;
	p2 =	por !p2, p0  }
0x20: {  	[sflag:s8] =	ssyncset.s32 @!p0 $0xFFFFF086;
	s6 =	sadd.s32 @!p0 s3, s7;
	s7 =	simm.s32 @!p0 $0x108  }
0x21: {  	s3 =	sadd.s32 s3, s9;
	s6 =	sadd.s32 @!p0 $0x88, s6;
	s7 =	simm.s32 @p2 $0x1082  }
0x22: {  	[simem:s7], [sflag:s8] =	dma.local @!p0 [hbm:s6], $0xF7A  }
0x23: {  	s9 =	sor.u32 $0xD0000000, s2;
	s6 =	simm.s32 $0x108;
	_ =	swait.ge @!p0 [sflag:s8], $0x0  }
0x24: {  	s3 =	sadd.s32 $0x88, s3;
	s6 =	simm.s32 @!p1 $0x1082;
	[sflag:s4] =	ssyncset.s32 $0xFFFFF086  }
0x25: {  	[simem:s6], [sflag:s4] =	dma.local [hbm:s3], $0xF7A  }
0x26: {  	[smem:$0x3F96] =	sst s1;
	(tag) =	ssettag s2;
	_ =	strace s9  }
0x27: {  	s1 =	sld [smem:$0x3FA6]  }
0x28: {  	s2 =	sld [smem:$0x3FA7]  }
0x29: {  	s4 =	sld [smem:$0x3FA9]  }
0x2a: {  	p0 =	seq.s32 s5, $0x0;
	s5 =	sld [smem:$0x3FAA]  }
0x2b: {  	s6 =	sld [smem:$0x3FAB]  }
0x2c: {  	s7 =	sld [smem:$0x3FAC]  }
0x2d: {  	s3 =	simm.s32 $0x108;
	s8 =	sld [smem:$0x3FAD]  }
0x2e: {  	s3 =	simm.s32 @!p0 $0x1082;
	s9 =	sld [smem:$0x3FAE]  }
0x2f: {  	lr =	sadd.s32 s0, s3;
	s0 =	sld [smem:$0x3FA5]  }
0x30: {  	s3 =	sld [smem:$0x3FA8]  }
0x31: {  	[smem:$0x3FB1] =	sst s10  }
0x32: {  	s10 =	sld [smem:$0x3FAF];
	_ =	sdelay $0x3  }
0x33: {  	p0 =	seq.s32 s10, $0x1;
	s10 =	sld [smem:$0x3FB1];
	_ =	sdelay $0x3  }
0x34: {  	[smem:$0x3FB1] =	sst s10  }
0x35: {  	s10 =	sld [smem:$0x3FB0];
	_ =	sdelay $0x3  }
0x36: {  	p1 =	seq.s32 s10, $0x1;
	s10 =	sld [smem:$0x3FB1];
	_ =	sdelay $0x3  }
0x37: {  	[smem:$0x3FB1] =	sst s10  }
0x38: {  	s10 =	sld [smem:$0x3FB2]  }
0x39: {  	_ = 	snop;
	(pc) =	sbr.ind lr, $3  }
0x3a: {  	_ = 	snop  }
0x3b: {  	_ = 	snop  }
0x3c: {  	p2 =	seq.s32 s10, $0x1;
	s10 =	sld [smem:$0x3FB1]  }
0x3d: {  	_ =	shalt  }
0x3e: {  	_ =	shalt  }
0x3f: {  	_ =	shalt  }
0x40: {  	_ =	shalt  }
0x41: {  	_ =	shalt  }
0x42: {  	_ =	shalt  }
0x43: {  	_ =	shalt  }
0x44: {  	_ =	shalt  }
0x45: {  	_ =	shalt  }
0x46: {  	_ =	shalt  }
0x47: {  	_ =	shalt  }
0x48: {  	_ =	shalt  }
0x49: {  	_ =	shalt  }
0x4a: {  	_ =	shalt  }
0x4b: {  	_ =	shalt  }
0x4c: {  	_ =	shalt  }
0x4d: {  	_ =	shalt  }
0x4e: {  	_ =	shalt  }
0x4f: {  	_ =	shalt  }
0x50: {  	_ =	shalt  }
0x51: {  	_ =	shalt  }
0x52: {  	_ =	shalt  }
0x53: {  	_ =	shalt  }
0x54: {  	_ =	shalt  }
0x55: {  	_ =	shalt  }
0x56: {  	_ =	shalt  }
0x57: {  	_ =	shalt  }
0x58: {  	_ =	shalt  }
0x59: {  	_ =	shalt  }
0x5a: {  	_ =	shalt  }
0x5b: {  	_ =	shalt  }
0x5c: {  	_ =	shalt  }
0x5d: {  	_ =	shalt  }
0x5e: {  	_ =	shalt  }
0x5f: {  	_ =	shalt  }
0x60: {  	_ =	shalt  }
0x61: {  	_ =	shalt  }
0x62: {  	_ =	shalt  }
0x63: {  	_ =	shalt  }
0x64: {  	_ =	shalt  }
0x65: {  	_ =	shalt  }
0x66: {  	_ =	shalt  }
0x67: {  	_ =	shalt  }
0x68: {  	_ =	shalt  }
0x69: {  	_ =	shalt  }
0x6a: {  	_ =	shalt  }
0x6b: {  	_ =	shalt  }
0x6c: {  	_ =	shalt  }
0x6d: {  	_ =	shalt  }
0x6e: {  	_ =	shalt  }
0x6f: {  	_ =	shalt  }
0x70: {  	_ =	shalt  }
0x71: {  	_ =	shalt  }
0x72: {  	_ =	shalt  }
0x73: {  	_ =	shalt  }
0x74: {  	_ =	shalt  }
0x75: {  	_ =	shalt  }
0x76: {  	_ =	shalt  }
0x77: {  	_ =	shalt  }
0x78: {  	_ =	shalt  }
0x79: {  	_ =	shalt  }
0x7a: {  	_ =	shalt  }
0x7b: {  	_ =	shalt  }
0x7c: {  	_ =	shalt  }
0x7d: {  	_ =	shalt  }
0x7e: {  	_ =	shalt  }
0x7f: {  	_ =	shalt  }
0x80: {  	_ =	shalt  }
0x81: {  	_ =	shalt  }
0x82: {  	_ =	shalt  }
0x83: {  	_ =	shalt  }
0x84: {  	_ =	shalt  }
0x85: {  	_ =	shalt  }
0x86: {  	_ =	shalt  }
0x87: {  	_ =	shalt  }
.Lfunc_end0:
.L_simem_size_0:
called_computation.1_lowered:
.L_overlay_start_0:
0x88: {  	s2 =	sld [smem:$0x3FD9]  }
0x89: {  	s3 =	sld [smem:$0x3FFE];
	_ =	sdelay $0x1  }
0x8a: {  	s1 =	srdreg.scid  }
0x8b: {  	s0 =	sand.u32 $0x1, s1  }
0x8c: {  	s16 =	sshll.u32 s0, $0xA;
	s2 =	sadd.s32 s3, s2  }
0x8d: {  	s2 =	sadd.s32 s2, s16  }
0x8e: {  	[smem:$0x3FBD] =	sst s2  }
0x8f: {  	_ = 	snop  }
0x90: {  	(tm) =	ssettm $0x1  }
0x91: {  	s17 =	sld [smem:$0x3FFB];
	_ =	sdelay $0x3  }
0x92: {  	_ =	strace s17  }
0x93: {  	s2 =	sld [smem:$0x3FFC];
	_ =	sdelay $0x3  }
0x94: {  	_ =	strace s2  }
0x95: {  	s2 =	sld [smem:$0x3FFD];
	_ =	sdelay $0x3  }
0x96: {  	_ =	strace s2  }
0x97: {  	_ =	strace $0x8FFFFFFF  }
0x98: {  	s18 =	sld [smem:$0x3FDB];
	_ =	sdelay $0x1  }
0x99: {  	s19 =	simm.s32 $_scs_section_size  }
0x9a: {  	s4 =	simm.s32 $_size__tile_overlayer_lowered;
	s5 =	simm.s32 $_tile_overlayer_lowered  }
0x9b: {  	s22 =	simm.s32 $0x1BFF;
	s21 =	sshll.u32 s5, $0x1;
	s2 =	sadd.s32 s19, s18  }
0x9c: {  	s6 =	simm.s32 $0x0;
	s20 =	sshll.u32 s4, $0x1;
	s4 =	sadd.s32 s21, s2  }
0x9d: {  	[timem:s6], [sflag:s22] =	dma.local [hbm:s4], s20  }
0x9e: {  	_ =	swait.ge [sflag:s22], s20  }
0x9f: {  	s3 =	ssub.s32 $0x0, s20;
	[sflag:s22] =	ssyncset.done $0x0  }
0xa0: {  	[sflag:s22] =	ssyncadd.s32 s3;
	_ =	sdelay $0x1  }
0xa1: {  	s23 =	simm.s32 $0x1B8B  }
0xa2: {  	_ =	swait.ge [sflag:s23], $0x1  }
0xa3: {  	[sflag:s23] =	ssyncset.done $0x0  }
0xa4: {  	s25 =	simm.s32 $0x1B8E;
	s24 =	sld [smem:$0x3FFE];
	[sflag:s23] =	ssyncadd.s32 $0xFFFFFFFF  }
0xa5: {  	s26 =	simm.s32 $execute0_lowered;
	[smem:$0x3FD2] =	sst s25  }
0xa6: {  	s4 =	sshll.u32 s26, $0x1;
	_ =	strace $0x80000046;
	[dreg:$0x1] =	wrdreg $0xFFFFFFFF  }
0xa7: {  	s28 =	simm.s32 $_size_execute0_lowered;
	s2 =	sadd.s32 s2, s4;
	[dreg:$0x0] =	wrdreg $0x0  }
0xa8: {  	s4 =	sshll.u32 s28, $0x1;
	[dreg:$0x2] =	wrdreg s2  }
0xa9: {  	[dreg:$0x3] =	wrdreg s4  }
0xaa: {  	[dreg:$0x4] =	wrdreg $0xC0  }
0xab: {  	_ =	task [dreg:s6], $0x5FFFF  }
0xac: {  	[dreg:$0x1] =	wrdreg $0xFFFFFFFF  }
0xad: {  	[dreg:$0x0] =	wrdreg $0x60  }
0xae: {  	[dreg:$0x2] =	wrdreg s24  }
0xaf: {  	[dreg:$0x3] =	wrdreg $0xAA000  }
0xb0: {  	[dreg:$0x4] =	wrdreg $0xA  }
0xb1: {  	_ =	task.clear_ibuf [dreg:s6], $0x5FFFF;
	_ =	strace $0x90000046  }
0xb2: {  	s29 =	simm.s32 $0xA;
	_ =	strace $0x80000048  }
0xb3: {  	_ =	swait.ge [sflag:s29], $0x1  }
0xb4: {  	[sflag:s29] =	ssyncadd.s32 $0xFFFFFFFF  }
0xb5: {  	_ =	strace $0x90000048  }
0xb6: {  	_ =	sfence  }
0xb7: {  	s30 =	sld [smem:$0x0];
	_ =	sdelay $0x2  }
0xb8: {  	s31 =	sshll.u32 s1, $0xD;
	s1 =	sshrl.u32 s1, $0x2  }
0xb9: {  	s3 =	sand.u32 $0x4000, s31;
	s1 =	sadd.s32 s1, s30  }
0xba: {  	s0 =	sor.u32 s3, s0;
	s1 =	sshll.u32 s1, $0x11  }
0xbb: {  	s0 =	sor.u32 s1, s0  }
0xbc: {  	s0 =	sadd.s32 $0x8F2B, s0  }
0xbd: {  	[sflag:s0] =	ssyncadd.remote.s32 $0x1  }
0xbe: {  	_ =	sfence.sel $0xFFFF  }
0xbf: {  	[dreg:$0x0] =	wrdreg $0xFFFFFFFF;
	(pc) =	sbr.abs _section_cstart, $3  }
0xc0: {  	[dreg:$0x1] =	wrdreg $0xFFFFFFFF  }
0xc1: {  	_ =	task.clear_ibuf [dreg:s6], $0x2FFFF;
	_ =	strace $0x9FFFFFFF  }
0xc2: {  	(tm) =	ssettm $0x7FFFFFFF  }
0xc3: {  	_ =	shalt  }
tec
execute0_lowered:
.L_overlay_start_1:
0x0: {  	(tag) =	ssettag $0x1  }
0x1: {  	s0 =	rddreg [dreg:$0x0]  }
0x2: {  	s2 =	rddreg [dreg:$0x1];
	s14 =	stileid.u32  }
0x3: {  	s3 =	simm.s32 $0x0;
	s5 =	srdreg.scid;
	s17 =	simm.s32 $0xA800  }
0x4: {  	s18 =	simm.s32 $0xA880;
	s19 =	simm.s32 $0xA900;
	s1 =	smul.u32 $0x500, s14  }
0x5: {  	s28 =	simm.s32 $0x8800;
	s29 =	simm.s32 $0x1;
	s4 =	smul.u32 $0x2780, s14  }
0x6: {  	s30 =	simm.s32 $0x3;
	s31 =	simm.s32 $0x5;
	s6 =	smul.u32 $0x278, s14  }
0x7: {  	[smem:$0x7FF] =	sst s3;
	s5 =	sand.u32 $0x1, s5;
	s11 =	smul.u32 $0x2800, s14  }
0x8: {  	s9 =	sadd.s32 $0x8C00, s0;
	s13 =	smul.u32 $0x4F000, s14;
	s26 =	sshll.u32 s14, $0x6  }
0x9: {  	s14 =	simm.s32 $0x9;
	_ =	strace $0x80000047;
	s8 =	smul.u32 $0x2780, s5  }
0xa: {  	s5 =	ssub.s32 $0x2, s5;
	s7 =	sadd.s32 s1, s0;
	s10 =	sadd.s32 s4, s0  }
0xb: {  	s4 =	sadd.s32 $0xDC00, s0;
	s12 =	sshrl.u32 s5, $0x1;
	s20 =	sshrl.u32 s11, $0x3  }
0xc: {  	s21 =	sshrl.u32 s13, $0x2;
	s25 =	sadd.s32 s1, s9;
	s1 =	simm.s32 $0x4  }
0xd: {  	s6 =	sadd.s32 s6, s8;
	s5 =	ssub.s32 s5, s12;
	s7 =	sadd.s32 $0x3C00, s7  }
0xe: {  	s10 =	sadd.s32 $0x5CC00, s10;
	v0 =	vmov s8;
	s8 =	simm.s32 $0x0;
	[dreg:$0x3] =	wrdreg s7  }
0xf: {  	s6 =	sshll.u32 s6, $0x4;
	[dreg:$0x5] =	wrdreg s10;
	s24 =	smax.u32 s5, $0x1  }
0x10: {  	s7 =	sadd.s32 s21, s2;
	s10 =	sor.u32 $0x1C09, s26;
	[dreg:$0xa] =	wrdreg s24  }
0x11: {  	s0 =	sadd.s32 s6, s0;
	s6 =	sadd.s32 s9, s20;
	[dreg:$0xc] =	wrdreg s10  }
0x12: {  	s21 =	simm.s32 $0x40;
	s12 =	sshrl.u32 s7, $0x3;
	[dreg:$0x4] =	wrdreg s6  }
0x13: {  	s26 =	simm.s32 $0x6;
	s22 =	sadd.s32 $0x10, s6;
	[dreg:$0xd] =	wrdreg s12  }
0x14: {  	s5 =	simm.s32 $0x7;
	s23 =	sadd.s32 $0x20, s6;
	[dreg:$0x6] =	wrdreg s22  }
.Ltmp0:
0x15: {  	s6 =	sadd.s32 $0x30, s6;
	[dreg:$0x7] =	wrdreg s23;
	(pc) =	sbr.rel .LBB2_1-.Ltmp0, $4  }
0x16: {  	s20 =	simm.s32 $0xA980;
	s0 =	sadd.s32 $0x84400, s0;
	[dreg:$0x8] =	wrdreg s6  }
0x17: {  	s24 =	simm.s32 $0x80;
	s7 =	simm.s32 $0x8;
	[dreg:$0x9] =	wrdreg s0  }
0x18: {  	s0 =	sadd.s32 $0x40, s25;
	s22 =	simm.s32 $0x2800;
	s23 =	simm.s32 $0x4800  }
0x19: {  	s25 =	simm.s32 $0x6800;
	[dreg:$0xb] =	wrdreg s0;
	s0 =	simm.s32 $0x2  }
.LBB2_6:
0x1a: {  	[bflag:$0x0] =	sbarrier.arrive $0xFFFF  }
0x1b: {  	s6 =	rddreg [dreg:$0x9]  }
0x1c: {  	s10 =	rddreg [dreg:$0xc]  }
0x1d: {  	s12 =	rddreg [dreg:$0xd]  }
0x1e: {  	[hbm:s6], [sflag:s10] =	dma.local [spmem:s12], $0x2780  }
0x1f: {  	_ =	swait.ge [sflag:s14], $0x2780  }
0x20: {  	s8 =	sadd.s32 $0x1, s8;
	s16 =	rddreg [dreg:$0xa]  }
0x21: {  	p0 =	sne.s32 s8, s16  }
.Ltmp1:
0x22: {  	_ = 	snop;
	(pc) =	sbr.rel @!p0 .LBB2_7-.Ltmp1, $3  }
0x23: {  	_ =	sdelay $0x1  }
0x24: {  	[sflag:s14] =	ssyncset.done $0x0  }
0x25: {  	[sflag:s14] =	ssyncadd.s32 $0xFFFFD880  }
.LBB2_1:
0x26: {  	s6 =	rddreg [dreg:$0x3]  }
0x27: {  	[tilespmem:s3], [sflag:$0x9] =	stream.linear.gather [hbm4b:s6+s3], $0x2800, $0x38;
	[tilespmem:$0x1E600] =	vst v63  }
0x28: {  	_ =	swait.ge [sflag:s14], $0x2800  }
0x29: {  	[sflag:s14] =	ssyncset.done $0x0  }
0x2a: {  	s9 =	simm.s32 $0x0;
	[sflag:s14] =	ssyncadd.s32 $0xFFFFD800  }
0x2b: {  	v3 =	vld [tilespmem:s9+$0x0]  }
0x2c: {  	v5 =	vld [tilespmem:s9+$0x10]  }
0x2d: {  	v4 =	vld [tilespmem:s9+$0x20]  }
0x2e: {  	v2 =	vld [tilespmem:s9+$0x30]  }
0x2f: {  	v1 =	vld [tilespmem:s9+$0x40]  }
0x30: {  	v6 =	vadd.s32 v0, v3;
	v3 =	vld [tilespmem:s9+$0x50]  }
0x31: {  	s11 =	simm.s32 $0x200;
	[tilespmem:s9+$0x0] =	vst v6;
	v6 =	vadd.s32 v0, v5;
	v5 =	vld [tilespmem:s9+$0x60]  }
.LBB2_2:
0x32: {  	s13 =	sshra.s32 s11, $0x2;
	p0 =	sne.s32 s11, $0x9E00;
	[tilespmem:s9+$0x10] =	vst v6;
	v4 =	vadd.s32 v0, v4;
	v6 =	vld [tilespmem:s9+$0x70]  }
0x33: {  	v7 =	vld [tilespmem:s13+$0x0];
	[tilespmem:s9+$0x20] =	vst v4;
	v2 =	vadd.s32 v0, v2  }
0x34: {  	v8 =	vld [tilespmem:s13+$0x10];
	[tilespmem:s9+$0x30] =	vst v2;
	v1 =	vadd.s32 v0, v1  }
.Ltmp2:
0x35: {  	v4 =	vld [tilespmem:s13+$0x20];
	[tilespmem:s9+$0x40] =	vst v1;
	v1 =	vadd.s32 v0, v3;
	(pc) =	sbr.rel @p0 .LBB2_2-.Ltmp2, $4  }
0x36: {  	v2 =	vld [tilespmem:s13+$0x30];
	[tilespmem:s9+$0x50] =	vst v1;
	v3 =	vadd.s32 v0, v5  }
0x37: {  	v1 =	vld [tilespmem:s13+$0x40];
	[tilespmem:s9+$0x60] =	vst v3;
	v5 =	vadd.s32 v0, v6  }
0x38: {  	v6 =	vadd.s32 v0, v7;
	v3 =	vld [tilespmem:s13+$0x50];
	[tilespmem:s9+$0x70] =	vst v5;
	s9 =	smov.u32 s13  }
0x39: {  	s11 =	sadd.s32 $0x200, s11;
	[tilespmem:s9+$0x0] =	vst v6;
	v6 =	vadd.s32 v0, v8;
	v5 =	vld [tilespmem:s9+$0x60]  }
0x3a: {  	[tilespmem:s9+$0x10] =	vst v6;
	v4 =	vadd.s32 v0, v4;
	v63 =	vld [tilespmem:s9+$0x70]  }
0x3b: {  	[tilespmem:s9+$0x20] =	vst v4;
	v2 =	vadd.s32 v0, v2  }
0x3c: {  	[tilespmem:s9+$0x30] =	vst v2;
	v1 =	vadd.s32 v0, v1  }
0x3d: {  	[tilespmem:s9+$0x40] =	vst v1;
	v1 =	vadd.s32 v0, v3  }
0x3e: {  	[tilespmem:s9+$0x50] =	vst v1;
	v1 =	vadd.s32 v0, v5  }
0x3f: {  	[tilespmem:s9+$0x60] =	vst v1;
	v1 =	vadd.s32 v0, v63  }
0x40: {  	s6 =	rddreg [dreg:$0x5];
	[tilespmem:s9+$0x70] =	vst v1  }
0x41: {  	[spmem:s12], [sflag:s10] =	dma.local [hbm:s6], $0x2780  }
0x42: {  	_ =	swait.ge [sflag:s14], $0x2780  }
0x43: {  	[sflag:s14] =	ssyncset.done $0x0  }
0x44: {  	[sflag:s14] =	ssyncadd.s32 $0xFFFFD880  }
0x45: {  	[bflag:$0x0] =	sbarrier.arrive $0xFFFF  }
0x46: {  	s9 =	simm.s32 $0x0;
	s11 =	rddreg [dreg:$0x4]  }
0x47: {  	[tilespmem:s17], [sflag:$0x5] =	stream.linear.gather [hbm4b:s11+s9], $0x80, $0x38;
	[tilespmem:$0x1E600] =	vst v63  }
0x48: {  	s12 =	rddreg [dreg:$0x6]  }
0x49: {  	[tilespmem:s18], [sflag:$0x6] =	stream.linear.gather [hbm4b:s12+s9], $0x80, $0x38;
	[tilespmem:$0x1E600] =	vst v63  }
0x4a: {  	s13 =	rddreg [dreg:$0x7]  }
0x4b: {  	[tilespmem:s19], [sflag:$0x7] =	stream.linear.gather [hbm4b:s13+s9], $0x80, $0x38;
	[tilespmem:$0x1E600] =	vst v63  }
0x4c: {  	s15 =	rddreg [dreg:$0x8]  }
0x4d: {  	[tilespmem:s20], [sflag:$0x8] =	stream.linear.gather [hbm4b:s15+s9], $0x80, $0x38;
	[tilespmem:$0x1E600] =	vst v63  }
0x4e: {  	_ = 	snop  }
0x4f: {  	[tilespmem:s22], [sflag:$0x1] =	stream.indirect.gather [hbm4b:s4+s21], $0x80, s9, s21, $0xb8;
	[tilespmem:$0x1E600] =	vst v63  }
0x50: {  	_ = 	snop  }
0x51: {  	[tilespmem:s23], [sflag:$0x3] =	stream.indirect.gather [hbm4b:s4+s21], $0x80, s21, s21, $0xb8;
	[tilespmem:$0x1E600] =	vst v63  }
0x52: {  	_ = 	snop  }
0x53: {  	[tilespmem:s25], [sflag:$0x2] =	stream.indirect.gather [hbm4b:s4+s21], $0x80, s24, s21, $0xb8;
	[tilespmem:$0x1E600] =	vst v63  }
0x54: {  	s16 =	simm.s32 $0xC0;
	s13 =	rddreg [dreg:$0xb]  }
0x55: {  	[tilespmem:s28], [sflag:$0x4] =	stream.indirect.gather [hbm4b:s4+s21], $0x80, s16, s21, $0xb8;
	[tilespmem:$0x1E600] =	vst v63  }
.LBB2_4:
0x56: {  	_ =	swait.ge [sflag:s29], $0x2000  }
0x57: {  	[sflag:s29] =	ssyncset.done $0x0  }
0x58: {  	[sflag:s29] =	ssyncadd.s32 $0xFFFFE000  }
0x59: {  	_ =	swait.ge [sflag:s30], $0x2000  }
0x5a: {  	[sflag:s30] =	ssyncset.done $0x0  }
0x5b: {  	[sflag:s30] =	ssyncadd.s32 $0xFFFFE000  }
0x5c: {  	_ =	swait.ge [sflag:s31], $0x80  }
0x5d: {  	[sflag:s31] =	ssyncset.done $0x0  }
0x5e: {  	[sflag:s31] =	ssyncadd.s32 $0xFFFFFF80  }
0x5f: {  	[spmem:s2] =	stream.indirect.scatter.add.f32 [tilespmem:s22], [sflag:$0x9], $0x80, s17, s24, $0xb8;
	[tilespmem:$0x1E600] =	vst v63  }
0x60: {  	_ =	swait.ge [sflag:s14], $0x4000  }
0x61: {  	s11 =	sshra.s32 s9, $0x2;
	[sflag:s14] =	ssyncset.done $0x0  }
0x62: {  	s12 =	sadd.s32 $0x100, s11;
	[sflag:s14] =	ssyncadd.s32 $0xFFFFC000  }
0x63: {  	[tilespmem:s22], [sflag:$0x1] =	stream.indirect.gather [hbm4b:s4+s21], $0x80, s12, s21, $0xb8;
	[tilespmem:$0x1E600] =	vst v63  }
0x64: {  	p0 =	seq.s32 s9, $0x9800;
	s10 =	sadd.s32 $0x140, s11  }
0x65: {  	[tilespmem:s23], [sflag:$0x3] =	stream.indirect.gather [hbm4b:s4+s21], $0x80, s10, s21, $0xb8;
	[tilespmem:$0x1E600] =	vst v63  }
0x66: {  	s12 =	simm.s32 @!p0 $0x0;
	s10 =	simm.s32 @!p0 $0xA800  }
0x67: {  	[tilespmem:s10], [sflag:$0x5] =	stream.linear.gather @!p0 [hbm4b:s13+s12], $0x80, $0x38;
	[tilespmem:$0x1E600] =	vst v63  }
0x68: {  	_ =	swait.ge [sflag:s0], $0x2000  }
0x69: {  	[sflag:s0] =	ssyncset.done $0x0  }
0x6a: {  	[sflag:s0] =	ssyncadd.s32 $0xFFFFE000  }
0x6b: {  	_ =	swait.ge [sflag:s1], $0x2000  }
0x6c: {  	[sflag:s1] =	ssyncset.done $0x0  }
0x6d: {  	[sflag:s1] =	ssyncadd.s32 $0xFFFFE000  }
0x6e: {  	_ =	swait.ge [sflag:s26], $0x80  }
0x6f: {  	[sflag:s26] =	ssyncset.done $0x0  }
0x70: {  	[sflag:s26] =	ssyncadd.s32 $0xFFFFFF80  }
0x71: {  	[spmem:s2] =	stream.indirect.scatter.add.f32 [tilespmem:s25], [sflag:$0x9], $0x80, s18, s24, $0xb8;
	[tilespmem:$0x1E600] =	vst v63  }
0x72: {  	_ =	swait.ge [sflag:s14], $0x4000  }
0x73: {  	[sflag:s14] =	ssyncset.done $0x0  }
0x74: {  	s15 =	sadd.s32 $0x180, s11;
	[sflag:s14] =	ssyncadd.s32 $0xFFFFC000  }
0x75: {  	[tilespmem:s25], [sflag:$0x2] =	stream.indirect.gather [hbm4b:s4+s21], $0x80, s15, s21, $0xb8;
	[tilespmem:$0x1E600] =	vst v63  }
0x76: {  	s16 =	sadd.s32 $0x1C0, s11  }
0x77: {  	[tilespmem:s28], [sflag:$0x4] =	stream.indirect.gather [hbm4b:s4+s21], $0x80, s16, s21, $0xb8;
	[tilespmem:$0x1E600] =	vst v63  }
0x78: {  	s6 =	simm.s32 @!p0 $0xA880;
	s10 =	sadd.s32 @!p0 $0x10, s13  }
0x79: {  	[tilespmem:s6], [sflag:$0x6] =	stream.linear.gather @!p0 [hbm4b:s10+s12], $0x80, $0x38;
	[tilespmem:$0x1E600] =	vst v63  }
0x7a: {  	_ =	swait.ge [sflag:s29], $0x2000  }
0x7b: {  	[sflag:s29] =	ssyncset.done $0x0  }
0x7c: {  	[sflag:s29] =	ssyncadd.s32 $0xFFFFE000  }
0x7d: {  	_ =	swait.ge [sflag:s30], $0x2000  }
0x7e: {  	[sflag:s30] =	ssyncset.done $0x0  }
0x7f: {  	[sflag:s30] =	ssyncadd.s32 $0xFFFFE000  }
0x80: {  	_ =	swait.ge [sflag:s5], $0x80  }
0x81: {  	[sflag:s5] =	ssyncset.done $0x0  }
0x82: {  	[sflag:s5] =	ssyncadd.s32 $0xFFFFFF80  }
0x83: {  	[spmem:s2] =	stream.indirect.scatter.add.f32 [tilespmem:s22], [sflag:$0x9], $0x80, s19, s24, $0xb8;
	[tilespmem:$0x1E600] =	vst v63  }
0x84: {  	_ =	swait.ge [sflag:s14], $0x4000  }
0x85: {  	s15 =	simm.s32 @!p0 $0x40;
	s6 =	sshra.s32 @!p0 s9, $0x2;
	[sflag:s14] =	ssyncset.done $0x0  }
0x86: {  	s16 =	simm.s32 @!p0 $0x2800;
	s10 =	sadd.s32 @!p0 $0x200, s6;
	[sflag:s14] =	ssyncadd.s32 $0xFFFFC000  }
0x87: {  	[tilespmem:s16], [sflag:$0x1] =	stream.indirect.gather @!p0 [hbm4b:s4+s15], $0x80, s10, s15, $0xb8;
	[tilespmem:$0x1E600] =	vst v63  }
0x88: {  	s6 =	sadd.s32 @!p0 $0x240, s6;
	s10 =	simm.s32 @!p0 $0x4800  }
0x89: {  	[tilespmem:s10], [sflag:$0x3] =	stream.indirect.gather @!p0 [hbm4b:s4+s15], $0x80, s6, s15, $0xb8;
	[tilespmem:$0x1E600] =	vst v63  }
0x8a: {  	s6 =	sadd.s32 @!p0 $0x20, s13;
	s10 =	simm.s32 @!p0 $0xA900  }
0x8b: {  	[tilespmem:s10], [sflag:$0x7] =	stream.linear.gather @!p0 [hbm4b:s6+s12], $0x80, $0x38;
	[tilespmem:$0x1E600] =	vst v63  }
0x8c: {  	_ =	swait.ge [sflag:s0], $0x2000  }
0x8d: {  	[sflag:s0] =	ssyncset.done $0x0  }
0x8e: {  	[sflag:s0] =	ssyncadd.s32 $0xFFFFE000  }
0x8f: {  	_ =	swait.ge [sflag:s1], $0x2000  }
0x90: {  	[sflag:s1] =	ssyncset.done $0x0  }
0x91: {  	[sflag:s1] =	ssyncadd.s32 $0xFFFFE000  }
0x92: {  	_ =	swait.ge [sflag:s7], $0x80  }
0x93: {  	[sflag:s7] =	ssyncset.done $0x0  }
.Ltmp3:
0x94: {  	[sflag:s7] =	ssyncadd.s32 $0xFFFFFF80;
	(pc) =	sbr.rel @p0 .LBB2_6-.Ltmp3, $4  }
0x95: {  	[spmem:s2] =	stream.indirect.scatter.add.f32 [tilespmem:s25], [sflag:$0x9], $0x80, s20, s24, $0xb8;
	[tilespmem:$0x1E600] =	vst v63  }
0x96: {  	_ =	swait.ge [sflag:s14], $0x4000  }
0x97: {  	[sflag:s14] =	ssyncset.done $0x0  }
0x98: {  	[sflag:s14] =	ssyncadd.s32 $0xFFFFC000  }
0x99: {  	s6 =	sadd.s32 $0x280, s11  }
0x9a: {  	[tilespmem:s25], [sflag:$0x2] =	stream.indirect.gather [hbm4b:s4+s21], $0x80, s6, s21, $0xb8;
	[tilespmem:$0x1E600] =	vst v63  }
.Ltmp4:
0x9b: {  	_ = 	snop;
	(pc) =	sbr.rel .LBB2_4-.Ltmp4, $4  }
0x9c: {  	s15 =	sadd.s32 $0x2C0, s11  }
0x9d: {  	[tilespmem:s28], [sflag:$0x4] =	stream.indirect.gather [hbm4b:s4+s21], $0x80, s15, s21, $0xb8;
	[tilespmem:$0x1E600] =	vst v63  }
0x9e: {  	s16 =	sadd.s32 $0x30, s13;
	s13 =	sadd.s32 $0x40, s13;
	s9 =	sadd.s32 $0x800, s9  }
0x9f: {  	[tilespmem:s20], [sflag:$0x8] =	stream.linear.gather [hbm4b:s16+s3], $0x80, $0x38;
	[tilespmem:$0x1E600] =	vst v63  }
.LBB2_7:
0xa0: {  	_ =	sfence.sel $0x180000  }
0xa1: {  	[bflag:$0x0] =	sbarrier.arrive $0xFFFF  }
0xa2: {  	_ =	strace $0x90000047  }
0xa3: {  	s0 =	stileid.u32;
	[bflag:$0x2] =	sbarrier.arrive $0xFFFF  }
0xa4: {  	p0 =	sne.s32 s0, $0x0;
	s0 =	rddreg [dreg:$0x2]  }
0xa5: {  	s0 =	sadd.s32 @!p0 $0x100000, s0  }
0xa6: {  	[sflag:s0] =	ssyncadd.tile.s32 @!p0 $0x1;
	_ =	shalt  }
.Lfunc_end2:
_tile_overlayer_lowered:
.L_overlay_start_2:
0xa7: {  	(tag) =	ssettag $0x2  }
0xa8: {  	s0 =	rddreg [dreg:$0x0];
	s2 =	stileid.u32  }
0xa9: {  	s1 =	rddreg [dreg:$0x1];
	p0 =	sne.s32 s2, $0x0  }
0xaa: {  	s3 =	rddreg [dreg:$0x2];
	[bflag:$0x3] =	sbarrier.arrive $0xFFFF;
	s2 =	simm.s32 @!p0 $0x1C09  }
0xab: {  	[timem:s3], [sflag:s2] =	dma.local @!p0 [hbm:s0], s1  }
0xac: {  	s0 =	simm.s32 @!p0 $0x9  }
0xad: {  	_ =	swait.ge @!p0 [sflag:s0], s1  }
0xae: {  	s1 =	ssub.s32 @!p0 $0x0, s1;
	[sflag:s0] =	ssyncset.done @!p0 $0x0  }
0xaf: {  	[sflag:s0] =	ssyncadd.s32 @!p0 s1  }
0xb0: {  	[bflag:$0x3] =	sbarrier.arrive $0xFFFF  }
0xb1: {  	_ =	shalt  }

// kernel: sc_segment_sum_4.4.cloned.1.call-start
scs
__scs_entry_jumppad:
0x0: {  	(pc) =	sbr.rel $0x88, $3  }
0x1: {  	(tag) =	ssettag $0x0;
	lr =	simm.s32 $0x1  }
0x2: {  	[smem:$0x3F96] =	sst lr;
	_ =	strace $0xD0000000  }
0x3: {  	_ = 	snop  }
0x4: {  	_ = 	snop  }
0x5: {  	_ = 	snop  }
0x6: {  	_ = 	snop  }
0x7: {  	_ = 	snop  }
__scs_overlays_trampoline_lowered:
0x8: {  	[smem:$0x3FA5] =	sst s0  }
0x9: {  	[smem:$0x3FA6] =	sst s1  }
0xa: {  	[smem:$0x3FA7] =	sst s2  }
0xb: {  	[smem:$0x3FA8] =	sst s3  }
0xc: {  	[smem:$0x3FA9] =	sst s4  }
0xd: {  	[smem:$0x3FAA] =	sst s5  }
0xe: {  	[smem:$0x3FAB] =	sst s6  }
0xf: {  	[smem:$0x3FAC] =	sst s7  }
0x10: {  	[smem:$0x3FAD] =	sst s8  }
0x11: {  	[smem:$0x3FAE] =	sst s9;
	s0 =	simm.s32 @!p0 $0x0  }
0x12: {  	s1 =	sld [smem:$0x3F94];
	s0 =	simm.s32 @p0 $0x1  }
0x13: {  	[smem:$0x3FAF] =	sst s0;
	s0 =	simm.s32 @!p1 $0x0  }
0x14: {  	s2 =	sld [smem:$0x3F93];
	s0 =	simm.s32 @p1 $0x1  }
0x15: {  	[smem:$0x3FB0] =	sst s0;
	s0 =	simm.s32 @!p2 $0x0  }
0x16: {  	s3 =	sld [smem:$0x3FDB];
	s0 =	simm.s32 @p2 $0x1  }
0x17: {  	s4 =	simm.s32 $0x1BF5;
	[smem:$0x3FB2] =	sst s0  }
0x18: {  	s0 =	sld [smem:$0x3F95];
	_ =	swait.ge [sflag:s4], $0x0  }
0x19: {  	s7 =	sld [smem:$0x3F96]  }
0x1a: {  	s8 =	sadd.s32 $0xFFFFE003, lr  }
0x1b: {  	s9 =	sadd.s32 $0xFFFFFEF7, lr;
	s5 =	simm.s32 $0xFFFFFFFF;
	p2 =	slt.u32 s8, $0xFFFFF086  }
0x1c: {  	p1 =	slt.u32 s9, $0xF7A;
	s5 =	simm.s32 @!p2 $0x0  }
0x1d: {  	s5 =	simm.s32 @p1 $0x1;
	p0 =	seq.s32 s7, s2  }
0x1e: {  	s7 =	smul.u32 @!p0 $0xF7A, s2;
	p2 =	seq.s32 @!p0 s5, $0x0  }
0x1f: {  	s9 =	smul.u32 $0xF7A, s1;
	s8 =	simm.s32 @!p0 $0x1BF5;
	p2 =	por !p2, p0  }
0x20: {  	[sflag:s8] =	ssyncset.s32 @!p0 $0xFFFFF086;
	s6 =	sadd.s32 @!p0 s3, s7;
	s7 =	simm.s32 @!p0 $0x108  }
0x21: {  	s3 =	sadd.s32 s3, s9;
	s6 =	sadd.s32 @!p0 $0x88, s6;
	s7 =	simm.s32 @p2 $0x1082  }
0x22: {  	[simem:s7], [sflag:s8] =	dma.local @!p0 [hbm:s6], $0xF7A  }
0x23: {  	s9 =	sor.u32 $0xD0000000, s2;
	s6 =	simm.s32 $0x108;
	_ =	swait.ge @!p0 [sflag:s8], $0x0  }
0x24: {  	s3 =	sadd.s32 $0x88, s3;
	s6 =	simm.s32 @!p1 $0x1082;
	[sflag:s4] =	ssyncset.s32 $0xFFFFF086  }
0x25: {  	[simem:s6], [sflag:s4] =	dma.local [hbm:s3], $0xF7A  }
0x26: {  	[smem:$0x3F96] =	sst s1;
	(tag) =	ssettag s2;
	_ =	strace s9  }
0x27: {  	s1 =	sld [smem:$0x3FA6]  }
0x28: {  	s2 =	sld [smem:$0x3FA7]  }
0x29: {  	s4 =	sld [smem:$0x3FA9]  }
0x2a: {  	p0 =	seq.s32 s5, $0x0;
	s5 =	sld [smem:$0x3FAA]  }
0x2b: {  	s6 =	sld [smem:$0x3FAB]  }
0x2c: {  	s7 =	sld [smem:$0x3FAC]  }
0x2d: {  	s3 =	simm.s32 $0x108;
	s8 =	sld [smem:$0x3FAD]  }
0x2e: {  	s3 =	simm.s32 @!p0 $0x1082;
	s9 =	sld [smem:$0x3FAE]  }
0x2f: {  	lr =	sadd.s32 s0, s3;
	s0 =	sld [smem:$0x3FA5]  }
0x30: {  	s3 =	sld [smem:$0x3FA8]  }
0x31: {  	[smem:$0x3FB1] =	sst s10  }
0x32: {  	s10 =	sld [smem:$0x3FAF];
	_ =	sdelay $0x3  }
0x33: {  	p0 =	seq.s32 s10, $0x1;
	s10 =	sld [smem:$0x3FB1];
	_ =	sdelay $0x3  }
0x34: {  	[smem:$0x3FB1] =	sst s10  }
0x35: {  	s10 =	sld [smem:$0x3FB0];
	_ =	sdelay $0x3  }
0x36: {  	p1 =	seq.s32 s10, $0x1;
	s10 =	sld [smem:$0x3FB1];
	_ =	sdelay $0x3  }
0x37: {  	[smem:$0x3FB1] =	sst s10  }
0x38: {  	s10 =	sld [smem:$0x3FB2]  }
0x39: {  	_ = 	snop;
	(pc) =	sbr.ind lr, $3  }
0x3a: {  	_ = 	snop  }
0x3b: {  	_ = 	snop  }
0x3c: {  	p2 =	seq.s32 s10, $0x1;
	s10 =	sld [smem:$0x3FB1]  }
0x3d: {  	_ =	shalt  }
0x3e: {  	_ =	shalt  }
0x3f: {  	_ =	shalt  }
0x40: {  	_ =	shalt  }
0x41: {  	_ =	shalt  }
0x42: {  	_ =	shalt  }
0x43: {  	_ =	shalt  }
0x44: {  	_ =	shalt  }
0x45: {  	_ =	shalt  }
0x46: {  	_ =	shalt  }
0x47: {  	_ =	shalt  }
0x48: {  	_ =	shalt  }
0x49: {  	_ =	shalt  }
0x4a: {  	_ =	shalt  }
0x4b: {  	_ =	shalt  }
0x4c: {  	_ =	shalt  }
0x4d: {  	_ =	shalt  }
0x4e: {  	_ =	shalt  }
0x4f: {  	_ =	shalt  }
0x50: {  	_ =	shalt  }
0x51: {  	_ =	shalt  }
0x52: {  	_ =	shalt  }
0x53: {  	_ =	shalt  }
0x54: {  	_ =	shalt  }
0x55: {  	_ =	shalt  }
0x56: {  	_ =	shalt  }
0x57: {  	_ =	shalt  }
0x58: {  	_ =	shalt  }
0x59: {  	_ =	shalt  }
0x5a: {  	_ =	shalt  }
0x5b: {  	_ =	shalt  }
0x5c: {  	_ =	shalt  }
0x5d: {  	_ =	shalt  }
0x5e: {  	_ =	shalt  }
0x5f: {  	_ =	shalt  }
0x60: {  	_ =	shalt  }
0x61: {  	_ =	shalt  }
0x62: {  	_ =	shalt  }
0x63: {  	_ =	shalt  }
0x64: {  	_ =	shalt  }
0x65: {  	_ =	shalt  }
0x66: {  	_ =	shalt  }
0x67: {  	_ =	shalt  }
0x68: {  	_ =	shalt  }
0x69: {  	_ =	shalt  }
0x6a: {  	_ =	shalt  }
0x6b: {  	_ =	shalt  }
0x6c: {  	_ =	shalt  }
0x6d: {  	_ =	shalt  }
0x6e: {  	_ =	shalt  }
0x6f: {  	_ =	shalt  }
0x70: {  	_ =	shalt  }
0x71: {  	_ =	shalt  }
0x72: {  	_ =	shalt  }
0x73: {  	_ =	shalt  }
0x74: {  	_ =	shalt  }
0x75: {  	_ =	shalt  }
0x76: {  	_ =	shalt  }
0x77: {  	_ =	shalt  }
0x78: {  	_ =	shalt  }
0x79: {  	_ =	shalt  }
0x7a: {  	_ =	shalt  }
0x7b: {  	_ =	shalt  }
0x7c: {  	_ =	shalt  }
0x7d: {  	_ =	shalt  }
0x7e: {  	_ =	shalt  }
0x7f: {  	_ =	shalt  }
0x80: {  	_ =	shalt  }
0x81: {  	_ =	shalt  }
0x82: {  	_ =	shalt  }
0x83: {  	_ =	shalt  }
0x84: {  	_ =	shalt  }
0x85: {  	_ =	shalt  }
0x86: {  	_ =	shalt  }
0x87: {  	_ =	shalt  }
.Lfunc_end0:
.L_simem_size_0:
called_computation.2_lowered:
.L_overlay_start_0:
0x88: {  	s2 =	sld [smem:$0x3FD9]  }
0x89: {  	s3 =	sld [smem:$0x3FFE];
	_ =	sdelay $0x1  }
0x8a: {  	s1 =	srdreg.scid  }
0x8b: {  	s0 =	sand.u32 $0x1, s1  }
0x8c: {  	s16 =	sshll.u32 s0, $0xA;
	s2 =	sadd.s32 s3, s2  }
0x8d: {  	s2 =	sadd.s32 s2, s16  }
0x8e: {  	[smem:$0x3FBD] =	sst s2  }
0x8f: {  	_ = 	snop  }
0x90: {  	(tm) =	ssettm $0x1  }
0x91: {  	s17 =	sld [smem:$0x3FFB];
	_ =	sdelay $0x3  }
0x92: {  	_ =	strace s17  }
0x93: {  	s2 =	sld [smem:$0x3FFC];
	_ =	sdelay $0x3  }
0x94: {  	_ =	strace s2  }
0x95: {  	s2 =	sld [smem:$0x3FFD];
	_ =	sdelay $0x3  }
0x96: {  	_ =	strace s2  }
0x97: {  	_ =	strace $0x8FFFFFFF  }
0x98: {  	s18 =	sld [smem:$0x3FDB];
	_ =	sdelay $0x1  }
0x99: {  	s19 =	simm.s32 $_scs_section_size  }
0x9a: {  	s4 =	simm.s32 $_size__tile_overlayer_lowered;
	s5 =	simm.s32 $_tile_overlayer_lowered  }
0x9b: {  	s22 =	simm.s32 $0x1BFF;
	s21 =	sshll.u32 s5, $0x1;
	s2 =	sadd.s32 s19, s18  }
0x9c: {  	s6 =	simm.s32 $0x0;
	s20 =	sshll.u32 s4, $0x1;
	s4 =	sadd.s32 s21, s2  }
0x9d: {  	[timem:s6], [sflag:s22] =	dma.local [hbm:s4], s20  }
0x9e: {  	_ =	swait.ge [sflag:s22], s20  }
0x9f: {  	s3 =	ssub.s32 $0x0, s20;
	[sflag:s22] =	ssyncset.done $0x0  }
0xa0: {  	[sflag:s22] =	ssyncadd.s32 s3;
	_ =	sdelay $0x1  }
0xa1: {  	s23 =	simm.s32 $0x1B8B  }
0xa2: {  	_ =	swait.ge [sflag:s23], $0x1  }
0xa3: {  	[sflag:s23] =	ssyncset.done $0x0  }
0xa4: {  	s25 =	simm.s32 $0x1B8E;
	s24 =	sld [smem:$0x3FFE];
	[sflag:s23] =	ssyncadd.s32 $0xFFFFFFFF  }
0xa5: {  	s26 =	simm.s32 $execute0_lowered;
	[smem:$0x3FD2] =	sst s25  }
0xa6: {  	s4 =	sshll.u32 s26, $0x1;
	_ =	strace $0x8000004C;
	[dreg:$0x1] =	wrdreg $0xFFFFFFFF  }
0xa7: {  	s28 =	simm.s32 $_size_execute0_lowered;
	s2 =	sadd.s32 s2, s4;
	[dreg:$0x0] =	wrdreg $0x0  }
0xa8: {  	s4 =	sshll.u32 s28, $0x1;
	[dreg:$0x2] =	wrdreg s2  }
0xa9: {  	[dreg:$0x3] =	wrdreg s4  }
0xaa: {  	[dreg:$0x4] =	wrdreg $0xC0  }
0xab: {  	_ =	task [dreg:s6], $0x5FFFF  }
0xac: {  	[dreg:$0x1] =	wrdreg $0xFFFFFFFF  }
0xad: {  	[dreg:$0x0] =	wrdreg $0x60  }
0xae: {  	[dreg:$0x2] =	wrdreg s24  }
0xaf: {  	[dreg:$0x3] =	wrdreg $0xAA000  }
0xb0: {  	[dreg:$0x4] =	wrdreg $0x9  }
0xb1: {  	_ =	task.clear_ibuf [dreg:s6], $0x5FFFF;
	_ =	strace $0x9000004C  }
0xb2: {  	s29 =	simm.s32 $0x9;
	_ =	strace $0x8000004E  }
0xb3: {  	_ =	swait.ge [sflag:s29], $0x1  }
0xb4: {  	[sflag:s29] =	ssyncadd.s32 $0xFFFFFFFF  }
0xb5: {  	_ =	strace $0x9000004E  }
0xb6: {  	_ =	sfence  }
0xb7: {  	s30 =	sld [smem:$0x0];
	_ =	sdelay $0x2  }
0xb8: {  	s31 =	sshll.u32 s1, $0xD;
	s1 =	sshrl.u32 s1, $0x2  }
0xb9: {  	s3 =	sand.u32 $0x4000, s31;
	s1 =	sadd.s32 s1, s30  }
0xba: {  	s0 =	sor.u32 s3, s0;
	s1 =	sshll.u32 s1, $0x11  }
0xbb: {  	s0 =	sor.u32 s1, s0  }
0xbc: {  	s0 =	sadd.s32 $0x8F2B, s0  }
0xbd: {  	[sflag:s0] =	ssyncadd.remote.s32 $0x1  }
0xbe: {  	_ =	sfence.sel $0xFFFF  }
0xbf: {  	[dreg:$0x0] =	wrdreg $0xFFFFFFFF;
	(pc) =	sbr.abs _section_cstart, $3  }
0xc0: {  	[dreg:$0x1] =	wrdreg $0xFFFFFFFF  }
0xc1: {  	_ =	task.clear_ibuf [dreg:s6], $0x2FFFF;
	_ =	strace $0x9FFFFFFF  }
0xc2: {  	(tm) =	ssettm $0x7FFFFFFF  }
0xc3: {  	_ =	shalt  }
tec
execute0_lowered:
.L_overlay_start_1:
0x0: {  	(tag) =	ssettag $0x1  }
0x1: {  	s0 =	rddreg [dreg:$0x0]  }
0x2: {  	s2 =	rddreg [dreg:$0x1]  }
0x3: {  	s13 =	stileid.u32;
	s5 =	srdreg.scid;
	s3 =	simm.s32 $0x0  }
0x4: {  	s15 =	simm.s32 $0x9;
	s29 =	simm.s32 $0x8800;
	s1 =	smul.u32 $0x500, s13  }
0x5: {  	s30 =	simm.s32 $0x1;
	s31 =	simm.s32 $0x3;
	s4 =	smul.u32 $0x2780, s13  }
0x6: {  	s28 =	simm.s32 $0x0;
	s5 =	sand.u32 $0x1, s5;
	s6 =	smul.u32 $0x278, s13  }
0x7: {  	[smem:$0x7FF] =	sst s3;
	s9 =	sadd.s32 $0x8C00, s0;
	s17 =	smul.u32 $0x2800, s13  }
0x8: {  	s12 =	smul.u32 $0x4F000, s13;
	s26 =	sshll.u32 s13, $0x6;
	s13 =	simm.s32 $0x8  }
0x9: {  	s7 =	smul.u32 $0x4F00, s5;
	_ =	strace $0x8000004D;
	s5 =	ssub.s32 $0x2, s5  }
0xa: {  	s8 =	sadd.s32 s1, s0;
	s10 =	sadd.s32 s4, s0;
	s4 =	sadd.s32 $0x122C00, s0  }
0xb: {  	s18 =	sshrl.u32 s5, $0x1;
	s19 =	sshrl.u32 s12, $0x2;
	s25 =	sadd.s32 s1, s9  }
0xc: {  	s1 =	simm.s32 $0x2;
	s12 =	simm.s32 $0x7;
	s16 =	sadd.s32 s6, s7  }
0xd: {  	s5 =	ssub.s32 s5, s18;
	s6 =	sshrl.u32 s17, $0x3;
	s8 =	sadd.s32 $0x3C00, s8  }
0xe: {  	s20 =	sadd.s32 $0x5CC00, s10;
	s18 =	simm.s32 $0xA800;
	[dreg:$0x3] =	wrdreg s8  }
0xf: {  	s11 =	sshll.u32 s16, $0x4;
	s6 =	sadd.s32 s9, s6;
	[dreg:$0x5] =	wrdreg s20  }
0x10: {  	s24 =	smax.u32 s5, $0x1;
	s8 =	sor.u32 $0x1C09, s26;
	s20 =	simm.s32 $0xA900  }
0x11: {  	s26 =	simm.s32 $0x6800;
	s5 =	simm.s32 $0x4;
	[dreg:$0x4] =	wrdreg s6  }
0x12: {  	s0 =	sadd.s32 s11, s0;
	s11 =	sadd.s32 s19, s2;
	[dreg:$0xb] =	wrdreg s24  }
0x13: {  	s21 =	sadd.s32 $0x10, s6;
	s22 =	sadd.s32 $0x20, s6;
	[dreg:$0xd] =	wrdreg s8  }
0x14: {  	s6 =	sadd.s32 $0x30, s6;
	s19 =	simm.s32 $0xA880;
	[dreg:$0x6] =	wrdreg s21  }
0x15: {  	s24 =	simm.s32 $0x4800;
	[dreg:$0x7] =	wrdreg s22;
	s23 =	sadd.s32 $0x1C0C00, s0  }
.Ltmp0:
0x16: {  	[dreg:$0x8] =	wrdreg s6;
	s0 =	sadd.s32 $0x1E8400, s0;
	(pc) =	sbr.rel .LBB2_1-.Ltmp0, $4  }
0x17: {  	s10 =	sshrl.u32 s11, $0x3;
	s21 =	simm.s32 $0xA980;
	[dreg:$0x9] =	wrdreg s23  }
0x18: {  	s22 =	simm.s32 $0x40;
	s11 =	simm.s32 $0x6;
	[dreg:$0xa] =	wrdreg s0  }
0x19: {  	s0 =	sadd.s32 $0x40, s25;
	s23 =	simm.s32 $0x2800;
	[dreg:$0xe] =	wrdreg s10  }
0x1a: {  	v0 =	vmov s7;
	s25 =	simm.s32 $0x80;
	[dreg:$0xc] =	wrdreg s0;
	s0 =	simm.s32 $0x5  }
.LBB2_11:
0x1b: {  	[bflag:$0x0] =	sbarrier.arrive $0xFFFF  }
0x1c: {  	s6 =	rddreg [dreg:$0xa]  }
0x1d: {  	s8 =	rddreg [dreg:$0xd]  }
0x1e: {  	s10 =	rddreg [dreg:$0xe]  }
0x1f: {  	[hbm:s6], [sflag:s8] =	dma.local [spmem:s10], $0x2780  }
0x20: {  	_ =	swait.ge [sflag:s15], $0x2780  }
0x21: {  	s28 =	sadd.s32 $0x1, s28;
	s17 =	rddreg [dreg:$0xb]  }
0x22: {  	p0 =	sne.s32 s28, s17  }
.Ltmp1:
0x23: {  	_ = 	snop;
	(pc) =	sbr.rel @!p0 .LBB2_12-.Ltmp1, $3  }
0x24: {  	_ =	sdelay $0x1  }
0x25: {  	[sflag:s15] =	ssyncset.done $0x0  }
0x26: {  	[sflag:s15] =	ssyncadd.s32 $0xFFFFD880  }
.LBB2_1:
0x27: {  	s6 =	rddreg [dreg:$0x3]  }
0x28: {  	[tilespmem:s3], [sflag:$0x9] =	stream.linear.gather [hbm4b:s6+s3], $0x2800, $0x38;
	[tilespmem:$0x1E600] =	vst v63  }
0x29: {  	_ =	swait.ge [sflag:s15], $0x2800  }
0x2a: {  	[sflag:s15] =	ssyncset.done $0x0  }
0x2b: {  	s7 =	simm.s32 $0x0;
	[sflag:s15] =	ssyncadd.s32 $0xFFFFD800  }
0x2c: {  	v3 =	vld [tilespmem:s7+$0x0]  }
0x2d: {  	v5 =	vld [tilespmem:s7+$0x10]  }
0x2e: {  	v4 =	vld [tilespmem:s7+$0x20]  }
0x2f: {  	v2 =	vld [tilespmem:s7+$0x30]  }
0x30: {  	v1 =	vld [tilespmem:s7+$0x40]  }
0x31: {  	v6 =	vadd.s32 v0, v3;
	v3 =	vld [tilespmem:s7+$0x50]  }
0x32: {  	s9 =	simm.s32 $0x200;
	[tilespmem:s7+$0x0] =	vst v6;
	v6 =	vadd.s32 v0, v5;
	v5 =	vld [tilespmem:s7+$0x60]  }
.LBB2_2:
0x33: {  	s14 =	sshra.s32 s9, $0x2;
	p0 =	sne.s32 s9, $0x9E00;
	[tilespmem:s7+$0x10] =	vst v6;
	v4 =	vadd.s32 v0, v4;
	v6 =	vld [tilespmem:s7+$0x70]  }
0x34: {  	v7 =	vld [tilespmem:s14+$0x0];
	[tilespmem:s7+$0x20] =	vst v4;
	v2 =	vadd.s32 v0, v2  }
0x35: {  	v8 =	vld [tilespmem:s14+$0x10];
	[tilespmem:s7+$0x30] =	vst v2;
	v1 =	vadd.s32 v0, v1  }
.Ltmp2:
0x36: {  	v4 =	vld [tilespmem:s14+$0x20];
	[tilespmem:s7+$0x40] =	vst v1;
	v1 =	vadd.s32 v0, v3;
	(pc) =	sbr.rel @p0 .LBB2_2-.Ltmp2, $4  }
0x37: {  	v2 =	vld [tilespmem:s14+$0x30];
	[tilespmem:s7+$0x50] =	vst v1;
	v3 =	vadd.s32 v0, v5  }
0x38: {  	v1 =	vld [tilespmem:s14+$0x40];
	[tilespmem:s7+$0x60] =	vst v3;
	v5 =	vadd.s32 v0, v6  }
0x39: {  	v6 =	vadd.s32 v0, v7;
	v3 =	vld [tilespmem:s14+$0x50];
	[tilespmem:s7+$0x70] =	vst v5;
	s7 =	smov.u32 s14  }
0x3a: {  	s9 =	sadd.s32 $0x200, s9;
	[tilespmem:s7+$0x0] =	vst v6;
	v6 =	vadd.s32 v0, v8;
	v5 =	vld [tilespmem:s7+$0x60]  }
0x3b: {  	[tilespmem:s7+$0x10] =	vst v6;
	v4 =	vadd.s32 v0, v4;
	v63 =	vld [tilespmem:s7+$0x70]  }
0x3c: {  	[tilespmem:s7+$0x20] =	vst v4;
	v2 =	vadd.s32 v0, v2  }
0x3d: {  	[tilespmem:s7+$0x30] =	vst v2;
	v1 =	vadd.s32 v0, v1  }
0x3e: {  	[tilespmem:s7+$0x40] =	vst v1;
	v1 =	vadd.s32 v0, v3  }
0x3f: {  	[tilespmem:s7+$0x50] =	vst v1;
	v1 =	vadd.s32 v0, v5  }
0x40: {  	[tilespmem:s7+$0x60] =	vst v1;
	v1 =	vadd.s32 v0, v63  }
0x41: {  	s6 =	rddreg [dreg:$0x5];
	[tilespmem:s7+$0x70] =	vst v1  }
0x42: {  	[spmem:s10], [sflag:s8] =	dma.local [hbm:s6], $0x2780  }
0x43: {  	_ =	swait.ge [sflag:s15], $0x2780  }
0x44: {  	[sflag:s15] =	ssyncset.done $0x0  }
0x45: {  	[sflag:s15] =	ssyncadd.s32 $0xFFFFD880  }
0x46: {  	[bflag:$0x0] =	sbarrier.arrive $0xFFFF  }
0x47: {  	s7 =	simm.s32 $0x0;
	s9 =	rddreg [dreg:$0x4]  }
0x48: {  	[tilespmem:s18], [sflag:$0x5] =	stream.linear.gather [hbm4b:s9+s7], $0x80, $0x38;
	[tilespmem:$0x1E600] =	vst v63  }
0x49: {  	s10 =	rddreg [dreg:$0x6]  }
0x4a: {  	[tilespmem:s19], [sflag:$0x6] =	stream.linear.gather [hbm4b:s10+s7], $0x80, $0x38;
	[tilespmem:$0x1E600] =	vst v63  }
0x4b: {  	s14 =	rddreg [dreg:$0x7]  }
0x4c: {  	[tilespmem:s20], [sflag:$0x7] =	stream.linear.gather [hbm4b:s14+s7], $0x80, $0x38;
	[tilespmem:$0x1E600] =	vst v63  }
0x4d: {  	s16 =	rddreg [dreg:$0x8]  }
0x4e: {  	[tilespmem:s21], [sflag:$0x8] =	stream.linear.gather [hbm4b:s16+s7], $0x80, $0x38;
	[tilespmem:$0x1E600] =	vst v63  }
0x4f: {  	_ = 	snop  }
0x50: {  	[tilespmem:s23], [sflag:$0x1] =	stream.indirect.gather [hbm4b:s4+s22], $0x80, s7, s22, $0xb8;
	[tilespmem:$0x1E600] =	vst v63  }
0x51: {  	_ = 	snop  }
0x52: {  	[tilespmem:s24], [sflag:$0x3] =	stream.indirect.gather [hbm4b:s4+s22], $0x80, s22, s22, $0xb8;
	[tilespmem:$0x1E600] =	vst v63  }
0x53: {  	_ = 	snop  }
0x54: {  	[tilespmem:s26], [sflag:$0x2] =	stream.indirect.gather [hbm4b:s4+s22], $0x80, s25, s22, $0xb8;
	[tilespmem:$0x1E600] =	vst v63  }
0x55: {  	s17 =	simm.s32 $0xC0;
	s14 =	rddreg [dreg:$0xc]  }
0x56: {  	[tilespmem:s29], [sflag:$0x4] =	stream.indirect.gather [hbm4b:s4+s22], $0x80, s17, s22, $0xb8;
	[tilespmem:$0x1E600] =	vst v63  }
.LBB2_4:
0x57: {  	_ =	swait.ge [sflag:s30], $0x2000  }
0x58: {  	[sflag:s30] =	ssyncset.done $0x0  }
0x59: {  	[sflag:s30] =	ssyncadd.s32 $0xFFFFE000  }
0x5a: {  	_ =	swait.ge [sflag:s31], $0x2000  }
0x5b: {  	[sflag:s31] =	ssyncset.done $0x0  }
0x5c: {  	[sflag:s31] =	ssyncadd.s32 $0xFFFFE000  }
0x5d: {  	_ =	swait.ge [sflag:s0], $0x80  }
0x5e: {  	[sflag:s0] =	ssyncset.done $0x0  }
0x5f: {  	[sflag:s0] =	ssyncadd.s32 $0xFFFFFF80  }
0x60: {  	[spmem:s2] =	stream.indirect.scatter.add.f32 [tilespmem:s23], [sflag:$0x9], $0x80, s18, s25, $0xb8;
	[tilespmem:$0x1E600] =	vst v63  }
0x61: {  	_ =	swait.ge [sflag:s15], $0x4000  }
0x62: {  	s9 =	sshra.s32 s7, $0x2;
	[sflag:s15] =	ssyncset.done $0x0  }
0x63: {  	s10 =	sadd.s32 $0x100, s9;
	[sflag:s15] =	ssyncadd.s32 $0xFFFFC000  }
0x64: {  	[tilespmem:s23], [sflag:$0x1] =	stream.indirect.gather [hbm4b:s4+s22], $0x80, s10, s22, $0xb8;
	[tilespmem:$0x1E600] =	vst v63  }
0x65: {  	p0 =	seq.s32 s7, $0x9800;
	s8 =	sadd.s32 $0x140, s9  }
0x66: {  	[tilespmem:s24], [sflag:$0x3] =	stream.indirect.gather [hbm4b:s4+s22], $0x80, s8, s22, $0xb8;
	[tilespmem:$0x1E600] =	vst v63  }
0x67: {  	s10 =	simm.s32 @!p0 $0x0;
	s8 =	simm.s32 @!p0 $0xA800  }
0x68: {  	[tilespmem:s8], [sflag:$0x5] =	stream.linear.gather @!p0 [hbm4b:s14+s10], $0x80, $0x38;
	[tilespmem:$0x1E600] =	vst v63  }
0x69: {  	_ =	swait.ge [sflag:s1], $0x2000  }
0x6a: {  	[sflag:s1] =	ssyncset.done $0x0  }
0x6b: {  	[sflag:s1] =	ssyncadd.s32 $0xFFFFE000  }
0x6c: {  	_ =	swait.ge [sflag:s5], $0x2000  }
0x6d: {  	[sflag:s5] =	ssyncset.done $0x0  }
0x6e: {  	[sflag:s5] =	ssyncadd.s32 $0xFFFFE000  }
0x6f: {  	_ =	swait.ge [sflag:s11], $0x80  }
0x70: {  	[sflag:s11] =	ssyncset.done $0x0  }
0x71: {  	[sflag:s11] =	ssyncadd.s32 $0xFFFFFF80  }
0x72: {  	[spmem:s2] =	stream.indirect.scatter.add.f32 [tilespmem:s26], [sflag:$0x9], $0x80, s19, s25, $0xb8;
	[tilespmem:$0x1E600] =	vst v63  }
0x73: {  	_ =	swait.ge [sflag:s15], $0x4000  }
0x74: {  	[sflag:s15] =	ssyncset.done $0x0  }
0x75: {  	s16 =	sadd.s32 $0x180, s9;
	[sflag:s15] =	ssyncadd.s32 $0xFFFFC000  }
0x76: {  	[tilespmem:s26], [sflag:$0x2] =	stream.indirect.gather [hbm4b:s4+s22], $0x80, s16, s22, $0xb8;
	[tilespmem:$0x1E600] =	vst v63  }
0x77: {  	s17 =	sadd.s32 $0x1C0, s9  }
0x78: {  	[tilespmem:s29], [sflag:$0x4] =	stream.indirect.gather [hbm4b:s4+s22], $0x80, s17, s22, $0xb8;
	[tilespmem:$0x1E600] =	vst v63  }
0x79: {  	s6 =	simm.s32 @!p0 $0xA880;
	s8 =	sadd.s32 @!p0 $0x10, s14  }
0x7a: {  	[tilespmem:s6], [sflag:$0x6] =	stream.linear.gather @!p0 [hbm4b:s8+s10], $0x80, $0x38;
	[tilespmem:$0x1E600] =	vst v63  }
0x7b: {  	_ =	swait.ge [sflag:s30], $0x2000  }
0x7c: {  	[sflag:s30] =	ssyncset.done $0x0  }
0x7d: {  	[sflag:s30] =	ssyncadd.s32 $0xFFFFE000  }
0x7e: {  	_ =	swait.ge [sflag:s31], $0x2000  }
0x7f: {  	[sflag:s31] =	ssyncset.done $0x0  }
0x80: {  	[sflag:s31] =	ssyncadd.s32 $0xFFFFE000  }
0x81: {  	_ =	swait.ge [sflag:s12], $0x80  }
0x82: {  	[sflag:s12] =	ssyncset.done $0x0  }
0x83: {  	[sflag:s12] =	ssyncadd.s32 $0xFFFFFF80  }
0x84: {  	[spmem:s2] =	stream.indirect.scatter.add.f32 [tilespmem:s23], [sflag:$0x9], $0x80, s20, s25, $0xb8;
	[tilespmem:$0x1E600] =	vst v63  }
0x85: {  	_ =	swait.ge [sflag:s15], $0x4000  }
0x86: {  	s16 =	simm.s32 @!p0 $0x40;
	s6 =	sshra.s32 @!p0 s7, $0x2;
	[sflag:s15] =	ssyncset.done $0x0  }
0x87: {  	s17 =	simm.s32 @!p0 $0x2800;
	s8 =	sadd.s32 @!p0 $0x200, s6;
	[sflag:s15] =	ssyncadd.s32 $0xFFFFC000  }
0x88: {  	[tilespmem:s17], [sflag:$0x1] =	stream.indirect.gather @!p0 [hbm4b:s4+s16], $0x80, s8, s16, $0xb8;
	[tilespmem:$0x1E600] =	vst v63  }
0x89: {  	s6 =	sadd.s32 @!p0 $0x240, s6;
	s8 =	simm.s32 @!p0 $0x4800  }
0x8a: {  	[tilespmem:s8], [sflag:$0x3] =	stream.indirect.gather @!p0 [hbm4b:s4+s16], $0x80, s6, s16, $0xb8;
	[tilespmem:$0x1E600] =	vst v63  }
0x8b: {  	s6 =	sadd.s32 @!p0 $0x20, s14;
	s8 =	simm.s32 @!p0 $0xA900  }
0x8c: {  	[tilespmem:s8], [sflag:$0x7] =	stream.linear.gather @!p0 [hbm4b:s6+s10], $0x80, $0x38;
	[tilespmem:$0x1E600] =	vst v63  }
0x8d: {  	_ =	swait.ge [sflag:s1], $0x2000  }
0x8e: {  	[sflag:s1] =	ssyncset.done $0x0  }
0x8f: {  	[sflag:s1] =	ssyncadd.s32 $0xFFFFE000  }
0x90: {  	_ =	swait.ge [sflag:s5], $0x2000  }
0x91: {  	[sflag:s5] =	ssyncset.done $0x0  }
0x92: {  	[sflag:s5] =	ssyncadd.s32 $0xFFFFE000  }
0x93: {  	_ =	swait.ge [sflag:s13], $0x80  }
0x94: {  	[sflag:s13] =	ssyncset.done $0x0  }
.Ltmp3:
0x95: {  	[sflag:s13] =	ssyncadd.s32 $0xFFFFFF80;
	(pc) =	sbr.rel @p0 .LBB2_6-.Ltmp3, $4  }
0x96: {  	[spmem:s2] =	stream.indirect.scatter.add.f32 [tilespmem:s26], [sflag:$0x9], $0x80, s21, s25, $0xb8;
	[tilespmem:$0x1E600] =	vst v63  }
0x97: {  	_ =	swait.ge [sflag:s15], $0x4000  }
0x98: {  	[sflag:s15] =	ssyncset.done $0x0  }
0x99: {  	[sflag:s15] =	ssyncadd.s32 $0xFFFFC000  }
0x9a: {  	s6 =	sadd.s32 $0x280, s9  }
0x9b: {  	[tilespmem:s26], [sflag:$0x2] =	stream.indirect.gather [hbm4b:s4+s22], $0x80, s6, s22, $0xb8;
	[tilespmem:$0x1E600] =	vst v63  }
.Ltmp4:
0x9c: {  	_ = 	snop;
	(pc) =	sbr.rel .LBB2_4-.Ltmp4, $4  }
0x9d: {  	s16 =	sadd.s32 $0x2C0, s9  }
0x9e: {  	[tilespmem:s29], [sflag:$0x4] =	stream.indirect.gather [hbm4b:s4+s22], $0x80, s16, s22, $0xb8;
	[tilespmem:$0x1E600] =	vst v63  }
0x9f: {  	s17 =	sadd.s32 $0x30, s14;
	s14 =	sadd.s32 $0x40, s14;
	s7 =	sadd.s32 $0x800, s7  }
0xa0: {  	[tilespmem:s21], [sflag:$0x8] =	stream.linear.gather [hbm4b:s17+s3], $0x80, $0x38;
	[tilespmem:$0x1E600] =	vst v63  }
.LBB2_6:
0xa1: {  	[bflag:$0x0] =	sbarrier.arrive $0xFFFF  }
0xa2: {  	s6 =	rddreg [dreg:$0x9]  }
0xa3: {  	s8 =	rddreg [dreg:$0xd]  }
0xa4: {  	s10 =	rddreg [dreg:$0xe]  }
0xa5: {  	[hbm:s6], [sflag:s8] =	dma.local [spmem:s10], $0x2780  }
0xa6: {  	_ =	swait.ge [sflag:s15], $0x2780  }
0xa7: {  	[sflag:s15] =	ssyncset.done $0x0  }
0xa8: {  	s7 =	simm.s32 $0x0;
	[sflag:s15] =	ssyncadd.s32 $0xFFFFD880  }
0xa9: {  	v3 =	vld [tilespmem:s7+$0x0]  }
0xaa: {  	v5 =	vld [tilespmem:s7+$0x10]  }
0xab: {  	v4 =	vld [tilespmem:s7+$0x20]  }
0xac: {  	v2 =	vld [tilespmem:s7+$0x30]  }
0xad: {  	v1 =	vld [tilespmem:s7+$0x40]  }
0xae: {  	v6 =	vadd.s32 $0x2780, v3;
	v3 =	vld [tilespmem:s7+$0x50]  }
0xaf: {  	s9 =	simm.s32 $0x200;
	[tilespmem:s7+$0x0] =	vst v6;
	v6 =	vadd.s32 $0x2780, v5;
	v5 =	vld [tilespmem:s7+$0x60]  }
.LBB2_7:
0xb0: {  	s6 =	sshra.s32 s9, $0x2;
	p0 =	sne.s32 s9, $0x9E00;
	[tilespmem:s7+$0x10] =	vst v6;
	v4 =	vadd.s32 $0x2780, v4;
	v6 =	vld [tilespmem:s7+$0x70]  }
0xb1: {  	v7 =	vld [tilespmem:s6+$0x0];
	[tilespmem:s7+$0x20] =	vst v4;
	v2 =	vadd.s32 $0x2780, v2  }
0xb2: {  	v8 =	vld [tilespmem:s6+$0x10];
	[tilespmem:s7+$0x30] =	vst v2;
	v1 =	vadd.s32 $0x2780, v1  }
.Ltmp5:
0xb3: {  	v4 =	vld [tilespmem:s6+$0x20];
	[tilespmem:s7+$0x40] =	vst v1;
	v1 =	vadd.s32 $0x2780, v3;
	(pc) =	sbr.rel @p0 .LBB2_7-.Ltmp5, $4  }
0xb4: {  	v2 =	vld [tilespmem:s6+$0x30];
	[tilespmem:s7+$0x50] =	vst v1;
	v3 =	vadd.s32 $0x2780, v5  }
0xb5: {  	v1 =	vld [tilespmem:s6+$0x40];
	[tilespmem:s7+$0x60] =	vst v3;
	v5 =	vadd.s32 $0x2780, v6  }
0xb6: {  	v6 =	vadd.s32 $0x2780, v7;
	v3 =	vld [tilespmem:s6+$0x50];
	[tilespmem:s7+$0x70] =	vst v5;
	s7 =	smov.u32 s6  }
0xb7: {  	s9 =	sadd.s32 $0x200, s9;
	[tilespmem:s7+$0x0] =	vst v6;
	v6 =	vadd.s32 $0x2780, v8;
	v5 =	vld [tilespmem:s7+$0x60]  }
0xb8: {  	[tilespmem:s7+$0x10] =	vst v6;
	v4 =	vadd.s32 $0x2780, v4;
	v63 =	vld [tilespmem:s7+$0x70]  }
0xb9: {  	[tilespmem:s7+$0x20] =	vst v4;
	v2 =	vadd.s32 $0x2780, v2  }
0xba: {  	[tilespmem:s7+$0x30] =	vst v2;
	v1 =	vadd.s32 $0x2780, v1  }
0xbb: {  	[tilespmem:s7+$0x40] =	vst v1;
	v1 =	vadd.s32 $0x2780, v3  }
0xbc: {  	[tilespmem:s7+$0x50] =	vst v1;
	v1 =	vadd.s32 $0x2780, v5  }
0xbd: {  	[tilespmem:s7+$0x60] =	vst v1;
	v1 =	vadd.s32 $0x2780, v63  }
0xbe: {  	s6 =	rddreg [dreg:$0x5];
	[tilespmem:s7+$0x70] =	vst v1  }
0xbf: {  	[spmem:s10], [sflag:s8] =	dma.local [hbm:s6], $0x2780  }
0xc0: {  	_ =	swait.ge [sflag:s15], $0x2780  }
0xc1: {  	[sflag:s15] =	ssyncset.done $0x0  }
0xc2: {  	[sflag:s15] =	ssyncadd.s32 $0xFFFFD880  }
0xc3: {  	[bflag:$0x0] =	sbarrier.arrive $0xFFFF  }
0xc4: {  	s7 =	simm.s32 $0x0;
	s9 =	rddreg [dreg:$0x4]  }
0xc5: {  	[tilespmem:s18], [sflag:$0x5] =	stream.linear.gather [hbm4b:s9+s7], $0x80, $0x38;
	[tilespmem:$0x1E600] =	vst v63  }
0xc6: {  	s10 =	rddreg [dreg:$0x6]  }
0xc7: {  	[tilespmem:s19], [sflag:$0x6] =	stream.linear.gather [hbm4b:s10+s7], $0x80, $0x38;
	[tilespmem:$0x1E600] =	vst v63  }
0xc8: {  	s14 =	rddreg [dreg:$0x7]  }
0xc9: {  	[tilespmem:s20], [sflag:$0x7] =	stream.linear.gather [hbm4b:s14+s7], $0x80, $0x38;
	[tilespmem:$0x1E600] =	vst v63  }
0xca: {  	s16 =	rddreg [dreg:$0x8]  }
0xcb: {  	[tilespmem:s21], [sflag:$0x8] =	stream.linear.gather [hbm4b:s16+s7], $0x80, $0x38;
	[tilespmem:$0x1E600] =	vst v63  }
0xcc: {  	_ = 	snop  }
0xcd: {  	[tilespmem:s23], [sflag:$0x1] =	stream.indirect.gather [hbm4b:s4+s22], $0x80, s7, s22, $0xb8;
	[tilespmem:$0x1E600] =	vst v63  }
0xce: {  	_ = 	snop  }
0xcf: {  	[tilespmem:s24], [sflag:$0x3] =	stream.indirect.gather [hbm4b:s4+s22], $0x80, s22, s22, $0xb8;
	[tilespmem:$0x1E600] =	vst v63  }
0xd0: {  	_ = 	snop  }
0xd1: {  	[tilespmem:s26], [sflag:$0x2] =	stream.indirect.gather [hbm4b:s4+s22], $0x80, s25, s22, $0xb8;
	[tilespmem:$0x1E600] =	vst v63  }
0xd2: {  	s17 =	simm.s32 $0xC0;
	s14 =	rddreg [dreg:$0xc]  }
0xd3: {  	[tilespmem:s29], [sflag:$0x4] =	stream.indirect.gather [hbm4b:s4+s22], $0x80, s17, s22, $0xb8;
	[tilespmem:$0x1E600] =	vst v63  }
.LBB2_9:
0xd4: {  	_ =	swait.ge [sflag:s30], $0x2000  }
0xd5: {  	[sflag:s30] =	ssyncset.done $0x0  }
0xd6: {  	[sflag:s30] =	ssyncadd.s32 $0xFFFFE000  }
0xd7: {  	_ =	swait.ge [sflag:s31], $0x2000  }
0xd8: {  	[sflag:s31] =	ssyncset.done $0x0  }
0xd9: {  	[sflag:s31] =	ssyncadd.s32 $0xFFFFE000  }
0xda: {  	_ =	swait.ge [sflag:s0], $0x80  }
0xdb: {  	[sflag:s0] =	ssyncset.done $0x0  }
0xdc: {  	[sflag:s0] =	ssyncadd.s32 $0xFFFFFF80  }
0xdd: {  	[spmem:s2] =	stream.indirect.scatter.add.f32 [tilespmem:s23], [sflag:$0x9], $0x80, s18, s25, $0xb8;
	[tilespmem:$0x1E600] =	vst v63  }
0xde: {  	_ =	swait.ge [sflag:s15], $0x4000  }
0xdf: {  	s9 =	sshra.s32 s7, $0x2;
	[sflag:s15] =	ssyncset.done $0x0  }
0xe0: {  	s6 =	sadd.s32 $0x100, s9;
	[sflag:s15] =	ssyncadd.s32 $0xFFFFC000  }
0xe1: {  	[tilespmem:s23], [sflag:$0x1] =	stream.indirect.gather [hbm4b:s4+s22], $0x80, s6, s22, $0xb8;
	[tilespmem:$0x1E600] =	vst v63  }
0xe2: {  	p0 =	seq.s32 s7, $0x9800;
	s10 =	sadd.s32 $0x140, s9  }
0xe3: {  	[tilespmem:s24], [sflag:$0x3] =	stream.indirect.gather [hbm4b:s4+s22], $0x80, s10, s22, $0xb8;
	[tilespmem:$0x1E600] =	vst v63  }
0xe4: {  	s8 =	simm.s32 @!p0 $0xA800;
	s6 =	simm.s32 @!p0 $0x0  }
0xe5: {  	[tilespmem:s8], [sflag:$0x5] =	stream.linear.gather @!p0 [hbm4b:s14+s6], $0x80, $0x38;
	[tilespmem:$0x1E600] =	vst v63  }
0xe6: {  	_ =	swait.ge [sflag:s1], $0x2000  }
0xe7: {  	[sflag:s1] =	ssyncset.done $0x0  }
0xe8: {  	[sflag:s1] =	ssyncadd.s32 $0xFFFFE000  }
0xe9: {  	_ =	swait.ge [sflag:s5], $0x2000  }
0xea: {  	[sflag:s5] =	ssyncset.done $0x0  }
0xeb: {  	[sflag:s5] =	ssyncadd.s32 $0xFFFFE000  }
0xec: {  	_ =	swait.ge [sflag:s11], $0x80  }
0xed: {  	[sflag:s11] =	ssyncset.done $0x0  }
0xee: {  	[sflag:s11] =	ssyncadd.s32 $0xFFFFFF80  }
0xef: {  	[spmem:s2] =	stream.indirect.scatter.add.f32 [tilespmem:s26], [sflag:$0x9], $0x80, s19, s25, $0xb8;
	[tilespmem:$0x1E600] =	vst v63  }
0xf0: {  	_ =	swait.ge [sflag:s15], $0x4000  }
0xf1: {  	[sflag:s15] =	ssyncset.done $0x0  }
0xf2: {  	s16 =	sadd.s32 $0x180, s9;
	[sflag:s15] =	ssyncadd.s32 $0xFFFFC000  }
0xf3: {  	[tilespmem:s26], [sflag:$0x2] =	stream.indirect.gather [hbm4b:s4+s22], $0x80, s16, s22, $0xb8;
	[tilespmem:$0x1E600] =	vst v63  }
0xf4: {  	s17 =	sadd.s32 $0x1C0, s9  }
0xf5: {  	[tilespmem:s29], [sflag:$0x4] =	stream.indirect.gather [hbm4b:s4+s22], $0x80, s17, s22, $0xb8;
	[tilespmem:$0x1E600] =	vst v63  }
0xf6: {  	s10 =	simm.s32 @!p0 $0xA880;
	s8 =	sadd.s32 @!p0 $0x10, s14  }
0xf7: {  	[tilespmem:s10], [sflag:$0x6] =	stream.linear.gather @!p0 [hbm4b:s8+s6], $0x80, $0x38;
	[tilespmem:$0x1E600] =	vst v63  }
0xf8: {  	_ =	swait.ge [sflag:s30], $0x2000  }
0xf9: {  	[sflag:s30] =	ssyncset.done $0x0  }
0xfa: {  	[sflag:s30] =	ssyncadd.s32 $0xFFFFE000  }
0xfb: {  	_ =	swait.ge [sflag:s31], $0x2000  }
0xfc: {  	[sflag:s31] =	ssyncset.done $0x0  }
0xfd: {  	[sflag:s31] =	ssyncadd.s32 $0xFFFFE000  }
0xfe: {  	_ =	swait.ge [sflag:s12], $0x80  }
0xff: {  	[sflag:s12] =	ssyncset.done $0x0  }
0x100: {  	[sflag:s12] =	ssyncadd.s32 $0xFFFFFF80  }
0x101: {  	[spmem:s2] =	stream.indirect.scatter.add.f32 [tilespmem:s23], [sflag:$0x9], $0x80, s20, s25, $0xb8;
	[tilespmem:$0x1E600] =	vst v63  }
0x102: {  	_ =	swait.ge [sflag:s15], $0x4000  }
0x103: {  	s16 =	simm.s32 @!p0 $0x40;
	s8 =	sshra.s32 @!p0 s7, $0x2;
	[sflag:s15] =	ssyncset.done $0x0  }
0x104: {  	s17 =	simm.s32 @!p0 $0x2800;
	s10 =	sadd.s32 @!p0 $0x200, s8;
	[sflag:s15] =	ssyncadd.s32 $0xFFFFC000  }
0x105: {  	[tilespmem:s17], [sflag:$0x1] =	stream.indirect.gather @!p0 [hbm4b:s4+s16], $0x80, s10, s16, $0xb8;
	[tilespmem:$0x1E600] =	vst v63  }
0x106: {  	s8 =	sadd.s32 @!p0 $0x240, s8;
	s10 =	simm.s32 @!p0 $0x4800  }
0x107: {  	[tilespmem:s10], [sflag:$0x3] =	stream.indirect.gather @!p0 [hbm4b:s4+s16], $0x80, s8, s16, $0xb8;
	[tilespmem:$0x1E600] =	vst v63  }
0x108: {  	s8 =	sadd.s32 @!p0 $0x20, s14;
	s10 =	simm.s32 @!p0 $0xA900  }
0x109: {  	[tilespmem:s10], [sflag:$0x7] =	stream.linear.gather @!p0 [hbm4b:s8+s6], $0x80, $0x38;
	[tilespmem:$0x1E600] =	vst v63  }
0x10a: {  	_ =	swait.ge [sflag:s1], $0x2000  }
0x10b: {  	[sflag:s1] =	ssyncset.done $0x0  }
0x10c: {  	[sflag:s1] =	ssyncadd.s32 $0xFFFFE000  }
0x10d: {  	_ =	swait.ge [sflag:s5], $0x2000  }
0x10e: {  	[sflag:s5] =	ssyncset.done $0x0  }
0x10f: {  	[sflag:s5] =	ssyncadd.s32 $0xFFFFE000  }
0x110: {  	_ =	swait.ge [sflag:s13], $0x80  }
0x111: {  	[sflag:s13] =	ssyncset.done $0x0  }
.Ltmp6:
0x112: {  	[sflag:s13] =	ssyncadd.s32 $0xFFFFFF80;
	(pc) =	sbr.rel @p0 .LBB2_11-.Ltmp6, $4  }
0x113: {  	[spmem:s2] =	stream.indirect.scatter.add.f32 [tilespmem:s26], [sflag:$0x9], $0x80, s21, s25, $0xb8;
	[tilespmem:$0x1E600] =	vst v63  }
0x114: {  	_ =	swait.ge [sflag:s15], $0x4000  }
0x115: {  	[sflag:s15] =	ssyncset.done $0x0  }
0x116: {  	[sflag:s15] =	ssyncadd.s32 $0xFFFFC000  }
0x117: {  	s6 =	sadd.s32 $0x280, s9  }
0x118: {  	[tilespmem:s26], [sflag:$0x2] =	stream.indirect.gather [hbm4b:s4+s22], $0x80, s6, s22, $0xb8;
	[tilespmem:$0x1E600] =	vst v63  }
.Ltmp7:
0x119: {  	_ = 	snop;
	(pc) =	sbr.rel .LBB2_9-.Ltmp7, $4  }
0x11a: {  	s16 =	sadd.s32 $0x2C0, s9  }
0x11b: {  	[tilespmem:s29], [sflag:$0x4] =	stream.indirect.gather [hbm4b:s4+s22], $0x80, s16, s22, $0xb8;
	[tilespmem:$0x1E600] =	vst v63  }
0x11c: {  	s17 =	sadd.s32 $0x30, s14;
	s14 =	sadd.s32 $0x40, s14;
	s7 =	sadd.s32 $0x800, s7  }
0x11d: {  	[tilespmem:s21], [sflag:$0x8] =	stream.linear.gather [hbm4b:s17+s3], $0x80, $0x38;
	[tilespmem:$0x1E600] =	vst v63  }
.LBB2_12:
0x11e: {  	_ =	sfence.sel $0x180000  }
0x11f: {  	[bflag:$0x0] =	sbarrier.arrive $0xFFFF  }
0x120: {  	_ =	strace $0x9000004D  }
0x121: {  	s0 =	stileid.u32;
	[bflag:$0x2] =	sbarrier.arrive $0xFFFF  }
0x122: {  	p0 =	sne.s32 s0, $0x0;
	s0 =	rddreg [dreg:$0x2]  }
0x123: {  	s0 =	sadd.s32 @!p0 $0x100000, s0  }
0x124: {  	[sflag:s0] =	ssyncadd.tile.s32 @!p0 $0x1;
	_ =	shalt  }
.Lfunc_end2:
_tile_overlayer_lowered:
.L_overlay_start_2:
0x125: {  	(tag) =	ssettag $0x2  }
0x126: {  	s0 =	rddreg [dreg:$0x0];
	s2 =	stileid.u32  }
0x127: {  	s1 =	rddreg [dreg:$0x1];
	p0 =	sne.s32 s2, $0x0  }
0x128: {  	s3 =	rddreg [dreg:$0x2];
	[bflag:$0x3] =	sbarrier.arrive $0xFFFF;
	s2 =	simm.s32 @!p0 $0x1C09  }
0x129: {  	[timem:s3], [sflag:s2] =	dma.local @!p0 [hbm:s0], s1  }
0x12a: {  	s0 =	simm.s32 @!p0 $0x9  }
0x12b: {  	_ =	swait.ge @!p0 [sflag:s0], s1  }
0x12c: {  	s1 =	ssub.s32 @!p0 $0x0, s1;
	[sflag:s0] =	ssyncset.done @!p0 $0x0  }
0x12d: {  	[sflag:s0] =	ssyncadd.s32 @!p0 s1  }
0x12e: {  	[bflag:$0x3] =	sbarrier.arrive $0xFFFF  }
0x12f: {  	_ =	shalt  }

// kernel: sc_segment_sum_4.7.cloned.1.call-start
scs
__scs_entry_jumppad:
0x0: {  	(pc) =	sbr.rel $0x88, $3  }
0x1: {  	(tag) =	ssettag $0x0;
	lr =	simm.s32 $0x1  }
0x2: {  	[smem:$0x3F96] =	sst lr;
	_ =	strace $0xD0000000  }
0x3: {  	_ = 	snop  }
0x4: {  	_ = 	snop  }
0x5: {  	_ = 	snop  }
0x6: {  	_ = 	snop  }
0x7: {  	_ = 	snop  }
__scs_overlays_trampoline_lowered:
0x8: {  	[smem:$0x3FA5] =	sst s0  }
0x9: {  	[smem:$0x3FA6] =	sst s1  }
0xa: {  	[smem:$0x3FA7] =	sst s2  }
0xb: {  	[smem:$0x3FA8] =	sst s3  }
0xc: {  	[smem:$0x3FA9] =	sst s4  }
0xd: {  	[smem:$0x3FAA] =	sst s5  }
0xe: {  	[smem:$0x3FAB] =	sst s6  }
0xf: {  	[smem:$0x3FAC] =	sst s7  }
0x10: {  	[smem:$0x3FAD] =	sst s8  }
0x11: {  	[smem:$0x3FAE] =	sst s9;
	s0 =	simm.s32 @!p0 $0x0  }
0x12: {  	s1 =	sld [smem:$0x3F94];
	s0 =	simm.s32 @p0 $0x1  }
0x13: {  	[smem:$0x3FAF] =	sst s0;
	s0 =	simm.s32 @!p1 $0x0  }
0x14: {  	s2 =	sld [smem:$0x3F93];
	s0 =	simm.s32 @p1 $0x1  }
0x15: {  	[smem:$0x3FB0] =	sst s0;
	s0 =	simm.s32 @!p2 $0x0  }
0x16: {  	s3 =	sld [smem:$0x3FDB];
	s0 =	simm.s32 @p2 $0x1  }
0x17: {  	s4 =	simm.s32 $0x1BF5;
	[smem:$0x3FB2] =	sst s0  }
0x18: {  	s0 =	sld [smem:$0x3F95];
	_ =	swait.ge [sflag:s4], $0x0  }
0x19: {  	s7 =	sld [smem:$0x3F96]  }
0x1a: {  	s8 =	sadd.s32 $0xFFFFE003, lr  }
0x1b: {  	s9 =	sadd.s32 $0xFFFFFEF7, lr;
	s5 =	simm.s32 $0xFFFFFFFF;
	p2 =	slt.u32 s8, $0xFFFFF086  }
0x1c: {  	p1 =	slt.u32 s9, $0xF7A;
	s5 =	simm.s32 @!p2 $0x0  }
0x1d: {  	s5 =	simm.s32 @p1 $0x1;
	p0 =	seq.s32 s7, s2  }
0x1e: {  	s7 =	smul.u32 @!p0 $0xF7A, s2;
	p2 =	seq.s32 @!p0 s5, $0x0  }
0x1f: {  	s9 =	smul.u32 $0xF7A, s1;
	s8 =	simm.s32 @!p0 $0x1BF5;
	p2 =	por !p2, p0  }
0x20: {  	[sflag:s8] =	ssyncset.s32 @!p0 $0xFFFFF086;
	s6 =	sadd.s32 @!p0 s3, s7;
	s7 =	simm.s32 @!p0 $0x108  }
0x21: {  	s3 =	sadd.s32 s3, s9;
	s6 =	sadd.s32 @!p0 $0x88, s6;
	s7 =	simm.s32 @p2 $0x1082  }
0x22: {  	[simem:s7], [sflag:s8] =	dma.local @!p0 [hbm:s6], $0xF7A  }
0x23: {  	s9 =	sor.u32 $0xD0000000, s2;
	s6 =	simm.s32 $0x108;
	_ =	swait.ge @!p0 [sflag:s8], $0x0  }
0x24: {  	s3 =	sadd.s32 $0x88, s3;
	s6 =	simm.s32 @!p1 $0x1082;
	[sflag:s4] =	ssyncset.s32 $0xFFFFF086  }
0x25: {  	[simem:s6], [sflag:s4] =	dma.local [hbm:s3], $0xF7A  }
0x26: {  	[smem:$0x3F96] =	sst s1;
	(tag) =	ssettag s2;
	_ =	strace s9  }
0x27: {  	s1 =	sld [smem:$0x3FA6]  }
0x28: {  	s2 =	sld [smem:$0x3FA7]  }
0x29: {  	s4 =	sld [smem:$0x3FA9]  }
0x2a: {  	p0 =	seq.s32 s5, $0x0;
	s5 =	sld [smem:$0x3FAA]  }
0x2b: {  	s6 =	sld [smem:$0x3FAB]  }
0x2c: {  	s7 =	sld [smem:$0x3FAC]  }
0x2d: {  	s3 =	simm.s32 $0x108;
	s8 =	sld [smem:$0x3FAD]  }
0x2e: {  	s3 =	simm.s32 @!p0 $0x1082;
	s9 =	sld [smem:$0x3FAE]  }
0x2f: {  	lr =	sadd.s32 s0, s3;
	s0 =	sld [smem:$0x3FA5]  }
0x30: {  	s3 =	sld [smem:$0x3FA8]  }
0x31: {  	[smem:$0x3FB1] =	sst s10  }
0x32: {  	s10 =	sld [smem:$0x3FAF];
	_ =	sdelay $0x3  }
0x33: {  	p0 =	seq.s32 s10, $0x1;
	s10 =	sld [smem:$0x3FB1];
	_ =	sdelay $0x3  }
0x34: {  	[smem:$0x3FB1] =	sst s10  }
0x35: {  	s10 =	sld [smem:$0x3FB0];
	_ =	sdelay $0x3  }
0x36: {  	p1 =	seq.s32 s10, $0x1;
	s10 =	sld [smem:$0x3FB1];
	_ =	sdelay $0x3  }
0x37: {  	[smem:$0x3FB1] =	sst s10  }
0x38: {  	s10 =	sld [smem:$0x3FB2]  }
0x39: {  	_ = 	snop;
	(pc) =	sbr.ind lr, $3  }
0x3a: {  	_ = 	snop  }
0x3b: {  	_ = 	snop  }
0x3c: {  	p2 =	seq.s32 s10, $0x1;
	s10 =	sld [smem:$0x3FB1]  }
0x3d: {  	_ =	shalt  }
0x3e: {  	_ =	shalt  }
0x3f: {  	_ =	shalt  }
0x40: {  	_ =	shalt  }
0x41: {  	_ =	shalt  }
0x42: {  	_ =	shalt  }
0x43: {  	_ =	shalt  }
0x44: {  	_ =	shalt  }
0x45: {  	_ =	shalt  }
0x46: {  	_ =	shalt  }
0x47: {  	_ =	shalt  }
0x48: {  	_ =	shalt  }
0x49: {  	_ =	shalt  }
0x4a: {  	_ =	shalt  }
0x4b: {  	_ =	shalt  }
0x4c: {  	_ =	shalt  }
0x4d: {  	_ =	shalt  }
0x4e: {  	_ =	shalt  }
0x4f: {  	_ =	shalt  }
0x50: {  	_ =	shalt  }
0x51: {  	_ =	shalt  }
0x52: {  	_ =	shalt  }
0x53: {  	_ =	shalt  }
0x54: {  	_ =	shalt  }
0x55: {  	_ =	shalt  }
0x56: {  	_ =	shalt  }
0x57: {  	_ =	shalt  }
0x58: {  	_ =	shalt  }
0x59: {  	_ =	shalt  }
0x5a: {  	_ =	shalt  }
0x5b: {  	_ =	shalt  }
0x5c: {  	_ =	shalt  }
0x5d: {  	_ =	shalt  }
0x5e: {  	_ =	shalt  }
0x5f: {  	_ =	shalt  }
0x60: {  	_ =	shalt  }
0x61: {  	_ =	shalt  }
0x62: {  	_ =	shalt  }
0x63: {  	_ =	shalt  }
0x64: {  	_ =	shalt  }
0x65: {  	_ =	shalt  }
0x66: {  	_ =	shalt  }
0x67: {  	_ =	shalt  }
0x68: {  	_ =	shalt  }
0x69: {  	_ =	shalt  }
0x6a: {  	_ =	shalt  }
0x6b: {  	_ =	shalt  }
0x6c: {  	_ =	shalt  }
0x6d: {  	_ =	shalt  }
0x6e: {  	_ =	shalt  }
0x6f: {  	_ =	shalt  }
0x70: {  	_ =	shalt  }
0x71: {  	_ =	shalt  }
0x72: {  	_ =	shalt  }
0x73: {  	_ =	shalt  }
0x74: {  	_ =	shalt  }
0x75: {  	_ =	shalt  }
0x76: {  	_ =	shalt  }
0x77: {  	_ =	shalt  }
0x78: {  	_ =	shalt  }
0x79: {  	_ =	shalt  }
0x7a: {  	_ =	shalt  }
0x7b: {  	_ =	shalt  }
0x7c: {  	_ =	shalt  }
0x7d: {  	_ =	shalt  }
0x7e: {  	_ =	shalt  }
0x7f: {  	_ =	shalt  }
0x80: {  	_ =	shalt  }
0x81: {  	_ =	shalt  }
0x82: {  	_ =	shalt  }
0x83: {  	_ =	shalt  }
0x84: {  	_ =	shalt  }
0x85: {  	_ =	shalt  }
0x86: {  	_ =	shalt  }
0x87: {  	_ =	shalt  }
.Lfunc_end0:
.L_simem_size_0:
called_computation.3_lowered:
.L_overlay_start_0:
0x88: {  	s2 =	sld [smem:$0x3FD9]  }
0x89: {  	s3 =	sld [smem:$0x3FFE];
	_ =	sdelay $0x1  }
0x8a: {  	s1 =	srdreg.scid  }
0x8b: {  	s0 =	sand.u32 $0x1, s1  }
0x8c: {  	s16 =	sshll.u32 s0, $0xA;
	s2 =	sadd.s32 s3, s2  }
0x8d: {  	s2 =	sadd.s32 s2, s16  }
0x8e: {  	[smem:$0x3FBD] =	sst s2  }
0x8f: {  	_ = 	snop  }
0x90: {  	(tm) =	ssettm $0x1  }
0x91: {  	s17 =	sld [smem:$0x3FFB];
	_ =	sdelay $0x3  }
0x92: {  	_ =	strace s17  }
0x93: {  	s2 =	sld [smem:$0x3FFC];
	_ =	sdelay $0x3  }
0x94: {  	_ =	strace s2  }
0x95: {  	s2 =	sld [smem:$0x3FFD];
	_ =	sdelay $0x3  }
0x96: {  	_ =	strace s2  }
0x97: {  	_ =	strace $0x8FFFFFFF  }
0x98: {  	s18 =	sld [smem:$0x3FDB];
	_ =	sdelay $0x1  }
0x99: {  	s19 =	simm.s32 $_scs_section_size  }
0x9a: {  	s4 =	simm.s32 $_size__tile_overlayer_lowered;
	s5 =	simm.s32 $_tile_overlayer_lowered  }
0x9b: {  	s22 =	simm.s32 $0x1BFF;
	s21 =	sshll.u32 s5, $0x1;
	s2 =	sadd.s32 s19, s18  }
0x9c: {  	s6 =	simm.s32 $0x0;
	s20 =	sshll.u32 s4, $0x1;
	s4 =	sadd.s32 s21, s2  }
0x9d: {  	[timem:s6], [sflag:s22] =	dma.local [hbm:s4], s20  }
0x9e: {  	_ =	swait.ge [sflag:s22], s20  }
0x9f: {  	s3 =	ssub.s32 $0x0, s20;
	[sflag:s22] =	ssyncset.done $0x0  }
0xa0: {  	[sflag:s22] =	ssyncadd.s32 s3;
	_ =	sdelay $0x1  }
0xa1: {  	s23 =	simm.s32 $0x1B8B  }
0xa2: {  	_ =	swait.ge [sflag:s23], $0x1  }
0xa3: {  	[sflag:s23] =	ssyncset.done $0x0  }
0xa4: {  	s25 =	simm.s32 $0x1B8E;
	s24 =	sld [smem:$0x3FFE];
	[sflag:s23] =	ssyncadd.s32 $0xFFFFFFFF  }
0xa5: {  	s26 =	simm.s32 $execute0_lowered;
	[smem:$0x3FD2] =	sst s25  }
0xa6: {  	s4 =	sshll.u32 s26, $0x1;
	_ =	strace $0x8000004F;
	[dreg:$0x1] =	wrdreg $0xFFFFFFFF  }
0xa7: {  	s28 =	simm.s32 $_size_execute0_lowered;
	s2 =	sadd.s32 s2, s4;
	[dreg:$0x0] =	wrdreg $0x0  }
0xa8: {  	s4 =	sshll.u32 s28, $0x1;
	[dreg:$0x2] =	wrdreg s2  }
0xa9: {  	[dreg:$0x3] =	wrdreg s4  }
0xaa: {  	[dreg:$0x4] =	wrdreg $0xC0  }
0xab: {  	_ =	task [dreg:s6], $0x5FFFF  }
0xac: {  	[dreg:$0x1] =	wrdreg $0xFFFFFFFF  }
0xad: {  	[dreg:$0x0] =	wrdreg $0x60  }
0xae: {  	[dreg:$0x2] =	wrdreg s24  }
0xaf: {  	[dreg:$0x3] =	wrdreg $0xAA000  }
0xb0: {  	[dreg:$0x4] =	wrdreg $0x9  }
0xb1: {  	_ =	task.clear_ibuf [dreg:s6], $0x5FFFF;
	_ =	strace $0x9000004F  }
0xb2: {  	s29 =	simm.s32 $0x9;
	_ =	strace $0x80000051  }
0xb3: {  	_ =	swait.ge [sflag:s29], $0x1  }
0xb4: {  	[sflag:s29] =	ssyncadd.s32 $0xFFFFFFFF  }
0xb5: {  	_ =	strace $0x90000051  }
0xb6: {  	_ =	sfence  }
0xb7: {  	s30 =	sld [smem:$0x0];
	_ =	sdelay $0x2  }
0xb8: {  	s31 =	sshll.u32 s1, $0xD;
	s1 =	sshrl.u32 s1, $0x2  }
0xb9: {  	s3 =	sand.u32 $0x4000, s31;
	s1 =	sadd.s32 s1, s30  }
0xba: {  	s0 =	sor.u32 s3, s0;
	s1 =	sshll.u32 s1, $0x11  }
0xbb: {  	s0 =	sor.u32 s1, s0  }
0xbc: {  	s0 =	sadd.s32 $0x8F2B, s0  }
0xbd: {  	[sflag:s0] =	ssyncadd.remote.s32 $0x1  }
0xbe: {  	_ =	sfence.sel $0xFFFF  }
0xbf: {  	[dreg:$0x0] =	wrdreg $0xFFFFFFFF;
	(pc) =	sbr.abs _section_cstart, $3  }
0xc0: {  	[dreg:$0x1] =	wrdreg $0xFFFFFFFF  }
0xc1: {  	_ =	task.clear_ibuf [dreg:s6], $0x2FFFF;
	_ =	strace $0x9FFFFFFF  }
0xc2: {  	(tm) =	ssettm $0x7FFFFFFF  }
0xc3: {  	_ =	shalt  }
tec
execute0_lowered:
.L_overlay_start_1:
0x0: {  	(tag) =	ssettag $0x1  }
0x1: {  	s0 =	rddreg [dreg:$0x0]  }
0x2: {  	s2 =	rddreg [dreg:$0x1]  }
0x3: {  	s13 =	stileid.u32;
	s5 =	srdreg.scid;
	s3 =	simm.s32 $0x0  }
0x4: {  	s15 =	simm.s32 $0x9;
	s29 =	simm.s32 $0x8800;
	s1 =	smul.u32 $0x500, s13  }
0x5: {  	s30 =	simm.s32 $0x1;
	s31 =	simm.s32 $0x3;
	s4 =	smul.u32 $0x2780, s13  }
0x6: {  	s28 =	simm.s32 $0x0;
	s5 =	sand.u32 $0x1, s5;
	s6 =	smul.u32 $0x278, s13  }
0x7: {  	[smem:$0x7FF] =	sst s3;
	s9 =	sadd.s32 $0x8C00, s0;
	s17 =	smul.u32 $0x2800, s13  }
0x8: {  	s12 =	smul.u32 $0x4F000, s13;
	s26 =	sshll.u32 s13, $0x6;
	s13 =	simm.s32 $0x8  }
0x9: {  	s7 =	smul.u32 $0x4F00, s5;
	_ =	strace $0x80000050;
	s5 =	ssub.s32 $0x2, s5  }
0xa: {  	s8 =	sadd.s32 s1, s0;
	s10 =	sadd.s32 s4, s0;
	s4 =	sadd.s32 $0x84400, s0  }
0xb: {  	s18 =	sshrl.u32 s5, $0x1;
	s19 =	sshrl.u32 s12, $0x2;
	s25 =	sadd.s32 s1, s9  }
0xc: {  	s1 =	simm.s32 $0x2;
	s12 =	simm.s32 $0x7;
	s16 =	sadd.s32 s6, s7  }
0xd: {  	s5 =	ssub.s32 s5, s18;
	s6 =	sshrl.u32 s17, $0x3;
	s8 =	sadd.s32 $0x3C00, s8  }
0xe: {  	s20 =	sadd.s32 $0x5CC00, s10;
	s18 =	simm.s32 $0xA800;
	[dreg:$0x3] =	wrdreg s8  }
0xf: {  	s11 =	sshll.u32 s16, $0x4;
	s6 =	sadd.s32 s9, s6;
	[dreg:$0x5] =	wrdreg s20  }
0x10: {  	s24 =	smax.u32 s5, $0x1;
	s8 =	sor.u32 $0x1C09, s26;
	s20 =	simm.s32 $0xA900  }
0x11: {  	s26 =	simm.s32 $0x6800;
	s5 =	simm.s32 $0x4;
	[dreg:$0x4] =	wrdreg s6  }
0x12: {  	s0 =	sadd.s32 s11, s0;
	s11 =	sadd.s32 s19, s2;
	[dreg:$0xb] =	wrdreg s24  }
0x13: {  	s21 =	sadd.s32 $0x10, s6;
	s22 =	sadd.s32 $0x20, s6;
	[dreg:$0xd] =	wrdreg s8  }
0x14: {  	s6 =	sadd.s32 $0x30, s6;
	s19 =	simm.s32 $0xA880;
	[dreg:$0x6] =	wrdreg s21  }
0x15: {  	s24 =	simm.s32 $0x4800;
	[dreg:$0x7] =	wrdreg s22;
	s23 =	sadd.s32 $0x122400, s0  }
.Ltmp0:
0x16: {  	[dreg:$0x8] =	wrdreg s6;
	s0 =	sadd.s32 $0x149C00, s0;
	(pc) =	sbr.rel .LBB2_1-.Ltmp0, $4  }
0x17: {  	s10 =	sshrl.u32 s11, $0x3;
	s21 =	simm.s32 $0xA980;
	[dreg:$0x9] =	wrdreg s23  }
0x18: {  	s22 =	simm.s32 $0x40;
	s11 =	simm.s32 $0x6;
	[dreg:$0xa] =	wrdreg s0  }
0x19: {  	s0 =	sadd.s32 $0x40, s25;
	s23 =	simm.s32 $0x2800;
	[dreg:$0xe] =	wrdreg s10  }
0x1a: {  	v0 =	vmov s7;
	s25 =	simm.s32 $0x80;
	[dreg:$0xc] =	wrdreg s0;
	s0 =	simm.s32 $0x5  }
.LBB2_11:
0x1b: {  	[bflag:$0x0] =	sbarrier.arrive $0xFFFF  }
0x1c: {  	s6 =	rddreg [dreg:$0xa]  }
0x1d: {  	s8 =	rddreg [dreg:$0xd]  }
0x1e: {  	s10 =	rddreg [dreg:$0xe]  }
0x1f: {  	[hbm:s6], [sflag:s8] =	dma.local [spmem:s10], $0x2780  }
0x20: {  	_ =	swait.ge [sflag:s15], $0x2780  }
0x21: {  	s28 =	sadd.s32 $0x1, s28;
	s17 =	rddreg [dreg:$0xb]  }
0x22: {  	p0 =	sne.s32 s28, s17  }
.Ltmp1:
0x23: {  	_ = 	snop;
	(pc) =	sbr.rel @!p0 .LBB2_12-.Ltmp1, $3  }
0x24: {  	_ =	sdelay $0x1  }
0x25: {  	[sflag:s15] =	ssyncset.done $0x0  }
0x26: {  	[sflag:s15] =	ssyncadd.s32 $0xFFFFD880  }
.LBB2_1:
0x27: {  	s6 =	rddreg [dreg:$0x3]  }
0x28: {  	[tilespmem:s3], [sflag:$0x9] =	stream.linear.gather [hbm4b:s6+s3], $0x2800, $0x38;
	[tilespmem:$0x1E600] =	vst v63  }
0x29: {  	_ =	swait.ge [sflag:s15], $0x2800  }
0x2a: {  	[sflag:s15] =	ssyncset.done $0x0  }
0x2b: {  	s7 =	simm.s32 $0x0;
	[sflag:s15] =	ssyncadd.s32 $0xFFFFD800  }
0x2c: {  	v3 =	vld [tilespmem:s7+$0x0]  }
0x2d: {  	v5 =	vld [tilespmem:s7+$0x10]  }
0x2e: {  	v4 =	vld [tilespmem:s7+$0x20]  }
0x2f: {  	v2 =	vld [tilespmem:s7+$0x30]  }
0x30: {  	v1 =	vld [tilespmem:s7+$0x40]  }
0x31: {  	v6 =	vadd.s32 v0, v3;
	v3 =	vld [tilespmem:s7+$0x50]  }
0x32: {  	s9 =	simm.s32 $0x200;
	[tilespmem:s7+$0x0] =	vst v6;
	v6 =	vadd.s32 v0, v5;
	v5 =	vld [tilespmem:s7+$0x60]  }
.LBB2_2:
0x33: {  	s14 =	sshra.s32 s9, $0x2;
	p0 =	sne.s32 s9, $0x9E00;
	[tilespmem:s7+$0x10] =	vst v6;
	v4 =	vadd.s32 v0, v4;
	v6 =	vld [tilespmem:s7+$0x70]  }
0x34: {  	v7 =	vld [tilespmem:s14+$0x0];
	[tilespmem:s7+$0x20] =	vst v4;
	v2 =	vadd.s32 v0, v2  }
0x35: {  	v8 =	vld [tilespmem:s14+$0x10];
	[tilespmem:s7+$0x30] =	vst v2;
	v1 =	vadd.s32 v0, v1  }
.Ltmp2:
0x36: {  	v4 =	vld [tilespmem:s14+$0x20];
	[tilespmem:s7+$0x40] =	vst v1;
	v1 =	vadd.s32 v0, v3;
	(pc) =	sbr.rel @p0 .LBB2_2-.Ltmp2, $4  }
0x37: {  	v2 =	vld [tilespmem:s14+$0x30];
	[tilespmem:s7+$0x50] =	vst v1;
	v3 =	vadd.s32 v0, v5  }
0x38: {  	v1 =	vld [tilespmem:s14+$0x40];
	[tilespmem:s7+$0x60] =	vst v3;
	v5 =	vadd.s32 v0, v6  }
0x39: {  	v6 =	vadd.s32 v0, v7;
	v3 =	vld [tilespmem:s14+$0x50];
	[tilespmem:s7+$0x70] =	vst v5;
	s7 =	smov.u32 s14  }
0x3a: {  	s9 =	sadd.s32 $0x200, s9;
	[tilespmem:s7+$0x0] =	vst v6;
	v6 =	vadd.s32 v0, v8;
	v5 =	vld [tilespmem:s7+$0x60]  }
0x3b: {  	[tilespmem:s7+$0x10] =	vst v6;
	v4 =	vadd.s32 v0, v4;
	v63 =	vld [tilespmem:s7+$0x70]  }
0x3c: {  	[tilespmem:s7+$0x20] =	vst v4;
	v2 =	vadd.s32 v0, v2  }
0x3d: {  	[tilespmem:s7+$0x30] =	vst v2;
	v1 =	vadd.s32 v0, v1  }
0x3e: {  	[tilespmem:s7+$0x40] =	vst v1;
	v1 =	vadd.s32 v0, v3  }
0x3f: {  	[tilespmem:s7+$0x50] =	vst v1;
	v1 =	vadd.s32 v0, v5  }
0x40: {  	[tilespmem:s7+$0x60] =	vst v1;
	v1 =	vadd.s32 v0, v63  }
0x41: {  	s6 =	rddreg [dreg:$0x5];
	[tilespmem:s7+$0x70] =	vst v1  }
0x42: {  	[spmem:s10], [sflag:s8] =	dma.local [hbm:s6], $0x2780  }
0x43: {  	_ =	swait.ge [sflag:s15], $0x2780  }
0x44: {  	[sflag:s15] =	ssyncset.done $0x0  }
0x45: {  	[sflag:s15] =	ssyncadd.s32 $0xFFFFD880  }
0x46: {  	[bflag:$0x0] =	sbarrier.arrive $0xFFFF  }
0x47: {  	s7 =	simm.s32 $0x0;
	s9 =	rddreg [dreg:$0x4]  }
0x48: {  	[tilespmem:s18], [sflag:$0x5] =	stream.linear.gather [hbm4b:s9+s7], $0x80, $0x38;
	[tilespmem:$0x1E600] =	vst v63  }
0x49: {  	s10 =	rddreg [dreg:$0x6]  }
0x4a: {  	[tilespmem:s19], [sflag:$0x6] =	stream.linear.gather [hbm4b:s10+s7], $0x80, $0x38;
	[tilespmem:$0x1E600] =	vst v63  }
0x4b: {  	s14 =	rddreg [dreg:$0x7]  }
0x4c: {  	[tilespmem:s20], [sflag:$0x7] =	stream.linear.gather [hbm4b:s14+s7], $0x80, $0x38;
	[tilespmem:$0x1E600] =	vst v63  }
0x4d: {  	s16 =	rddreg [dreg:$0x8]  }
0x4e: {  	[tilespmem:s21], [sflag:$0x8] =	stream.linear.gather [hbm4b:s16+s7], $0x80, $0x38;
	[tilespmem:$0x1E600] =	vst v63  }
0x4f: {  	_ = 	snop  }
0x50: {  	[tilespmem:s23], [sflag:$0x1] =	stream.indirect.gather [hbm4b:s4+s22], $0x80, s7, s22, $0xb8;
	[tilespmem:$0x1E600] =	vst v63  }
0x51: {  	_ = 	snop  }
0x52: {  	[tilespmem:s24], [sflag:$0x3] =	stream.indirect.gather [hbm4b:s4+s22], $0x80, s22, s22, $0xb8;
	[tilespmem:$0x1E600] =	vst v63  }
0x53: {  	_ = 	snop  }
0x54: {  	[tilespmem:s26], [sflag:$0x2] =	stream.indirect.gather [hbm4b:s4+s22], $0x80, s25, s22, $0xb8;
	[tilespmem:$0x1E600] =	vst v63  }
0x55: {  	s17 =	simm.s32 $0xC0;
	s14 =	rddreg [dreg:$0xc]  }
0x56: {  	[tilespmem:s29], [sflag:$0x4] =	stream.indirect.gather [hbm4b:s4+s22], $0x80, s17, s22, $0xb8;
	[tilespmem:$0x1E600] =	vst v63  }
.LBB2_4:
0x57: {  	_ =	swait.ge [sflag:s30], $0x2000  }
0x58: {  	[sflag:s30] =	ssyncset.done $0x0  }
0x59: {  	[sflag:s30] =	ssyncadd.s32 $0xFFFFE000  }
0x5a: {  	_ =	swait.ge [sflag:s31], $0x2000  }
0x5b: {  	[sflag:s31] =	ssyncset.done $0x0  }
0x5c: {  	[sflag:s31] =	ssyncadd.s32 $0xFFFFE000  }
0x5d: {  	_ =	swait.ge [sflag:s0], $0x80  }
0x5e: {  	[sflag:s0] =	ssyncset.done $0x0  }
0x5f: {  	[sflag:s0] =	ssyncadd.s32 $0xFFFFFF80  }
0x60: {  	[spmem:s2] =	stream.indirect.scatter.add.f32 [tilespmem:s23], [sflag:$0x9], $0x80, s18, s25, $0xb8;
	[tilespmem:$0x1E600] =	vst v63  }
0x61: {  	_ =	swait.ge [sflag:s15], $0x4000  }
0x62: {  	s9 =	sshra.s32 s7, $0x2;
	[sflag:s15] =	ssyncset.done $0x0  }
0x63: {  	s10 =	sadd.s32 $0x100, s9;
	[sflag:s15] =	ssyncadd.s32 $0xFFFFC000  }
0x64: {  	[tilespmem:s23], [sflag:$0x1] =	stream.indirect.gather [hbm4b:s4+s22], $0x80, s10, s22, $0xb8;
	[tilespmem:$0x1E600] =	vst v63  }
0x65: {  	p0 =	seq.s32 s7, $0x9800;
	s8 =	sadd.s32 $0x140, s9  }
0x66: {  	[tilespmem:s24], [sflag:$0x3] =	stream.indirect.gather [hbm4b:s4+s22], $0x80, s8, s22, $0xb8;
	[tilespmem:$0x1E600] =	vst v63  }
0x67: {  	s10 =	simm.s32 @!p0 $0x0;
	s8 =	simm.s32 @!p0 $0xA800  }
0x68: {  	[tilespmem:s8], [sflag:$0x5] =	stream.linear.gather @!p0 [hbm4b:s14+s10], $0x80, $0x38;
	[tilespmem:$0x1E600] =	vst v63  }
0x69: {  	_ =	swait.ge [sflag:s1], $0x2000  }
0x6a: {  	[sflag:s1] =	ssyncset.done $0x0  }
0x6b: {  	[sflag:s1] =	ssyncadd.s32 $0xFFFFE000  }
0x6c: {  	_ =	swait.ge [sflag:s5], $0x2000  }
0x6d: {  	[sflag:s5] =	ssyncset.done $0x0  }
0x6e: {  	[sflag:s5] =	ssyncadd.s32 $0xFFFFE000  }
0x6f: {  	_ =	swait.ge [sflag:s11], $0x80  }
0x70: {  	[sflag:s11] =	ssyncset.done $0x0  }
0x71: {  	[sflag:s11] =	ssyncadd.s32 $0xFFFFFF80  }
0x72: {  	[spmem:s2] =	stream.indirect.scatter.add.f32 [tilespmem:s26], [sflag:$0x9], $0x80, s19, s25, $0xb8;
	[tilespmem:$0x1E600] =	vst v63  }
0x73: {  	_ =	swait.ge [sflag:s15], $0x4000  }
0x74: {  	[sflag:s15] =	ssyncset.done $0x0  }
0x75: {  	s16 =	sadd.s32 $0x180, s9;
	[sflag:s15] =	ssyncadd.s32 $0xFFFFC000  }
0x76: {  	[tilespmem:s26], [sflag:$0x2] =	stream.indirect.gather [hbm4b:s4+s22], $0x80, s16, s22, $0xb8;
	[tilespmem:$0x1E600] =	vst v63  }
0x77: {  	s17 =	sadd.s32 $0x1C0, s9  }
0x78: {  	[tilespmem:s29], [sflag:$0x4] =	stream.indirect.gather [hbm4b:s4+s22], $0x80, s17, s22, $0xb8;
	[tilespmem:$0x1E600] =	vst v63  }
0x79: {  	s6 =	simm.s32 @!p0 $0xA880;
	s8 =	sadd.s32 @!p0 $0x10, s14  }
0x7a: {  	[tilespmem:s6], [sflag:$0x6] =	stream.linear.gather @!p0 [hbm4b:s8+s10], $0x80, $0x38;
	[tilespmem:$0x1E600] =	vst v63  }
0x7b: {  	_ =	swait.ge [sflag:s30], $0x2000  }
0x7c: {  	[sflag:s30] =	ssyncset.done $0x0  }
0x7d: {  	[sflag:s30] =	ssyncadd.s32 $0xFFFFE000  }
0x7e: {  	_ =	swait.ge [sflag:s31], $0x2000  }
0x7f: {  	[sflag:s31] =	ssyncset.done $0x0  }
0x80: {  	[sflag:s31] =	ssyncadd.s32 $0xFFFFE000  }
0x81: {  	_ =	swait.ge [sflag:s12], $0x80  }
0x82: {  	[sflag:s12] =	ssyncset.done $0x0  }
0x83: {  	[sflag:s12] =	ssyncadd.s32 $0xFFFFFF80  }
0x84: {  	[spmem:s2] =	stream.indirect.scatter.add.f32 [tilespmem:s23], [sflag:$0x9], $0x80, s20, s25, $0xb8;
	[tilespmem:$0x1E600] =	vst v63  }
0x85: {  	_ =	swait.ge [sflag:s15], $0x4000  }
0x86: {  	s16 =	simm.s32 @!p0 $0x40;
	s6 =	sshra.s32 @!p0 s7, $0x2;
	[sflag:s15] =	ssyncset.done $0x0  }
0x87: {  	s17 =	simm.s32 @!p0 $0x2800;
	s8 =	sadd.s32 @!p0 $0x200, s6;
	[sflag:s15] =	ssyncadd.s32 $0xFFFFC000  }
0x88: {  	[tilespmem:s17], [sflag:$0x1] =	stream.indirect.gather @!p0 [hbm4b:s4+s16], $0x80, s8, s16, $0xb8;
	[tilespmem:$0x1E600] =	vst v63  }
0x89: {  	s6 =	sadd.s32 @!p0 $0x240, s6;
	s8 =	simm.s32 @!p0 $0x4800  }
0x8a: {  	[tilespmem:s8], [sflag:$0x3] =	stream.indirect.gather @!p0 [hbm4b:s4+s16], $0x80, s6, s16, $0xb8;
	[tilespmem:$0x1E600] =	vst v63  }
0x8b: {  	s6 =	sadd.s32 @!p0 $0x20, s14;
	s8 =	simm.s32 @!p0 $0xA900  }
0x8c: {  	[tilespmem:s8], [sflag:$0x7] =	stream.linear.gather @!p0 [hbm4b:s6+s10], $0x80, $0x38;
	[tilespmem:$0x1E600] =	vst v63  }
0x8d: {  	_ =	swait.ge [sflag:s1], $0x2000  }
0x8e: {  	[sflag:s1] =	ssyncset.done $0x0  }
0x8f: {  	[sflag:s1] =	ssyncadd.s32 $0xFFFFE000  }
0x90: {  	_ =	swait.ge [sflag:s5], $0x2000  }
0x91: {  	[sflag:s5] =	ssyncset.done $0x0  }
0x92: {  	[sflag:s5] =	ssyncadd.s32 $0xFFFFE000  }
0x93: {  	_ =	swait.ge [sflag:s13], $0x80  }
0x94: {  	[sflag:s13] =	ssyncset.done $0x0  }
.Ltmp3:
0x95: {  	[sflag:s13] =	ssyncadd.s32 $0xFFFFFF80;
	(pc) =	sbr.rel @p0 .LBB2_6-.Ltmp3, $4  }
0x96: {  	[spmem:s2] =	stream.indirect.scatter.add.f32 [tilespmem:s26], [sflag:$0x9], $0x80, s21, s25, $0xb8;
	[tilespmem:$0x1E600] =	vst v63  }
0x97: {  	_ =	swait.ge [sflag:s15], $0x4000  }
0x98: {  	[sflag:s15] =	ssyncset.done $0x0  }
0x99: {  	[sflag:s15] =	ssyncadd.s32 $0xFFFFC000  }
0x9a: {  	s6 =	sadd.s32 $0x280, s9  }
0x9b: {  	[tilespmem:s26], [sflag:$0x2] =	stream.indirect.gather [hbm4b:s4+s22], $0x80, s6, s22, $0xb8;
	[tilespmem:$0x1E600] =	vst v63  }
.Ltmp4:
0x9c: {  	_ = 	snop;
	(pc) =	sbr.rel .LBB2_4-.Ltmp4, $4  }
0x9d: {  	s16 =	sadd.s32 $0x2C0, s9  }
0x9e: {  	[tilespmem:s29], [sflag:$0x4] =	stream.indirect.gather [hbm4b:s4+s22], $0x80, s16, s22, $0xb8;
	[tilespmem:$0x1E600] =	vst v63  }
0x9f: {  	s17 =	sadd.s32 $0x30, s14;
	s14 =	sadd.s32 $0x40, s14;
	s7 =	sadd.s32 $0x800, s7  }
0xa0: {  	[tilespmem:s21], [sflag:$0x8] =	stream.linear.gather [hbm4b:s17+s3], $0x80, $0x38;
	[tilespmem:$0x1E600] =	vst v63  }
.LBB2_6:
0xa1: {  	[bflag:$0x0] =	sbarrier.arrive $0xFFFF  }
0xa2: {  	s6 =	rddreg [dreg:$0x9]  }
0xa3: {  	s8 =	rddreg [dreg:$0xd]  }
0xa4: {  	s10 =	rddreg [dreg:$0xe]  }
0xa5: {  	[hbm:s6], [sflag:s8] =	dma.local [spmem:s10], $0x2780  }
0xa6: {  	_ =	swait.ge [sflag:s15], $0x2780  }
0xa7: {  	[sflag:s15] =	ssyncset.done $0x0  }
0xa8: {  	s7 =	simm.s32 $0x0;
	[sflag:s15] =	ssyncadd.s32 $0xFFFFD880  }
0xa9: {  	v3 =	vld [tilespmem:s7+$0x0]  }
0xaa: {  	v5 =	vld [tilespmem:s7+$0x10]  }
0xab: {  	v4 =	vld [tilespmem:s7+$0x20]  }
0xac: {  	v2 =	vld [tilespmem:s7+$0x30]  }
0xad: {  	v1 =	vld [tilespmem:s7+$0x40]  }
0xae: {  	v6 =	vadd.s32 $0x2780, v3;
	v3 =	vld [tilespmem:s7+$0x50]  }
0xaf: {  	s9 =	simm.s32 $0x200;
	[tilespmem:s7+$0x0] =	vst v6;
	v6 =	vadd.s32 $0x2780, v5;
	v5 =	vld [tilespmem:s7+$0x60]  }
.LBB2_7:
0xb0: {  	s6 =	sshra.s32 s9, $0x2;
	p0 =	sne.s32 s9, $0x9E00;
	[tilespmem:s7+$0x10] =	vst v6;
	v4 =	vadd.s32 $0x2780, v4;
	v6 =	vld [tilespmem:s7+$0x70]  }
0xb1: {  	v7 =	vld [tilespmem:s6+$0x0];
	[tilespmem:s7+$0x20] =	vst v4;
	v2 =	vadd.s32 $0x2780, v2  }
0xb2: {  	v8 =	vld [tilespmem:s6+$0x10];
	[tilespmem:s7+$0x30] =	vst v2;
	v1 =	vadd.s32 $0x2780, v1  }
.Ltmp5:
0xb3: {  	v4 =	vld [tilespmem:s6+$0x20];
	[tilespmem:s7+$0x40] =	vst v1;
	v1 =	vadd.s32 $0x2780, v3;
	(pc) =	sbr.rel @p0 .LBB2_7-.Ltmp5, $4  }
0xb4: {  	v2 =	vld [tilespmem:s6+$0x30];
	[tilespmem:s7+$0x50] =	vst v1;
	v3 =	vadd.s32 $0x2780, v5  }
0xb5: {  	v1 =	vld [tilespmem:s6+$0x40];
	[tilespmem:s7+$0x60] =	vst v3;
	v5 =	vadd.s32 $0x2780, v6  }
0xb6: {  	v6 =	vadd.s32 $0x2780, v7;
	v3 =	vld [tilespmem:s6+$0x50];
	[tilespmem:s7+$0x70] =	vst v5;
	s7 =	smov.u32 s6  }
0xb7: {  	s9 =	sadd.s32 $0x200, s9;
	[tilespmem:s7+$0x0] =	vst v6;
	v6 =	vadd.s32 $0x2780, v8;
	v5 =	vld [tilespmem:s7+$0x60]  }
0xb8: {  	[tilespmem:s7+$0x10] =	vst v6;
	v4 =	vadd.s32 $0x2780, v4;
	v63 =	vld [tilespmem:s7+$0x70]  }
0xb9: {  	[tilespmem:s7+$0x20] =	vst v4;
	v2 =	vadd.s32 $0x2780, v2  }
0xba: {  	[tilespmem:s7+$0x30] =	vst v2;
	v1 =	vadd.s32 $0x2780, v1  }
0xbb: {  	[tilespmem:s7+$0x40] =	vst v1;
	v1 =	vadd.s32 $0x2780, v3  }
0xbc: {  	[tilespmem:s7+$0x50] =	vst v1;
	v1 =	vadd.s32 $0x2780, v5  }
0xbd: {  	[tilespmem:s7+$0x60] =	vst v1;
	v1 =	vadd.s32 $0x2780, v63  }
0xbe: {  	s6 =	rddreg [dreg:$0x5];
	[tilespmem:s7+$0x70] =	vst v1  }
0xbf: {  	[spmem:s10], [sflag:s8] =	dma.local [hbm:s6], $0x2780  }
0xc0: {  	_ =	swait.ge [sflag:s15], $0x2780  }
0xc1: {  	[sflag:s15] =	ssyncset.done $0x0  }
0xc2: {  	[sflag:s15] =	ssyncadd.s32 $0xFFFFD880  }
0xc3: {  	[bflag:$0x0] =	sbarrier.arrive $0xFFFF  }
0xc4: {  	s7 =	simm.s32 $0x0;
	s9 =	rddreg [dreg:$0x4]  }
0xc5: {  	[tilespmem:s18], [sflag:$0x5] =	stream.linear.gather [hbm4b:s9+s7], $0x80, $0x38;
	[tilespmem:$0x1E600] =	vst v63  }
0xc6: {  	s10 =	rddreg [dreg:$0x6]  }
0xc7: {  	[tilespmem:s19], [sflag:$0x6] =	stream.linear.gather [hbm4b:s10+s7], $0x80, $0x38;
	[tilespmem:$0x1E600] =	vst v63  }
0xc8: {  	s14 =	rddreg [dreg:$0x7]  }
0xc9: {  	[tilespmem:s20], [sflag:$0x7] =	stream.linear.gather [hbm4b:s14+s7], $0x80, $0x38;
	[tilespmem:$0x1E600] =	vst v63  }
0xca: {  	s16 =	rddreg [dreg:$0x8]  }
0xcb: {  	[tilespmem:s21], [sflag:$0x8] =	stream.linear.gather [hbm4b:s16+s7], $0x80, $0x38;
	[tilespmem:$0x1E600] =	vst v63  }
0xcc: {  	_ = 	snop  }
0xcd: {  	[tilespmem:s23], [sflag:$0x1] =	stream.indirect.gather [hbm4b:s4+s22], $0x80, s7, s22, $0xb8;
	[tilespmem:$0x1E600] =	vst v63  }
0xce: {  	_ = 	snop  }
0xcf: {  	[tilespmem:s24], [sflag:$0x3] =	stream.indirect.gather [hbm4b:s4+s22], $0x80, s22, s22, $0xb8;
	[tilespmem:$0x1E600] =	vst v63  }
0xd0: {  	_ = 	snop  }
0xd1: {  	[tilespmem:s26], [sflag:$0x2] =	stream.indirect.gather [hbm4b:s4+s22], $0x80, s25, s22, $0xb8;
	[tilespmem:$0x1E600] =	vst v63  }
0xd2: {  	s17 =	simm.s32 $0xC0;
	s14 =	rddreg [dreg:$0xc]  }
0xd3: {  	[tilespmem:s29], [sflag:$0x4] =	stream.indirect.gather [hbm4b:s4+s22], $0x80, s17, s22, $0xb8;
	[tilespmem:$0x1E600] =	vst v63  }
.LBB2_9:
0xd4: {  	_ =	swait.ge [sflag:s30], $0x2000  }
0xd5: {  	[sflag:s30] =	ssyncset.done $0x0  }
0xd6: {  	[sflag:s30] =	ssyncadd.s32 $0xFFFFE000  }
0xd7: {  	_ =	swait.ge [sflag:s31], $0x2000  }
0xd8: {  	[sflag:s31] =	ssyncset.done $0x0  }
0xd9: {  	[sflag:s31] =	ssyncadd.s32 $0xFFFFE000  }
0xda: {  	_ =	swait.ge [sflag:s0], $0x80  }
0xdb: {  	[sflag:s0] =	ssyncset.done $0x0  }
0xdc: {  	[sflag:s0] =	ssyncadd.s32 $0xFFFFFF80  }
0xdd: {  	[spmem:s2] =	stream.indirect.scatter.add.f32 [tilespmem:s23], [sflag:$0x9], $0x80, s18, s25, $0xb8;
	[tilespmem:$0x1E600] =	vst v63  }
0xde: {  	_ =	swait.ge [sflag:s15], $0x4000  }
0xdf: {  	s9 =	sshra.s32 s7, $0x2;
	[sflag:s15] =	ssyncset.done $0x0  }
0xe0: {  	s6 =	sadd.s32 $0x100, s9;
	[sflag:s15] =	ssyncadd.s32 $0xFFFFC000  }
0xe1: {  	[tilespmem:s23], [sflag:$0x1] =	stream.indirect.gather [hbm4b:s4+s22], $0x80, s6, s22, $0xb8;
	[tilespmem:$0x1E600] =	vst v63  }
0xe2: {  	p0 =	seq.s32 s7, $0x9800;
	s10 =	sadd.s32 $0x140, s9  }
0xe3: {  	[tilespmem:s24], [sflag:$0x3] =	stream.indirect.gather [hbm4b:s4+s22], $0x80, s10, s22, $0xb8;
	[tilespmem:$0x1E600] =	vst v63  }
0xe4: {  	s8 =	simm.s32 @!p0 $0xA800;
	s6 =	simm.s32 @!p0 $0x0  }
0xe5: {  	[tilespmem:s8], [sflag:$0x5] =	stream.linear.gather @!p0 [hbm4b:s14+s6], $0x80, $0x38;
	[tilespmem:$0x1E600] =	vst v63  }
0xe6: {  	_ =	swait.ge [sflag:s1], $0x2000  }
0xe7: {  	[sflag:s1] =	ssyncset.done $0x0  }
0xe8: {  	[sflag:s1] =	ssyncadd.s32 $0xFFFFE000  }
0xe9: {  	_ =	swait.ge [sflag:s5], $0x2000  }
0xea: {  	[sflag:s5] =	ssyncset.done $0x0  }
0xeb: {  	[sflag:s5] =	ssyncadd.s32 $0xFFFFE000  }
0xec: {  	_ =	swait.ge [sflag:s11], $0x80  }
0xed: {  	[sflag:s11] =	ssyncset.done $0x0  }
0xee: {  	[sflag:s11] =	ssyncadd.s32 $0xFFFFFF80  }
0xef: {  	[spmem:s2] =	stream.indirect.scatter.add.f32 [tilespmem:s26], [sflag:$0x9], $0x80, s19, s25, $0xb8;
	[tilespmem:$0x1E600] =	vst v63  }
0xf0: {  	_ =	swait.ge [sflag:s15], $0x4000  }
0xf1: {  	[sflag:s15] =	ssyncset.done $0x0  }
0xf2: {  	s16 =	sadd.s32 $0x180, s9;
	[sflag:s15] =	ssyncadd.s32 $0xFFFFC000  }
0xf3: {  	[tilespmem:s26], [sflag:$0x2] =	stream.indirect.gather [hbm4b:s4+s22], $0x80, s16, s22, $0xb8;
	[tilespmem:$0x1E600] =	vst v63  }
0xf4: {  	s17 =	sadd.s32 $0x1C0, s9  }
0xf5: {  	[tilespmem:s29], [sflag:$0x4] =	stream.indirect.gather [hbm4b:s4+s22], $0x80, s17, s22, $0xb8;
	[tilespmem:$0x1E600] =	vst v63  }
0xf6: {  	s10 =	simm.s32 @!p0 $0xA880;
	s8 =	sadd.s32 @!p0 $0x10, s14  }
0xf7: {  	[tilespmem:s10], [sflag:$0x6] =	stream.linear.gather @!p0 [hbm4b:s8+s6], $0x80, $0x38;
	[tilespmem:$0x1E600] =	vst v63  }
0xf8: {  	_ =	swait.ge [sflag:s30], $0x2000  }
0xf9: {  	[sflag:s30] =	ssyncset.done $0x0  }
0xfa: {  	[sflag:s30] =	ssyncadd.s32 $0xFFFFE000  }
0xfb: {  	_ =	swait.ge [sflag:s31], $0x2000  }
0xfc: {  	[sflag:s31] =	ssyncset.done $0x0  }
0xfd: {  	[sflag:s31] =	ssyncadd.s32 $0xFFFFE000  }
0xfe: {  	_ =	swait.ge [sflag:s12], $0x80  }
0xff: {  	[sflag:s12] =	ssyncset.done $0x0  }
0x100: {  	[sflag:s12] =	ssyncadd.s32 $0xFFFFFF80  }
0x101: {  	[spmem:s2] =	stream.indirect.scatter.add.f32 [tilespmem:s23], [sflag:$0x9], $0x80, s20, s25, $0xb8;
	[tilespmem:$0x1E600] =	vst v63  }
0x102: {  	_ =	swait.ge [sflag:s15], $0x4000  }
0x103: {  	s16 =	simm.s32 @!p0 $0x40;
	s8 =	sshra.s32 @!p0 s7, $0x2;
	[sflag:s15] =	ssyncset.done $0x0  }
0x104: {  	s17 =	simm.s32 @!p0 $0x2800;
	s10 =	sadd.s32 @!p0 $0x200, s8;
	[sflag:s15] =	ssyncadd.s32 $0xFFFFC000  }
0x105: {  	[tilespmem:s17], [sflag:$0x1] =	stream.indirect.gather @!p0 [hbm4b:s4+s16], $0x80, s10, s16, $0xb8;
	[tilespmem:$0x1E600] =	vst v63  }
0x106: {  	s8 =	sadd.s32 @!p0 $0x240, s8;
	s10 =	simm.s32 @!p0 $0x4800  }
0x107: {  	[tilespmem:s10], [sflag:$0x3] =	stream.indirect.gather @!p0 [hbm4b:s4+s16], $0x80, s8, s16, $0xb8;
	[tilespmem:$0x1E600] =	vst v63  }
0x108: {  	s8 =	sadd.s32 @!p0 $0x20, s14;
	s10 =	simm.s32 @!p0 $0xA900  }
0x109: {  	[tilespmem:s10], [sflag:$0x7] =	stream.linear.gather @!p0 [hbm4b:s8+s6], $0x80, $0x38;
	[tilespmem:$0x1E600] =	vst v63  }
0x10a: {  	_ =	swait.ge [sflag:s1], $0x2000  }
0x10b: {  	[sflag:s1] =	ssyncset.done $0x0  }
0x10c: {  	[sflag:s1] =	ssyncadd.s32 $0xFFFFE000  }
0x10d: {  	_ =	swait.ge [sflag:s5], $0x2000  }
0x10e: {  	[sflag:s5] =	ssyncset.done $0x0  }
0x10f: {  	[sflag:s5] =	ssyncadd.s32 $0xFFFFE000  }
0x110: {  	_ =	swait.ge [sflag:s13], $0x80  }
0x111: {  	[sflag:s13] =	ssyncset.done $0x0  }
.Ltmp6:
0x112: {  	[sflag:s13] =	ssyncadd.s32 $0xFFFFFF80;
	(pc) =	sbr.rel @p0 .LBB2_11-.Ltmp6, $4  }
0x113: {  	[spmem:s2] =	stream.indirect.scatter.add.f32 [tilespmem:s26], [sflag:$0x9], $0x80, s21, s25, $0xb8;
	[tilespmem:$0x1E600] =	vst v63  }
0x114: {  	_ =	swait.ge [sflag:s15], $0x4000  }
0x115: {  	[sflag:s15] =	ssyncset.done $0x0  }
0x116: {  	[sflag:s15] =	ssyncadd.s32 $0xFFFFC000  }
0x117: {  	s6 =	sadd.s32 $0x280, s9  }
0x118: {  	[tilespmem:s26], [sflag:$0x2] =	stream.indirect.gather [hbm4b:s4+s22], $0x80, s6, s22, $0xb8;
	[tilespmem:$0x1E600] =	vst v63  }
.Ltmp7:
0x119: {  	_ = 	snop;
	(pc) =	sbr.rel .LBB2_9-.Ltmp7, $4  }
0x11a: {  	s16 =	sadd.s32 $0x2C0, s9  }
0x11b: {  	[tilespmem:s29], [sflag:$0x4] =	stream.indirect.gather [hbm4b:s4+s22], $0x80, s16, s22, $0xb8;
	[tilespmem:$0x1E600] =	vst v63  }
0x11c: {  	s17 =	sadd.s32 $0x30, s14;
	s14 =	sadd.s32 $0x40, s14;
	s7 =	sadd.s32 $0x800, s7  }
0x11d: {  	[tilespmem:s21], [sflag:$0x8] =	stream.linear.gather [hbm4b:s17+s3], $0x80, $0x38;
	[tilespmem:$0x1E600] =	vst v63  }
.LBB2_12:
0x11e: {  	_ =	sfence.sel $0x180000  }
0x11f: {  	[bflag:$0x0] =	sbarrier.arrive $0xFFFF  }
0x120: {  	_ =	strace $0x90000050  }
0x121: {  	s0 =	stileid.u32;
	[bflag:$0x2] =	sbarrier.arrive $0xFFFF  }
0x122: {  	p0 =	sne.s32 s0, $0x0;
	s0 =	rddreg [dreg:$0x2]  }
0x123: {  	s0 =	sadd.s32 @!p0 $0x100000, s0  }
0x124: {  	[sflag:s0] =	ssyncadd.tile.s32 @!p0 $0x1;
	_ =	shalt  }
.Lfunc_end2:
_tile_overlayer_lowered:
.L_overlay_start_2:
0x125: {  	(tag) =	ssettag $0x2  }
0x126: {  	s0 =	rddreg [dreg:$0x0];
	s2 =	stileid.u32  }
0x127: {  	s1 =	rddreg [dreg:$0x1];
	p0 =	sne.s32 s2, $0x0  }
0x128: {  	s3 =	rddreg [dreg:$0x2];
	[bflag:$0x3] =	sbarrier.arrive $0xFFFF;
	s2 =	simm.s32 @!p0 $0x1C09  }
0x129: {  	[timem:s3], [sflag:s2] =	dma.local @!p0 [hbm:s0], s1  }
0x12a: {  	s0 =	simm.s32 @!p0 $0x9  }
0x12b: {  	_ =	swait.ge @!p0 [sflag:s0], s1  }
0x12c: {  	s1 =	ssub.s32 @!p0 $0x0, s1;
	[sflag:s0] =	ssyncset.done @!p0 $0x0  }
0x12d: {  	[sflag:s0] =	ssyncadd.s32 @!p0 s1  }
0x12e: {  	[bflag:$0x3] =	sbarrier.arrive $0xFFFF  }
0x12f: {  	_ =	shalt  }

</sc_bundles>
